<compile_context>
chip_gen: v7x
topology: tpu7x:2x2x1
jax: 0.10.2.dev20260603
libtpu: 0.0.44.dev20260713+nightly
codegen_flags: <defaults>
</compile_context>

<pallas_src>
import functools

import jax
import jax.numpy as jnp
from jax import lax
from jax.experimental import pallas as pl
from jax.experimental.pallas import tpu as pltpu
from jax.experimental.pallas import tpu_sc as plsc

_C = 2
_ROWS = 10

_NC, _NS, _L = 2, 16, 16
_CCH = 8
_RBANDS = 4
_NG = 19
_NPAD = _NG * _L


def _sc_crop_split(data, rois):
    cc, h, w, n = data.shape
    wch = w // _CCH
    rh = h // _RBANDS
    rt = jnp.pad(rois.T, ((0, 0), (0, _NPAD - n)))
    mesh = plsc.VectorSubcoreMesh(
        core_axis_name="c", subcore_axis_name="s",
        num_cores=_NC, num_subcores=_NS)

    @functools.partial(
        pl.kernel,
        out_type=jax.ShapeDtypeStruct((h, w, n), data.dtype),
        mesh=mesh,
        compiler_params=pltpu.CompilerParams(
            use_tc_tiling_on_sc=False, needs_layout_passes=False),
        scratch_types=[
            pltpu.VMEM((_NPAD,), jnp.float32),
            pltpu.VMEM((_NPAD,), jnp.float32),
            pltpu.VMEM((_NPAD,), jnp.float32),
            pltpu.VMEM((_NPAD,), jnp.float32),
            pltpu.VMEM((_NPAD,), jnp.float32),
            pltpu.VMEM((_NPAD,), jnp.float32),
            pltpu.VMEM((cc, wch, n), jnp.float32),
            pltpu.VMEM((cc, wch, n), jnp.float32),
            pltpu.VMEM((wch, n), jnp.float32),
            pltpu.VMEM((wch, n), jnp.float32),
            pltpu.SemaphoreType.DMA,
            pltpu.SemaphoreType.DMA,
            pltpu.SemaphoreType.DMA,
            pltpu.SemaphoreType.DMA,
        ],
    )
    def sck(rt_hbm, data_hbm, out_hbm,
            x1v, y1v, x2v, y2v, xmv, ymv, dv0, dv1, ov0, ov1,
            sem_in0, sem_in1, sem_out0, sem_out1):
        cid = lax.axis_index("c")
        sid = lax.axis_index("s")
        wid = sid * _NC + cid
        w0 = (wid % _CCH) * wch
        h0 = (wid // _CCH) * rh

        pltpu.sync_copy(rt_hbm.at[0], x1v)
        pltpu.sync_copy(rt_hbm.at[1], y1v)
        pltpu.sync_copy(rt_hbm.at[2], x2v)
        pltpu.sync_copy(rt_hbm.at[3], y2v)

        def initg(g, carry):
            sl = pl.ds(g * _L, _L)
            x1g = x1v[sl]
            x2g = x2v[sl]
            xmv[sl] = x1g + (x2g - x1g) * 0.5
            y1g = y1v[sl]
            y2g = y2v[sl]
            ymv[sl] = y1g + (y2g - y1g) * 0.5
            return carry

        lax.fori_loop(0, _NG, initg, 0)

        i32_one = jnp.ones((_L,), jnp.int32)
        i32_zero = jnp.zeros((_L,), jnp.int32)
        w0f = w0.astype(jnp.float32)

        def in_copies(hr, dbuf, sem):
            return [pltpu.make_async_copy(
                data_hbm.at[p, hr, pl.ds(w0, wch), :], dbuf.at[p], sem)
                for p in range(4)]

        def out_copy(hr, obuf, sem):
            return pltpu.make_async_copy(
                obuf, out_hbm.at[hr, pl.ds(w0, wch), :], sem)

        def compute_row(hr, dv, ov):
            hfv = jnp.zeros((_L,), jnp.float32) + hr.astype(jnp.float32)

            def gbody(g, carry):
                sl = pl.ds(g * _L, _L)
                sy = hfv >= ymv[sl]
                iy = (hfv >= y1v[sl]) & (hfv <= y2v[sl])
                x1g = x1v[sl]
                x2g = x2v[sl]
                xmg = xmv[sl]
                for wi in range(wch):
                    wfv = jnp.zeros((_L,), jnp.float32) + (w0f + float(wi))
                    sx = wfv >= xmg
                    d0 = dv[0, wi, sl]
                    d1 = dv[1, wi, sl]
                    d2 = dv[2, wi, sl]
                    d3 = dv[3, wi, sl]
                    low = jnp.where(sx, d1, d0)
                    high = jnp.where(sx, d3, d2)
                    sel = jnp.where(sy, high, low)
                    ins = (wfv >= x1g) & (wfv <= x2g) & iy
                    ov[wi, sl] = jnp.where(ins, sel, jnp.float32(0.0))
                return carry

            lax.fori_loop(0, _NG - 1, gbody, 0)

            gt = _NG - 1
            slt = pl.ds(gt * _L, _L)
            lane = gt * _L + lax.iota(jnp.int32, _L)
            lmask = lane < n
            syt = hfv >= ymv[slt]
            sy2 = jnp.where(syt, i32_one + i32_one, i32_zero)
            iyt = (hfv >= y1v[slt]) & (hfv <= y2v[slt])
            x1t = x1v[slt]
            x2t = x2v[slt]
            xmt = xmv[slt]
            for wi in range(wch):
                wfv = jnp.zeros((_L,), jnp.float32) + (w0f + float(wi))
                plane = jnp.where(wfv >= xmt, i32_one, i32_zero) + sy2
                wv = jnp.full((_L,), wi, jnp.int32)
                vals = plsc.load_gather(dv, [plane, wv, lane], mask=lmask)
                ins = (wfv >= x1t) & (wfv <= x2t) & iyt
                res = jnp.where(ins, vals, jnp.float32(0.0))
                plsc.store_scatter(ov, [wv, lane], res, mask=lmask)

        for c in in_copies(h0, dv0, sem_in0):
            c.start()

        def rowpair(r2, carry):
            hr0 = h0 + 2 * r2
            hr1 = hr0 + 1
            for c in in_copies(hr1, dv1, sem_in1):
                c.start()
            for c in in_copies(hr0, dv0, sem_in0):
                c.wait()

            @pl.when(r2 >= 1)
            def _():
                out_copy(hr0 - 2, ov0, sem_out0).wait()

            compute_row(hr0, dv0, ov0)
            out_copy(hr0, ov0, sem_out0).start()

            @pl.when(r2 < rh // 2 - 1)
            def _():
                for c in in_copies(hr0 + 2, dv0, sem_in0):
                    c.start()

            for c in in_copies(hr1, dv1, sem_in1):
                c.wait()

            @pl.when(r2 >= 1)
            def _():
                out_copy(hr1 - 2, ov1, sem_out1).wait()

            compute_row(hr1, dv1, ov1)
            out_copy(hr1, ov1, sem_out1).start()
            return carry

        lax.fori_loop(0, rh // 2, rowpair, 0)
        out_copy(h0 + rh - 2, ov0, sem_out0).wait()
        out_copy(h0 + rh - 1, ov1, sem_out1).wait()

    return sck(rt, data)


def _crop_split_body(rt_ref, data_ref, out_ref, *, rows, width, n):
    i = pl.program_id(0)
    x1 = rt_ref[0:1, :].reshape(1, 1, n)
    y1 = rt_ref[1:2, :].reshape(1, 1, n)
    x2 = rt_ref[2:3, :].reshape(1, 1, n)
    y2 = rt_ref[3:4, :].reshape(1, 1, n)
    wc = (x2 - x1) * 0.5
    hc = (y2 - y1) * 0.5

    ww = lax.broadcasted_iota(jnp.int32, (1, width, 1), 1).astype(jnp.float32)
    h0 = (i * rows).astype(jnp.float32)
    hh = lax.broadcasted_iota(jnp.int32, (rows, 1, 1), 0).astype(jnp.float32) + h0

    sx = ((ww - x1) / wc) >= 1.0
    sy = ((hh - y1) / hc) >= 1.0
    ins_x = (ww >= x1) & (ww <= x2)
    ins_y = (hh >= y1) & (hh <= y2)

    d0 = data_ref[0]
    d1 = data_ref[1]
    d2 = data_ref[2]
    d3 = data_ref[3]
    low = jnp.where(sx, d1, d0)
    high = jnp.where(sx, d3, d2)
    sel = jnp.where(sy, high, low)
    out_ref[...] = jnp.where(ins_x & ins_y, sel, jnp.float32(0.0))


def kernel(data, rois):
    return _sc_crop_split(data, rois)


def _tc_crop_split(data, rois):
    cc, h, w, n = data.shape
    rt = rois.T
    rows = _ROWS
    grid = (h // rows,)
    body = functools.partial(_crop_split_body, rows=rows, width=w, n=n)
    return pl.pallas_call(
        body,
        grid=grid,
        in_specs=[
            pl.BlockSpec((cc, n), lambda i: (0, 0)),
            pl.BlockSpec((cc, rows, w, n), lambda i: (0, i, 0, 0)),
        ],
        out_specs=pl.BlockSpec((rows, w, n), lambda i: (i, 0, 0)),
        out_shape=jax.ShapeDtypeStruct((h, w, n), data.dtype),
    )(rt, data)

# --- scband reference (transcript-rebuilt; emitter-appended) ---
"""Pipeline reference for scband-crop-split-51874615001704 (READ-ONLY COPY).

The authoritative reference and input builder live on the scoring server;
editing this copy changes nothing except your own understanding.
"""

import jax, jax.numpy as jnp
import numpy as np

C = 2
H = 200
W = 200
N = 300

def setup_inputs(seed: int = 0):
    key = jax.random.key(seed)
    k1, k2, k3, k4, k5 = jax.random.split(key, 5)
    data = jax.random.normal(k1, (C * C, H, W, N), dtype=jnp.float32)
    x1 = jax.random.uniform(k2, (N,), minval=0.0, maxval=W * 0.5)
    y1 = jax.random.uniform(k3, (N,), minval=0.0, maxval=H * 0.5)
    bw = jax.random.uniform(k4, (N,), minval=W * 0.25, maxval=W * 0.5)
    bh = jax.random.uniform(k5, (N,), minval=H * 0.25, maxval=H * 0.5)
    x2 = jnp.minimum(x1 + bw, W - 1.0)
    y2 = jnp.minimum(y1 + bh, H - 1.0)
    rois = jnp.stack([x1, y1, x2, y2], axis=1).astype(jnp.float32)
    return {"data": data, "rois": rois}

def _crop_split(data, rois, c):
    cc, h, w, n = data.shape
    hh = jnp.arange(h, dtype=jnp.float32)[:, None, None]
    ww = jnp.arange(w, dtype=jnp.float32)[None, :, None]
    x1 = rois[:, 0][None, None, :]
    y1 = rois[:, 1][None, None, :]
    x2 = rois[:, 2][None, None, :]
    y2 = rois[:, 3][None, None, :]
    wc = (x2 - x1) / c
    hc = (y2 - y1) / c
    inside = (ww >= x1) & (ww <= x2) & (hh >= y1) & (hh <= y2)
    cx = jnp.clip(jnp.floor((ww - x1) / wc), 0, c - 1).astype(jnp.int32)
    cy = jnp.clip(jnp.floor((hh - y1) / hc), 0, c - 1).astype(jnp.int32)
    idx = cy * c + cx  # [H, W, N], values in [0, c*c)
    gathered = jnp.take_along_axis(data, idx[None, :, :, :], axis=0)[0]
    return jnp.where(inside, gathered, jnp.zeros((), dtype=data.dtype))

def reference(data, rois):
    return _crop_split(data, rois, C)

if __name__ == "__main__":
    import jax
    _d = setup_inputs()
    print(jax.jit(kernel)(*tuple(_d.values())))

</pallas_src>

<mosaic_0001>
#map = affine_map<(d0, d1) -> (0, 0)>
#map1 = affine_map<(d0, d1) -> (0, 0, 0, 0)>
#map2 = affine_map<(d0, d1) -> (0, 0, 0)>
module attributes {stable_mosaic.version = 14 : i64} {
  func.func @sck(%arg0: i32, %arg1: i32, %arg2: memref<4x304xf32, #tpu.memory_space<hbm>>, %arg3: memref<4x200x200x300xf32, #tpu.memory_space<hbm>>, %arg4: memref<200x200x300xf32, #tpu.memory_space<hbm>>, %arg5: memref<304xf32, #tpu.memory_space<vmem>>, %arg6: memref<304xf32, #tpu.memory_space<vmem>>, %arg7: memref<304xf32, #tpu.memory_space<vmem>>, %arg8: memref<304xf32, #tpu.memory_space<vmem>>, %arg9: memref<304xf32, #tpu.memory_space<vmem>>, %arg10: memref<304xf32, #tpu.memory_space<vmem>>, %arg11: memref<4x25x300xf32, #tpu.memory_space<vmem>>, %arg12: memref<4x25x300xf32, #tpu.memory_space<vmem>>, %arg13: memref<25x300xf32, #tpu.memory_space<vmem>>, %arg14: memref<25x300xf32, #tpu.memory_space<vmem>>, %arg15: memref<!tpu.dma_semaphore, #tpu.memory_space<semaphore_mem>>, %arg16: memref<!tpu.dma_semaphore, #tpu.memory_space<semaphore_mem>>, %arg17: memref<!tpu.dma_semaphore, #tpu.memory_space<semaphore_mem>>, %arg18: memref<!tpu.dma_semaphore, #tpu.memory_space<semaphore_mem>>) attributes {dimension_semantics = [#tpu.dimension_semantics<core_parallel>, #tpu.dimension_semantics<subcore_parallel>], iteration_bounds = array<i64: 2, 16>, scalar_prefetch = 0 : i64, scratch_operands = 14 : i64, tpu.core_type = #tpu.core_type<sc_vector_subcore>, window_params = [{transform_indices = #map}, {transform_indices = #map1}, {transform_indices = #map2}]} {
    %mul3A = arith.constant 2 : i32
    %mul3A_0 = arith.muli %arg1, %mul3A : i32
    %add3A = arith.addi %mul3A_0, %arg0 : i32
    %jit3A = arith.constant 8 : i32
    %eq3A = arith.constant 0 : i32
    %eq3A_1 = arith.cmpi eq, %jit3A, %eq3A : i32
    %jit3A_2 = arith.constant 1 : i32
    %select_n3A = arith.select %eq3A_1, %jit3A_2, %jit3A : i32
    %rem3A = arith.remsi %add3A, %select_n3A : i32
    %ne3A = arith.constant 0 : i32
    %ne3A_3 = arith.cmpi ne, %rem3A, %ne3A : i32
    %lt3A = arith.constant 0 : i32
    %lt3A_4 = arith.cmpi slt, %rem3A, %lt3A : i32
    %lt3A_5 = arith.constant 0 : i32
    %lt3A_6 = arith.cmpi slt, %select_n3A, %lt3A_5 : i32
    %ne3A_7 = arith.xori %lt3A_4, %lt3A_6 : i1
    %and3A = arith.andi %ne3A_7, %ne3A_3 : i1
    %add3A_8 = arith.addi %rem3A, %select_n3A : i32
    %select_n3A_9 = arith.select %and3A, %add3A_8, %rem3A : i32
    %mul3A_10 = arith.constant 25 : i32
    %mul3A_11 = arith.muli %select_n3A_9, %mul3A_10 : i32
    %jit3A_12 = arith.constant 8 : i32
    %div3A = arith.divsi %add3A, %jit3A_12 : i32
    %sign3A = arith.constant 0 : i32
    %sign3A_13 = arith.cmpi sgt, %add3A, %sign3A : i32
    %sign3A_14 = arith.extui %sign3A_13 : i1 to i32
    %sign3A_15 = arith.constant 0 : i32
    %sign3A_16 = arith.cmpi slt, %add3A, %sign3A_15 : i32
    %sign3A_17 = arith.extui %sign3A_16 : i1 to i32
    %sign3A_18 = arith.subi %sign3A_14, %sign3A_17 : i32
    %sign3A_19 = arith.constant 0 : i32
    %sign3A_20 = arith.cmpi sgt, %jit3A_12, %sign3A_19 : i32
    %sign3A_21 = arith.extui %sign3A_20 : i1 to i32
    %sign3A_22 = arith.constant 0 : i32
    %sign3A_23 = arith.cmpi slt, %jit3A_12, %sign3A_22 : i32
    %sign3A_24 = arith.extui %sign3A_23 : i1 to i32
    %sign3A_25 = arith.subi %sign3A_21, %sign3A_24 : i32
    %ne3A_26 = arith.cmpi ne, %sign3A_18, %sign3A_25 : i32
    %rem3A_27 = arith.remsi %add3A, %jit3A_12 : i32
    %ne3A_28 = arith.constant 0 : i32
    %ne3A_29 = arith.cmpi ne, %rem3A_27, %ne3A_28 : i32
    %and3A_30 = arith.andi %ne3A_26, %ne3A_29 : i1
    %sub3A = arith.constant 1 : i32
    %sub3A_31 = arith.subi %div3A, %sub3A : i32
    %select_n3A_32 = arith.select %and3A_30, %sub3A_31, %div3A : i32
    %mul3A_33 = arith.constant 50 : i32
    %mul3A_34 = arith.muli %select_n3A_32, %mul3A_33 : i32
    %run_scoped3A = arith.constant 0 : i32
    "tpu.region"() ({
      %run_scoped3A_134 = tpu.sem_alloc : memref<!tpu.dma_semaphore, #tpu.memory_space<semaphore_mem>>
      %dma_start3A_135 = arith.constant 0 : i32
      %dma_start3A_136 = tpu.memref_slice %arg2[%run_scoped3A, %dma_start3A_135] : memref<4x304xf32, #tpu.memory_space<hbm>> -> memref<1x304xf32, #tpu.memory_space<hbm>>
      %dma_start3A_137 = tpu.memref_squeeze %dma_start3A_136 : memref<1x304xf32, #tpu.memory_space<hbm>> -> memref<304xf32, #tpu.memory_space<hbm>>
      %dma_start3A_138 = arith.constant 0 : i32
      %dma_start3A_139 = tpu.memref_slice %arg2[%run_scoped3A, %dma_start3A_138] : memref<4x304xf32, #tpu.memory_space<hbm>> -> memref<1x304xf32, #tpu.memory_space<hbm>>
      %dma_start3A_140 = tpu.memref_squeeze %dma_start3A_139 : memref<1x304xf32, #tpu.memory_space<hbm>> -> memref<304xf32, #tpu.memory_space<hbm>>
      tpu.enqueue_dma source(%dma_start3A_140 : memref<304xf32, #tpu.memory_space<hbm>>) target(%arg5 : memref<304xf32, #tpu.memory_space<vmem>>) target_semaphore(%run_scoped3A_134 : memref<!tpu.dma_semaphore, #tpu.memory_space<semaphore_mem>>)
      %dma_wait3A_141 = arith.constant 0 : i32
      %dma_wait3A_142 = tpu.memref_slice %arg2[%run_scoped3A, %dma_wait3A_141] : memref<4x304xf32, #tpu.memory_space<hbm>> -> memref<1x304xf32, #tpu.memory_space<hbm>>
      %dma_wait3A_143 = tpu.memref_squeeze %dma_wait3A_142 : memref<1x304xf32, #tpu.memory_space<hbm>> -> memref<304xf32, #tpu.memory_space<hbm>>
      %dma_wait3A_144 = arith.constant 0 : i32
      %dma_wait3A_145 = tpu.memref_slice %arg2[%run_scoped3A, %dma_wait3A_144] : memref<4x304xf32, #tpu.memory_space<hbm>> -> memref<1x304xf32, #tpu.memory_space<hbm>>
      %dma_wait3A_146 = tpu.memref_squeeze %dma_wait3A_145 : memref<1x304xf32, #tpu.memory_space<hbm>> -> memref<304xf32, #tpu.memory_space<hbm>>
      tpu.wait_dma2 semaphore(%run_scoped3A_134 : memref<!tpu.dma_semaphore, #tpu.memory_space<semaphore_mem>>) src(%dma_wait3A_146 : memref<304xf32, #tpu.memory_space<hbm>>) dst(%arg5 : memref<304xf32, #tpu.memory_space<vmem>>)
      tpu.yield
    }) : () -> ()
    %run_scoped3A_35 = arith.constant 1 : i32
    "tpu.region"() ({
      %run_scoped3A_134 = tpu.sem_alloc : memref<!tpu.dma_semaphore, #tpu.memory_space<semaphore_mem>>
      %dma_start3A_135 = arith.constant 0 : i32
      %dma_start3A_136 = tpu.memref_slice %arg2[%run_scoped3A_35, %dma_start3A_135] : memref<4x304xf32, #tpu.memory_space<hbm>> -> memref<1x304xf32, #tpu.memory_space<hbm>>
      %dma_start3A_137 = tpu.memref_squeeze %dma_start3A_136 : memref<1x304xf32, #tpu.memory_space<hbm>> -> memref<304xf32, #tpu.memory_space<hbm>>
      %dma_start3A_138 = arith.constant 0 : i32
      %dma_start3A_139 = tpu.memref_slice %arg2[%run_scoped3A_35, %dma_start3A_138] : memref<4x304xf32, #tpu.memory_space<hbm>> -> memref<1x304xf32, #tpu.memory_space<hbm>>
      %dma_start3A_140 = tpu.memref_squeeze %dma_start3A_139 : memref<1x304xf32, #tpu.memory_space<hbm>> -> memref<304xf32, #tpu.memory_space<hbm>>
      tpu.enqueue_dma source(%dma_start3A_140 : memref<304xf32, #tpu.memory_space<hbm>>) target(%arg6 : memref<304xf32, #tpu.memory_space<vmem>>) target_semaphore(%run_scoped3A_134 : memref<!tpu.dma_semaphore, #tpu.memory_space<semaphore_mem>>)
      %dma_wait3A_141 = arith.constant 0 : i32
      %dma_wait3A_142 = tpu.memref_slice %arg2[%run_scoped3A_35, %dma_wait3A_141] : memref<4x304xf32, #tpu.memory_space<hbm>> -> memref<1x304xf32, #tpu.memory_space<hbm>>
      %dma_wait3A_143 = tpu.memref_squeeze %dma_wait3A_142 : memref<1x304xf32, #tpu.memory_space<hbm>> -> memref<304xf32, #tpu.memory_space<hbm>>
      %dma_wait3A_144 = arith.constant 0 : i32
      %dma_wait3A_145 = tpu.memref_slice %arg2[%run_scoped3A_35, %dma_wait3A_144] : memref<4x304xf32, #tpu.memory_space<hbm>> -> memref<1x304xf32, #tpu.memory_space<hbm>>
      %dma_wait3A_146 = tpu.memref_squeeze %dma_wait3A_145 : memref<1x304xf32, #tpu.memory_space<hbm>> -> memref<304xf32, #tpu.memory_space<hbm>>
      tpu.wait_dma2 semaphore(%run_scoped3A_134 : memref<!tpu.dma_semaphore, #tpu.memory_space<semaphore_mem>>) src(%dma_wait3A_146 : memref<304xf32, #tpu.memory_space<hbm>>) dst(%arg6 : memref<304xf32, #tpu.memory_space<vmem>>)
      tpu.yield
    }) : () -> ()
    %run_scoped3A_36 = arith.constant 2 : i32
    "tpu.region"() ({
      %run_scoped3A_134 = tpu.sem_alloc : memref<!tpu.dma_semaphore, #tpu.memory_space<semaphore_mem>>
      %dma_start3A_135 = arith.constant 0 : i32
      %dma_start3A_136 = tpu.memref_slice %arg2[%run_scoped3A_36, %dma_start3A_135] : memref<4x304xf32, #tpu.memory_space<hbm>> -> memref<1x304xf32, #tpu.memory_space<hbm>>
      %dma_start3A_137 = tpu.memref_squeeze %dma_start3A_136 : memref<1x304xf32, #tpu.memory_space<hbm>> -> memref<304xf32, #tpu.memory_space<hbm>>
      %dma_start3A_138 = arith.constant 0 : i32
      %dma_start3A_139 = tpu.memref_slice %arg2[%run_scoped3A_36, %dma_start3A_138] : memref<4x304xf32, #tpu.memory_space<hbm>> -> memref<1x304xf32, #tpu.memory_space<hbm>>
      %dma_start3A_140 = tpu.memref_squeeze %dma_start3A_139 : memref<1x304xf32, #tpu.memory_space<hbm>> -> memref<304xf32, #tpu.memory_space<hbm>>
      tpu.enqueue_dma source(%dma_start3A_140 : memref<304xf32, #tpu.memory_space<hbm>>) target(%arg7 : memref<304xf32, #tpu.memory_space<vmem>>) target_semaphore(%run_scoped3A_134 : memref<!tpu.dma_semaphore, #tpu.memory_space<semaphore_mem>>)
      %dma_wait3A_141 = arith.constant 0 : i32
      %dma_wait3A_142 = tpu.memref_slice %arg2[%run_scoped3A_36, %dma_wait3A_141] : memref<4x304xf32, #tpu.memory_space<hbm>> -> memref<1x304xf32, #tpu.memory_space<hbm>>
      %dma_wait3A_143 = tpu.memref_squeeze %dma_wait3A_142 : memref<1x304xf32, #tpu.memory_space<hbm>> -> memref<304xf32, #tpu.memory_space<hbm>>
      %dma_wait3A_144 = arith.constant 0 : i32
      %dma_wait3A_145 = tpu.memref_slice %arg2[%run_scoped3A_36, %dma_wait3A_144] : memref<4x304xf32, #tpu.memory_space<hbm>> -> memref<1x304xf32, #tpu.memory_space<hbm>>
      %dma_wait3A_146 = tpu.memref_squeeze %dma_wait3A_145 : memref<1x304xf32, #tpu.memory_space<hbm>> -> memref<304xf32, #tpu.memory_space<hbm>>
      tpu.wait_dma2 semaphore(%run_scoped3A_134 : memref<!tpu.dma_semaphore, #tpu.memory_space<semaphore_mem>>) src(%dma_wait3A_146 : memref<304xf32, #tpu.memory_space<hbm>>) dst(%arg7 : memref<304xf32, #tpu.memory_space<vmem>>)
      tpu.yield
    }) : () -> ()
    %run_scoped3A_37 = arith.constant 3 : i32
    "tpu.region"() ({
      %run_scoped3A_134 = tpu.sem_alloc : memref<!tpu.dma_semaphore, #tpu.memory_space<semaphore_mem>>
      %dma_start3A_135 = arith.constant 0 : i32
      %dma_start3A_136 = tpu.memref_slice %arg2[%run_scoped3A_37, %dma_start3A_135] : memref<4x304xf32, #tpu.memory_space<hbm>> -> memref<1x304xf32, #tpu.memory_space<hbm>>
      %dma_start3A_137 = tpu.memref_squeeze %dma_start3A_136 : memref<1x304xf32, #tpu.memory_space<hbm>> -> memref<304xf32, #tpu.memory_space<hbm>>
      %dma_start3A_138 = arith.constant 0 : i32
      %dma_start3A_139 = tpu.memref_slice %arg2[%run_scoped3A_37, %dma_start3A_138] : memref<4x304xf32, #tpu.memory_space<hbm>> -> memref<1x304xf32, #tpu.memory_space<hbm>>
      %dma_start3A_140 = tpu.memref_squeeze %dma_start3A_139 : memref<1x304xf32, #tpu.memory_space<hbm>> -> memref<304xf32, #tpu.memory_space<hbm>>
      tpu.enqueue_dma source(%dma_start3A_140 : memref<304xf32, #tpu.memory_space<hbm>>) target(%arg8 : memref<304xf32, #tpu.memory_space<vmem>>) target_semaphore(%run_scoped3A_134 : memref<!tpu.dma_semaphore, #tpu.memory_space<semaphore_mem>>)
      %dma_wait3A_141 = arith.constant 0 : i32
      %dma_wait3A_142 = tpu.memref_slice %arg2[%run_scoped3A_37, %dma_wait3A_141] : memref<4x304xf32, #tpu.memory_space<hbm>> -> memref<1x304xf32, #tpu.memory_space<hbm>>
      %dma_wait3A_143 = tpu.memref_squeeze %dma_wait3A_142 : memref<1x304xf32, #tpu.memory_space<hbm>> -> memref<304xf32, #tpu.memory_space<hbm>>
      %dma_wait3A_144 = arith.constant 0 : i32
      %dma_wait3A_145 = tpu.memref_slice %arg2[%run_scoped3A_37, %dma_wait3A_144] : memref<4x304xf32, #tpu.memory_space<hbm>> -> memref<1x304xf32, #tpu.memory_space<hbm>>
      %dma_wait3A_146 = tpu.memref_squeeze %dma_wait3A_145 : memref<1x304xf32, #tpu.memory_space<hbm>> -> memref<304xf32, #tpu.memory_space<hbm>>
      tpu.wait_dma2 semaphore(%run_scoped3A_134 : memref<!tpu.dma_semaphore, #tpu.memory_space<semaphore_mem>>) src(%dma_wait3A_146 : memref<304xf32, #tpu.memory_space<hbm>>) dst(%arg8 : memref<304xf32, #tpu.memory_space<vmem>>)
      tpu.yield
    }) : () -> ()
    %scan3A = arith.constant 0 : i32
    %scan3A_38 = arith.constant 0 : i32
    %scan3A_39 = arith.constant 19 : i32
    %scan3A_40 = arith.addi %scan3A_38, %scan3A_39 : i32
    %scan3A_41 = arith.constant 1 : i32
    scf.for %scan3A_134 = %scan3A_38 to %scan3A_40 step %scan3A_41  : i32 {
      %mul3A_135 = arith.constant 16 : i32
      %mul3A_136 = arith.muli %scan3A_134, %mul3A_135 : i32
      %get3A = arith.index_cast %mul3A_136 : i32 to index
      %get3A_137 = tpu.vector_load %arg5[%get3A] {strides = array<i32>} : memref<304xf32, #tpu.memory_space<vmem>>, vector<16xf32>,
      %get3A_138 = arith.index_cast %mul3A_136 : i32 to index
      %get3A_139 = tpu.vector_load %arg7[%get3A_138] {strides = array<i32>} : memref<304xf32, #tpu.memory_space<vmem>>, vector<16xf32>,
      %sub3A_140 = arith.subf %get3A_139, %get3A_137 : vector<16xf32>
      %mul3A_141 = arith.constant 5.000000e-01 : f32
      %mul3A_142 = vector.broadcast %mul3A_141 : f32 to vector<16xf32>
      %mul3A_143 = arith.mulf %sub3A_140, %mul3A_142 : vector<16xf32>
      %add3A_144 = arith.addf %get3A_137, %mul3A_143 : vector<16xf32>
      %swap3A = arith.index_cast %mul3A_136 : i32 to index
      %swap3A_145 = tpu.vector_load %arg9[%swap3A] {strides = array<i32>} : memref<304xf32, #tpu.memory_space<vmem>>, vector<16xf32>,
      tpu.vector_store %arg9[%swap3A], %add3A_144 {strides = array<i32>} : memref<304xf32, #tpu.memory_space<vmem>>, vector<16xf32>,
      %get3A_146 = arith.index_cast %mul3A_136 : i32 to index
      %get3A_147 = tpu.vector_load %arg6[%get3A_146] {strides = array<i32>} : memref<304xf32, #tpu.memory_space<vmem>>, vector<16xf32>,
      %get3A_148 = arith.index_cast %mul3A_136 : i32 to index
      %get3A_149 = tpu.vector_load %arg8[%get3A_148] {strides = array<i32>} : memref<304xf32, #tpu.memory_space<vmem>>, vector<16xf32>,
      %sub3A_150 = arith.subf %get3A_149, %get3A_147 : vector<16xf32>
      %mul3A_151 = arith.constant 5.000000e-01 : f32
      %mul3A_152 = vector.broadcast %mul3A_151 : f32 to vector<16xf32>
      %mul3A_153 = arith.mulf %sub3A_150, %mul3A_152 : vector<16xf32>
      %add3A_154 = arith.addf %get3A_147, %mul3A_153 : vector<16xf32>
      %swap3A_155 = arith.index_cast %mul3A_136 : i32 to index
      %swap3A_156 = tpu.vector_load %arg10[%swap3A_155] {strides = array<i32>} : memref<304xf32, #tpu.memory_space<vmem>>, vector<16xf32>,
      tpu.vector_store %arg10[%swap3A_155], %add3A_154 {strides = array<i32>} : memref<304xf32, #tpu.memory_space<vmem>>, vector<16xf32>,
    }
    %scan3A_42 = arith.constant 19 : i32
    %broadcast_in_dim3A = arith.constant 1 : i32
    %broadcast_in_dim3A_43 = vector.broadcast %broadcast_in_dim3A : i32 to vector<16xi32>
    %broadcast_in_dim3A_44 = arith.constant 0 : i32
    %broadcast_in_dim3A_45 = vector.broadcast %broadcast_in_dim3A_44 : i32 to vector<16xi32>
    %convert_element_type3A = arith.sitofp %mul3A_11 : i32 to f32
    %dma_start3A = arith.constant 0 : i32
    %dma_start3A_46 = arith.constant 0 : i32
    %dma_start3A_47 = arith.constant 0 : i32
    %dma_start3A_48 = arith.constant 0 : i32
    %dma_start3A_49 = tpu.memref_slice %arg11[%dma_start3A_46, %dma_start3A_47, %dma_start3A_48] : memref<4x25x300xf32, #tpu.memory_space<vmem>> -> memref<1x25x300xf32, #tpu.memory_space<vmem>>
    %dma_start3A_50 = tpu.memref_squeeze %dma_start3A_49 : memref<1x25x300xf32, #tpu.memory_space<vmem>> -> memref<25x300xf32, #tpu.memory_space<vmem>>
    %dma_start3A_51 = arith.constant 0 : i32
    %dma_start3A_52 = tpu.memref_slice %arg3[%dma_start3A, %mul3A_34, %mul3A_11, %dma_start3A_51] : memref<4x200x200x300xf32, #tpu.memory_space<hbm>> -> memref<1x1x25x300xf32, #tpu.memory_space<hbm>>
    %dma_start3A_53 = tpu.memref_squeeze %dma_start3A_52 : memref<1x1x25x300xf32, #tpu.memory_space<hbm>> -> memref<25x300xf32, #tpu.memory_space<hbm>>
    %dma_start3A_54 = arith.constant 0 : i32
    %dma_start3A_55 = arith.constant 0 : i32
    %dma_start3A_56 = tpu.memref_slice %arg11[%dma_start3A_46, %dma_start3A_54, %dma_start3A_55] : memref<4x25x300xf32, #tpu.memory_space<vmem>> -> memref<1x25x300xf32, #tpu.memory_space<vmem>>
    %dma_start3A_57 = tpu.memref_squeeze %dma_start3A_56 : memref<1x25x300xf32, #tpu.memory_space<vmem>> -> memref<25x300xf32, #tpu.memory_space<vmem>>
    %dma_start3A_58 = arith.constant 0 : i32
    %dma_start3A_59 = tpu.memref_slice %arg3[%dma_start3A, %mul3A_34, %mul3A_11, %dma_start3A_58] : memref<4x200x200x300xf32, #tpu.memory_space<hbm>> -> memref<1x1x25x300xf32, #tpu.memory_space<hbm>>
    %dma_start3A_60 = tpu.memref_squeeze %dma_start3A_59 : memref<1x1x25x300xf32, #tpu.memory_space<hbm>> -> memref<25x300xf32, #tpu.memory_space<hbm>>
    tpu.enqueue_dma source(%dma_start3A_60 : memref<25x300xf32, #tpu.memory_space<hbm>>) target(%dma_start3A_57 : memref<25x300xf32, #tpu.memory_space<vmem>>) target_semaphore(%arg15 : memref<!tpu.dma_semaphore, #tpu.memory_space<semaphore_mem>>)
    %dma_start3A_61 = arith.constant 1 : i32
    %dma_start3A_62 = arith.constant 1 : i32
    %dma_start3A_63 = arith.constant 0 : i32
    %dma_start3A_64 = arith.constant 0 : i32
    %dma_start3A_65 = tpu.memref_slice %arg11[%dma_start3A_62, %dma_start3A_63, %dma_start3A_64] : memref<4x25x300xf32, #tpu.memory_space<vmem>> -> memref<1x25x300xf32, #tpu.memory_space<vmem>>
    %dma_start3A_66 = tpu.memref_squeeze %dma_start3A_65 : memref<1x25x300xf32, #tpu.memory_space<vmem>> -> memref<25x300xf32, #tpu.memory_space<vmem>>
    %dma_start3A_67 = arith.constant 0 : i32
    %dma_start3A_68 = tpu.memref_slice %arg3[%dma_start3A_61, %mul3A_34, %mul3A_11, %dma_start3A_67] : memref<4x200x200x300xf32, #tpu.memory_space<hbm>> -> memref<1x1x25x300xf32, #tpu.memory_space<hbm>>
    %dma_start3A_69 = tpu.memref_squeeze %dma_start3A_68 : memref<1x1x25x300xf32, #tpu.memory_space<hbm>> -> memref<25x300xf32, #tpu.memory_space<hbm>>
    %dma_start3A_70 = arith.constant 0 : i32
    %dma_start3A_71 = arith.constant 0 : i32
    %dma_start3A_72 = tpu.memref_slice %arg11[%dma_start3A_62, %dma_start3A_70, %dma_start3A_71] : memref<4x25x300xf32, #tpu.memory_space<vmem>> -> memref<1x25x300xf32, #tpu.memory_space<vmem>>
    %dma_start3A_73 = tpu.memref_squeeze %dma_start3A_72 : memref<1x25x300xf32, #tpu.memory_space<vmem>> -> memref<25x300xf32, #tpu.memory_space<vmem>>
    %dma_start3A_74 = arith.constant 0 : i32
    %dma_start3A_75 = tpu.memref_slice %arg3[%dma_start3A_61, %mul3A_34, %mul3A_11, %dma_start3A_74] : memref<4x200x200x300xf32, #tpu.memory_space<hbm>> -> memref<1x1x25x300xf32, #tpu.memory_space<hbm>>
    %dma_start3A_76 = tpu.memref_squeeze %dma_start3A_75 : memref<1x1x25x300xf32, #tpu.memory_space<hbm>> -> memref<25x300xf32, #tpu.memory_space<hbm>>
    tpu.enqueue_dma source(%dma_start3A_76 : memref<25x300xf32, #tpu.memory_space<hbm>>) target(%dma_start3A_73 : memref<25x300xf32, #tpu.memory_space<vmem>>) target_semaphore(%arg15 : memref<!tpu.dma_semaphore, #tpu.memory_space<semaphore_mem>>)
    %dma_start3A_77 = arith.constant 2 : i32
    %dma_start3A_78 = arith.constant 2 : i32
    %dma_start3A_79 = arith.constant 0 : i32
    %dma_start3A_80 = arith.constant 0 : i32
    %dma_start3A_81 = tpu.memref_slice %arg11[%dma_start3A_78, %dma_start3A_79, %dma_start3A_80] : memref<4x25x300xf32, #tpu.memory_space<vmem>> -> memref<1x25x300xf32, #tpu.memory_space<vmem>>
    %dma_start3A_82 = tpu.memref_squeeze %dma_start3A_81 : memref<1x25x300xf32, #tpu.memory_space<vmem>> -> memref<25x300xf32, #tpu.memory_space<vmem>>
    %dma_start3A_83 = arith.constant 0 : i32
    %dma_start3A_84 = tpu.memref_slice %arg3[%dma_start3A_77, %mul3A_34, %mul3A_11, %dma_start3A_83] : memref<4x200x200x300xf32, #tpu.memory_space<hbm>> -> memref<1x1x25x300xf32, #tpu.memory_space<hbm>>
    %dma_start3A_85 = tpu.memref_squeeze %dma_start3A_84 : memref<1x1x25x300xf32, #tpu.memory_space<hbm>> -> memref<25x300xf32, #tpu.memory_space<hbm>>
    %dma_start3A_86 = arith.constant 0 : i32
    %dma_start3A_87 = arith.constant 0 : i32
    %dma_start3A_88 = tpu.memref_slice %arg11[%dma_start3A_78, %dma_start3A_86, %dma_start3A_87] : memref<4x25x300xf32, #tpu.memory_space<vmem>> -> memref<1x25x300xf32, #tpu.memory_space<vmem>>
    %dma_start3A_89 = tpu.memref_squeeze %dma_start3A_88 : memref<1x25x300xf32, #tpu.memory_space<vmem>> -> memref<25x300xf32, #tpu.memory_space<vmem>>
    %dma_start3A_90 = arith.constant 0 : i32
    %dma_start3A_91 = tpu.memref_slice %arg3[%dma_start3A_77, %mul3A_34, %mul3A_11, %dma_start3A_90] : memref<4x200x200x300xf32, #tpu.memory_space<hbm>> -> memref<1x1x25x300xf32, #tpu.memory_space<hbm>>
    %dma_start3A_92 = tpu.memref_squeeze %dma_start3A_91 : memref<1x1x25x300xf32, #tpu.memory_space<hbm>> -> memref<25x300xf32, #tpu.memory_space<hbm>>
    tpu.enqueue_dma source(%dma_start3A_92 : memref<25x300xf32, #tpu.memory_space<hbm>>) target(%dma_start3A_89 : memref<25x300xf32, #tpu.memory_space<vmem>>) target_semaphore(%arg15 : memref<!tpu.dma_semaphore, #tpu.memory_space<semaphore_mem>>)
    %dma_start3A_93 = arith.constant 3 : i32
    %dma_start3A_94 = arith.constant 3 : i32
    %dma_start3A_95 = arith.constant 0 : i32
    %dma_start3A_96 = arith.constant 0 : i32
    %dma_start3A_97 = tpu.memref_slice %arg11[%dma_start3A_94, %dma_start3A_95, %dma_start3A_96] : memref<4x25x300xf32, #tpu.memory_space<vmem>> -> memref<1x25x300xf32, #tpu.memory_space<vmem>>
    %dma_start3A_98 = tpu.memref_squeeze %dma_start3A_97 : memref<1x25x300xf32, #tpu.memory_space<vmem>> -> memref<25x300xf32, #tpu.memory_space<vmem>>
    %dma_start3A_99 = arith.constant 0 : i32
    %dma_start3A_100 = tpu.memref_slice %arg3[%dma_start3A_93, %mul3A_34, %mul3A_11, %dma_start3A_99] : memref<4x200x200x300xf32, #tpu.memory_space<hbm>> -> memref<1x1x25x300xf32, #tpu.memory_space<hbm>>
    %dma_start3A_101 = tpu.memref_squeeze %dma_start3A_100 : memref<1x1x25x300xf32, #tpu.memory_space<hbm>> -> memref<25x300xf32, #tpu.memory_space<hbm>>
    %dma_start3A_102 = arith.constant 0 : i32
    %dma_start3A_103 = arith.constant 0 : i32
    %dma_start3A_104 = tpu.memref_slice %arg11[%dma_start3A_94, %dma_start3A_102, %dma_start3A_103] : memref<4x25x300xf32, #tpu.memory_space<vmem>> -> memref<1x25x300xf32, #tpu.memory_space<vmem>>
    %dma_start3A_105 = tpu.memref_squeeze %dma_start3A_104 : memref<1x25x300xf32, #tpu.memory_space<vmem>> -> memref<25x300xf32, #tpu.memory_space<vmem>>
    %dma_start3A_106 = arith.constant 0 : i32
    %dma_start3A_107 = tpu.memref_slice %arg3[%dma_start3A_93, %mul3A_34, %mul3A_11, %dma_start3A_106] : memref<4x200x200x300xf32, #tpu.memory_space<hbm>> -> memref<1x1x25x300xf32, #tpu.memory_space<hbm>>
    %dma_start3A_108 = tpu.memref_squeeze %dma_start3A_107 : memref<1x1x25x300xf32, #tpu.memory_space<hbm>> -> memref<25x300xf32, #tpu.memory_space<hbm>>
    tpu.enqueue_dma source(%dma_start3A_108 : memref<25x300xf32, #tpu.memory_space<hbm>>) target(%dma_start3A_105 : memref<25x300xf32, #tpu.memory_space<vmem>>) target_semaphore(%arg15 : memref<!tpu.dma_semaphore, #tpu.memory_space<semaphore_mem>>)
    %scan3A_109 = arith.constant 0 : i32
    %scan3A_110 = arith.constant 0 : i32
    %scan3A_111 = arith.constant 25 : i32
    %scan3A_112 = arith.addi %scan3A_110, %scan3A_111 : i32
    %scan3A_113 = arith.constant 1 : i32
    scf.for %scan3A_134 = %scan3A_110 to %scan3A_112 step %scan3A_113  : i32 {
      %mul3A_135 = arith.constant 2 : i32
      %mul3A_136 = arith.muli %mul3A_135, %scan3A_134 : i32
      %add3A_137 = arith.addi %mul3A_34, %mul3A_136 : i32
      %add3A_138 = arith.constant 1 : i32
      %add3A_139 = arith.addi %add3A_137, %add3A_138 : i32
      %dma_start3A_140 = arith.constant 0 : i32
      %dma_start3A_141 = arith.constant 0 : i32
      %dma_start3A_142 = arith.constant 0 : i32
      %dma_start3A_143 = arith.constant 0 : i32
      %dma_start3A_144 = tpu.memref_slice %arg12[%dma_start3A_141, %dma_start3A_142, %dma_start3A_143] : memref<4x25x300xf32, #tpu.memory_space<vmem>> -> memref<1x25x300xf32, #tpu.memory_space<vmem>>
      %dma_start3A_145 = tpu.memref_squeeze %dma_start3A_144 : memref<1x25x300xf32, #tpu.memory_space<vmem>> -> memref<25x300xf32, #tpu.memory_space<vmem>>
      %dma_start3A_146 = arith.constant 0 : i32
      %dma_start3A_147 = tpu.memref_slice %arg3[%dma_start3A_140, %add3A_139, %mul3A_11, %dma_start3A_146] : memref<4x200x200x300xf32, #tpu.memory_space<hbm>> -> memref<1x1x25x300xf32, #tpu.memory_space<hbm>>
      %dma_start3A_148 = tpu.memref_squeeze %dma_start3A_147 : memref<1x1x25x300xf32, #tpu.memory_space<hbm>> -> memref<25x300xf32, #tpu.memory_space<hbm>>
      %dma_start3A_149 = arith.constant 0 : i32
      %dma_start3A_150 = arith.constant 0 : i32
      %dma_start3A_151 = tpu.memref_slice %arg12[%dma_start3A_141, %dma_start3A_149, %dma_start3A_150] : memref<4x25x300xf32, #tpu.memory_space<vmem>> -> memref<1x25x300xf32, #tpu.memory_space<vmem>>
      %dma_start3A_152 = tpu.memref_squeeze %dma_start3A_151 : memref<1x25x300xf32, #tpu.memory_space<vmem>> -> memref<25x300xf32, #tpu.memory_space<vmem>>
      %dma_start3A_153 = arith.constant 0 : i32
      %dma_start3A_154 = tpu.memref_slice %arg3[%dma_start3A_140, %add3A_139, %mul3A_11, %dma_start3A_153] : memref<4x200x200x300xf32, #tpu.memory_space<hbm>> -> memref<1x1x25x300xf32, #tpu.memory_space<hbm>>
      %dma_start3A_155 = tpu.memref_squeeze %dma_start3A_154 : memref<1x1x25x300xf32, #tpu.memory_space<hbm>> -> memref<25x300xf32, #tpu.memory_space<hbm>>
      tpu.enqueue_dma source(%dma_start3A_155 : memref<25x300xf32, #tpu.memory_space<hbm>>) target(%dma_start3A_152 : memref<25x300xf32, #tpu.memory_space<vmem>>) target_semaphore(%arg16 : memref<!tpu.dma_semaphore, #tpu.memory_space<semaphore_mem>>)
      %dma_start3A_156 = arith.constant 1 : i32
      %dma_start3A_157 = arith.constant 1 : i32
      %dma_start3A_158 = arith.constant 0 : i32
      %dma_start3A_159 = arith.constant 0 : i32
      %dma_start3A_160 = tpu.memref_slice %arg12[%dma_start3A_157, %dma_start3A_158, %dma_start3A_159] : memref<4x25x300xf32, #tpu.memory_space<vmem>> -> memref<1x25x300xf32, #tpu.memory_space<vmem>>
      %dma_start3A_161 = tpu.memref_squeeze %dma_start3A_160 : memref<1x25x300xf32, #tpu.memory_space<vmem>> -> memref<25x300xf32, #tpu.memory_space<vmem>>
      %dma_start3A_162 = arith.constant 0 : i32
      %dma_start3A_163 = tpu.memref_slice %arg3[%dma_start3A_156, %add3A_139, %mul3A_11, %dma_start3A_162] : memref<4x200x200x300xf32, #tpu.memory_space<hbm>> -> memref<1x1x25x300xf32, #tpu.memory_space<hbm>>
      %dma_start3A_164 = tpu.memref_squeeze %dma_start3A_163 : memref<1x1x25x300xf32, #tpu.memory_space<hbm>> -> memref<25x300xf32, #tpu.memory_space<hbm>>
      %dma_start3A_165 = arith.constant 0 : i32
      %dma_start3A_166 = arith.constant 0 : i32
      %dma_start3A_167 = tpu.memref_slice %arg12[%dma_start3A_157, %dma_start3A_165, %dma_start3A_166] : memref<4x25x300xf32, #tpu.memory_space<vmem>> -> memref<1x25x300xf32, #tpu.memory_space<vmem>>
      %dma_start3A_168 = tpu.memref_squeeze %dma_start3A_167 : memref<1x25x300xf32, #tpu.memory_space<vmem>> -> memref<25x300xf32, #tpu.memory_space<vmem>>
      %dma_start3A_169 = arith.constant 0 : i32
      %dma_start3A_170 = tpu.memref_slice %arg3[%dma_start3A_156, %add3A_139, %mul3A_11, %dma_start3A_169] : memref<4x200x200x300xf32, #tpu.memory_space<hbm>> -> memref<1x1x25x300xf32, #tpu.memory_space<hbm>>
      %dma_start3A_171 = tpu.memref_squeeze %dma_start3A_170 : memref<1x1x25x300xf32, #tpu.memory_space<hbm>> -> memref<25x300xf32, #tpu.memory_space<hbm>>
      tpu.enqueue_dma source(%dma_start3A_171 : memref<25x300xf32, #tpu.memory_space<hbm>>) target(%dma_start3A_168 : memref<25x300xf32, #tpu.memory_space<vmem>>) target_semaphore(%arg16 : memref<!tpu.dma_semaphore, #tpu.memory_space<semaphore_mem>>)
      %dma_start3A_172 = arith.constant 2 : i32
      %dma_start3A_173 = arith.constant 2 : i32
      %dma_start3A_174 = arith.constant 0 : i32
      %dma_start3A_175 = arith.constant 0 : i32
      %dma_start3A_176 = tpu.memref_slice %arg12[%dma_start3A_173, %dma_start3A_174, %dma_start3A_175] : memref<4x25x300xf32, #tpu.memory_space<vmem>> -> memref<1x25x300xf32, #tpu.memory_space<vmem>>
      %dma_start3A_177 = tpu.memref_squeeze %dma_start3A_176 : memref<1x25x300xf32, #tpu.memory_space<vmem>> -> memref<25x300xf32, #tpu.memory_space<vmem>>
      %dma_start3A_178 = arith.constant 0 : i32
      %dma_start3A_179 = tpu.memref_slice %arg3[%dma_start3A_172, %add3A_139, %mul3A_11, %dma_start3A_178] : memref<4x200x200x300xf32, #tpu.memory_space<hbm>> -> memref<1x1x25x300xf32, #tpu.memory_space<hbm>>
      %dma_start3A_180 = tpu.memref_squeeze %dma_start3A_179 : memref<1x1x25x300xf32, #tpu.memory_space<hbm>> -> memref<25x300xf32, #tpu.memory_space<hbm>>
      %dma_start3A_181 = arith.constant 0 : i32
      %dma_start3A_182 = arith.constant 0 : i32
      %dma_start3A_183 = tpu.memref_slice %arg12[%dma_start3A_173, %dma_start3A_181, %dma_start3A_182] : memref<4x25x300xf32, #tpu.memory_space<vmem>> -> memref<1x25x300xf32, #tpu.memory_space<vmem>>
      %dma_start3A_184 = tpu.memref_squeeze %dma_start3A_183 : memref<1x25x300xf32, #tpu.memory_space<vmem>> -> memref<25x300xf32, #tpu.memory_space<vmem>>
      %dma_start3A_185 = arith.constant 0 : i32
      %dma_start3A_186 = tpu.memref_slice %arg3[%dma_start3A_172, %add3A_139, %mul3A_11, %dma_start3A_185] : memref<4x200x200x300xf32, #tpu.memory_space<hbm>> -> memref<1x1x25x300xf32, #tpu.memory_space<hbm>>
      %dma_start3A_187 = tpu.memref_squeeze %dma_start3A_186 : memref<1x1x25x300xf32, #tpu.memory_space<hbm>> -> memref<25x300xf32, #tpu.memory_space<hbm>>
      tpu.enqueue_dma source(%dma_start3A_187 : memref<25x300xf32, #tpu.memory_space<hbm>>) target(%dma_start3A_184 : memref<25x300xf32, #tpu.memory_space<vmem>>) target_semaphore(%arg16 : memref<!tpu.dma_semaphore, #tpu.memory_space<semaphore_mem>>)
      %dma_start3A_188 = arith.constant 3 : i32
      %dma_start3A_189 = arith.constant 3 : i32
      %dma_start3A_190 = arith.constant 0 : i32
      %dma_start3A_191 = arith.constant 0 : i32
      %dma_start3A_192 = tpu.memref_slice %arg12[%dma_start3A_189, %dma_start3A_190, %dma_start3A_191] : memref<4x25x300xf32, #tpu.memory_space<vmem>> -> memref<1x25x300xf32, #tpu.memory_space<vmem>>
      %dma_start3A_193 = tpu.memref_squeeze %dma_start3A_192 : memref<1x25x300xf32, #tpu.memory_space<vmem>> -> memref<25x300xf32, #tpu.memory_space<vmem>>
      %dma_start3A_194 = arith.constant 0 : i32
      %dma_start3A_195 = tpu.memref_slice %arg3[%dma_start3A_188, %add3A_139, %mul3A_11, %dma_start3A_194] : memref<4x200x200x300xf32, #tpu.memory_space<hbm>> -> memref<1x1x25x300xf32, #tpu.memory_space<hbm>>
      %dma_start3A_196 = tpu.memref_squeeze %dma_start3A_195 : memref<1x1x25x300xf32, #tpu.memory_space<hbm>> -> memref<25x300xf32, #tpu.memory_space<hbm>>
      %dma_start3A_197 = arith.constant 0 : i32
      %dma_start3A_198 = arith.constant 0 : i32
      %dma_start3A_199 = tpu.memref_slice %arg12[%dma_start3A_189, %dma_start3A_197, %dma_start3A_198] : memref<4x25x300xf32, #tpu.memory_space<vmem>> -> memref<1x25x300xf32, #tpu.memory_space<vmem>>
      %dma_start3A_200 = tpu.memref_squeeze %dma_start3A_199 : memref<1x25x300xf32, #tpu.memory_space<vmem>> -> memref<25x300xf32, #tpu.memory_space<vmem>>
      %dma_start3A_201 = arith.constant 0 : i32
      %dma_start3A_202 = tpu.memref_slice %arg3[%dma_start3A_188, %add3A_139, %mul3A_11, %dma_start3A_201] : memref<4x200x200x300xf32, #tpu.memory_space<hbm>> -> memref<1x1x25x300xf32, #tpu.memory_space<hbm>>
      %dma_start3A_203 = tpu.memref_squeeze %dma_start3A_202 : memref<1x1x25x300xf32, #tpu.memory_space<hbm>> -> memref<25x300xf32, #tpu.memory_space<hbm>>
      tpu.enqueue_dma source(%dma_start3A_203 : memref<25x300xf32, #tpu.memory_space<hbm>>) target(%dma_start3A_200 : memref<25x300xf32, #tpu.memory_space<vmem>>) target_semaphore(%arg16 : memref<!tpu.dma_semaphore, #tpu.memory_space<semaphore_mem>>)
      %dma_wait3A_204 = arith.constant 0 : i32
      %dma_wait3A_205 = arith.constant 0 : i32
      %dma_wait3A_206 = arith.constant 0 : i32
      %dma_wait3A_207 = arith.constant 0 : i32
      %dma_wait3A_208 = tpu.memref_slice %arg11[%dma_wait3A_205, %dma_wait3A_206, %dma_wait3A_207] : memref<4x25x300xf32, #tpu.memory_space<vmem>> -> memref<1x25x300xf32, #tpu.memory_space<vmem>>
      %dma_wait3A_209 = tpu.memref_squeeze %dma_wait3A_208 : memref<1x25x300xf32, #tpu.memory_space<vmem>> -> memref<25x300xf32, #tpu.memory_space<vmem>>
      %dma_wait3A_210 = arith.constant 0 : i32
      %dma_wait3A_211 = tpu.memref_slice %arg3[%dma_wait3A_204, %add3A_137, %mul3A_11, %dma_wait3A_210] : memref<4x200x200x300xf32, #tpu.memory_space<hbm>> -> memref<1x1x25x300xf32, #tpu.memory_space<hbm>>
      %dma_wait3A_212 = tpu.memref_squeeze %dma_wait3A_211 : memref<1x1x25x300xf32, #tpu.memory_space<hbm>> -> memref<25x300xf32, #tpu.memory_space<hbm>>
      %dma_wait3A_213 = arith.constant 0 : i32
      %dma_wait3A_214 = arith.constant 0 : i32
      %dma_wait3A_215 = tpu.memref_slice %arg11[%dma_wait3A_205, %dma_wait3A_213, %dma_wait3A_214] : memref<4x25x300xf32, #tpu.memory_space<vmem>> -> memref<1x25x300xf32, #tpu.memory_space<vmem>>
      %dma_wait3A_216 = tpu.memref_squeeze %dma_wait3A_215 : memref<1x25x300xf32, #tpu.memory_space<vmem>> -> memref<25x300xf32, #tpu.memory_space<vmem>>
      %dma_wait3A_217 = arith.constant 0 : i32
      %dma_wait3A_218 = tpu.memref_slice %arg3[%dma_wait3A_204, %add3A_137, %mul3A_11, %dma_wait3A_217] : memref<4x200x200x300xf32, #tpu.memory_space<hbm>> -> memref<1x1x25x300xf32, #tpu.memory_space<hbm>>
      %dma_wait3A_219 = tpu.memref_squeeze %dma_wait3A_218 : memref<1x1x25x300xf32, #tpu.memory_space<hbm>> -> memref<25x300xf32, #tpu.memory_space<hbm>>
      tpu.wait_dma2 semaphore(%arg15 : memref<!tpu.dma_semaphore, #tpu.memory_space<semaphore_mem>>) src(%dma_wait3A_219 : memref<25x300xf32, #tpu.memory_space<hbm>>) dst(%dma_wait3A_216 : memref<25x300xf32, #tpu.memory_space<vmem>>)
      %dma_wait3A_220 = arith.constant 1 : i32
      %dma_wait3A_221 = arith.constant 1 : i32
      %dma_wait3A_222 = arith.constant 0 : i32
      %dma_wait3A_223 = arith.constant 0 : i32
      %dma_wait3A_224 = tpu.memref_slice %arg11[%dma_wait3A_221, %dma_wait3A_222, %dma_wait3A_223] : memref<4x25x300xf32, #tpu.memory_space<vmem>> -> memref<1x25x300xf32, #tpu.memory_space<vmem>>
      %dma_wait3A_225 = tpu.memref_squeeze %dma_wait3A_224 : memref<1x25x300xf32, #tpu.memory_space<vmem>> -> memref<25x300xf32, #tpu.memory_space<vmem>>
      %dma_wait3A_226 = arith.constant 0 : i32
      %dma_wait3A_227 = tpu.memref_slice %arg3[%dma_wait3A_220, %add3A_137, %mul3A_11, %dma_wait3A_226] : memref<4x200x200x300xf32, #tpu.memory_space<hbm>> -> memref<1x1x25x300xf32, #tpu.memory_space<hbm>>
      %dma_wait3A_228 = tpu.memref_squeeze %dma_wait3A_227 : memref<1x1x25x300xf32, #tpu.memory_space<hbm>> -> memref<25x300xf32, #tpu.memory_space<hbm>>
      %dma_wait3A_229 = arith.constant 0 : i32
      %dma_wait3A_230 = arith.constant 0 : i32
      %dma_wait3A_231 = tpu.memref_slice %arg11[%dma_wait3A_221, %dma_wait3A_229, %dma_wait3A_230] : memref<4x25x300xf32, #tpu.memory_space<vmem>> -> memref<1x25x300xf32, #tpu.memory_space<vmem>>
      %dma_wait3A_232 = tpu.memref_squeeze %dma_wait3A_231 : memref<1x25x300xf32, #tpu.memory_space<vmem>> -> memref<25x300xf32, #tpu.memory_space<vmem>>
      %dma_wait3A_233 = arith.constant 0 : i32
      %dma_wait3A_234 = tpu.memref_slice %arg3[%dma_wait3A_220, %add3A_137, %mul3A_11, %dma_wait3A_233] : memref<4x200x200x300xf32, #tpu.memory_space<hbm>> -> memref<1x1x25x300xf32, #tpu.memory_space<hbm>>
      %dma_wait3A_235 = tpu.memref_squeeze %dma_wait3A_234 : memref<1x1x25x300xf32, #tpu.memory_space<hbm>> -> memref<25x300xf32, #tpu.memory_space<hbm>>
      tpu.wait_dma2 semaphore(%arg15 : memref<!tpu.dma_semaphore, #tpu.memory_space<semaphore_mem>>) src(%dma_wait3A_235 : memref<25x300xf32, #tpu.memory_space<hbm>>) dst(%dma_wait3A_232 : memref<25x300xf32, #tpu.memory_space<vmem>>)
      %dma_wait3A_236 = arith.constant 2 : i32
      %dma_wait3A_237 = arith.constant 2 : i32
      %dma_wait3A_238 = arith.constant 0 : i32
      %dma_wait3A_239 = arith.constant 0 : i32
      %dma_wait3A_240 = tpu.memref_slice %arg11[%dma_wait3A_237, %dma_wait3A_238, %dma_wait3A_239] : memref<4x25x300xf32, #tpu.memory_space<vmem>> -> memref<1x25x300xf32, #tpu.memory_space<vmem>>
      %dma_wait3A_241 = tpu.memref_squeeze %dma_wait3A_240 : memref<1x25x300xf32, #tpu.memory_space<vmem>> -> memref<25x300xf32, #tpu.memory_space<vmem>>
      %dma_wait3A_242 = arith.constant 0 : i32
      %dma_wait3A_243 = tpu.memref_slice %arg3[%dma_wait3A_236, %add3A_137, %mul3A_11, %dma_wait3A_242] : memref<4x200x200x300xf32, #tpu.memory_space<hbm>> -> memref<1x1x25x300xf32, #tpu.memory_space<hbm>>
      %dma_wait3A_244 = tpu.memref_squeeze %dma_wait3A_243 : memref<1x1x25x300xf32, #tpu.memory_space<hbm>> -> memref<25x300xf32, #tpu.memory_space<hbm>>
      %dma_wait3A_245 = arith.constant 0 : i32
      %dma_wait3A_246 = arith.constant 0 : i32
      %dma_wait3A_247 = tpu.memref_slice %arg11[%dma_wait3A_237, %dma_wait3A_245, %dma_wait3A_246] : memref<4x25x300xf32, #tpu.memory_space<vmem>> -> memref<1x25x300xf32, #tpu.memory_space<vmem>>
      %dma_wait3A_248 = tpu.memref_squeeze %dma_wait3A_247 : memref<1x25x300xf32, #tpu.memory_space<vmem>> -> memref<25x300xf32, #tpu.memory_space<vmem>>
      %dma_wait3A_249 = arith.constant 0 : i32
      %dma_wait3A_250 = tpu.memref_slice %arg3[%dma_wait3A_236, %add3A_137, %mul3A_11, %dma_wait3A_249] : memref<4x200x200x300xf32, #tpu.memory_space<hbm>> -> memref<1x1x25x300xf32, #tpu.memory_space<hbm>>
      %dma_wait3A_251 = tpu.memref_squeeze %dma_wait3A_250 : memref<1x1x25x300xf32, #tpu.memory_space<hbm>> -> memref<25x300xf32, #tpu.memory_space<hbm>>
      tpu.wait_dma2 semaphore(%arg15 : memref<!tpu.dma_semaphore, #tpu.memory_space<semaphore_mem>>) src(%dma_wait3A_251 : memref<25x300xf32, #tpu.memory_space<hbm>>) dst(%dma_wait3A_248 : memref<25x300xf32, #tpu.memory_space<vmem>>)
      %dma_wait3A_252 = arith.constant 3 : i32
      %dma_wait3A_253 = arith.constant 3 : i32
      %dma_wait3A_254 = arith.constant 0 : i32
      %dma_wait3A_255 = arith.constant 0 : i32
      %dma_wait3A_256 = tpu.memref_slice %arg11[%dma_wait3A_253, %dma_wait3A_254, %dma_wait3A_255] : memref<4x25x300xf32, #tpu.memory_space<vmem>> -> memref<1x25x300xf32, #tpu.memory_space<vmem>>
      %dma_wait3A_257 = tpu.memref_squeeze %dma_wait3A_256 : memref<1x25x300xf32, #tpu.memory_space<vmem>> -> memref<25x300xf32, #tpu.memory_space<vmem>>
      %dma_wait3A_258 = arith.constant 0 : i32
      %dma_wait3A_259 = tpu.memref_slice %arg3[%dma_wait3A_252, %add3A_137, %mul3A_11, %dma_wait3A_258] : memref<4x200x200x300xf32, #tpu.memory_space<hbm>> -> memref<1x1x25x300xf32, #tpu.memory_space<hbm>>
      %dma_wait3A_260 = tpu.memref_squeeze %dma_wait3A_259 : memref<1x1x25x300xf32, #tpu.memory_space<hbm>> -> memref<25x300xf32, #tpu.memory_space<hbm>>
      %dma_wait3A_261 = arith.constant 0 : i32
      %dma_wait3A_262 = arith.constant 0 : i32
      %dma_wait3A_263 = tpu.memref_slice %arg11[%dma_wait3A_253, %dma_wait3A_261, %dma_wait3A_262] : memref<4x25x300xf32, #tpu.memory_space<vmem>> -> memref<1x25x300xf32, #tpu.memory_space<vmem>>
      %dma_wait3A_264 = tpu.memref_squeeze %dma_wait3A_263 : memref<1x25x300xf32, #tpu.memory_space<vmem>> -> memref<25x300xf32, #tpu.memory_space<vmem>>
      %dma_wait3A_265 = arith.constant 0 : i32
      %dma_wait3A_266 = tpu.memref_slice %arg3[%dma_wait3A_252, %add3A_137, %mul3A_11, %dma_wait3A_265] : memref<4x200x200x300xf32, #tpu.memory_space<hbm>> -> memref<1x1x25x300xf32, #tpu.memory_space<hbm>>
      %dma_wait3A_267 = tpu.memref_squeeze %dma_wait3A_266 : memref<1x1x25x300xf32, #tpu.memory_space<hbm>> -> memref<25x300xf32, #tpu.memory_space<hbm>>
      tpu.wait_dma2 semaphore(%arg15 : memref<!tpu.dma_semaphore, #tpu.memory_space<semaphore_mem>>) src(%dma_wait3A_267 : memref<25x300xf32, #tpu.memory_space<hbm>>) dst(%dma_wait3A_264 : memref<25x300xf32, #tpu.memory_space<vmem>>)
      %ge3A = arith.constant 1 : i32
      %ge3A_268 = arith.cmpi sge, %scan3A_134, %ge3A : i32
      %convert_element_type3A_269 = arith.extui %ge3A_268 : i1 to i32
      %cond3A = arith.constant 0 : i32
      %cond3A_270 = arith.cmpi ne, %convert_element_type3A_269, %cond3A : i32
      scf.if %cond3A_270 {
        %sub3A_1375 = arith.constant 2 : i32
        %sub3A_1376 = arith.subi %add3A_137, %sub3A_1375 : i32
        %dma_wait3A_1377 = arith.constant 0 : i32
        %dma_wait3A_1378 = tpu.memref_slice %arg4[%sub3A_1376, %mul3A_11, %dma_wait3A_1377] : memref<200x200x300xf32, #tpu.memory_space<hbm>> -> memref<1x25x300xf32, #tpu.memory_space<hbm>>
        %dma_wait3A_1379 = tpu.memref_squeeze %dma_wait3A_1378 : memref<1x25x300xf32, #tpu.memory_space<hbm>> -> memref<25x300xf32, #tpu.memory_space<hbm>>
        %dma_wait3A_1380 = arith.constant 0 : i32
        %dma_wait3A_1381 = tpu.memref_slice %arg4[%sub3A_1376, %mul3A_11, %dma_wait3A_1380] : memref<200x200x300xf32, #tpu.memory_space<hbm>> -> memref<1x25x300xf32, #tpu.memory_space<hbm>>
        %dma_wait3A_1382 = tpu.memref_squeeze %dma_wait3A_1381 : memref<1x25x300xf32, #tpu.memory_space<hbm>> -> memref<25x300xf32, #tpu.memory_space<hbm>>
        tpu.wait_dma2 semaphore(%arg17 : memref<!tpu.dma_semaphore, #tpu.memory_space<semaphore_mem>>) src(%arg13 : memref<25x300xf32, #tpu.memory_space<vmem>>) dst(%dma_wait3A_1382 : memref<25x300xf32, #tpu.memory_space<hbm>>)
      } else {
      }
      %broadcast_in_dim3A_271 = arith.constant 0.000000e+00 : f32
      %broadcast_in_dim3A_272 = vector.broadcast %broadcast_in_dim3A_271 : f32 to vector<16xf32>
      %convert_element_type3A_273 = arith.sitofp %add3A_137 : i32 to f32
      %add3A_274 = vector.broadcast %convert_element_type3A_273 : f32 to vector<16xf32>
      %add3A_275 = arith.addf %broadcast_in_dim3A_272, %add3A_274 : vector<16xf32>
      %scan3A_276 = arith.constant 0 : i32
      %scan3A_277 = arith.constant 0 : i32
      %scan3A_278 = arith.constant 18 : i32
      %scan3A_279 = arith.addi %scan3A_277, %scan3A_278 : i32
      %scan3A_280 = arith.constant 1 : i32
      scf.for %scan3A_1375 = %scan3A_277 to %scan3A_279 step %scan3A_280  : i32 {
        %mul3A_1376 = arith.constant 16 : i32
        %mul3A_1377 = arith.muli %scan3A_1375, %mul3A_1376 : i32
        %get3A_1378 = arith.index_cast %mul3A_1377 : i32 to index
        %get3A_1379 = tpu.vector_load %arg10[%get3A_1378] {strides = array<i32>} : memref<304xf32, #tpu.memory_space<vmem>>, vector<16xf32>,
        %ge3A_1380 = arith.cmpf oge, %add3A_275, %get3A_1379 : vector<16xf32>
        %get3A_1381 = arith.index_cast %mul3A_1377 : i32 to index
        %get3A_1382 = tpu.vector_load %arg6[%get3A_1381] {strides = array<i32>} : memref<304xf32, #tpu.memory_space<vmem>>, vector<16xf32>,
        %ge3A_1383 = arith.cmpf oge, %add3A_275, %get3A_1382 : vector<16xf32>
        %get3A_1384 = arith.index_cast %mul3A_1377 : i32 to index
        %get3A_1385 = tpu.vector_load %arg8[%get3A_1384] {strides = array<i32>} : memref<304xf32, #tpu.memory_space<vmem>>, vector<16xf32>,
        %le3A_1386 = arith.cmpf ole, %add3A_275, %get3A_1385 : vector<16xf32>
        %and3A_1387 = arith.andi %ge3A_1383, %le3A_1386 : vector<16xi1>
        %get3A_1388 = arith.index_cast %mul3A_1377 : i32 to index
        %get3A_1389 = tpu.vector_load %arg5[%get3A_1388] {strides = array<i32>} : memref<304xf32, #tpu.memory_space<vmem>>, vector<16xf32>,
        %get3A_1390 = arith.index_cast %mul3A_1377 : i32 to index
        %get3A_1391 = tpu.vector_load %arg7[%get3A_1390] {strides = array<i32>} : memref<304xf32, #tpu.memory_space<vmem>>, vector<16xf32>,
        %get3A_1392 = arith.index_cast %mul3A_1377 : i32 to index
        %get3A_1393 = tpu.vector_load %arg9[%get3A_1392] {strides = array<i32>} : memref<304xf32, #tpu.memory_space<vmem>>, vector<16xf32>,
        %broadcast_in_dim3A_1394 = arith.constant 0.000000e+00 : f32
        %broadcast_in_dim3A_1395 = vector.broadcast %broadcast_in_dim3A_1394 : f32 to vector<16xf32>
        %add3A_1396 = arith.constant 0.000000e+00 : f32
        %add3A_1397 = arith.addf %convert_element_type3A, %add3A_1396 : f32
        %add3A_1398 = vector.broadcast %add3A_1397 : f32 to vector<16xf32>
        %add3A_1399 = arith.addf %broadcast_in_dim3A_1395, %add3A_1398 : vector<16xf32>
        %ge3A_1400 = arith.cmpf oge, %add3A_1399, %get3A_1393 : vector<16xf32>
        %get3A_1401 = arith.constant 0 : i32
        %get3A_1402 = arith.constant 0 : i32
        %get3A_1403 = arith.index_cast %get3A_1401 : i32 to index
        %get3A_1404 = arith.index_cast %get3A_1402 : i32 to index
        %get3A_1405 = arith.index_cast %mul3A_1377 : i32 to index
        %get3A_1406 = tpu.vector_load %arg11[%get3A_1403, %get3A_1404, %get3A_1405] {strides = array<i32>} : memref<4x25x300xf32, #tpu.memory_space<vmem>>, vector<16xf32>,
        %get3A_1407 = arith.constant 1 : i32
        %get3A_1408 = arith.constant 0 : i32
        %get3A_1409 = arith.index_cast %get3A_1407 : i32 to index
        %get3A_1410 = arith.index_cast %get3A_1408 : i32 to index
        %get3A_1411 = arith.index_cast %mul3A_1377 : i32 to index
        %get3A_1412 = tpu.vector_load %arg11[%get3A_1409, %get3A_1410, %get3A_1411] {strides = array<i32>} : memref<4x25x300xf32, #tpu.memory_space<vmem>>, vector<16xf32>,
        %get3A_1413 = arith.constant 2 : i32
        %get3A_1414 = arith.constant 0 : i32
        %get3A_1415 = arith.index_cast %get3A_1413 : i32 to index
        %get3A_1416 = arith.index_cast %get3A_1414 : i32 to index
        %get3A_1417 = arith.index_cast %mul3A_1377 : i32 to index
        %get3A_1418 = tpu.vector_load %arg11[%get3A_1415, %get3A_1416, %get3A_1417] {strides = array<i32>} : memref<4x25x300xf32, #tpu.memory_space<vmem>>, vector<16xf32>,
        %get3A_1419 = arith.constant 3 : i32
        %get3A_1420 = arith.constant 0 : i32
        %get3A_1421 = arith.index_cast %get3A_1419 : i32 to index
        %get3A_1422 = arith.index_cast %get3A_1420 : i32 to index
        %get3A_1423 = arith.index_cast %mul3A_1377 : i32 to index
        %get3A_1424 = tpu.vector_load %arg11[%get3A_1421, %get3A_1422, %get3A_1423] {strides = array<i32>} : memref<4x25x300xf32, #tpu.memory_space<vmem>>, vector<16xf32>,
        %select_n3A_1425 = arith.select %ge3A_1400, %get3A_1412, %get3A_1406 : vector<16xi1>, vector<16xf32>
        %select_n3A_1426 = arith.select %ge3A_1400, %get3A_1424, %get3A_1418 : vector<16xi1>, vector<16xf32>
        %select_n3A_1427 = arith.select %ge3A_1380, %select_n3A_1426, %select_n3A_1425 : vector<16xi1>, vector<16xf32>
        %ge3A_1428 = arith.cmpf oge, %add3A_1399, %get3A_1389 : vector<16xf32>
        %le3A_1429 = arith.cmpf ole, %add3A_1399, %get3A_1391 : vector<16xf32>
        %and3A_1430 = arith.andi %ge3A_1428, %le3A_1429 : vector<16xi1>
        %and3A_1431 = arith.andi %and3A_1430, %and3A_1387 : vector<16xi1>
        %jit3A_1432 = arith.constant 0.000000e+00 : f32
        %broadcast_in_dim3A_1433 = vector.broadcast %jit3A_1432 : f32 to vector<16xf32>
        %select_n3A_1434 = arith.select %and3A_1431, %select_n3A_1427, %broadcast_in_dim3A_1433 : vector<16xi1>, vector<16xf32>
        %swap3A = arith.constant 0 : i32
        %swap3A_1435 = arith.index_cast %swap3A : i32 to index
        %swap3A_1436 = arith.index_cast %mul3A_1377 : i32 to index
        %swap3A_1437 = tpu.vector_load %arg13[%swap3A_1435, %swap3A_1436] {strides = array<i32>} : memref<25x300xf32, #tpu.memory_space<vmem>>, vector<16xf32>,
        tpu.vector_store %arg13[%swap3A_1435, %swap3A_1436], %select_n3A_1434 {strides = array<i32>} : memref<25x300xf32, #tpu.memory_space<vmem>>, vector<16xf32>,
        %broadcast_in_dim3A_1438 = arith.constant 0.000000e+00 : f32
        %broadcast_in_dim3A_1439 = vector.broadcast %broadcast_in_dim3A_1438 : f32 to vector<16xf32>
        %add3A_1440 = arith.constant 1.000000e+00 : f32
        %add3A_1441 = arith.addf %convert_element_type3A, %add3A_1440 : f32
        %add3A_1442 = vector.broadcast %add3A_1441 : f32 to vector<16xf32>
        %add3A_1443 = arith.addf %broadcast_in_dim3A_1439, %add3A_1442 : vector<16xf32>
        %ge3A_1444 = arith.cmpf oge, %add3A_1443, %get3A_1393 : vector<16xf32>
        %get3A_1445 = arith.constant 0 : i32
        %get3A_1446 = arith.constant 1 : i32
        %get3A_1447 = arith.index_cast %get3A_1445 : i32 to index
        %get3A_1448 = arith.index_cast %get3A_1446 : i32 to index
        %get3A_1449 = arith.index_cast %mul3A_1377 : i32 to index
        %get3A_1450 = tpu.vector_load %arg11[%get3A_1447, %get3A_1448, %get3A_1449] {strides = array<i32>} : memref<4x25x300xf32, #tpu.memory_space<vmem>>, vector<16xf32>,
        %get3A_1451 = arith.constant 1 : i32
        %get3A_1452 = arith.constant 1 : i32
        %get3A_1453 = arith.index_cast %get3A_1451 : i32 to index
        %get3A_1454 = arith.index_cast %get3A_1452 : i32 to index
        %get3A_1455 = arith.index_cast %mul3A_1377 : i32 to index
        %get3A_1456 = tpu.vector_load %arg11[%get3A_1453, %get3A_1454, %get3A_1455] {strides = array<i32>} : memref<4x25x300xf32, #tpu.memory_space<vmem>>, vector<16xf32>,
        %get3A_1457 = arith.constant 2 : i32
        %get3A_1458 = arith.constant 1 : i32
        %get3A_1459 = arith.index_cast %get3A_1457 : i32 to index
        %get3A_1460 = arith.index_cast %get3A_1458 : i32 to index
        %get3A_1461 = arith.index_cast %mul3A_1377 : i32 to index
        %get3A_1462 = tpu.vector_load %arg11[%get3A_1459, %get3A_1460, %get3A_1461] {strides = array<i32>} : memref<4x25x300xf32, #tpu.memory_space<vmem>>, vector<16xf32>,
        %get3A_1463 = arith.constant 3 : i32
        %get3A_1464 = arith.constant 1 : i32
        %get3A_1465 = arith.index_cast %get3A_1463 : i32 to index
        %get3A_1466 = arith.index_cast %get3A_1464 : i32 to index
        %get3A_1467 = arith.index_cast %mul3A_1377 : i32 to index
        %get3A_1468 = tpu.vector_load %arg11[%get3A_1465, %get3A_1466, %get3A_1467] {strides = array<i32>} : memref<4x25x300xf32, #tpu.memory_space<vmem>>, vector<16xf32>,
        %select_n3A_1469 = arith.select %ge3A_1444, %get3A_1456, %get3A_1450 : vector<16xi1>, vector<16xf32>
        %select_n3A_1470 = arith.select %ge3A_1444, %get3A_1468, %get3A_1462 : vector<16xi1>, vector<16xf32>
        %select_n3A_1471 = arith.select %ge3A_1380, %select_n3A_1470, %select_n3A_1469 : vector<16xi1>, vector<16xf32>
        %ge3A_1472 = arith.cmpf oge, %add3A_1443, %get3A_1389 : vector<16xf32>
        %le3A_1473 = arith.cmpf ole, %add3A_1443, %get3A_1391 : vector<16xf32>
        %and3A_1474 = arith.andi %ge3A_1472, %le3A_1473 : vector<16xi1>
        %and3A_1475 = arith.andi %and3A_1474, %and3A_1387 : vector<16xi1>
        %jit3A_1476 = arith.constant 0.000000e+00 : f32
        %broadcast_in_dim3A_1477 = vector.broadcast %jit3A_1476 : f32 to vector<16xf32>
        %select_n3A_1478 = arith.select %and3A_1475, %select_n3A_1471, %broadcast_in_dim3A_1477 : vector<16xi1>, vector<16xf32>
        %swap3A_1479 = arith.constant 1 : i32
        %swap3A_1480 = arith.index_cast %swap3A_1479 : i32 to index
        %swap3A_1481 = arith.index_cast %mul3A_1377 : i32 to index
        %swap3A_1482 = tpu.vector_load %arg13[%swap3A_1480, %swap3A_1481] {strides = array<i32>} : memref<25x300xf32, #tpu.memory_space<vmem>>, vector<16xf32>,
        tpu.vector_store %arg13[%swap3A_1480, %swap3A_1481], %select_n3A_1478 {strides = array<i32>} : memref<25x300xf32, #tpu.memory_space<vmem>>, vector<16xf32>,
        %broadcast_in_dim3A_1483 = arith.constant 0.000000e+00 : f32
        %broadcast_in_dim3A_1484 = vector.broadcast %broadcast_in_dim3A_1483 : f32 to vector<16xf32>
        %add3A_1485 = arith.constant 2.000000e+00 : f32
        %add3A_1486 = arith.addf %convert_element_type3A, %add3A_1485 : f32
        %add3A_1487 = vector.broadcast %add3A_1486 : f32 to vector<16xf32>
        %add3A_1488 = arith.addf %broadcast_in_dim3A_1484, %add3A_1487 : vector<16xf32>
        %ge3A_1489 = arith.cmpf oge, %add3A_1488, %get3A_1393 : vector<16xf32>
        %get3A_1490 = arith.constant 0 : i32
        %get3A_1491 = arith.constant 2 : i32
        %get3A_1492 = arith.index_cast %get3A_1490 : i32 to index
        %get3A_1493 = arith.index_cast %get3A_1491 : i32 to index
        %get3A_1494 = arith.index_cast %mul3A_1377 : i32 to index
        %get3A_1495 = tpu.vector_load %arg11[%get3A_1492, %get3A_1493, %get3A_1494] {strides = array<i32>} : memref<4x25x300xf32, #tpu.memory_space<vmem>>, vector<16xf32>,
        %get3A_1496 = arith.constant 1 : i32
        %get3A_1497 = arith.constant 2 : i32
        %get3A_1498 = arith.index_cast %get3A_1496 : i32 to index
        %get3A_1499 = arith.index_cast %get3A_1497 : i32 to index
        %get3A_1500 = arith.index_cast %mul3A_1377 : i32 to index
        %get3A_1501 = tpu.vector_load %arg11[%get3A_1498, %get3A_1499, %get3A_1500] {strides = array<i32>} : memref<4x25x300xf32, #tpu.memory_space<vmem>>, vector<16xf32>,
        %get3A_1502 = arith.constant 2 : i32
        %get3A_1503 = arith.constant 2 : i32
        %get3A_1504 = arith.index_cast %get3A_1502 : i32 to index
        %get3A_1505 = arith.index_cast %get3A_1503 : i32 to index
        %get3A_1506 = arith.index_cast %mul3A_1377 : i32 to index
        %get3A_1507 = tpu.vector_load %arg11[%get3A_1504, %get3A_1505, %get3A_1506] {strides = array<i32>} : memref<4x25x300xf32, #tpu.memory_space<vmem>>, vector<16xf32>,
        %get3A_1508 = arith.constant 3 : i32
        %get3A_1509 = arith.constant 2 : i32
        %get3A_1510 = arith.index_cast %get3A_1508 : i32 to index
        %get3A_1511 = arith.index_cast %get3A_1509 : i32 to index
        %get3A_1512 = arith.index_cast %mul3A_1377 : i32 to index
        %get3A_1513 = tpu.vector_load %arg11[%get3A_1510, %get3A_1511, %get3A_1512] {strides = array<i32>} : memref<4x25x300xf32, #tpu.memory_space<vmem>>, vector<16xf32>,
        %select_n3A_1514 = arith.select %ge3A_1489, %get3A_1501, %get3A_1495 : vector<16xi1>, vector<16xf32>
        %select_n3A_1515 = arith.select %ge3A_1489, %get3A_1513, %get3A_1507 : vector<16xi1>, vector<16xf32>
        %select_n3A_1516 = arith.select %ge3A_1380, %select_n3A_1515, %select_n3A_1514 : vector<16xi1>, vector<16xf32>
        %ge3A_1517 = arith.cmpf oge, %add3A_1488, %get3A_1389 : vector<16xf32>
        %le3A_1518 = arith.cmpf ole, %add3A_1488, %get3A_1391 : vector<16xf32>
        %and3A_1519 = arith.andi %ge3A_1517, %le3A_1518 : vector<16xi1>
        %and3A_1520 = arith.andi %and3A_1519, %and3A_1387 : vector<16xi1>
        %jit3A_1521 = arith.constant 0.000000e+00 : f32
        %broadcast_in_dim3A_1522 = vector.broadcast %jit3A_1521 : f32 to vector<16xf32>
        %select_n3A_1523 = arith.select %and3A_1520, %select_n3A_1516, %broadcast_in_dim3A_1522 : vector<16xi1>, vector<16xf32>
        %swap3A_1524 = arith.constant 2 : i32
        %swap3A_1525 = arith.index_cast %swap3A_1524 : i32 to index
        %swap3A_1526 = arith.index_cast %mul3A_1377 : i32 to index
        %swap3A_1527 = tpu.vector_load %arg13[%swap3A_1525, %swap3A_1526] {strides = array<i32>} : memref<25x300xf32, #tpu.memory_space<vmem>>, vector<16xf32>,
        tpu.vector_store %arg13[%swap3A_1525, %swap3A_1526], %select_n3A_1523 {strides = array<i32>} : memref<25x300xf32, #tpu.memory_space<vmem>>, vector<16xf32>,
        %broadcast_in_dim3A_1528 = arith.constant 0.000000e+00 : f32
        %broadcast_in_dim3A_1529 = vector.broadcast %broadcast_in_dim3A_1528 : f32 to vector<16xf32>
        %add3A_1530 = arith.constant 3.000000e+00 : f32
        %add3A_1531 = arith.addf %convert_element_type3A, %add3A_1530 : f32
        %add3A_1532 = vector.broadcast %add3A_1531 : f32 to vector<16xf32>
        %add3A_1533 = arith.addf %broadcast_in_dim3A_1529, %add3A_1532 : vector<16xf32>
        %ge3A_1534 = arith.cmpf oge, %add3A_1533, %get3A_1393 : vector<16xf32>
        %get3A_1535 = arith.constant 0 : i32
        %get3A_1536 = arith.constant 3 : i32
        %get3A_1537 = arith.index_cast %get3A_1535 : i32 to index
        %get3A_1538 = arith.index_cast %get3A_1536 : i32 to index
        %get3A_1539 = arith.index_cast %mul3A_1377 : i32 to index
        %get3A_1540 = tpu.vector_load %arg11[%get3A_1537, %get3A_1538, %get3A_1539] {strides = array<i32>} : memref<4x25x300xf32, #tpu.memory_space<vmem>>, vector<16xf32>,
        %get3A_1541 = arith.constant 1 : i32
        %get3A_1542 = arith.constant 3 : i32
        %get3A_1543 = arith.index_cast %get3A_1541 : i32 to index
        %get3A_1544 = arith.index_cast %get3A_1542 : i32 to index
        %get3A_1545 = arith.index_cast %mul3A_1377 : i32 to index
        %get3A_1546 = tpu.vector_load %arg11[%get3A_1543, %get3A_1544, %get3A_1545] {strides = array<i32>} : memref<4x25x300xf32, #tpu.memory_space<vmem>>, vector<16xf32>,
        %get3A_1547 = arith.constant 2 : i32
        %get3A_1548 = arith.constant 3 : i32
        %get3A_1549 = arith.index_cast %get3A_1547 : i32 to index
        %get3A_1550 = arith.index_cast %get3A_1548 : i32 to index
        %get3A_1551 = arith.index_cast %mul3A_1377 : i32 to index
        %get3A_1552 = tpu.vector_load %arg11[%get3A_1549, %get3A_1550, %get3A_1551] {strides = array<i32>} : memref<4x25x300xf32, #tpu.memory_space<vmem>>, vector<16xf32>,
        %get3A_1553 = arith.constant 3 : i32
        %get3A_1554 = arith.constant 3 : i32
        %get3A_1555 = arith.index_cast %get3A_1553 : i32 to index
        %get3A_1556 = arith.index_cast %get3A_1554 : i32 to index
        %get3A_1557 = arith.index_cast %mul3A_1377 : i32 to index
        %get3A_1558 = tpu.vector_load %arg11[%get3A_1555, %get3A_1556, %get3A_1557] {strides = array<i32>} : memref<4x25x300xf32, #tpu.memory_space<vmem>>, vector<16xf32>,
        %select_n3A_1559 = arith.select %ge3A_1534, %get3A_1546, %get3A_1540 : vector<16xi1>, vector<16xf32>
        %select_n3A_1560 = arith.select %ge3A_1534, %get3A_1558, %get3A_1552 : vector<16xi1>, vector<16xf32>
        %select_n3A_1561 = arith.select %ge3A_1380, %select_n3A_1560, %select_n3A_1559 : vector<16xi1>, vector<16xf32>
        %ge3A_1562 = arith.cmpf oge, %add3A_1533, %get3A_1389 : vector<16xf32>
        %le3A_1563 = arith.cmpf ole, %add3A_1533, %get3A_1391 : vector<16xf32>
        %and3A_1564 = arith.andi %ge3A_1562, %le3A_1563 : vector<16xi1>
        %and3A_1565 = arith.andi %and3A_1564, %and3A_1387 : vector<16xi1>
        %jit3A_1566 = arith.constant 0.000000e+00 : f32
        %broadcast_in_dim3A_1567 = vector.broadcast %jit3A_1566 : f32 to vector<16xf32>
        %select_n3A_1568 = arith.select %and3A_1565, %select_n3A_1561, %broadcast_in_dim3A_1567 : vector<16xi1>, vector<16xf32>
        %swap3A_1569 = arith.constant 3 : i32
        %swap3A_1570 = arith.index_cast %swap3A_1569 : i32 to index
        %swap3A_1571 = arith.index_cast %mul3A_1377 : i32 to index
        %swap3A_1572 = tpu.vector_load %arg13[%swap3A_1570, %swap3A_1571] {strides = array<i32>} : memref<25x300xf32, #tpu.memory_space<vmem>>, vector<16xf32>,
        tpu.vector_store %arg13[%swap3A_1570, %swap3A_1571], %select_n3A_1568 {strides = array<i32>} : memref<25x300xf32, #tpu.memory_space<vmem>>, vector<16xf32>,
        %broadcast_in_dim3A_1573 = arith.constant 0.000000e+00 : f32
        %broadcast_in_dim3A_1574 = vector.broadcast %broadcast_in_dim3A_1573 : f32 to vector<16xf32>
        %add3A_1575 = arith.constant 4.000000e+00 : f32
        %add3A_1576 = arith.addf %convert_element_type3A, %add3A_1575 : f32
        %add3A_1577 = vector.broadcast %add3A_1576 : f32 to vector<16xf32>
        %add3A_1578 = arith.addf %broadcast_in_dim3A_1574, %add3A_1577 : vector<16xf32>
        %ge3A_1579 = arith.cmpf oge, %add3A_1578, %get3A_1393 : vector<16xf32>
        %get3A_1580 = arith.constant 0 : i32
        %get3A_1581 = arith.constant 4 : i32
        %get3A_1582 = arith.index_cast %get3A_1580 : i32 to index
        %get3A_1583 = arith.index_cast %get3A_1581 : i32 to index
        %get3A_1584 = arith.index_cast %mul3A_1377 : i32 to index
        %get3A_1585 = tpu.vector_load %arg11[%get3A_1582, %get3A_1583, %get3A_1584] {strides = array<i32>} : memref<4x25x300xf32, #tpu.memory_space<vmem>>, vector<16xf32>,
        %get3A_1586 = arith.constant 1 : i32
        %get3A_1587 = arith.constant 4 : i32
        %get3A_1588 = arith.index_cast %get3A_1586 : i32 to index
        %get3A_1589 = arith.index_cast %get3A_1587 : i32 to index
        %get3A_1590 = arith.index_cast %mul3A_1377 : i32 to index
        %get3A_1591 = tpu.vector_load %arg11[%get3A_1588, %get3A_1589, %get3A_1590] {strides = array<i32>} : memref<4x25x300xf32, #tpu.memory_space<vmem>>, vector<16xf32>,
        %get3A_1592 = arith.constant 2 : i32
        %get3A_1593 = arith.constant 4 : i32
        %get3A_1594 = arith.index_cast %get3A_1592 : i32 to index
        %get3A_1595 = arith.index_cast %get3A_1593 : i32 to index
        %get3A_1596 = arith.index_cast %mul3A_1377 : i32 to index
        %get3A_1597 = tpu.vector_load %arg11[%get3A_1594, %get3A_1595, %get3A_1596] {strides = array<i32>} : memref<4x25x300xf32, #tpu.memory_space<vmem>>, vector<16xf32>,
        %get3A_1598 = arith.constant 3 : i32
        %get3A_1599 = arith.constant 4 : i32
        %get3A_1600 = arith.index_cast %get3A_1598 : i32 to index
        %get3A_1601 = arith.index_cast %get3A_1599 : i32 to index
        %get3A_1602 = arith.index_cast %mul3A_1377 : i32 to index
        %get3A_1603 = tpu.vector_load %arg11[%get3A_1600, %get3A_1601, %get3A_1602] {strides = array<i32>} : memref<4x25x300xf32, #tpu.memory_space<vmem>>, vector<16xf32>,
        %select_n3A_1604 = arith.select %ge3A_1579, %get3A_1591, %get3A_1585 : vector<16xi1>, vector<16xf32>
        %select_n3A_1605 = arith.select %ge3A_1579, %get3A_1603, %get3A_1597 : vector<16xi1>, vector<16xf32>
        %select_n3A_1606 = arith.select %ge3A_1380, %select_n3A_1605, %select_n3A_1604 : vector<16xi1>, vector<16xf32>
        %ge3A_1607 = arith.cmpf oge, %add3A_1578, %get3A_1389 : vector<16xf32>
        %le3A_1608 = arith.cmpf ole, %add3A_1578, %get3A_1391 : vector<16xf32>
        %and3A_1609 = arith.andi %ge3A_1607, %le3A_1608 : vector<16xi1>
        %and3A_1610 = arith.andi %and3A_1609, %and3A_1387 : vector<16xi1>
        %jit3A_1611 = arith.constant 0.000000e+00 : f32
        %broadcast_in_dim3A_1612 = vector.broadcast %jit3A_1611 : f32 to vector<16xf32>
        %select_n3A_1613 = arith.select %and3A_1610, %select_n3A_1606, %broadcast_in_dim3A_1612 : vector<16xi1>, vector<16xf32>
        %swap3A_1614 = arith.constant 4 : i32
        %swap3A_1615 = arith.index_cast %swap3A_1614 : i32 to index
        %swap3A_1616 = arith.index_cast %mul3A_1377 : i32 to index
        %swap3A_1617 = tpu.vector_load %arg13[%swap3A_1615, %swap3A_1616] {strides = array<i32>} : memref<25x300xf32, #tpu.memory_space<vmem>>, vector<16xf32>,
        tpu.vector_store %arg13[%swap3A_1615, %swap3A_1616], %select_n3A_1613 {strides = array<i32>} : memref<25x300xf32, #tpu.memory_space<vmem>>, vector<16xf32>,
        %broadcast_in_dim3A_1618 = arith.constant 0.000000e+00 : f32
        %broadcast_in_dim3A_1619 = vector.broadcast %broadcast_in_dim3A_1618 : f32 to vector<16xf32>
        %add3A_1620 = arith.constant 5.000000e+00 : f32
        %add3A_1621 = arith.addf %convert_element_type3A, %add3A_1620 : f32
        %add3A_1622 = vector.broadcast %add3A_1621 : f32 to vector<16xf32>
        %add3A_1623 = arith.addf %broadcast_in_dim3A_1619, %add3A_1622 : vector<16xf32>
        %ge3A_1624 = arith.cmpf oge, %add3A_1623, %get3A_1393 : vector<16xf32>
        %get3A_1625 = arith.constant 0 : i32
        %get3A_1626 = arith.constant 5 : i32
        %get3A_1627 = arith.index_cast %get3A_1625 : i32 to index
        %get3A_1628 = arith.index_cast %get3A_1626 : i32 to index
        %get3A_1629 = arith.index_cast %mul3A_1377 : i32 to index
        %get3A_1630 = tpu.vector_load %arg11[%get3A_1627, %get3A_1628, %get3A_1629] {strides = array<i32>} : memref<4x25x300xf32, #tpu.memory_space<vmem>>, vector<16xf32>,
        %get3A_1631 = arith.constant 1 : i32
        %get3A_1632 = arith.constant 5 : i32
        %get3A_1633 = arith.index_cast %get3A_1631 : i32 to index
        %get3A_1634 = arith.index_cast %get3A_1632 : i32 to index
        %get3A_1635 = arith.index_cast %mul3A_1377 : i32 to index
        %get3A_1636 = tpu.vector_load %arg11[%get3A_1633, %get3A_1634, %get3A_1635] {strides = array<i32>} : memref<4x25x300xf32, #tpu.memory_space<vmem>>, vector<16xf32>,
        %get3A_1637 = arith.constant 2 : i32
        %get3A_1638 = arith.constant 5 : i32
        %get3A_1639 = arith.index_cast %get3A_1637 : i32 to index
        %get3A_1640 = arith.index_cast %get3A_1638 : i32 to index
        %get3A_1641 = arith.index_cast %mul3A_1377 : i32 to index
        %get3A_1642 = tpu.vector_load %arg11[%get3A_1639, %get3A_1640, %get3A_1641] {strides = array<i32>} : memref<4x25x300xf32, #tpu.memory_space<vmem>>, vector<16xf32>,
        %get3A_1643 = arith.constant 3 : i32
        %get3A_1644 = arith.constant 5 : i32
        %get3A_1645 = arith.index_cast %get3A_1643 : i32 to index
        %get3A_1646 = arith.index_cast %get3A_1644 : i32 to index
        %get3A_1647 = arith.index_cast %mul3A_1377 : i32 to index
        %get3A_1648 = tpu.vector_load %arg11[%get3A_1645, %get3A_1646, %get3A_1647] {strides = array<i32>} : memref<4x25x300xf32, #tpu.memory_space<vmem>>, vector<16xf32>,
        %select_n3A_1649 = arith.select %ge3A_1624, %get3A_1636, %get3A_1630 : vector<16xi1>, vector<16xf32>
        %select_n3A_1650 = arith.select %ge3A_1624, %get3A_1648, %get3A_1642 : vector<16xi1>, vector<16xf32>
        %select_n3A_1651 = arith.select %ge3A_1380, %select_n3A_1650, %select_n3A_1649 : vector<16xi1>, vector<16xf32>
        %ge3A_1652 = arith.cmpf oge, %add3A_1623, %get3A_1389 : vector<16xf32>
        %le3A_1653 = arith.cmpf ole, %add3A_1623, %get3A_1391 : vector<16xf32>
        %and3A_1654 = arith.andi %ge3A_1652, %le3A_1653 : vector<16xi1>
        %and3A_1655 = arith.andi %and3A_1654, %and3A_1387 : vector<16xi1>
        %jit3A_1656 = arith.constant 0.000000e+00 : f32
        %broadcast_in_dim3A_1657 = vector.broadcast %jit3A_1656 : f32 to vector<16xf32>
        %select_n3A_1658 = arith.select %and3A_1655, %select_n3A_1651, %broadcast_in_dim3A_1657 : vector<16xi1>, vector<16xf32>
        %swap3A_1659 = arith.constant 5 : i32
        %swap3A_1660 = arith.index_cast %swap3A_1659 : i32 to index
        %swap3A_1661 = arith.index_cast %mul3A_1377 : i32 to index
        %swap3A_1662 = tpu.vector_load %arg13[%swap3A_1660, %swap3A_1661] {strides = array<i32>} : memref<25x300xf32, #tpu.memory_space<vmem>>, vector<16xf32>,
        tpu.vector_store %arg13[%swap3A_1660, %swap3A_1661], %select_n3A_1658 {strides = array<i32>} : memref<25x300xf32, #tpu.memory_space<vmem>>, vector<16xf32>,
        %broadcast_in_dim3A_1663 = arith.constant 0.000000e+00 : f32
        %broadcast_in_dim3A_1664 = vector.broadcast %broadcast_in_dim3A_1663 : f32 to vector<16xf32>
        %add3A_1665 = arith.constant 6.000000e+00 : f32
        %add3A_1666 = arith.addf %convert_element_type3A, %add3A_1665 : f32
        %add3A_1667 = vector.broadcast %add3A_1666 : f32 to vector<16xf32>
        %add3A_1668 = arith.addf %broadcast_in_dim3A_1664, %add3A_1667 : vector<16xf32>
        %ge3A_1669 = arith.cmpf oge, %add3A_1668, %get3A_1393 : vector<16xf32>
        %get3A_1670 = arith.constant 0 : i32
        %get3A_1671 = arith.constant 6 : i32
        %get3A_1672 = arith.index_cast %get3A_1670 : i32 to index
        %get3A_1673 = arith.index_cast %get3A_1671 : i32 to index
        %get3A_1674 = arith.index_cast %mul3A_1377 : i32 to index
        %get3A_1675 = tpu.vector_load %arg11[%get3A_1672, %get3A_1673, %get3A_1674] {strides = array<i32>} : memref<4x25x300xf32, #tpu.memory_space<vmem>>, vector<16xf32>,
        %get3A_1676 = arith.constant 1 : i32
        %get3A_1677 = arith.constant 6 : i32
        %get3A_1678 = arith.index_cast %get3A_1676 : i32 to index
        %get3A_1679 = arith.index_cast %get3A_1677 : i32 to index
        %get3A_1680 = arith.index_cast %mul3A_1377 : i32 to index
        %get3A_1681 = tpu.vector_load %arg11[%get3A_1678, %get3A_1679, %get3A_1680] {strides = array<i32>} : memref<4x25x300xf32, #tpu.memory_space<vmem>>, vector<16xf32>,
        %get3A_1682 = arith.constant 2 : i32
        %get3A_1683 = arith.constant 6 : i32
        %get3A_1684 = arith.index_cast %get3A_1682 : i32 to index
        %get3A_1685 = arith.index_cast %get3A_1683 : i32 to index
        %get3A_1686 = arith.index_cast %mul3A_1377 : i32 to index
        %get3A_1687 = tpu.vector_load %arg11[%get3A_1684, %get3A_1685, %get3A_1686] {strides = array<i32>} : memref<4x25x300xf32, #tpu.memory_space<vmem>>, vector<16xf32>,
        %get3A_1688 = arith.constant 3 : i32
        %get3A_1689 = arith.constant 6 : i32
        %get3A_1690 = arith.index_cast %get3A_1688 : i32 to index
        %get3A_1691 = arith.index_cast %get3A_1689 : i32 to index
        %get3A_1692 = arith.index_cast %mul3A_1377 : i32 to index
        %get3A_1693 = tpu.vector_load %arg11[%get3A_1690, %get3A_1691, %get3A_1692] {strides = array<i32>} : memref<4x25x300xf32, #tpu.memory_space<vmem>>, vector<16xf32>,
        %select_n3A_1694 = arith.select %ge3A_1669, %get3A_1681, %get3A_1675 : vector<16xi1>, vector<16xf32>
        %select_n3A_1695 = arith.select %ge3A_1669, %get3A_1693, %get3A_1687 : vector<16xi1>, vector<16xf32>
        %select_n3A_1696 = arith.select %ge3A_1380, %select_n3A_1695, %select_n3A_1694 : vector<16xi1>, vector<16xf32>
        %ge3A_1697 = arith.cmpf oge, %add3A_1668, %get3A_1389 : vector<16xf32>
        %le3A_1698 = arith.cmpf ole, %add3A_1668, %get3A_1391 : vector<16xf32>
        %and3A_1699 = arith.andi %ge3A_1697, %le3A_1698 : vector<16xi1>
        %and3A_1700 = arith.andi %and3A_1699, %and3A_1387 : vector<16xi1>
        %jit3A_1701 = arith.constant 0.000000e+00 : f32
        %broadcast_in_dim3A_1702 = vector.broadcast %jit3A_1701 : f32 to vector<16xf32>
        %select_n3A_1703 = arith.select %and3A_1700, %select_n3A_1696, %broadcast_in_dim3A_1702 : vector<16xi1>, vector<16xf32>
        %swap3A_1704 = arith.constant 6 : i32
        %swap3A_1705 = arith.index_cast %swap3A_1704 : i32 to index
        %swap3A_1706 = arith.index_cast %mul3A_1377 : i32 to index
        %swap3A_1707 = tpu.vector_load %arg13[%swap3A_1705, %swap3A_1706] {strides = array<i32>} : memref<25x300xf32, #tpu.memory_space<vmem>>, vector<16xf32>,
        tpu.vector_store %arg13[%swap3A_1705, %swap3A_1706], %select_n3A_1703 {strides = array<i32>} : memref<25x300xf32, #tpu.memory_space<vmem>>, vector<16xf32>,
        %broadcast_in_dim3A_1708 = arith.constant 0.000000e+00 : f32
        %broadcast_in_dim3A_1709 = vector.broadcast %broadcast_in_dim3A_1708 : f32 to vector<16xf32>
        %add3A_1710 = arith.constant 7.000000e+00 : f32
        %add3A_1711 = arith.addf %convert_element_type3A, %add3A_1710 : f32
        %add3A_1712 = vector.broadcast %add3A_1711 : f32 to vector<16xf32>
        %add3A_1713 = arith.addf %broadcast_in_dim3A_1709, %add3A_1712 : vector<16xf32>
        %ge3A_1714 = arith.cmpf oge, %add3A_1713, %get3A_1393 : vector<16xf32>
        %get3A_1715 = arith.constant 0 : i32
        %get3A_1716 = arith.constant 7 : i32
        %get3A_1717 = arith.index_cast %get3A_1715 : i32 to index
        %get3A_1718 = arith.index_cast %get3A_1716 : i32 to index
        %get3A_1719 = arith.index_cast %mul3A_1377 : i32 to index
        %get3A_1720 = tpu.vector_load %arg11[%get3A_1717, %get3A_1718, %get3A_1719] {strides = array<i32>} : memref<4x25x300xf32, #tpu.memory_space<vmem>>, vector<16xf32>,
        %get3A_1721 = arith.constant 1 : i32
        %get3A_1722 = arith.constant 7 : i32
        %get3A_1723 = arith.index_cast %get3A_1721 : i32 to index
        %get3A_1724 = arith.index_cast %get3A_1722 : i32 to index
        %get3A_1725 = arith.index_cast %mul3A_1377 : i32 to index
        %get3A_1726 = tpu.vector_load %arg11[%get3A_1723, %get3A_1724, %get3A_1725] {strides = array<i32>} : memref<4x25x300xf32, #tpu.memory_space<vmem>>, vector<16xf32>,
        %get3A_1727 = arith.constant 2 : i32
        %get3A_1728 = arith.constant 7 : i32
        %get3A_1729 = arith.index_cast %get3A_1727 : i32 to index
        %get3A_1730 = arith.index_cast %get3A_1728 : i32 to index
        %get3A_1731 = arith.index_cast %mul3A_1377 : i32 to index
        %get3A_1732 = tpu.vector_load %arg11[%get3A_1729, %get3A_1730, %get3A_1731] {strides = array<i32>} : memref<4x25x300xf32, #tpu.memory_space<vmem>>, vector<16xf32>,
        %get3A_1733 = arith.constant 3 : i32
        %get3A_1734 = arith.constant 7 : i32
        %get3A_1735 = arith.index_cast %get3A_1733 : i32 to index
        %get3A_1736 = arith.index_cast %get3A_1734 : i32 to index
        %get3A_1737 = arith.index_cast %mul3A_1377 : i32 to index
        %get3A_1738 = tpu.vector_load %arg11[%get3A_1735, %get3A_1736, %get3A_1737] {strides = array<i32>} : memref<4x25x300xf32, #tpu.memory_space<vmem>>, vector<16xf32>,
        %select_n3A_1739 = arith.select %ge3A_1714, %get3A_1726, %get3A_1720 : vector<16xi1>, vector<16xf32>
        %select_n3A_1740 = arith.select %ge3A_1714, %get3A_1738, %get3A_1732 : vector<16xi1>, vector<16xf32>
        %select_n3A_1741 = arith.select %ge3A_1380, %select_n3A_1740, %select_n3A_1739 : vector<16xi1>, vector<16xf32>
        %ge3A_1742 = arith.cmpf oge, %add3A_1713, %get3A_1389 : vector<16xf32>
        %le3A_1743 = arith.cmpf ole, %add3A_1713, %get3A_1391 : vector<16xf32>
        %and3A_1744 = arith.andi %ge3A_1742, %le3A_1743 : vector<16xi1>
        %and3A_1745 = arith.andi %and3A_1744, %and3A_1387 : vector<16xi1>
        %jit3A_1746 = arith.constant 0.000000e+00 : f32
        %broadcast_in_dim3A_1747 = vector.broadcast %jit3A_1746 : f32 to vector<16xf32>
        %select_n3A_1748 = arith.select %and3A_1745, %select_n3A_1741, %broadcast_in_dim3A_1747 : vector<16xi1>, vector<16xf32>
        %swap3A_1749 = arith.constant 7 : i32
        %swap3A_1750 = arith.index_cast %swap3A_1749 : i32 to index
        %swap3A_1751 = arith.index_cast %mul3A_1377 : i32 to index
        %swap3A_1752 = tpu.vector_load %arg13[%swap3A_1750, %swap3A_1751] {strides = array<i32>} : memref<25x300xf32, #tpu.memory_space<vmem>>, vector<16xf32>,
        tpu.vector_store %arg13[%swap3A_1750, %swap3A_1751], %select_n3A_1748 {strides = array<i32>} : memref<25x300xf32, #tpu.memory_space<vmem>>, vector<16xf32>,
        %broadcast_in_dim3A_1753 = arith.constant 0.000000e+00 : f32
        %broadcast_in_dim3A_1754 = vector.broadcast %broadcast_in_dim3A_1753 : f32 to vector<16xf32>
        %add3A_1755 = arith.constant 8.000000e+00 : f32
        %add3A_1756 = arith.addf %convert_element_type3A, %add3A_1755 : f32
        %add3A_1757 = vector.broadcast %add3A_1756 : f32 to vector<16xf32>
        %add3A_1758 = arith.addf %broadcast_in_dim3A_1754, %add3A_1757 : vector<16xf32>
        %ge3A_1759 = arith.cmpf oge, %add3A_1758, %get3A_1393 : vector<16xf32>
        %get3A_1760 = arith.constant 0 : i32
        %get3A_1761 = arith.constant 8 : i32
        %get3A_1762 = arith.index_cast %get3A_1760 : i32 to index
        %get3A_1763 = arith.index_cast %get3A_1761 : i32 to index
        %get3A_1764 = arith.index_cast %mul3A_1377 : i32 to index
        %get3A_1765 = tpu.vector_load %arg11[%get3A_1762, %get3A_1763, %get3A_1764] {strides = array<i32>} : memref<4x25x300xf32, #tpu.memory_space<vmem>>, vector<16xf32>,
        %get3A_1766 = arith.constant 1 : i32
        %get3A_1767 = arith.constant 8 : i32
        %get3A_1768 = arith.index_cast %get3A_1766 : i32 to index
        %get3A_1769 = arith.index_cast %get3A_1767 : i32 to index
        %get3A_1770 = arith.index_cast %mul3A_1377 : i32 to index
        %get3A_1771 = tpu.vector_load %arg11[%get3A_1768, %get3A_1769, %get3A_1770] {strides = array<i32>} : memref<4x25x300xf32, #tpu.memory_space<vmem>>, vector<16xf32>,
        %get3A_1772 = arith.constant 2 : i32
        %get3A_1773 = arith.constant 8 : i32
        %get3A_1774 = arith.index_cast %get3A_1772 : i32 to index
        %get3A_1775 = arith.index_cast %get3A_1773 : i32 to index
        %get3A_1776 = arith.index_cast %mul3A_1377 : i32 to index
        %get3A_1777 = tpu.vector_load %arg11[%get3A_1774, %get3A_1775, %get3A_1776] {strides = array<i32>} : memref<4x25x300xf32, #tpu.memory_space<vmem>>, vector<16xf32>,
        %get3A_1778 = arith.constant 3 : i32
        %get3A_1779 = arith.constant 8 : i32
        %get3A_1780 = arith.index_cast %get3A_1778 : i32 to index
        %get3A_1781 = arith.index_cast %get3A_1779 : i32 to index
        %get3A_1782 = arith.index_cast %mul3A_1377 : i32 to index
        %get3A_1783 = tpu.vector_load %arg11[%get3A_1780, %get3A_1781, %get3A_1782] {strides = array<i32>} : memref<4x25x300xf32, #tpu.memory_space<vmem>>, vector<16xf32>,
        %select_n3A_1784 = arith.select %ge3A_1759, %get3A_1771, %get3A_1765 : vector<16xi1>, vector<16xf32>
        %select_n3A_1785 = arith.select %ge3A_1759, %get3A_1783, %get3A_1777 : vector<16xi1>, vector<16xf32>
        %select_n3A_1786 = arith.select %ge3A_1380, %select_n3A_1785, %select_n3A_1784 : vector<16xi1>, vector<16xf32>
        %ge3A_1787 = arith.cmpf oge, %add3A_1758, %get3A_1389 : vector<16xf32>
        %le3A_1788 = arith.cmpf ole, %add3A_1758, %get3A_1391 : vector<16xf32>
        %and3A_1789 = arith.andi %ge3A_1787, %le3A_1788 : vector<16xi1>
        %and3A_1790 = arith.andi %and3A_1789, %and3A_1387 : vector<16xi1>
        %jit3A_1791 = arith.constant 0.000000e+00 : f32
        %broadcast_in_dim3A_1792 = vector.broadcast %jit3A_1791 : f32 to vector<16xf32>
        %select_n3A_1793 = arith.select %and3A_1790, %select_n3A_1786, %broadcast_in_dim3A_1792 : vector<16xi1>, vector<16xf32>
        %swap3A_1794 = arith.constant 8 : i32
        %swap3A_1795 = arith.index_cast %swap3A_1794 : i32 to index
        %swap3A_1796 = arith.index_cast %mul3A_1377 : i32 to index
        %swap3A_1797 = tpu.vector_load %arg13[%swap3A_1795, %swap3A_1796] {strides = array<i32>} : memref<25x300xf32, #tpu.memory_space<vmem>>, vector<16xf32>,
        tpu.vector_store %arg13[%swap3A_1795, %swap3A_1796], %select_n3A_1793 {strides = array<i32>} : memref<25x300xf32, #tpu.memory_space<vmem>>, vector<16xf32>,
        %broadcast_in_dim3A_1798 = arith.constant 0.000000e+00 : f32
        %broadcast_in_dim3A_1799 = vector.broadcast %broadcast_in_dim3A_1798 : f32 to vector<16xf32>
        %add3A_1800 = arith.constant 9.000000e+00 : f32
        %add3A_1801 = arith.addf %convert_element_type3A, %add3A_1800 : f32
        %add3A_1802 = vector.broadcast %add3A_1801 : f32 to vector<16xf32>
        %add3A_1803 = arith.addf %broadcast_in_dim3A_1799, %add3A_1802 : vector<16xf32>
        %ge3A_1804 = arith.cmpf oge, %add3A_1803, %get3A_1393 : vector<16xf32>
        %get3A_1805 = arith.constant 0 : i32
        %get3A_1806 = arith.constant 9 : i32
        %get3A_1807 = arith.index_cast %get3A_1805 : i32 to index
        %get3A_1808 = arith.index_cast %get3A_1806 : i32 to index
        %get3A_1809 = arith.index_cast %mul3A_1377 : i32 to index
        %get3A_1810 = tpu.vector_load %arg11[%get3A_1807, %get3A_1808, %get3A_1809] {strides = array<i32>} : memref<4x25x300xf32, #tpu.memory_space<vmem>>, vector<16xf32>,
        %get3A_1811 = arith.constant 1 : i32
        %get3A_1812 = arith.constant 9 : i32
        %get3A_1813 = arith.index_cast %get3A_1811 : i32 to index
        %get3A_1814 = arith.index_cast %get3A_1812 : i32 to index
        %get3A_1815 = arith.index_cast %mul3A_1377 : i32 to index
        %get3A_1816 = tpu.vector_load %arg11[%get3A_1813, %get3A_1814, %get3A_1815] {strides = array<i32>} : memref<4x25x300xf32, #tpu.memory_space<vmem>>, vector<16xf32>,
        %get3A_1817 = arith.constant 2 : i32
        %get3A_1818 = arith.constant 9 : i32
        %get3A_1819 = arith.index_cast %get3A_1817 : i32 to index
        %get3A_1820 = arith.index_cast %get3A_1818 : i32 to index
        %get3A_1821 = arith.index_cast %mul3A_1377 : i32 to index
        %get3A_1822 = tpu.vector_load %arg11[%get3A_1819, %get3A_1820, %get3A_1821] {strides = array<i32>} : memref<4x25x300xf32, #tpu.memory_space<vmem>>, vector<16xf32>,
        %get3A_1823 = arith.constant 3 : i32
        %get3A_1824 = arith.constant 9 : i32
        %get3A_1825 = arith.index_cast %get3A_1823 : i32 to index
        %get3A_1826 = arith.index_cast %get3A_1824 : i32 to index
        %get3A_1827 = arith.index_cast %mul3A_1377 : i32 to index
        %get3A_1828 = tpu.vector_load %arg11[%get3A_1825, %get3A_1826, %get3A_1827] {strides = array<i32>} : memref<4x25x300xf32, #tpu.memory_space<vmem>>, vector<16xf32>,
        %select_n3A_1829 = arith.select %ge3A_1804, %get3A_1816, %get3A_1810 : vector<16xi1>, vector<16xf32>
        %select_n3A_1830 = arith.select %ge3A_1804, %get3A_1828, %get3A_1822 : vector<16xi1>, vector<16xf32>
        %select_n3A_1831 = arith.select %ge3A_1380, %select_n3A_1830, %select_n3A_1829 : vector<16xi1>, vector<16xf32>
        %ge3A_1832 = arith.cmpf oge, %add3A_1803, %get3A_1389 : vector<16xf32>
        %le3A_1833 = arith.cmpf ole, %add3A_1803, %get3A_1391 : vector<16xf32>
        %and3A_1834 = arith.andi %ge3A_1832, %le3A_1833 : vector<16xi1>
        %and3A_1835 = arith.andi %and3A_1834, %and3A_1387 : vector<16xi1>
        %jit3A_1836 = arith.constant 0.000000e+00 : f32
        %broadcast_in_dim3A_1837 = vector.broadcast %jit3A_1836 : f32 to vector<16xf32>
        %select_n3A_1838 = arith.select %and3A_1835, %select_n3A_1831, %broadcast_in_dim3A_1837 : vector<16xi1>, vector<16xf32>
        %swap3A_1839 = arith.constant 9 : i32
        %swap3A_1840 = arith.index_cast %swap3A_1839 : i32 to index
        %swap3A_1841 = arith.index_cast %mul3A_1377 : i32 to index
        %swap3A_1842 = tpu.vector_load %arg13[%swap3A_1840, %swap3A_1841] {strides = array<i32>} : memref<25x300xf32, #tpu.memory_space<vmem>>, vector<16xf32>,
        tpu.vector_store %arg13[%swap3A_1840, %swap3A_1841], %select_n3A_1838 {strides = array<i32>} : memref<25x300xf32, #tpu.memory_space<vmem>>, vector<16xf32>,
        %broadcast_in_dim3A_1843 = arith.constant 0.000000e+00 : f32
        %broadcast_in_dim3A_1844 = vector.broadcast %broadcast_in_dim3A_1843 : f32 to vector<16xf32>
        %add3A_1845 = arith.constant 1.000000e+01 : f32
        %add3A_1846 = arith.addf %convert_element_type3A, %add3A_1845 : f32
        %add3A_1847 = vector.broadcast %add3A_1846 : f32 to vector<16xf32>
        %add3A_1848 = arith.addf %broadcast_in_dim3A_1844, %add3A_1847 : vector<16xf32>
        %ge3A_1849 = arith.cmpf oge, %add3A_1848, %get3A_1393 : vector<16xf32>
        %get3A_1850 = arith.constant 0 : i32
        %get3A_1851 = arith.constant 10 : i32
        %get3A_1852 = arith.index_cast %get3A_1850 : i32 to index
        %get3A_1853 = arith.index_cast %get3A_1851 : i32 to index
        %get3A_1854 = arith.index_cast %mul3A_1377 : i32 to index
        %get3A_1855 = tpu.vector_load %arg11[%get3A_1852, %get3A_1853, %get3A_1854] {strides = array<i32>} : memref<4x25x300xf32, #tpu.memory_space<vmem>>, vector<16xf32>,
        %get3A_1856 = arith.constant 1 : i32
        %get3A_1857 = arith.constant 10 : i32
        %get3A_1858 = arith.index_cast %get3A_1856 : i32 to index
        %get3A_1859 = arith.index_cast %get3A_1857 : i32 to index
        %get3A_1860 = arith.index_cast %mul3A_1377 : i32 to index
        %get3A_1861 = tpu.vector_load %arg11[%get3A_1858, %get3A_1859, %get3A_1860] {strides = array<i32>} : memref<4x25x300xf32, #tpu.memory_space<vmem>>, vector<16xf32>,
        %get3A_1862 = arith.constant 2 : i32
        %get3A_1863 = arith.constant 10 : i32
        %get3A_1864 = arith.index_cast %get3A_1862 : i32 to index
        %get3A_1865 = arith.index_cast %get3A_1863 : i32 to index
        %get3A_1866 = arith.index_cast %mul3A_1377 : i32 to index
        %get3A_1867 = tpu.vector_load %arg11[%get3A_1864, %get3A_1865, %get3A_1866] {strides = array<i32>} : memref<4x25x300xf32, #tpu.memory_space<vmem>>, vector<16xf32>,
        %get3A_1868 = arith.constant 3 : i32
        %get3A_1869 = arith.constant 10 : i32
        %get3A_1870 = arith.index_cast %get3A_1868 : i32 to index
        %get3A_1871 = arith.index_cast %get3A_1869 : i32 to index
        %get3A_1872 = arith.index_cast %mul3A_1377 : i32 to index
        %get3A_1873 = tpu.vector_load %arg11[%get3A_1870, %get3A_1871, %get3A_1872] {strides = array<i32>} : memref<4x25x300xf32, #tpu.memory_space<vmem>>, vector<16xf32>,
        %select_n3A_1874 = arith.select %ge3A_1849, %get3A_1861, %get3A_1855 : vector<16xi1>, vector<16xf32>
        %select_n3A_1875 = arith.select %ge3A_1849, %get3A_1873, %get3A_1867 : vector<16xi1>, vector<16xf32>
        %select_n3A_1876 = arith.select %ge3A_1380, %select_n3A_1875, %select_n3A_1874 : vector<16xi1>, vector<16xf32>
        %ge3A_1877 = arith.cmpf oge, %add3A_1848, %get3A_1389 : vector<16xf32>
        %le3A_1878 = arith.cmpf ole, %add3A_1848, %get3A_1391 : vector<16xf32>
        %and3A_1879 = arith.andi %ge3A_1877, %le3A_1878 : vector<16xi1>
        %and3A_1880 = arith.andi %and3A_1879, %and3A_1387 : vector<16xi1>
        %jit3A_1881 = arith.constant 0.000000e+00 : f32
        %broadcast_in_dim3A_1882 = vector.broadcast %jit3A_1881 : f32 to vector<16xf32>
        %select_n3A_1883 = arith.select %and3A_1880, %select_n3A_1876, %broadcast_in_dim3A_1882 : vector<16xi1>, vector<16xf32>
        %swap3A_1884 = arith.constant 10 : i32
        %swap3A_1885 = arith.index_cast %swap3A_1884 : i32 to index
        %swap3A_1886 = arith.index_cast %mul3A_1377 : i32 to index
        %swap3A_1887 = tpu.vector_load %arg13[%swap3A_1885, %swap3A_1886] {strides = array<i32>} : memref<25x300xf32, #tpu.memory_space<vmem>>, vector<16xf32>,
        tpu.vector_store %arg13[%swap3A_1885, %swap3A_1886], %select_n3A_1883 {strides = array<i32>} : memref<25x300xf32, #tpu.memory_space<vmem>>, vector<16xf32>,
        %broadcast_in_dim3A_1888 = arith.constant 0.000000e+00 : f32
        %broadcast_in_dim3A_1889 = vector.broadcast %broadcast_in_dim3A_1888 : f32 to vector<16xf32>
        %add3A_1890 = arith.constant 1.100000e+01 : f32
        %add3A_1891 = arith.addf %convert_element_type3A, %add3A_1890 : f32
        %add3A_1892 = vector.broadcast %add3A_1891 : f32 to vector<16xf32>
        %add3A_1893 = arith.addf %broadcast_in_dim3A_1889, %add3A_1892 : vector<16xf32>
        %ge3A_1894 = arith.cmpf oge, %add3A_1893, %get3A_1393 : vector<16xf32>
        %get3A_1895 = arith.constant 0 : i32
        %get3A_1896 = arith.constant 11 : i32
        %get3A_1897 = arith.index_cast %get3A_1895 : i32 to index
        %get3A_1898 = arith.index_cast %get3A_1896 : i32 to index
        %get3A_1899 = arith.index_cast %mul3A_1377 : i32 to index
        %get3A_1900 = tpu.vector_load %arg11[%get3A_1897, %get3A_1898, %get3A_1899] {strides = array<i32>} : memref<4x25x300xf32, #tpu.memory_space<vmem>>, vector<16xf32>,
        %get3A_1901 = arith.constant 1 : i32
        %get3A_1902 = arith.constant 11 : i32
        %get3A_1903 = arith.index_cast %get3A_1901 : i32 to index
        %get3A_1904 = arith.index_cast %get3A_1902 : i32 to index
        %get3A_1905 = arith.index_cast %mul3A_1377 : i32 to index
        %get3A_1906 = tpu.vector_load %arg11[%get3A_1903, %get3A_1904, %get3A_1905] {strides = array<i32>} : memref<4x25x300xf32, #tpu.memory_space<vmem>>, vector<16xf32>,
        %get3A_1907 = arith.constant 2 : i32
        %get3A_1908 = arith.constant 11 : i32
        %get3A_1909 = arith.index_cast %get3A_1907 : i32 to index
        %get3A_1910 = arith.index_cast %get3A_1908 : i32 to index
        %get3A_1911 = arith.index_cast %mul3A_1377 : i32 to index
        %get3A_1912 = tpu.vector_load %arg11[%get3A_1909, %get3A_1910, %get3A_1911] {strides = array<i32>} : memref<4x25x300xf32, #tpu.memory_space<vmem>>, vector<16xf32>,
        %get3A_1913 = arith.constant 3 : i32
        %get3A_1914 = arith.constant 11 : i32
        %get3A_1915 = arith.index_cast %get3A_1913 : i32 to index
        %get3A_1916 = arith.index_cast %get3A_1914 : i32 to index
        %get3A_1917 = arith.index_cast %mul3A_1377 : i32 to index
        %get3A_1918 = tpu.vector_load %arg11[%get3A_1915, %get3A_1916, %get3A_1917] {strides = array<i32>} : memref<4x25x300xf32, #tpu.memory_space<vmem>>, vector<16xf32>,
        %select_n3A_1919 = arith.select %ge3A_1894, %get3A_1906, %get3A_1900 : vector<16xi1>, vector<16xf32>
        %select_n3A_1920 = arith.select %ge3A_1894, %get3A_1918, %get3A_1912 : vector<16xi1>, vector<16xf32>
        %select_n3A_1921 = arith.select %ge3A_1380, %select_n3A_1920, %select_n3A_1919 : vector<16xi1>, vector<16xf32>
        %ge3A_1922 = arith.cmpf oge, %add3A_1893, %get3A_1389 : vector<16xf32>
        %le3A_1923 = arith.cmpf ole, %add3A_1893, %get3A_1391 : vector<16xf32>
        %and3A_1924 = arith.andi %ge3A_1922, %le3A_1923 : vector<16xi1>
        %and3A_1925 = arith.andi %and3A_1924, %and3A_1387 : vector<16xi1>
        %jit3A_1926 = arith.constant 0.000000e+00 : f32
        %broadcast_in_dim3A_1927 = vector.broadcast %jit3A_1926 : f32 to vector<16xf32>
        %select_n3A_1928 = arith.select %and3A_1925, %select_n3A_1921, %broadcast_in_dim3A_1927 : vector<16xi1>, vector<16xf32>
        %swap3A_1929 = arith.constant 11 : i32
        %swap3A_1930 = arith.index_cast %swap3A_1929 : i32 to index
        %swap3A_1931 = arith.index_cast %mul3A_1377 : i32 to index
        %swap3A_1932 = tpu.vector_load %arg13[%swap3A_1930, %swap3A_1931] {strides = array<i32>} : memref<25x300xf32, #tpu.memory_space<vmem>>, vector<16xf32>,
        tpu.vector_store %arg13[%swap3A_1930, %swap3A_1931], %select_n3A_1928 {strides = array<i32>} : memref<25x300xf32, #tpu.memory_space<vmem>>, vector<16xf32>,
        %broadcast_in_dim3A_1933 = arith.constant 0.000000e+00 : f32
        %broadcast_in_dim3A_1934 = vector.broadcast %broadcast_in_dim3A_1933 : f32 to vector<16xf32>
        %add3A_1935 = arith.constant 1.200000e+01 : f32
        %add3A_1936 = arith.addf %convert_element_type3A, %add3A_1935 : f32
        %add3A_1937 = vector.broadcast %add3A_1936 : f32 to vector<16xf32>
        %add3A_1938 = arith.addf %broadcast_in_dim3A_1934, %add3A_1937 : vector<16xf32>
        %ge3A_1939 = arith.cmpf oge, %add3A_1938, %get3A_1393 : vector<16xf32>
        %get3A_1940 = arith.constant 0 : i32
        %get3A_1941 = arith.constant 12 : i32
        %get3A_1942 = arith.index_cast %get3A_1940 : i32 to index
        %get3A_1943 = arith.index_cast %get3A_1941 : i32 to index
        %get3A_1944 = arith.index_cast %mul3A_1377 : i32 to index
        %get3A_1945 = tpu.vector_load %arg11[%get3A_1942, %get3A_1943, %get3A_1944] {strides = array<i32>} : memref<4x25x300xf32, #tpu.memory_space<vmem>>, vector<16xf32>,
        %get3A_1946 = arith.constant 1 : i32
        %get3A_1947 = arith.constant 12 : i32
        %get3A_1948 = arith.index_cast %get3A_1946 : i32 to index
        %get3A_1949 = arith.index_cast %get3A_1947 : i32 to index
        %get3A_1950 = arith.index_cast %mul3A_1377 : i32 to index
        %get3A_1951 = tpu.vector_load %arg11[%get3A_1948, %get3A_1949, %get3A_1950] {strides = array<i32>} : memref<4x25x300xf32, #tpu.memory_space<vmem>>, vector<16xf32>,
        %get3A_1952 = arith.constant 2 : i32
        %get3A_1953 = arith.constant 12 : i32
        %get3A_1954 = arith.index_cast %get3A_1952 : i32 to index
        %get3A_1955 = arith.index_cast %get3A_1953 : i32 to index
        %get3A_1956 = arith.index_cast %mul3A_1377 : i32 to index
        %get3A_1957 = tpu.vector_load %arg11[%get3A_1954, %get3A_1955, %get3A_1956] {strides = array<i32>} : memref<4x25x300xf32, #tpu.memory_space<vmem>>, vector<16xf32>,
        %get3A_1958 = arith.constant 3 : i32
        %get3A_1959 = arith.constant 12 : i32
        %get3A_1960 = arith.index_cast %get3A_1958 : i32 to index
        %get3A_1961 = arith.index_cast %get3A_1959 : i32 to index
        %get3A_1962 = arith.index_cast %mul3A_1377 : i32 to index
        %get3A_1963 = tpu.vector_load %arg11[%get3A_1960, %get3A_1961, %get3A_1962] {strides = array<i32>} : memref<4x25x300xf32, #tpu.memory_space<vmem>>, vector<16xf32>,
        %select_n3A_1964 = arith.select %ge3A_1939, %get3A_1951, %get3A_1945 : vector<16xi1>, vector<16xf32>
        %select_n3A_1965 = arith.select %ge3A_1939, %get3A_1963, %get3A_1957 : vector<16xi1>, vector<16xf32>
        %select_n3A_1966 = arith.select %ge3A_1380, %select_n3A_1965, %select_n3A_1964 : vector<16xi1>, vector<16xf32>
        %ge3A_1967 = arith.cmpf oge, %add3A_1938, %get3A_1389 : vector<16xf32>
        %le3A_1968 = arith.cmpf ole, %add3A_1938, %get3A_1391 : vector<16xf32>
        %and3A_1969 = arith.andi %ge3A_1967, %le3A_1968 : vector<16xi1>
        %and3A_1970 = arith.andi %and3A_1969, %and3A_1387 : vector<16xi1>
        %jit3A_1971 = arith.constant 0.000000e+00 : f32
        %broadcast_in_dim3A_1972 = vector.broadcast %jit3A_1971 : f32 to vector<16xf32>
        %select_n3A_1973 = arith.select %and3A_1970, %select_n3A_1966, %broadcast_in_dim3A_1972 : vector<16xi1>, vector<16xf32>
        %swap3A_1974 = arith.constant 12 : i32
        %swap3A_1975 = arith.index_cast %swap3A_1974 : i32 to index
        %swap3A_1976 = arith.index_cast %mul3A_1377 : i32 to index
        %swap3A_1977 = tpu.vector_load %arg13[%swap3A_1975, %swap3A_1976] {strides = array<i32>} : memref<25x300xf32, #tpu.memory_space<vmem>>, vector<16xf32>,
        tpu.vector_store %arg13[%swap3A_1975, %swap3A_1976], %select_n3A_1973 {strides = array<i32>} : memref<25x300xf32, #tpu.memory_space<vmem>>, vector<16xf32>,
        %broadcast_in_dim3A_1978 = arith.constant 0.000000e+00 : f32
        %broadcast_in_dim3A_1979 = vector.broadcast %broadcast_in_dim3A_1978 : f32 to vector<16xf32>
        %add3A_1980 = arith.constant 1.300000e+01 : f32
        %add3A_1981 = arith.addf %convert_element_type3A, %add3A_1980 : f32
        %add3A_1982 = vector.broadcast %add3A_1981 : f32 to vector<16xf32>
        %add3A_1983 = arith.addf %broadcast_in_dim3A_1979, %add3A_1982 : vector<16xf32>
        %ge3A_1984 = arith.cmpf oge, %add3A_1983, %get3A_1393 : vector<16xf32>
        %get3A_1985 = arith.constant 0 : i32
        %get3A_1986 = arith.constant 13 : i32
        %get3A_1987 = arith.index_cast %get3A_1985 : i32 to index
        %get3A_1988 = arith.index_cast %get3A_1986 : i32 to index
        %get3A_1989 = arith.index_cast %mul3A_1377 : i32 to index
        %get3A_1990 = tpu.vector_load %arg11[%get3A_1987, %get3A_1988, %get3A_1989] {strides = array<i32>} : memref<4x25x300xf32, #tpu.memory_space<vmem>>, vector<16xf32>,
        %get3A_1991 = arith.constant 1 : i32
        %get3A_1992 = arith.constant 13 : i32
        %get3A_1993 = arith.index_cast %get3A_1991 : i32 to index
        %get3A_1994 = arith.index_cast %get3A_1992 : i32 to index
        %get3A_1995 = arith.index_cast %mul3A_1377 : i32 to index
        %get3A_1996 = tpu.vector_load %arg11[%get3A_1993, %get3A_1994, %get3A_1995] {strides = array<i32>} : memref<4x25x300xf32, #tpu.memory_space<vmem>>, vector<16xf32>,
        %get3A_1997 = arith.constant 2 : i32
        %get3A_1998 = arith.constant 13 : i32
        %get3A_1999 = arith.index_cast %get3A_1997 : i32 to index
        %get3A_2000 = arith.index_cast %get3A_1998 : i32 to index
        %get3A_2001 = arith.index_cast %mul3A_1377 : i32 to index
        %get3A_2002 = tpu.vector_load %arg11[%get3A_1999, %get3A_2000, %get3A_2001] {strides = array<i32>} : memref<4x25x300xf32, #tpu.memory_space<vmem>>, vector<16xf32>,
        %get3A_2003 = arith.constant 3 : i32
        %get3A_2004 = arith.constant 13 : i32
        %get3A_2005 = arith.index_cast %get3A_2003 : i32 to index
        %get3A_2006 = arith.index_cast %get3A_2004 : i32 to index
        %get3A_2007 = arith.index_cast %mul3A_1377 : i32 to index
        %get3A_2008 = tpu.vector_load %arg11[%get3A_2005, %get3A_2006, %get3A_2007] {strides = array<i32>} : memref<4x25x300xf32, #tpu.memory_space<vmem>>, vector<16xf32>,
        %select_n3A_2009 = arith.select %ge3A_1984, %get3A_1996, %get3A_1990 : vector<16xi1>, vector<16xf32>
        %select_n3A_2010 = arith.select %ge3A_1984, %get3A_2008, %get3A_2002 : vector<16xi1>, vector<16xf32>
        %select_n3A_2011 = arith.select %ge3A_1380, %select_n3A_2010, %select_n3A_2009 : vector<16xi1>, vector<16xf32>
        %ge3A_2012 = arith.cmpf oge, %add3A_1983, %get3A_1389 : vector<16xf32>
        %le3A_2013 = arith.cmpf ole, %add3A_1983, %get3A_1391 : vector<16xf32>
        %and3A_2014 = arith.andi %ge3A_2012, %le3A_2013 : vector<16xi1>
        %and3A_2015 = arith.andi %and3A_2014, %and3A_1387 : vector<16xi1>
        %jit3A_2016 = arith.constant 0.000000e+00 : f32
        %broadcast_in_dim3A_2017 = vector.broadcast %jit3A_2016 : f32 to vector<16xf32>
        %select_n3A_2018 = arith.select %and3A_2015, %select_n3A_2011, %broadcast_in_dim3A_2017 : vector<16xi1>, vector<16xf32>
        %swap3A_2019 = arith.constant 13 : i32
        %swap3A_2020 = arith.index_cast %swap3A_2019 : i32 to index
        %swap3A_2021 = arith.index_cast %mul3A_1377 : i32 to index
        %swap3A_2022 = tpu.vector_load %arg13[%swap3A_2020, %swap3A_2021] {strides = array<i32>} : memref<25x300xf32, #tpu.memory_space<vmem>>, vector<16xf32>,
        tpu.vector_store %arg13[%swap3A_2020, %swap3A_2021], %select_n3A_2018 {strides = array<i32>} : memref<25x300xf32, #tpu.memory_space<vmem>>, vector<16xf32>,
        %broadcast_in_dim3A_2023 = arith.constant 0.000000e+00 : f32
        %broadcast_in_dim3A_2024 = vector.broadcast %broadcast_in_dim3A_2023 : f32 to vector<16xf32>
        %add3A_2025 = arith.constant 1.400000e+01 : f32
        %add3A_2026 = arith.addf %convert_element_type3A, %add3A_2025 : f32
        %add3A_2027 = vector.broadcast %add3A_2026 : f32 to vector<16xf32>
        %add3A_2028 = arith.addf %broadcast_in_dim3A_2024, %add3A_2027 : vector<16xf32>
        %ge3A_2029 = arith.cmpf oge, %add3A_2028, %get3A_1393 : vector<16xf32>
        %get3A_2030 = arith.constant 0 : i32
        %get3A_2031 = arith.constant 14 : i32
        %get3A_2032 = arith.index_cast %get3A_2030 : i32 to index
        %get3A_2033 = arith.index_cast %get3A_2031 : i32 to index
        %get3A_2034 = arith.index_cast %mul3A_1377 : i32 to index
        %get3A_2035 = tpu.vector_load %arg11[%get3A_2032, %get3A_2033, %get3A_2034] {strides = array<i32>} : memref<4x25x300xf32, #tpu.memory_space<vmem>>, vector<16xf32>,
        %get3A_2036 = arith.constant 1 : i32
        %get3A_2037 = arith.constant 14 : i32
        %get3A_2038 = arith.index_cast %get3A_2036 : i32 to index
        %get3A_2039 = arith.index_cast %get3A_2037 : i32 to index
        %get3A_2040 = arith.index_cast %mul3A_1377 : i32 to index
        %get3A_2041 = tpu.vector_load %arg11[%get3A_2038, %get3A_2039, %get3A_2040] {strides = array<i32>} : memref<4x25x300xf32, #tpu.memory_space<vmem>>, vector<16xf32>,
        %get3A_2042 = arith.constant 2 : i32
        %get3A_2043 = arith.constant 14 : i32
        %get3A_2044 = arith.index_cast %get3A_2042 : i32 to index
        %get3A_2045 = arith.index_cast %get3A_2043 : i32 to index
        %get3A_2046 = arith.index_cast %mul3A_1377 : i32 to index
        %get3A_2047 = tpu.vector_load %arg11[%get3A_2044, %get3A_2045, %get3A_2046] {strides = array<i32>} : memref<4x25x300xf32, #tpu.memory_space<vmem>>, vector<16xf32>,
        %get3A_2048 = arith.constant 3 : i32
        %get3A_2049 = arith.constant 14 : i32
        %get3A_2050 = arith.index_cast %get3A_2048 : i32 to index
        %get3A_2051 = arith.index_cast %get3A_2049 : i32 to index
        %get3A_2052 = arith.index_cast %mul3A_1377 : i32 to index
        %get3A_2053 = tpu.vector_load %arg11[%get3A_2050, %get3A_2051, %get3A_2052] {strides = array<i32>} : memref<4x25x300xf32, #tpu.memory_space<vmem>>, vector<16xf32>,
        %select_n3A_2054 = arith.select %ge3A_2029, %get3A_2041, %get3A_2035 : vector<16xi1>, vector<16xf32>
        %select_n3A_2055 = arith.select %ge3A_2029, %get3A_2053, %get3A_2047 : vector<16xi1>, vector<16xf32>
        %select_n3A_2056 = arith.select %ge3A_1380, %select_n3A_2055, %select_n3A_2054 : vector<16xi1>, vector<16xf32>
        %ge3A_2057 = arith.cmpf oge, %add3A_2028, %get3A_1389 : vector<16xf32>
        %le3A_2058 = arith.cmpf ole, %add3A_2028, %get3A_1391 : vector<16xf32>
        %and3A_2059 = arith.andi %ge3A_2057, %le3A_2058 : vector<16xi1>
        %and3A_2060 = arith.andi %and3A_2059, %and3A_1387 : vector<16xi1>
        %jit3A_2061 = arith.constant 0.000000e+00 : f32
        %broadcast_in_dim3A_2062 = vector.broadcast %jit3A_2061 : f32 to vector<16xf32>
        %select_n3A_2063 = arith.select %and3A_2060, %select_n3A_2056, %broadcast_in_dim3A_2062 : vector<16xi1>, vector<16xf32>
        %swap3A_2064 = arith.constant 14 : i32
        %swap3A_2065 = arith.index_cast %swap3A_2064 : i32 to index
        %swap3A_2066 = arith.index_cast %mul3A_1377 : i32 to index
        %swap3A_2067 = tpu.vector_load %arg13[%swap3A_2065, %swap3A_2066] {strides = array<i32>} : memref<25x300xf32, #tpu.memory_space<vmem>>, vector<16xf32>,
        tpu.vector_store %arg13[%swap3A_2065, %swap3A_2066], %select_n3A_2063 {strides = array<i32>} : memref<25x300xf32, #tpu.memory_space<vmem>>, vector<16xf32>,
        %broadcast_in_dim3A_2068 = arith.constant 0.000000e+00 : f32
        %broadcast_in_dim3A_2069 = vector.broadcast %broadcast_in_dim3A_2068 : f32 to vector<16xf32>
        %add3A_2070 = arith.constant 1.500000e+01 : f32
        %add3A_2071 = arith.addf %convert_element_type3A, %add3A_2070 : f32
        %add3A_2072 = vector.broadcast %add3A_2071 : f32 to vector<16xf32>
        %add3A_2073 = arith.addf %broadcast_in_dim3A_2069, %add3A_2072 : vector<16xf32>
        %ge3A_2074 = arith.cmpf oge, %add3A_2073, %get3A_1393 : vector<16xf32>
        %get3A_2075 = arith.constant 0 : i32
        %get3A_2076 = arith.constant 15 : i32
        %get3A_2077 = arith.index_cast %get3A_2075 : i32 to index
        %get3A_2078 = arith.index_cast %get3A_2076 : i32 to index
        %get3A_2079 = arith.index_cast %mul3A_1377 : i32 to index
        %get3A_2080 = tpu.vector_load %arg11[%get3A_2077, %get3A_2078, %get3A_2079] {strides = array<i32>} : memref<4x25x300xf32, #tpu.memory_space<vmem>>, vector<16xf32>,
        %get3A_2081 = arith.constant 1 : i32
        %get3A_2082 = arith.constant 15 : i32
        %get3A_2083 = arith.index_cast %get3A_2081 : i32 to index
        %get3A_2084 = arith.index_cast %get3A_2082 : i32 to index
        %get3A_2085 = arith.index_cast %mul3A_1377 : i32 to index
        %get3A_2086 = tpu.vector_load %arg11[%get3A_2083, %get3A_2084, %get3A_2085] {strides = array<i32>} : memref<4x25x300xf32, #tpu.memory_space<vmem>>, vector<16xf32>,
        %get3A_2087 = arith.constant 2 : i32
        %get3A_2088 = arith.constant 15 : i32
        %get3A_2089 = arith.index_cast %get3A_2087 : i32 to index
        %get3A_2090 = arith.index_cast %get3A_2088 : i32 to index
        %get3A_2091 = arith.index_cast %mul3A_1377 : i32 to index
        %get3A_2092 = tpu.vector_load %arg11[%get3A_2089, %get3A_2090, %get3A_2091] {strides = array<i32>} : memref<4x25x300xf32, #tpu.memory_space<vmem>>, vector<16xf32>,
        %get3A_2093 = arith.constant 3 : i32
        %get3A_2094 = arith.constant 15 : i32
        %get3A_2095 = arith.index_cast %get3A_2093 : i32 to index
        %get3A_2096 = arith.index_cast %get3A_2094 : i32 to index
        %get3A_2097 = arith.index_cast %mul3A_1377 : i32 to index
        %get3A_2098 = tpu.vector_load %arg11[%get3A_2095, %get3A_2096, %get3A_2097] {strides = array<i32>} : memref<4x25x300xf32, #tpu.memory_space<vmem>>, vector<16xf32>,
        %select_n3A_2099 = arith.select %ge3A_2074, %get3A_2086, %get3A_2080 : vector<16xi1>, vector<16xf32>
        %select_n3A_2100 = arith.select %ge3A_2074, %get3A_2098, %get3A_2092 : vector<16xi1>, vector<16xf32>
        %select_n3A_2101 = arith.select %ge3A_1380, %select_n3A_2100, %select_n3A_2099 : vector<16xi1>, vector<16xf32>
        %ge3A_2102 = arith.cmpf oge, %add3A_2073, %get3A_1389 : vector<16xf32>
        %le3A_2103 = arith.cmpf ole, %add3A_2073, %get3A_1391 : vector<16xf32>
        %and3A_2104 = arith.andi %ge3A_2102, %le3A_2103 : vector<16xi1>
        %and3A_2105 = arith.andi %and3A_2104, %and3A_1387 : vector<16xi1>
        %jit3A_2106 = arith.constant 0.000000e+00 : f32
        %broadcast_in_dim3A_2107 = vector.broadcast %jit3A_2106 : f32 to vector<16xf32>
        %select_n3A_2108 = arith.select %and3A_2105, %select_n3A_2101, %broadcast_in_dim3A_2107 : vector<16xi1>, vector<16xf32>
        %swap3A_2109 = arith.constant 15 : i32
        %swap3A_2110 = arith.index_cast %swap3A_2109 : i32 to index
        %swap3A_2111 = arith.index_cast %mul3A_1377 : i32 to index
        %swap3A_2112 = tpu.vector_load %arg13[%swap3A_2110, %swap3A_2111] {strides = array<i32>} : memref<25x300xf32, #tpu.memory_space<vmem>>, vector<16xf32>,
        tpu.vector_store %arg13[%swap3A_2110, %swap3A_2111], %select_n3A_2108 {strides = array<i32>} : memref<25x300xf32, #tpu.memory_space<vmem>>, vector<16xf32>,
        %broadcast_in_dim3A_2113 = arith.constant 0.000000e+00 : f32
        %broadcast_in_dim3A_2114 = vector.broadcast %broadcast_in_dim3A_2113 : f32 to vector<16xf32>
        %add3A_2115 = arith.constant 1.600000e+01 : f32
        %add3A_2116 = arith.addf %convert_element_type3A, %add3A_2115 : f32
        %add3A_2117 = vector.broadcast %add3A_2116 : f32 to vector<16xf32>
        %add3A_2118 = arith.addf %broadcast_in_dim3A_2114, %add3A_2117 : vector<16xf32>
        %ge3A_2119 = arith.cmpf oge, %add3A_2118, %get3A_1393 : vector<16xf32>
        %get3A_2120 = arith.constant 0 : i32
        %get3A_2121 = arith.constant 16 : i32
        %get3A_2122 = arith.index_cast %get3A_2120 : i32 to index
        %get3A_2123 = arith.index_cast %get3A_2121 : i32 to index
        %get3A_2124 = arith.index_cast %mul3A_1377 : i32 to index
        %get3A_2125 = tpu.vector_load %arg11[%get3A_2122, %get3A_2123, %get3A_2124] {strides = array<i32>} : memref<4x25x300xf32, #tpu.memory_space<vmem>>, vector<16xf32>,
        %get3A_2126 = arith.constant 1 : i32
        %get3A_2127 = arith.constant 16 : i32
        %get3A_2128 = arith.index_cast %get3A_2126 : i32 to index
        %get3A_2129 = arith.index_cast %get3A_2127 : i32 to index
        %get3A_2130 = arith.index_cast %mul3A_1377 : i32 to index
        %get3A_2131 = tpu.vector_load %arg11[%get3A_2128, %get3A_2129, %get3A_2130] {strides = array<i32>} : memref<4x25x300xf32, #tpu.memory_space<vmem>>, vector<16xf32>,
        %get3A_2132 = arith.constant 2 : i32
        %get3A_2133 = arith.constant 16 : i32
        %get3A_2134 = arith.index_cast %get3A_2132 : i32 to index
        %get3A_2135 = arith.index_cast %get3A_2133 : i32 to index
        %get3A_2136 = arith.index_cast %mul3A_1377 : i32 to index
        %get3A_2137 = tpu.vector_load %arg11[%get3A_2134, %get3A_2135, %get3A_2136] {strides = array<i32>} : memref<4x25x300xf32, #tpu.memory_space<vmem>>, vector<16xf32>,
        %get3A_2138 = arith.constant 3 : i32
        %get3A_2139 = arith.constant 16 : i32
        %get3A_2140 = arith.index_cast %get3A_2138 : i32 to index
        %get3A_2141 = arith.index_cast %get3A_2139 : i32 to index
        %get3A_2142 = arith.index_cast %mul3A_1377 : i32 to index
        %get3A_2143 = tpu.vector_load %arg11[%get3A_2140, %get3A_2141, %get3A_2142] {strides = array<i32>} : memref<4x25x300xf32, #tpu.memory_space<vmem>>, vector<16xf32>,
        %select_n3A_2144 = arith.select %ge3A_2119, %get3A_2131, %get3A_2125 : vector<16xi1>, vector<16xf32>
        %select_n3A_2145 = arith.select %ge3A_2119, %get3A_2143, %get3A_2137 : vector<16xi1>, vector<16xf32>
        %select_n3A_2146 = arith.select %ge3A_1380, %select_n3A_2145, %select_n3A_2144 : vector<16xi1>, vector<16xf32>
        %ge3A_2147 = arith.cmpf oge, %add3A_2118, %get3A_1389 : vector<16xf32>
        %le3A_2148 = arith.cmpf ole, %add3A_2118, %get3A_1391 : vector<16xf32>
        %and3A_2149 = arith.andi %ge3A_2147, %le3A_2148 : vector<16xi1>
        %and3A_2150 = arith.andi %and3A_2149, %and3A_1387 : vector<16xi1>
        %jit3A_2151 = arith.constant 0.000000e+00 : f32
        %broadcast_in_dim3A_2152 = vector.broadcast %jit3A_2151 : f32 to vector<16xf32>
        %select_n3A_2153 = arith.select %and3A_2150, %select_n3A_2146, %broadcast_in_dim3A_2152 : vector<16xi1>, vector<16xf32>
        %swap3A_2154 = arith.constant 16 : i32
        %swap3A_2155 = arith.index_cast %swap3A_2154 : i32 to index
        %swap3A_2156 = arith.index_cast %mul3A_1377 : i32 to index
        %swap3A_2157 = tpu.vector_load %arg13[%swap3A_2155, %swap3A_2156] {strides = array<i32>} : memref<25x300xf32, #tpu.memory_space<vmem>>, vector<16xf32>,
        tpu.vector_store %arg13[%swap3A_2155, %swap3A_2156], %select_n3A_2153 {strides = array<i32>} : memref<25x300xf32, #tpu.memory_space<vmem>>, vector<16xf32>,
        %broadcast_in_dim3A_2158 = arith.constant 0.000000e+00 : f32
        %broadcast_in_dim3A_2159 = vector.broadcast %broadcast_in_dim3A_2158 : f32 to vector<16xf32>
        %add3A_2160 = arith.constant 1.700000e+01 : f32
        %add3A_2161 = arith.addf %convert_element_type3A, %add3A_2160 : f32
        %add3A_2162 = vector.broadcast %add3A_2161 : f32 to vector<16xf32>
        %add3A_2163 = arith.addf %broadcast_in_dim3A_2159, %add3A_2162 : vector<16xf32>
        %ge3A_2164 = arith.cmpf oge, %add3A_2163, %get3A_1393 : vector<16xf32>
        %get3A_2165 = arith.constant 0 : i32
        %get3A_2166 = arith.constant 17 : i32
        %get3A_2167 = arith.index_cast %get3A_2165 : i32 to index
        %get3A_2168 = arith.index_cast %get3A_2166 : i32 to index
        %get3A_2169 = arith.index_cast %mul3A_1377 : i32 to index
        %get3A_2170 = tpu.vector_load %arg11[%get3A_2167, %get3A_2168, %get3A_2169] {strides = array<i32>} : memref<4x25x300xf32, #tpu.memory_space<vmem>>, vector<16xf32>,
        %get3A_2171 = arith.constant 1 : i32
        %get3A_2172 = arith.constant 17 : i32
        %get3A_2173 = arith.index_cast %get3A_2171 : i32 to index
        %get3A_2174 = arith.index_cast %get3A_2172 : i32 to index
        %get3A_2175 = arith.index_cast %mul3A_1377 : i32 to index
        %get3A_2176 = tpu.vector_load %arg11[%get3A_2173, %get3A_2174, %get3A_2175] {strides = array<i32>} : memref<4x25x300xf32, #tpu.memory_space<vmem>>, vector<16xf32>,
        %get3A_2177 = arith.constant 2 : i32
        %get3A_2178 = arith.constant 17 : i32
        %get3A_2179 = arith.index_cast %get3A_2177 : i32 to index
        %get3A_2180 = arith.index_cast %get3A_2178 : i32 to index
        %get3A_2181 = arith.index_cast %mul3A_1377 : i32 to index
        %get3A_2182 = tpu.vector_load %arg11[%get3A_2179, %get3A_2180, %get3A_2181] {strides = array<i32>} : memref<4x25x300xf32, #tpu.memory_space<vmem>>, vector<16xf32>,
        %get3A_2183 = arith.constant 3 : i32
        %get3A_2184 = arith.constant 17 : i32
        %get3A_2185 = arith.index_cast %get3A_2183 : i32 to index
        %get3A_2186 = arith.index_cast %get3A_2184 : i32 to index
        %get3A_2187 = arith.index_cast %mul3A_1377 : i32 to index
        %get3A_2188 = tpu.vector_load %arg11[%get3A_2185, %get3A_2186, %get3A_2187] {strides = array<i32>} : memref<4x25x300xf32, #tpu.memory_space<vmem>>, vector<16xf32>,
        %select_n3A_2189 = arith.select %ge3A_2164, %get3A_2176, %get3A_2170 : vector<16xi1>, vector<16xf32>
        %select_n3A_2190 = arith.select %ge3A_2164, %get3A_2188, %get3A_2182 : vector<16xi1>, vector<16xf32>
        %select_n3A_2191 = arith.select %ge3A_1380, %select_n3A_2190, %select_n3A_2189 : vector<16xi1>, vector<16xf32>
        %ge3A_2192 = arith.cmpf oge, %add3A_2163, %get3A_1389 : vector<16xf32>
        %le3A_2193 = arith.cmpf ole, %add3A_2163, %get3A_1391 : vector<16xf32>
        %and3A_2194 = arith.andi %ge3A_2192, %le3A_2193 : vector<16xi1>
        %and3A_2195 = arith.andi %and3A_2194, %and3A_1387 : vector<16xi1>
        %jit3A_2196 = arith.constant 0.000000e+00 : f32
        %broadcast_in_dim3A_2197 = vector.broadcast %jit3A_2196 : f32 to vector<16xf32>
        %select_n3A_2198 = arith.select %and3A_2195, %select_n3A_2191, %broadcast_in_dim3A_2197 : vector<16xi1>, vector<16xf32>
        %swap3A_2199 = arith.constant 17 : i32
        %swap3A_2200 = arith.index_cast %swap3A_2199 : i32 to index
        %swap3A_2201 = arith.index_cast %mul3A_1377 : i32 to index
        %swap3A_2202 = tpu.vector_load %arg13[%swap3A_2200, %swap3A_2201] {strides = array<i32>} : memref<25x300xf32, #tpu.memory_space<vmem>>, vector<16xf32>,
        tpu.vector_store %arg13[%swap3A_2200, %swap3A_2201], %select_n3A_2198 {strides = array<i32>} : memref<25x300xf32, #tpu.memory_space<vmem>>, vector<16xf32>,
        %broadcast_in_dim3A_2203 = arith.constant 0.000000e+00 : f32
        %broadcast_in_dim3A_2204 = vector.broadcast %broadcast_in_dim3A_2203 : f32 to vector<16xf32>
        %add3A_2205 = arith.constant 1.800000e+01 : f32
        %add3A_2206 = arith.addf %convert_element_type3A, %add3A_2205 : f32
        %add3A_2207 = vector.broadcast %add3A_2206 : f32 to vector<16xf32>
        %add3A_2208 = arith.addf %broadcast_in_dim3A_2204, %add3A_2207 : vector<16xf32>
        %ge3A_2209 = arith.cmpf oge, %add3A_2208, %get3A_1393 : vector<16xf32>
        %get3A_2210 = arith.constant 0 : i32
        %get3A_2211 = arith.constant 18 : i32
        %get3A_2212 = arith.index_cast %get3A_2210 : i32 to index
        %get3A_2213 = arith.index_cast %get3A_2211 : i32 to index
        %get3A_2214 = arith.index_cast %mul3A_1377 : i32 to index
        %get3A_2215 = tpu.vector_load %arg11[%get3A_2212, %get3A_2213, %get3A_2214] {strides = array<i32>} : memref<4x25x300xf32, #tpu.memory_space<vmem>>, vector<16xf32>,
        %get3A_2216 = arith.constant 1 : i32
        %get3A_2217 = arith.constant 18 : i32
        %get3A_2218 = arith.index_cast %get3A_2216 : i32 to index
        %get3A_2219 = arith.index_cast %get3A_2217 : i32 to index
        %get3A_2220 = arith.index_cast %mul3A_1377 : i32 to index
        %get3A_2221 = tpu.vector_load %arg11[%get3A_2218, %get3A_2219, %get3A_2220] {strides = array<i32>} : memref<4x25x300xf32, #tpu.memory_space<vmem>>, vector<16xf32>,
        %get3A_2222 = arith.constant 2 : i32
        %get3A_2223 = arith.constant 18 : i32
        %get3A_2224 = arith.index_cast %get3A_2222 : i32 to index
        %get3A_2225 = arith.index_cast %get3A_2223 : i32 to index
        %get3A_2226 = arith.index_cast %mul3A_1377 : i32 to index
        %get3A_2227 = tpu.vector_load %arg11[%get3A_2224, %get3A_2225, %get3A_2226] {strides = array<i32>} : memref<4x25x300xf32, #tpu.memory_space<vmem>>, vector<16xf32>,
        %get3A_2228 = arith.constant 3 : i32
        %get3A_2229 = arith.constant 18 : i32
        %get3A_2230 = arith.index_cast %get3A_2228 : i32 to index
        %get3A_2231 = arith.index_cast %get3A_2229 : i32 to index
        %get3A_2232 = arith.index_cast %mul3A_1377 : i32 to index
        %get3A_2233 = tpu.vector_load %arg11[%get3A_2230, %get3A_2231, %get3A_2232] {strides = array<i32>} : memref<4x25x300xf32, #tpu.memory_space<vmem>>, vector<16xf32>,
        %select_n3A_2234 = arith.select %ge3A_2209, %get3A_2221, %get3A_2215 : vector<16xi1>, vector<16xf32>
        %select_n3A_2235 = arith.select %ge3A_2209, %get3A_2233, %get3A_2227 : vector<16xi1>, vector<16xf32>
        %select_n3A_2236 = arith.select %ge3A_1380, %select_n3A_2235, %select_n3A_2234 : vector<16xi1>, vector<16xf32>
        %ge3A_2237 = arith.cmpf oge, %add3A_2208, %get3A_1389 : vector<16xf32>
        %le3A_2238 = arith.cmpf ole, %add3A_2208, %get3A_1391 : vector<16xf32>
        %and3A_2239 = arith.andi %ge3A_2237, %le3A_2238 : vector<16xi1>
        %and3A_2240 = arith.andi %and3A_2239, %and3A_1387 : vector<16xi1>
        %jit3A_2241 = arith.constant 0.000000e+00 : f32
        %broadcast_in_dim3A_2242 = vector.broadcast %jit3A_2241 : f32 to vector<16xf32>
        %select_n3A_2243 = arith.select %and3A_2240, %select_n3A_2236, %broadcast_in_dim3A_2242 : vector<16xi1>, vector<16xf32>
        %swap3A_2244 = arith.constant 18 : i32
        %swap3A_2245 = arith.index_cast %swap3A_2244 : i32 to index
        %swap3A_2246 = arith.index_cast %mul3A_1377 : i32 to index
        %swap3A_2247 = tpu.vector_load %arg13[%swap3A_2245, %swap3A_2246] {strides = array<i32>} : memref<25x300xf32, #tpu.memory_space<vmem>>, vector<16xf32>,
        tpu.vector_store %arg13[%swap3A_2245, %swap3A_2246], %select_n3A_2243 {strides = array<i32>} : memref<25x300xf32, #tpu.memory_space<vmem>>, vector<16xf32>,
        %broadcast_in_dim3A_2248 = arith.constant 0.000000e+00 : f32
        %broadcast_in_dim3A_2249 = vector.broadcast %broadcast_in_dim3A_2248 : f32 to vector<16xf32>
        %add3A_2250 = arith.constant 1.900000e+01 : f32
        %add3A_2251 = arith.addf %convert_element_type3A, %add3A_2250 : f32
        %add3A_2252 = vector.broadcast %add3A_2251 : f32 to vector<16xf32>
        %add3A_2253 = arith.addf %broadcast_in_dim3A_2249, %add3A_2252 : vector<16xf32>
        %ge3A_2254 = arith.cmpf oge, %add3A_2253, %get3A_1393 : vector<16xf32>
        %get3A_2255 = arith.constant 0 : i32
        %get3A_2256 = arith.constant 19 : i32
        %get3A_2257 = arith.index_cast %get3A_2255 : i32 to index
        %get3A_2258 = arith.index_cast %get3A_2256 : i32 to index
        %get3A_2259 = arith.index_cast %mul3A_1377 : i32 to index
        %get3A_2260 = tpu.vector_load %arg11[%get3A_2257, %get3A_2258, %get3A_2259] {strides = array<i32>} : memref<4x25x300xf32, #tpu.memory_space<vmem>>, vector<16xf32>,
        %get3A_2261 = arith.constant 1 : i32
        %get3A_2262 = arith.constant 19 : i32
        %get3A_2263 = arith.index_cast %get3A_2261 : i32 to index
        %get3A_2264 = arith.index_cast %get3A_2262 : i32 to index
        %get3A_2265 = arith.index_cast %mul3A_1377 : i32 to index
        %get3A_2266 = tpu.vector_load %arg11[%get3A_2263, %get3A_2264, %get3A_2265] {strides = array<i32>} : memref<4x25x300xf32, #tpu.memory_space<vmem>>, vector<16xf32>,
        %get3A_2267 = arith.constant 2 : i32
        %get3A_2268 = arith.constant 19 : i32
        %get3A_2269 = arith.index_cast %get3A_2267 : i32 to index
        %get3A_2270 = arith.index_cast %get3A_2268 : i32 to index
        %get3A_2271 = arith.index_cast %mul3A_1377 : i32 to index
        %get3A_2272 = tpu.vector_load %arg11[%get3A_2269, %get3A_2270, %get3A_2271] {strides = array<i32>} : memref<4x25x300xf32, #tpu.memory_space<vmem>>, vector<16xf32>,
        %get3A_2273 = arith.constant 3 : i32
        %get3A_2274 = arith.constant 19 : i32
        %get3A_2275 = arith.index_cast %get3A_2273 : i32 to index
        %get3A_2276 = arith.index_cast %get3A_2274 : i32 to index
        %get3A_2277 = arith.index_cast %mul3A_1377 : i32 to index
        %get3A_2278 = tpu.vector_load %arg11[%get3A_2275, %get3A_2276, %get3A_2277] {strides = array<i32>} : memref<4x25x300xf32, #tpu.memory_space<vmem>>, vector<16xf32>,
        %select_n3A_2279 = arith.select %ge3A_2254, %get3A_2266, %get3A_2260 : vector<16xi1>, vector<16xf32>
        %select_n3A_2280 = arith.select %ge3A_2254, %get3A_2278, %get3A_2272 : vector<16xi1>, vector<16xf32>
        %select_n3A_2281 = arith.select %ge3A_1380, %select_n3A_2280, %select_n3A_2279 : vector<16xi1>, vector<16xf32>
        %ge3A_2282 = arith.cmpf oge, %add3A_2253, %get3A_1389 : vector<16xf32>
        %le3A_2283 = arith.cmpf ole, %add3A_2253, %get3A_1391 : vector<16xf32>
        %and3A_2284 = arith.andi %ge3A_2282, %le3A_2283 : vector<16xi1>
        %and3A_2285 = arith.andi %and3A_2284, %and3A_1387 : vector<16xi1>
        %jit3A_2286 = arith.constant 0.000000e+00 : f32
        %broadcast_in_dim3A_2287 = vector.broadcast %jit3A_2286 : f32 to vector<16xf32>
        %select_n3A_2288 = arith.select %and3A_2285, %select_n3A_2281, %broadcast_in_dim3A_2287 : vector<16xi1>, vector<16xf32>
        %swap3A_2289 = arith.constant 19 : i32
        %swap3A_2290 = arith.index_cast %swap3A_2289 : i32 to index
        %swap3A_2291 = arith.index_cast %mul3A_1377 : i32 to index
        %swap3A_2292 = tpu.vector_load %arg13[%swap3A_2290, %swap3A_2291] {strides = array<i32>} : memref<25x300xf32, #tpu.memory_space<vmem>>, vector<16xf32>,
        tpu.vector_store %arg13[%swap3A_2290, %swap3A_2291], %select_n3A_2288 {strides = array<i32>} : memref<25x300xf32, #tpu.memory_space<vmem>>, vector<16xf32>,
        %broadcast_in_dim3A_2293 = arith.constant 0.000000e+00 : f32
        %broadcast_in_dim3A_2294 = vector.broadcast %broadcast_in_dim3A_2293 : f32 to vector<16xf32>
        %add3A_2295 = arith.constant 2.000000e+01 : f32
        %add3A_2296 = arith.addf %convert_element_type3A, %add3A_2295 : f32
        %add3A_2297 = vector.broadcast %add3A_2296 : f32 to vector<16xf32>
        %add3A_2298 = arith.addf %broadcast_in_dim3A_2294, %add3A_2297 : vector<16xf32>
        %ge3A_2299 = arith.cmpf oge, %add3A_2298, %get3A_1393 : vector<16xf32>
        %get3A_2300 = arith.constant 0 : i32
        %get3A_2301 = arith.constant 20 : i32
        %get3A_2302 = arith.index_cast %get3A_2300 : i32 to index
        %get3A_2303 = arith.index_cast %get3A_2301 : i32 to index
        %get3A_2304 = arith.index_cast %mul3A_1377 : i32 to index
        %get3A_2305 = tpu.vector_load %arg11[%get3A_2302, %get3A_2303, %get3A_2304] {strides = array<i32>} : memref<4x25x300xf32, #tpu.memory_space<vmem>>, vector<16xf32>,
        %get3A_2306 = arith.constant 1 : i32
        %get3A_2307 = arith.constant 20 : i32
        %get3A_2308 = arith.index_cast %get3A_2306 : i32 to index
        %get3A_2309 = arith.index_cast %get3A_2307 : i32 to index
        %get3A_2310 = arith.index_cast %mul3A_1377 : i32 to index
        %get3A_2311 = tpu.vector_load %arg11[%get3A_2308, %get3A_2309, %get3A_2310] {strides = array<i32>} : memref<4x25x300xf32, #tpu.memory_space<vmem>>, vector<16xf32>,
        %get3A_2312 = arith.constant 2 : i32
        %get3A_2313 = arith.constant 20 : i32
        %get3A_2314 = arith.index_cast %get3A_2312 : i32 to index
        %get3A_2315 = arith.index_cast %get3A_2313 : i32 to index
        %get3A_2316 = arith.index_cast %mul3A_1377 : i32 to index
        %get3A_2317 = tpu.vector_load %arg11[%get3A_2314, %get3A_2315, %get3A_2316] {strides = array<i32>} : memref<4x25x300xf32, #tpu.memory_space<vmem>>, vector<16xf32>,
        %get3A_2318 = arith.constant 3 : i32
        %get3A_2319 = arith.constant 20 : i32
        %get3A_2320 = arith.index_cast %get3A_2318 : i32 to index
        %get3A_2321 = arith.index_cast %get3A_2319 : i32 to index
        %get3A_2322 = arith.index_cast %mul3A_1377 : i32 to index
        %get3A_2323 = tpu.vector_load %arg11[%get3A_2320, %get3A_2321, %get3A_2322] {strides = array<i32>} : memref<4x25x300xf32, #tpu.memory_space<vmem>>, vector<16xf32>,
        %select_n3A_2324 = arith.select %ge3A_2299, %get3A_2311, %get3A_2305 : vector<16xi1>, vector<16xf32>
        %select_n3A_2325 = arith.select %ge3A_2299, %get3A_2323, %get3A_2317 : vector<16xi1>, vector<16xf32>
        %select_n3A_2326 = arith.select %ge3A_1380, %select_n3A_2325, %select_n3A_2324 : vector<16xi1>, vector<16xf32>
        %ge3A_2327 = arith.cmpf oge, %add3A_2298, %get3A_1389 : vector<16xf32>
        %le3A_2328 = arith.cmpf ole, %add3A_2298, %get3A_1391 : vector<16xf32>
        %and3A_2329 = arith.andi %ge3A_2327, %le3A_2328 : vector<16xi1>
        %and3A_2330 = arith.andi %and3A_2329, %and3A_1387 : vector<16xi1>
        %jit3A_2331 = arith.constant 0.000000e+00 : f32
        %broadcast_in_dim3A_2332 = vector.broadcast %jit3A_2331 : f32 to vector<16xf32>
        %select_n3A_2333 = arith.select %and3A_2330, %select_n3A_2326, %broadcast_in_dim3A_2332 : vector<16xi1>, vector<16xf32>
        %swap3A_2334 = arith.constant 20 : i32
        %swap3A_2335 = arith.index_cast %swap3A_2334 : i32 to index
        %swap3A_2336 = arith.index_cast %mul3A_1377 : i32 to index
        %swap3A_2337 = tpu.vector_load %arg13[%swap3A_2335, %swap3A_2336] {strides = array<i32>} : memref<25x300xf32, #tpu.memory_space<vmem>>, vector<16xf32>,
        tpu.vector_store %arg13[%swap3A_2335, %swap3A_2336], %select_n3A_2333 {strides = array<i32>} : memref<25x300xf32, #tpu.memory_space<vmem>>, vector<16xf32>,
        %broadcast_in_dim3A_2338 = arith.constant 0.000000e+00 : f32
        %broadcast_in_dim3A_2339 = vector.broadcast %broadcast_in_dim3A_2338 : f32 to vector<16xf32>
        %add3A_2340 = arith.constant 2.100000e+01 : f32
        %add3A_2341 = arith.addf %convert_element_type3A, %add3A_2340 : f32
        %add3A_2342 = vector.broadcast %add3A_2341 : f32 to vector<16xf32>
        %add3A_2343 = arith.addf %broadcast_in_dim3A_2339, %add3A_2342 : vector<16xf32>
        %ge3A_2344 = arith.cmpf oge, %add3A_2343, %get3A_1393 : vector<16xf32>
        %get3A_2345 = arith.constant 0 : i32
        %get3A_2346 = arith.constant 21 : i32
        %get3A_2347 = arith.index_cast %get3A_2345 : i32 to index
        %get3A_2348 = arith.index_cast %get3A_2346 : i32 to index
        %get3A_2349 = arith.index_cast %mul3A_1377 : i32 to index
        %get3A_2350 = tpu.vector_load %arg11[%get3A_2347, %get3A_2348, %get3A_2349] {strides = array<i32>} : memref<4x25x300xf32, #tpu.memory_space<vmem>>, vector<16xf32>,
        %get3A_2351 = arith.constant 1 : i32
        %get3A_2352 = arith.constant 21 : i32
        %get3A_2353 = arith.index_cast %get3A_2351 : i32 to index
        %get3A_2354 = arith.index_cast %get3A_2352 : i32 to index
        %get3A_2355 = arith.index_cast %mul3A_1377 : i32 to index
        %get3A_2356 = tpu.vector_load %arg11[%get3A_2353, %get3A_2354, %get3A_2355] {strides = array<i32>} : memref<4x25x300xf32, #tpu.memory_space<vmem>>, vector<16xf32>,
        %get3A_2357 = arith.constant 2 : i32
        %get3A_2358 = arith.constant 21 : i32
        %get3A_2359 = arith.index_cast %get3A_2357 : i32 to index
        %get3A_2360 = arith.index_cast %get3A_2358 : i32 to index
        %get3A_2361 = arith.index_cast %mul3A_1377 : i32 to index
        %get3A_2362 = tpu.vector_load %arg11[%get3A_2359, %get3A_2360, %get3A_2361] {strides = array<i32>} : memref<4x25x300xf32, #tpu.memory_space<vmem>>, vector<16xf32>,
        %get3A_2363 = arith.constant 3 : i32
        %get3A_2364 = arith.constant 21 : i32
        %get3A_2365 = arith.index_cast %get3A_2363 : i32 to index
        %get3A_2366 = arith.index_cast %get3A_2364 : i32 to index
        %get3A_2367 = arith.index_cast %mul3A_1377 : i32 to index
        %get3A_2368 = tpu.vector_load %arg11[%get3A_2365, %get3A_2366, %get3A_2367] {strides = array<i32>} : memref<4x25x300xf32, #tpu.memory_space<vmem>>, vector<16xf32>,
        %select_n3A_2369 = arith.select %ge3A_2344, %get3A_2356, %get3A_2350 : vector<16xi1>, vector<16xf32>
        %select_n3A_2370 = arith.select %ge3A_2344, %get3A_2368, %get3A_2362 : vector<16xi1>, vector<16xf32>
        %select_n3A_2371 = arith.select %ge3A_1380, %select_n3A_2370, %select_n3A_2369 : vector<16xi1>, vector<16xf32>
        %ge3A_2372 = arith.cmpf oge, %add3A_2343, %get3A_1389 : vector<16xf32>
        %le3A_2373 = arith.cmpf ole, %add3A_2343, %get3A_1391 : vector<16xf32>
        %and3A_2374 = arith.andi %ge3A_2372, %le3A_2373 : vector<16xi1>
        %and3A_2375 = arith.andi %and3A_2374, %and3A_1387 : vector<16xi1>
        %jit3A_2376 = arith.constant 0.000000e+00 : f32
        %broadcast_in_dim3A_2377 = vector.broadcast %jit3A_2376 : f32 to vector<16xf32>
        %select_n3A_2378 = arith.select %and3A_2375, %select_n3A_2371, %broadcast_in_dim3A_2377 : vector<16xi1>, vector<16xf32>
        %swap3A_2379 = arith.constant 21 : i32
        %swap3A_2380 = arith.index_cast %swap3A_2379 : i32 to index
        %swap3A_2381 = arith.index_cast %mul3A_1377 : i32 to index
        %swap3A_2382 = tpu.vector_load %arg13[%swap3A_2380, %swap3A_2381] {strides = array<i32>} : memref<25x300xf32, #tpu.memory_space<vmem>>, vector<16xf32>,
        tpu.vector_store %arg13[%swap3A_2380, %swap3A_2381], %select_n3A_2378 {strides = array<i32>} : memref<25x300xf32, #tpu.memory_space<vmem>>, vector<16xf32>,
        %broadcast_in_dim3A_2383 = arith.constant 0.000000e+00 : f32
        %broadcast_in_dim3A_2384 = vector.broadcast %broadcast_in_dim3A_2383 : f32 to vector<16xf32>
        %add3A_2385 = arith.constant 2.200000e+01 : f32
        %add3A_2386 = arith.addf %convert_element_type3A, %add3A_2385 : f32
        %add3A_2387 = vector.broadcast %add3A_2386 : f32 to vector<16xf32>
        %add3A_2388 = arith.addf %broadcast_in_dim3A_2384, %add3A_2387 : vector<16xf32>
        %ge3A_2389 = arith.cmpf oge, %add3A_2388, %get3A_1393 : vector<16xf32>
        %get3A_2390 = arith.constant 0 : i32
        %get3A_2391 = arith.constant 22 : i32
        %get3A_2392 = arith.index_cast %get3A_2390 : i32 to index
        %get3A_2393 = arith.index_cast %get3A_2391 : i32 to index
        %get3A_2394 = arith.index_cast %mul3A_1377 : i32 to index
        %get3A_2395 = tpu.vector_load %arg11[%get3A_2392, %get3A_2393, %get3A_2394] {strides = array<i32>} : memref<4x25x300xf32, #tpu.memory_space<vmem>>, vector<16xf32>,
        %get3A_2396 = arith.constant 1 : i32
        %get3A_2397 = arith.constant 22 : i32
        %get3A_2398 = arith.index_cast %get3A_2396 : i32 to index
        %get3A_2399 = arith.index_cast %get3A_2397 : i32 to index
        %get3A_2400 = arith.index_cast %mul3A_1377 : i32 to index
        %get3A_2401 = tpu.vector_load %arg11[%get3A_2398, %get3A_2399, %get3A_2400] {strides = array<i32>} : memref<4x25x300xf32, #tpu.memory_space<vmem>>, vector<16xf32>,
        %get3A_2402 = arith.constant 2 : i32
        %get3A_2403 = arith.constant 22 : i32
        %get3A_2404 = arith.index_cast %get3A_2402 : i32 to index
        %get3A_2405 = arith.index_cast %get3A_2403 : i32 to index
        %get3A_2406 = arith.index_cast %mul3A_1377 : i32 to index
        %get3A_2407 = tpu.vector_load %arg11[%get3A_2404, %get3A_2405, %get3A_2406] {strides = array<i32>} : memref<4x25x300xf32, #tpu.memory_space<vmem>>, vector<16xf32>,
        %get3A_2408 = arith.constant 3 : i32
        %get3A_2409 = arith.constant 22 : i32
        %get3A_2410 = arith.index_cast %get3A_2408 : i32 to index
        %get3A_2411 = arith.index_cast %get3A_2409 : i32 to index
        %get3A_2412 = arith.index_cast %mul3A_1377 : i32 to index
        %get3A_2413 = tpu.vector_load %arg11[%get3A_2410, %get3A_2411, %get3A_2412] {strides = array<i32>} : memref<4x25x300xf32, #tpu.memory_space<vmem>>, vector<16xf32>,
        %select_n3A_2414 = arith.select %ge3A_2389, %get3A_2401, %get3A_2395 : vector<16xi1>, vector<16xf32>
        %select_n3A_2415 = arith.select %ge3A_2389, %get3A_2413, %get3A_2407 : vector<16xi1>, vector<16xf32>
        %select_n3A_2416 = arith.select %ge3A_1380, %select_n3A_2415, %select_n3A_2414 : vector<16xi1>, vector<16xf32>
        %ge3A_2417 = arith.cmpf oge, %add3A_2388, %get3A_1389 : vector<16xf32>
        %le3A_2418 = arith.cmpf ole, %add3A_2388, %get3A_1391 : vector<16xf32>
        %and3A_2419 = arith.andi %ge3A_2417, %le3A_2418 : vector<16xi1>
        %and3A_2420 = arith.andi %and3A_2419, %and3A_1387 : vector<16xi1>
        %jit3A_2421 = arith.constant 0.000000e+00 : f32
        %broadcast_in_dim3A_2422 = vector.broadcast %jit3A_2421 : f32 to vector<16xf32>
        %select_n3A_2423 = arith.select %and3A_2420, %select_n3A_2416, %broadcast_in_dim3A_2422 : vector<16xi1>, vector<16xf32>
        %swap3A_2424 = arith.constant 22 : i32
        %swap3A_2425 = arith.index_cast %swap3A_2424 : i32 to index
        %swap3A_2426 = arith.index_cast %mul3A_1377 : i32 to index
        %swap3A_2427 = tpu.vector_load %arg13[%swap3A_2425, %swap3A_2426] {strides = array<i32>} : memref<25x300xf32, #tpu.memory_space<vmem>>, vector<16xf32>,
        tpu.vector_store %arg13[%swap3A_2425, %swap3A_2426], %select_n3A_2423 {strides = array<i32>} : memref<25x300xf32, #tpu.memory_space<vmem>>, vector<16xf32>,
        %broadcast_in_dim3A_2428 = arith.constant 0.000000e+00 : f32
        %broadcast_in_dim3A_2429 = vector.broadcast %broadcast_in_dim3A_2428 : f32 to vector<16xf32>
        %add3A_2430 = arith.constant 2.300000e+01 : f32
        %add3A_2431 = arith.addf %convert_element_type3A, %add3A_2430 : f32
        %add3A_2432 = vector.broadcast %add3A_2431 : f32 to vector<16xf32>
        %add3A_2433 = arith.addf %broadcast_in_dim3A_2429, %add3A_2432 : vector<16xf32>
        %ge3A_2434 = arith.cmpf oge, %add3A_2433, %get3A_1393 : vector<16xf32>
        %get3A_2435 = arith.constant 0 : i32
        %get3A_2436 = arith.constant 23 : i32
        %get3A_2437 = arith.index_cast %get3A_2435 : i32 to index
        %get3A_2438 = arith.index_cast %get3A_2436 : i32 to index
        %get3A_2439 = arith.index_cast %mul3A_1377 : i32 to index
        %get3A_2440 = tpu.vector_load %arg11[%get3A_2437, %get3A_2438, %get3A_2439] {strides = array<i32>} : memref<4x25x300xf32, #tpu.memory_space<vmem>>, vector<16xf32>,
        %get3A_2441 = arith.constant 1 : i32
        %get3A_2442 = arith.constant 23 : i32
        %get3A_2443 = arith.index_cast %get3A_2441 : i32 to index
        %get3A_2444 = arith.index_cast %get3A_2442 : i32 to index
        %get3A_2445 = arith.index_cast %mul3A_1377 : i32 to index
        %get3A_2446 = tpu.vector_load %arg11[%get3A_2443, %get3A_2444, %get3A_2445] {strides = array<i32>} : memref<4x25x300xf32, #tpu.memory_space<vmem>>, vector<16xf32>,
        %get3A_2447 = arith.constant 2 : i32
        %get3A_2448 = arith.constant 23 : i32
        %get3A_2449 = arith.index_cast %get3A_2447 : i32 to index
        %get3A_2450 = arith.index_cast %get3A_2448 : i32 to index
        %get3A_2451 = arith.index_cast %mul3A_1377 : i32 to index
        %get3A_2452 = tpu.vector_load %arg11[%get3A_2449, %get3A_2450, %get3A_2451] {strides = array<i32>} : memref<4x25x300xf32, #tpu.memory_space<vmem>>, vector<16xf32>,
        %get3A_2453 = arith.constant 3 : i32
        %get3A_2454 = arith.constant 23 : i32
        %get3A_2455 = arith.index_cast %get3A_2453 : i32 to index
        %get3A_2456 = arith.index_cast %get3A_2454 : i32 to index
        %get3A_2457 = arith.index_cast %mul3A_1377 : i32 to index
        %get3A_2458 = tpu.vector_load %arg11[%get3A_2455, %get3A_2456, %get3A_2457] {strides = array<i32>} : memref<4x25x300xf32, #tpu.memory_space<vmem>>, vector<16xf32>,
        %select_n3A_2459 = arith.select %ge3A_2434, %get3A_2446, %get3A_2440 : vector<16xi1>, vector<16xf32>
        %select_n3A_2460 = arith.select %ge3A_2434, %get3A_2458, %get3A_2452 : vector<16xi1>, vector<16xf32>
        %select_n3A_2461 = arith.select %ge3A_1380, %select_n3A_2460, %select_n3A_2459 : vector<16xi1>, vector<16xf32>
        %ge3A_2462 = arith.cmpf oge, %add3A_2433, %get3A_1389 : vector<16xf32>
        %le3A_2463 = arith.cmpf ole, %add3A_2433, %get3A_1391 : vector<16xf32>
        %and3A_2464 = arith.andi %ge3A_2462, %le3A_2463 : vector<16xi1>
        %and3A_2465 = arith.andi %and3A_2464, %and3A_1387 : vector<16xi1>
        %jit3A_2466 = arith.constant 0.000000e+00 : f32
        %broadcast_in_dim3A_2467 = vector.broadcast %jit3A_2466 : f32 to vector<16xf32>
        %select_n3A_2468 = arith.select %and3A_2465, %select_n3A_2461, %broadcast_in_dim3A_2467 : vector<16xi1>, vector<16xf32>
        %swap3A_2469 = arith.constant 23 : i32
        %swap3A_2470 = arith.index_cast %swap3A_2469 : i32 to index
        %swap3A_2471 = arith.index_cast %mul3A_1377 : i32 to index
        %swap3A_2472 = tpu.vector_load %arg13[%swap3A_2470, %swap3A_2471] {strides = array<i32>} : memref<25x300xf32, #tpu.memory_space<vmem>>, vector<16xf32>,
        tpu.vector_store %arg13[%swap3A_2470, %swap3A_2471], %select_n3A_2468 {strides = array<i32>} : memref<25x300xf32, #tpu.memory_space<vmem>>, vector<16xf32>,
        %broadcast_in_dim3A_2473 = arith.constant 0.000000e+00 : f32
        %broadcast_in_dim3A_2474 = vector.broadcast %broadcast_in_dim3A_2473 : f32 to vector<16xf32>
        %add3A_2475 = arith.constant 2.400000e+01 : f32
        %add3A_2476 = arith.addf %convert_element_type3A, %add3A_2475 : f32
        %add3A_2477 = vector.broadcast %add3A_2476 : f32 to vector<16xf32>
        %add3A_2478 = arith.addf %broadcast_in_dim3A_2474, %add3A_2477 : vector<16xf32>
        %ge3A_2479 = arith.cmpf oge, %add3A_2478, %get3A_1393 : vector<16xf32>
        %get3A_2480 = arith.constant 0 : i32
        %get3A_2481 = arith.constant 24 : i32
        %get3A_2482 = arith.index_cast %get3A_2480 : i32 to index
        %get3A_2483 = arith.index_cast %get3A_2481 : i32 to index
        %get3A_2484 = arith.index_cast %mul3A_1377 : i32 to index
        %get3A_2485 = tpu.vector_load %arg11[%get3A_2482, %get3A_2483, %get3A_2484] {strides = array<i32>} : memref<4x25x300xf32, #tpu.memory_space<vmem>>, vector<16xf32>,
        %get3A_2486 = arith.constant 1 : i32
        %get3A_2487 = arith.constant 24 : i32
        %get3A_2488 = arith.index_cast %get3A_2486 : i32 to index
        %get3A_2489 = arith.index_cast %get3A_2487 : i32 to index
        %get3A_2490 = arith.index_cast %mul3A_1377 : i32 to index
        %get3A_2491 = tpu.vector_load %arg11[%get3A_2488, %get3A_2489, %get3A_2490] {strides = array<i32>} : memref<4x25x300xf32, #tpu.memory_space<vmem>>, vector<16xf32>,
        %get3A_2492 = arith.constant 2 : i32
        %get3A_2493 = arith.constant 24 : i32
        %get3A_2494 = arith.index_cast %get3A_2492 : i32 to index
        %get3A_2495 = arith.index_cast %get3A_2493 : i32 to index
        %get3A_2496 = arith.index_cast %mul3A_1377 : i32 to index
        %get3A_2497 = tpu.vector_load %arg11[%get3A_2494, %get3A_2495, %get3A_2496] {strides = array<i32>} : memref<4x25x300xf32, #tpu.memory_space<vmem>>, vector<16xf32>,
        %get3A_2498 = arith.constant 3 : i32
        %get3A_2499 = arith.constant 24 : i32
        %get3A_2500 = arith.index_cast %get3A_2498 : i32 to index
        %get3A_2501 = arith.index_cast %get3A_2499 : i32 to index
        %get3A_2502 = arith.index_cast %mul3A_1377 : i32 to index
        %get3A_2503 = tpu.vector_load %arg11[%get3A_2500, %get3A_2501, %get3A_2502] {strides = array<i32>} : memref<4x25x300xf32, #tpu.memory_space<vmem>>, vector<16xf32>,
        %select_n3A_2504 = arith.select %ge3A_2479, %get3A_2491, %get3A_2485 : vector<16xi1>, vector<16xf32>
        %select_n3A_2505 = arith.select %ge3A_2479, %get3A_2503, %get3A_2497 : vector<16xi1>, vector<16xf32>
        %select_n3A_2506 = arith.select %ge3A_1380, %select_n3A_2505, %select_n3A_2504 : vector<16xi1>, vector<16xf32>
        %ge3A_2507 = arith.cmpf oge, %add3A_2478, %get3A_1389 : vector<16xf32>
        %le3A_2508 = arith.cmpf ole, %add3A_2478, %get3A_1391 : vector<16xf32>
        %and3A_2509 = arith.andi %ge3A_2507, %le3A_2508 : vector<16xi1>
        %and3A_2510 = arith.andi %and3A_2509, %and3A_1387 : vector<16xi1>
        %jit3A_2511 = arith.constant 0.000000e+00 : f32
        %broadcast_in_dim3A_2512 = vector.broadcast %jit3A_2511 : f32 to vector<16xf32>
        %select_n3A_2513 = arith.select %and3A_2510, %select_n3A_2506, %broadcast_in_dim3A_2512 : vector<16xi1>, vector<16xf32>
        %swap3A_2514 = arith.constant 24 : i32
        %swap3A_2515 = arith.index_cast %swap3A_2514 : i32 to index
        %swap3A_2516 = arith.index_cast %mul3A_1377 : i32 to index
        %swap3A_2517 = tpu.vector_load %arg13[%swap3A_2515, %swap3A_2516] {strides = array<i32>} : memref<25x300xf32, #tpu.memory_space<vmem>>, vector<16xf32>,
        tpu.vector_store %arg13[%swap3A_2515, %swap3A_2516], %select_n3A_2513 {strides = array<i32>} : memref<25x300xf32, #tpu.memory_space<vmem>>, vector<16xf32>,
      }
      %scan3A_281 = arith.constant 18 : i32
      %iota3A = tpu.iota {dimensions = array<i32: 0>} : vector<16xi32>
      %add3A_282 = arith.constant 288 : i32
      %add3A_283 = vector.broadcast %add3A_282 : i32 to vector<16xi32>
      %add3A_284 = arith.addi %add3A_283, %iota3A : vector<16xi32>
      %lt3A_285 = arith.constant 300 : i32
      %lt3A_286 = vector.broadcast %lt3A_285 : i32 to vector<16xi32>
      %lt3A_287 = arith.cmpi slt, %add3A_284, %lt3A_286 : vector<16xi32>
      %get3A = arith.constant 288 : index
      %get3A_288 = tpu.vector_load %arg10[%get3A] {strides = array<i32>} : memref<304xf32, #tpu.memory_space<vmem>>, vector<16xf32>,
      %ge3A_289 = arith.cmpf oge, %add3A_275, %get3A_288 : vector<16xf32>
      %add3A_290 = arith.addi %broadcast_in_dim3A_43, %broadcast_in_dim3A_43 : vector<16xi32>
      %select_n3A_291 = arith.select %ge3A_289, %add3A_290, %broadcast_in_dim3A_45 : vector<16xi1>, vector<16xi32>
      %get3A_292 = arith.constant 288 : index
      %get3A_293 = tpu.vector_load %arg6[%get3A_292] {strides = array<i32>} : memref<304xf32, #tpu.memory_space<vmem>>, vector<16xf32>,
      %ge3A_294 = arith.cmpf oge, %add3A_275, %get3A_293 : vector<16xf32>
      %get3A_295 = arith.constant 288 : index
      %get3A_296 = tpu.vector_load %arg8[%get3A_295] {strides = array<i32>} : memref<304xf32, #tpu.memory_space<vmem>>, vector<16xf32>,
      %le3A = arith.cmpf ole, %add3A_275, %get3A_296 : vector<16xf32>
      %and3A_297 = arith.andi %ge3A_294, %le3A : vector<16xi1>
      %get3A_298 = arith.constant 288 : index
      %get3A_299 = tpu.vector_load %arg5[%get3A_298] {strides = array<i32>} : memref<304xf32, #tpu.memory_space<vmem>>, vector<16xf32>,
      %get3A_300 = arith.constant 288 : index
      %get3A_301 = tpu.vector_load %arg7[%get3A_300] {strides = array<i32>} : memref<304xf32, #tpu.memory_space<vmem>>, vector<16xf32>,
      %get3A_302 = arith.constant 288 : index
      %get3A_303 = tpu.vector_load %arg9[%get3A_302] {strides = array<i32>} : memref<304xf32, #tpu.memory_space<vmem>>, vector<16xf32>,
      %broadcast_in_dim3A_304 = arith.constant 0.000000e+00 : f32
      %broadcast_in_dim3A_305 = vector.broadcast %broadcast_in_dim3A_304 : f32 to vector<16xf32>
      %add3A_306 = arith.constant 0.000000e+00 : f32
      %add3A_307 = arith.addf %convert_element_type3A, %add3A_306 : f32
      %add3A_308 = vector.broadcast %add3A_307 : f32 to vector<16xf32>
      %add3A_309 = arith.addf %broadcast_in_dim3A_305, %add3A_308 : vector<16xf32>
      %ge3A_310 = arith.cmpf oge, %add3A_309, %get3A_303 : vector<16xf32>
      %select_n3A_311 = arith.select %ge3A_310, %broadcast_in_dim3A_43, %broadcast_in_dim3A_45 : vector<16xi1>, vector<16xi32>
      %add3A_312 = arith.addi %select_n3A_311, %select_n3A_291 : vector<16xi32>
      %broadcast_in_dim3A_313 = arith.constant 0 : i32
      %broadcast_in_dim3A_314 = vector.broadcast %broadcast_in_dim3A_313 : i32 to vector<16xi32>
      %gather3A = tpu.vector_load_idx %arg11[%add3A_312, %broadcast_in_dim3A_314, %add3A_284] masked %lt3A_287 : memref<4x25x300xf32, #tpu.memory_space<vmem>>[vector<16xi32>, vector<16xi32>, vector<16xi32>], vector<16xf32>, vector<16xi1>
      %ge3A_315 = arith.cmpf oge, %add3A_309, %get3A_299 : vector<16xf32>
      %le3A_316 = arith.cmpf ole, %add3A_309, %get3A_301 : vector<16xf32>
      %and3A_317 = arith.andi %ge3A_315, %le3A_316 : vector<16xi1>
      %and3A_318 = arith.andi %and3A_317, %and3A_297 : vector<16xi1>
      %jit3A_319 = arith.constant 0.000000e+00 : f32
      %broadcast_in_dim3A_320 = vector.broadcast %jit3A_319 : f32 to vector<16xf32>
      %select_n3A_321 = arith.select %and3A_318, %gather3A, %broadcast_in_dim3A_320 : vector<16xi1>, vector<16xf32>
      tpu.vector_store_idx %arg13[%broadcast_in_dim3A_314, %add3A_284], %select_n3A_321 masked %lt3A_287 : memref<25x300xf32, #tpu.memory_space<vmem>>[vector<16xi32>, vector<16xi32>], vector<16xf32>, vector<16xi1>
      %broadcast_in_dim3A_322 = arith.constant 0.000000e+00 : f32
      %broadcast_in_dim3A_323 = vector.broadcast %broadcast_in_dim3A_322 : f32 to vector<16xf32>
      %add3A_324 = arith.constant 1.000000e+00 : f32
      %add3A_325 = arith.addf %convert_element_type3A, %add3A_324 : f32
      %add3A_326 = vector.broadcast %add3A_325 : f32 to vector<16xf32>
      %add3A_327 = arith.addf %broadcast_in_dim3A_323, %add3A_326 : vector<16xf32>
      %ge3A_328 = arith.cmpf oge, %add3A_327, %get3A_303 : vector<16xf32>
      %select_n3A_329 = arith.select %ge3A_328, %broadcast_in_dim3A_43, %broadcast_in_dim3A_45 : vector<16xi1>, vector<16xi32>
      %add3A_330 = arith.addi %select_n3A_329, %select_n3A_291 : vector<16xi32>
      %broadcast_in_dim3A_331 = arith.constant 1 : i32
      %broadcast_in_dim3A_332 = vector.broadcast %broadcast_in_dim3A_331 : i32 to vector<16xi32>
      %gather3A_333 = tpu.vector_load_idx %arg11[%add3A_330, %broadcast_in_dim3A_332, %add3A_284] masked %lt3A_287 : memref<4x25x300xf32, #tpu.memory_space<vmem>>[vector<16xi32>, vector<16xi32>, vector<16xi32>], vector<16xf32>, vector<16xi1>
      %ge3A_334 = arith.cmpf oge, %add3A_327, %get3A_299 : vector<16xf32>
      %le3A_335 = arith.cmpf ole, %add3A_327, %get3A_301 : vector<16xf32>
      %and3A_336 = arith.andi %ge3A_334, %le3A_335 : vector<16xi1>
      %and3A_337 = arith.andi %and3A_336, %and3A_297 : vector<16xi1>
      %jit3A_338 = arith.constant 0.000000e+00 : f32
      %broadcast_in_dim3A_339 = vector.broadcast %jit3A_338 : f32 to vector<16xf32>
      %select_n3A_340 = arith.select %and3A_337, %gather3A_333, %broadcast_in_dim3A_339 : vector<16xi1>, vector<16xf32>
      tpu.vector_store_idx %arg13[%broadcast_in_dim3A_332, %add3A_284], %select_n3A_340 masked %lt3A_287 : memref<25x300xf32, #tpu.memory_space<vmem>>[vector<16xi32>, vector<16xi32>], vector<16xf32>, vector<16xi1>
      %broadcast_in_dim3A_341 = arith.constant 0.000000e+00 : f32
      %broadcast_in_dim3A_342 = vector.broadcast %broadcast_in_dim3A_341 : f32 to vector<16xf32>
      %add3A_343 = arith.constant 2.000000e+00 : f32
      %add3A_344 = arith.addf %convert_element_type3A, %add3A_343 : f32
      %add3A_345 = vector.broadcast %add3A_344 : f32 to vector<16xf32>
      %add3A_346 = arith.addf %broadcast_in_dim3A_342, %add3A_345 : vector<16xf32>
      %ge3A_347 = arith.cmpf oge, %add3A_346, %get3A_303 : vector<16xf32>
      %select_n3A_348 = arith.select %ge3A_347, %broadcast_in_dim3A_43, %broadcast_in_dim3A_45 : vector<16xi1>, vector<16xi32>
      %add3A_349 = arith.addi %select_n3A_348, %select_n3A_291 : vector<16xi32>
      %broadcast_in_dim3A_350 = arith.constant 2 : i32
      %broadcast_in_dim3A_351 = vector.broadcast %broadcast_in_dim3A_350 : i32 to vector<16xi32>
      %gather3A_352 = tpu.vector_load_idx %arg11[%add3A_349, %broadcast_in_dim3A_351, %add3A_284] masked %lt3A_287 : memref<4x25x300xf32, #tpu.memory_space<vmem>>[vector<16xi32>, vector<16xi32>, vector<16xi32>], vector<16xf32>, vector<16xi1>
      %ge3A_353 = arith.cmpf oge, %add3A_346, %get3A_299 : vector<16xf32>
      %le3A_354 = arith.cmpf ole, %add3A_346, %get3A_301 : vector<16xf32>
      %and3A_355 = arith.andi %ge3A_353, %le3A_354 : vector<16xi1>
      %and3A_356 = arith.andi %and3A_355, %and3A_297 : vector<16xi1>
      %jit3A_357 = arith.constant 0.000000e+00 : f32
      %broadcast_in_dim3A_358 = vector.broadcast %jit3A_357 : f32 to vector<16xf32>
      %select_n3A_359 = arith.select %and3A_356, %gather3A_352, %broadcast_in_dim3A_358 : vector<16xi1>, vector<16xf32>
      tpu.vector_store_idx %arg13[%broadcast_in_dim3A_351, %add3A_284], %select_n3A_359 masked %lt3A_287 : memref<25x300xf32, #tpu.memory_space<vmem>>[vector<16xi32>, vector<16xi32>], vector<16xf32>, vector<16xi1>
      %broadcast_in_dim3A_360 = arith.constant 0.000000e+00 : f32
      %broadcast_in_dim3A_361 = vector.broadcast %broadcast_in_dim3A_360 : f32 to vector<16xf32>
      %add3A_362 = arith.constant 3.000000e+00 : f32
      %add3A_363 = arith.addf %convert_element_type3A, %add3A_362 : f32
      %add3A_364 = vector.broadcast %add3A_363 : f32 to vector<16xf32>
      %add3A_365 = arith.addf %broadcast_in_dim3A_361, %add3A_364 : vector<16xf32>
      %ge3A_366 = arith.cmpf oge, %add3A_365, %get3A_303 : vector<16xf32>
      %select_n3A_367 = arith.select %ge3A_366, %broadcast_in_dim3A_43, %broadcast_in_dim3A_45 : vector<16xi1>, vector<16xi32>
      %add3A_368 = arith.addi %select_n3A_367, %select_n3A_291 : vector<16xi32>
      %broadcast_in_dim3A_369 = arith.constant 3 : i32
      %broadcast_in_dim3A_370 = vector.broadcast %broadcast_in_dim3A_369 : i32 to vector<16xi32>
      %gather3A_371 = tpu.vector_load_idx %arg11[%add3A_368, %broadcast_in_dim3A_370, %add3A_284] masked %lt3A_287 : memref<4x25x300xf32, #tpu.memory_space<vmem>>[vector<16xi32>, vector<16xi32>, vector<16xi32>], vector<16xf32>, vector<16xi1>
      %ge3A_372 = arith.cmpf oge, %add3A_365, %get3A_299 : vector<16xf32>
      %le3A_373 = arith.cmpf ole, %add3A_365, %get3A_301 : vector<16xf32>
      %and3A_374 = arith.andi %ge3A_372, %le3A_373 : vector<16xi1>
      %and3A_375 = arith.andi %and3A_374, %and3A_297 : vector<16xi1>
      %jit3A_376 = arith.constant 0.000000e+00 : f32
      %broadcast_in_dim3A_377 = vector.broadcast %jit3A_376 : f32 to vector<16xf32>
      %select_n3A_378 = arith.select %and3A_375, %gather3A_371, %broadcast_in_dim3A_377 : vector<16xi1>, vector<16xf32>
      tpu.vector_store_idx %arg13[%broadcast_in_dim3A_370, %add3A_284], %select_n3A_378 masked %lt3A_287 : memref<25x300xf32, #tpu.memory_space<vmem>>[vector<16xi32>, vector<16xi32>], vector<16xf32>, vector<16xi1>
      %broadcast_in_dim3A_379 = arith.constant 0.000000e+00 : f32
      %broadcast_in_dim3A_380 = vector.broadcast %broadcast_in_dim3A_379 : f32 to vector<16xf32>
      %add3A_381 = arith.constant 4.000000e+00 : f32
      %add3A_382 = arith.addf %convert_element_type3A, %add3A_381 : f32
      %add3A_383 = vector.broadcast %add3A_382 : f32 to vector<16xf32>
      %add3A_384 = arith.addf %broadcast_in_dim3A_380, %add3A_383 : vector<16xf32>
      %ge3A_385 = arith.cmpf oge, %add3A_384, %get3A_303 : vector<16xf32>
      %select_n3A_386 = arith.select %ge3A_385, %broadcast_in_dim3A_43, %broadcast_in_dim3A_45 : vector<16xi1>, vector<16xi32>
      %add3A_387 = arith.addi %select_n3A_386, %select_n3A_291 : vector<16xi32>
      %broadcast_in_dim3A_388 = arith.constant 4 : i32
      %broadcast_in_dim3A_389 = vector.broadcast %broadcast_in_dim3A_388 : i32 to vector<16xi32>
      %gather3A_390 = tpu.vector_load_idx %arg11[%add3A_387, %broadcast_in_dim3A_389, %add3A_284] masked %lt3A_287 : memref<4x25x300xf32, #tpu.memory_space<vmem>>[vector<16xi32>, vector<16xi32>, vector<16xi32>], vector<16xf32>, vector<16xi1>
      %ge3A_391 = arith.cmpf oge, %add3A_384, %get3A_299 : vector<16xf32>
      %le3A_392 = arith.cmpf ole, %add3A_384, %get3A_301 : vector<16xf32>
      %and3A_393 = arith.andi %ge3A_391, %le3A_392 : vector<16xi1>
      %and3A_394 = arith.andi %and3A_393, %and3A_297 : vector<16xi1>
      %jit3A_395 = arith.constant 0.000000e+00 : f32
      %broadcast_in_dim3A_396 = vector.broadcast %jit3A_395 : f32 to vector<16xf32>
      %select_n3A_397 = arith.select %and3A_394, %gather3A_390, %broadcast_in_dim3A_396 : vector<16xi1>, vector<16xf32>
      tpu.vector_store_idx %arg13[%broadcast_in_dim3A_389, %add3A_284], %select_n3A_397 masked %lt3A_287 : memref<25x300xf32, #tpu.memory_space<vmem>>[vector<16xi32>, vector<16xi32>], vector<16xf32>, vector<16xi1>
      %broadcast_in_dim3A_398 = arith.constant 0.000000e+00 : f32
      %broadcast_in_dim3A_399 = vector.broadcast %broadcast_in_dim3A_398 : f32 to vector<16xf32>
      %add3A_400 = arith.constant 5.000000e+00 : f32
      %add3A_401 = arith.addf %convert_element_type3A, %add3A_400 : f32
      %add3A_402 = vector.broadcast %add3A_401 : f32 to vector<16xf32>
      %add3A_403 = arith.addf %broadcast_in_dim3A_399, %add3A_402 : vector<16xf32>
      %ge3A_404 = arith.cmpf oge, %add3A_403, %get3A_303 : vector<16xf32>
      %select_n3A_405 = arith.select %ge3A_404, %broadcast_in_dim3A_43, %broadcast_in_dim3A_45 : vector<16xi1>, vector<16xi32>
      %add3A_406 = arith.addi %select_n3A_405, %select_n3A_291 : vector<16xi32>
      %broadcast_in_dim3A_407 = arith.constant 5 : i32
      %broadcast_in_dim3A_408 = vector.broadcast %broadcast_in_dim3A_407 : i32 to vector<16xi32>
      %gather3A_409 = tpu.vector_load_idx %arg11[%add3A_406, %broadcast_in_dim3A_408, %add3A_284] masked %lt3A_287 : memref<4x25x300xf32, #tpu.memory_space<vmem>>[vector<16xi32>, vector<16xi32>, vector<16xi32>], vector<16xf32>, vector<16xi1>
      %ge3A_410 = arith.cmpf oge, %add3A_403, %get3A_299 : vector<16xf32>
      %le3A_411 = arith.cmpf ole, %add3A_403, %get3A_301 : vector<16xf32>
      %and3A_412 = arith.andi %ge3A_410, %le3A_411 : vector<16xi1>
      %and3A_413 = arith.andi %and3A_412, %and3A_297 : vector<16xi1>
      %jit3A_414 = arith.constant 0.000000e+00 : f32
      %broadcast_in_dim3A_415 = vector.broadcast %jit3A_414 : f32 to vector<16xf32>
      %select_n3A_416 = arith.select %and3A_413, %gather3A_409, %broadcast_in_dim3A_415 : vector<16xi1>, vector<16xf32>
      tpu.vector_store_idx %arg13[%broadcast_in_dim3A_408, %add3A_284], %select_n3A_416 masked %lt3A_287 : memref<25x300xf32, #tpu.memory_space<vmem>>[vector<16xi32>, vector<16xi32>], vector<16xf32>, vector<16xi1>
      %broadcast_in_dim3A_417 = arith.constant 0.000000e+00 : f32
      %broadcast_in_dim3A_418 = vector.broadcast %broadcast_in_dim3A_417 : f32 to vector<16xf32>
      %add3A_419 = arith.constant 6.000000e+00 : f32
      %add3A_420 = arith.addf %convert_element_type3A, %add3A_419 : f32
      %add3A_421 = vector.broadcast %add3A_420 : f32 to vector<16xf32>
      %add3A_422 = arith.addf %broadcast_in_dim3A_418, %add3A_421 : vector<16xf32>
      %ge3A_423 = arith.cmpf oge, %add3A_422, %get3A_303 : vector<16xf32>
      %select_n3A_424 = arith.select %ge3A_423, %broadcast_in_dim3A_43, %broadcast_in_dim3A_45 : vector<16xi1>, vector<16xi32>
      %add3A_425 = arith.addi %select_n3A_424, %select_n3A_291 : vector<16xi32>
      %broadcast_in_dim3A_426 = arith.constant 6 : i32
      %broadcast_in_dim3A_427 = vector.broadcast %broadcast_in_dim3A_426 : i32 to vector<16xi32>
      %gather3A_428 = tpu.vector_load_idx %arg11[%add3A_425, %broadcast_in_dim3A_427, %add3A_284] masked %lt3A_287 : memref<4x25x300xf32, #tpu.memory_space<vmem>>[vector<16xi32>, vector<16xi32>, vector<16xi32>], vector<16xf32>, vector<16xi1>
      %ge3A_429 = arith.cmpf oge, %add3A_422, %get3A_299 : vector<16xf32>
      %le3A_430 = arith.cmpf ole, %add3A_422, %get3A_301 : vector<16xf32>
      %and3A_431 = arith.andi %ge3A_429, %le3A_430 : vector<16xi1>
      %and3A_432 = arith.andi %and3A_431, %and3A_297 : vector<16xi1>
      %jit3A_433 = arith.constant 0.000000e+00 : f32
      %broadcast_in_dim3A_434 = vector.broadcast %jit3A_433 : f32 to vector<16xf32>
      %select_n3A_435 = arith.select %and3A_432, %gather3A_428, %broadcast_in_dim3A_434 : vector<16xi1>, vector<16xf32>
      tpu.vector_store_idx %arg13[%broadcast_in_dim3A_427, %add3A_284], %select_n3A_435 masked %lt3A_287 : memref<25x300xf32, #tpu.memory_space<vmem>>[vector<16xi32>, vector<16xi32>], vector<16xf32>, vector<16xi1>
      %broadcast_in_dim3A_436 = arith.constant 0.000000e+00 : f32
      %broadcast_in_dim3A_437 = vector.broadcast %broadcast_in_dim3A_436 : f32 to vector<16xf32>
      %add3A_438 = arith.constant 7.000000e+00 : f32
      %add3A_439 = arith.addf %convert_element_type3A, %add3A_438 : f32
      %add3A_440 = vector.broadcast %add3A_439 : f32 to vector<16xf32>
      %add3A_441 = arith.addf %broadcast_in_dim3A_437, %add3A_440 : vector<16xf32>
      %ge3A_442 = arith.cmpf oge, %add3A_441, %get3A_303 : vector<16xf32>
      %select_n3A_443 = arith.select %ge3A_442, %broadcast_in_dim3A_43, %broadcast_in_dim3A_45 : vector<16xi1>, vector<16xi32>
      %add3A_444 = arith.addi %select_n3A_443, %select_n3A_291 : vector<16xi32>
      %broadcast_in_dim3A_445 = arith.constant 7 : i32
      %broadcast_in_dim3A_446 = vector.broadcast %broadcast_in_dim3A_445 : i32 to vector<16xi32>
      %gather3A_447 = tpu.vector_load_idx %arg11[%add3A_444, %broadcast_in_dim3A_446, %add3A_284] masked %lt3A_287 : memref<4x25x300xf32, #tpu.memory_space<vmem>>[vector<16xi32>, vector<16xi32>, vector<16xi32>], vector<16xf32>, vector<16xi1>
      %ge3A_448 = arith.cmpf oge, %add3A_441, %get3A_299 : vector<16xf32>
      %le3A_449 = arith.cmpf ole, %add3A_441, %get3A_301 : vector<16xf32>
      %and3A_450 = arith.andi %ge3A_448, %le3A_449 : vector<16xi1>
      %and3A_451 = arith.andi %and3A_450, %and3A_297 : vector<16xi1>
      %jit3A_452 = arith.constant 0.000000e+00 : f32
      %broadcast_in_dim3A_453 = vector.broadcast %jit3A_452 : f32 to vector<16xf32>
      %select_n3A_454 = arith.select %and3A_451, %gather3A_447, %broadcast_in_dim3A_453 : vector<16xi1>, vector<16xf32>
      tpu.vector_store_idx %arg13[%broadcast_in_dim3A_446, %add3A_284], %select_n3A_454 masked %lt3A_287 : memref<25x300xf32, #tpu.memory_space<vmem>>[vector<16xi32>, vector<16xi32>], vector<16xf32>, vector<16xi1>
      %broadcast_in_dim3A_455 = arith.constant 0.000000e+00 : f32
      %broadcast_in_dim3A_456 = vector.broadcast %broadcast_in_dim3A_455 : f32 to vector<16xf32>
      %add3A_457 = arith.constant 8.000000e+00 : f32
      %add3A_458 = arith.addf %convert_element_type3A, %add3A_457 : f32
      %add3A_459 = vector.broadcast %add3A_458 : f32 to vector<16xf32>
      %add3A_460 = arith.addf %broadcast_in_dim3A_456, %add3A_459 : vector<16xf32>
      %ge3A_461 = arith.cmpf oge, %add3A_460, %get3A_303 : vector<16xf32>
      %select_n3A_462 = arith.select %ge3A_461, %broadcast_in_dim3A_43, %broadcast_in_dim3A_45 : vector<16xi1>, vector<16xi32>
      %add3A_463 = arith.addi %select_n3A_462, %select_n3A_291 : vector<16xi32>
      %broadcast_in_dim3A_464 = arith.constant 8 : i32
      %broadcast_in_dim3A_465 = vector.broadcast %broadcast_in_dim3A_464 : i32 to vector<16xi32>
      %gather3A_466 = tpu.vector_load_idx %arg11[%add3A_463, %broadcast_in_dim3A_465, %add3A_284] masked %lt3A_287 : memref<4x25x300xf32, #tpu.memory_space<vmem>>[vector<16xi32>, vector<16xi32>, vector<16xi32>], vector<16xf32>, vector<16xi1>
      %ge3A_467 = arith.cmpf oge, %add3A_460, %get3A_299 : vector<16xf32>
      %le3A_468 = arith.cmpf ole, %add3A_460, %get3A_301 : vector<16xf32>
      %and3A_469 = arith.andi %ge3A_467, %le3A_468 : vector<16xi1>
      %and3A_470 = arith.andi %and3A_469, %and3A_297 : vector<16xi1>
      %jit3A_471 = arith.constant 0.000000e+00 : f32
      %broadcast_in_dim3A_472 = vector.broadcast %jit3A_471 : f32 to vector<16xf32>
      %select_n3A_473 = arith.select %and3A_470, %gather3A_466, %broadcast_in_dim3A_472 : vector<16xi1>, vector<16xf32>
      tpu.vector_store_idx %arg13[%broadcast_in_dim3A_465, %add3A_284], %select_n3A_473 masked %lt3A_287 : memref<25x300xf32, #tpu.memory_space<vmem>>[vector<16xi32>, vector<16xi32>], vector<16xf32>, vector<16xi1>
      %broadcast_in_dim3A_474 = arith.constant 0.000000e+00 : f32
      %broadcast_in_dim3A_475 = vector.broadcast %broadcast_in_dim3A_474 : f32 to vector<16xf32>
      %add3A_476 = arith.constant 9.000000e+00 : f32
      %add3A_477 = arith.addf %convert_element_type3A, %add3A_476 : f32
      %add3A_478 = vector.broadcast %add3A_477 : f32 to vector<16xf32>
      %add3A_479 = arith.addf %broadcast_in_dim3A_475, %add3A_478 : vector<16xf32>
      %ge3A_480 = arith.cmpf oge, %add3A_479, %get3A_303 : vector<16xf32>
      %select_n3A_481 = arith.select %ge3A_480, %broadcast_in_dim3A_43, %broadcast_in_dim3A_45 : vector<16xi1>, vector<16xi32>
      %add3A_482 = arith.addi %select_n3A_481, %select_n3A_291 : vector<16xi32>
      %broadcast_in_dim3A_483 = arith.constant 9 : i32
      %broadcast_in_dim3A_484 = vector.broadcast %broadcast_in_dim3A_483 : i32 to vector<16xi32>
      %gather3A_485 = tpu.vector_load_idx %arg11[%add3A_482, %broadcast_in_dim3A_484, %add3A_284] masked %lt3A_287 : memref<4x25x300xf32, #tpu.memory_space<vmem>>[vector<16xi32>, vector<16xi32>, vector<16xi32>], vector<16xf32>, vector<16xi1>
      %ge3A_486 = arith.cmpf oge, %add3A_479, %get3A_299 : vector<16xf32>
      %le3A_487 = arith.cmpf ole, %add3A_479, %get3A_301 : vector<16xf32>
      %and3A_488 = arith.andi %ge3A_486, %le3A_487 : vector<16xi1>
      %and3A_489 = arith.andi %and3A_488, %and3A_297 : vector<16xi1>
      %jit3A_490 = arith.constant 0.000000e+00 : f32
      %broadcast_in_dim3A_491 = vector.broadcast %jit3A_490 : f32 to vector<16xf32>
      %select_n3A_492 = arith.select %and3A_489, %gather3A_485, %broadcast_in_dim3A_491 : vector<16xi1>, vector<16xf32>
      tpu.vector_store_idx %arg13[%broadcast_in_dim3A_484, %add3A_284], %select_n3A_492 masked %lt3A_287 : memref<25x300xf32, #tpu.memory_space<vmem>>[vector<16xi32>, vector<16xi32>], vector<16xf32>, vector<16xi1>
      %broadcast_in_dim3A_493 = arith.constant 0.000000e+00 : f32
      %broadcast_in_dim3A_494 = vector.broadcast %broadcast_in_dim3A_493 : f32 to vector<16xf32>
      %add3A_495 = arith.constant 1.000000e+01 : f32
      %add3A_496 = arith.addf %convert_element_type3A, %add3A_495 : f32
      %add3A_497 = vector.broadcast %add3A_496 : f32 to vector<16xf32>
      %add3A_498 = arith.addf %broadcast_in_dim3A_494, %add3A_497 : vector<16xf32>
      %ge3A_499 = arith.cmpf oge, %add3A_498, %get3A_303 : vector<16xf32>
      %select_n3A_500 = arith.select %ge3A_499, %broadcast_in_dim3A_43, %broadcast_in_dim3A_45 : vector<16xi1>, vector<16xi32>
      %add3A_501 = arith.addi %select_n3A_500, %select_n3A_291 : vector<16xi32>
      %broadcast_in_dim3A_502 = arith.constant 10 : i32
      %broadcast_in_dim3A_503 = vector.broadcast %broadcast_in_dim3A_502 : i32 to vector<16xi32>
      %gather3A_504 = tpu.vector_load_idx %arg11[%add3A_501, %broadcast_in_dim3A_503, %add3A_284] masked %lt3A_287 : memref<4x25x300xf32, #tpu.memory_space<vmem>>[vector<16xi32>, vector<16xi32>, vector<16xi32>], vector<16xf32>, vector<16xi1>
      %ge3A_505 = arith.cmpf oge, %add3A_498, %get3A_299 : vector<16xf32>
      %le3A_506 = arith.cmpf ole, %add3A_498, %get3A_301 : vector<16xf32>
      %and3A_507 = arith.andi %ge3A_505, %le3A_506 : vector<16xi1>
      %and3A_508 = arith.andi %and3A_507, %and3A_297 : vector<16xi1>
      %jit3A_509 = arith.constant 0.000000e+00 : f32
      %broadcast_in_dim3A_510 = vector.broadcast %jit3A_509 : f32 to vector<16xf32>
      %select_n3A_511 = arith.select %and3A_508, %gather3A_504, %broadcast_in_dim3A_510 : vector<16xi1>, vector<16xf32>
      tpu.vector_store_idx %arg13[%broadcast_in_dim3A_503, %add3A_284], %select_n3A_511 masked %lt3A_287 : memref<25x300xf32, #tpu.memory_space<vmem>>[vector<16xi32>, vector<16xi32>], vector<16xf32>, vector<16xi1>
      %broadcast_in_dim3A_512 = arith.constant 0.000000e+00 : f32
      %broadcast_in_dim3A_513 = vector.broadcast %broadcast_in_dim3A_512 : f32 to vector<16xf32>
      %add3A_514 = arith.constant 1.100000e+01 : f32
      %add3A_515 = arith.addf %convert_element_type3A, %add3A_514 : f32
      %add3A_516 = vector.broadcast %add3A_515 : f32 to vector<16xf32>
      %add3A_517 = arith.addf %broadcast_in_dim3A_513, %add3A_516 : vector<16xf32>
      %ge3A_518 = arith.cmpf oge, %add3A_517, %get3A_303 : vector<16xf32>
      %select_n3A_519 = arith.select %ge3A_518, %broadcast_in_dim3A_43, %broadcast_in_dim3A_45 : vector<16xi1>, vector<16xi32>
      %add3A_520 = arith.addi %select_n3A_519, %select_n3A_291 : vector<16xi32>
      %broadcast_in_dim3A_521 = arith.constant 11 : i32
      %broadcast_in_dim3A_522 = vector.broadcast %broadcast_in_dim3A_521 : i32 to vector<16xi32>
      %gather3A_523 = tpu.vector_load_idx %arg11[%add3A_520, %broadcast_in_dim3A_522, %add3A_284] masked %lt3A_287 : memref<4x25x300xf32, #tpu.memory_space<vmem>>[vector<16xi32>, vector<16xi32>, vector<16xi32>], vector<16xf32>, vector<16xi1>
      %ge3A_524 = arith.cmpf oge, %add3A_517, %get3A_299 : vector<16xf32>
      %le3A_525 = arith.cmpf ole, %add3A_517, %get3A_301 : vector<16xf32>
      %and3A_526 = arith.andi %ge3A_524, %le3A_525 : vector<16xi1>
      %and3A_527 = arith.andi %and3A_526, %and3A_297 : vector<16xi1>
      %jit3A_528 = arith.constant 0.000000e+00 : f32
      %broadcast_in_dim3A_529 = vector.broadcast %jit3A_528 : f32 to vector<16xf32>
      %select_n3A_530 = arith.select %and3A_527, %gather3A_523, %broadcast_in_dim3A_529 : vector<16xi1>, vector<16xf32>
      tpu.vector_store_idx %arg13[%broadcast_in_dim3A_522, %add3A_284], %select_n3A_530 masked %lt3A_287 : memref<25x300xf32, #tpu.memory_space<vmem>>[vector<16xi32>, vector<16xi32>], vector<16xf32>, vector<16xi1>
      %broadcast_in_dim3A_531 = arith.constant 0.000000e+00 : f32
      %broadcast_in_dim3A_532 = vector.broadcast %broadcast_in_dim3A_531 : f32 to vector<16xf32>
      %add3A_533 = arith.constant 1.200000e+01 : f32
      %add3A_534 = arith.addf %convert_element_type3A, %add3A_533 : f32
      %add3A_535 = vector.broadcast %add3A_534 : f32 to vector<16xf32>
      %add3A_536 = arith.addf %broadcast_in_dim3A_532, %add3A_535 : vector<16xf32>
      %ge3A_537 = arith.cmpf oge, %add3A_536, %get3A_303 : vector<16xf32>
      %select_n3A_538 = arith.select %ge3A_537, %broadcast_in_dim3A_43, %broadcast_in_dim3A_45 : vector<16xi1>, vector<16xi32>
      %add3A_539 = arith.addi %select_n3A_538, %select_n3A_291 : vector<16xi32>
      %broadcast_in_dim3A_540 = arith.constant 12 : i32
      %broadcast_in_dim3A_541 = vector.broadcast %broadcast_in_dim3A_540 : i32 to vector<16xi32>
      %gather3A_542 = tpu.vector_load_idx %arg11[%add3A_539, %broadcast_in_dim3A_541, %add3A_284] masked %lt3A_287 : memref<4x25x300xf32, #tpu.memory_space<vmem>>[vector<16xi32>, vector<16xi32>, vector<16xi32>], vector<16xf32>, vector<16xi1>
      %ge3A_543 = arith.cmpf oge, %add3A_536, %get3A_299 : vector<16xf32>
      %le3A_544 = arith.cmpf ole, %add3A_536, %get3A_301 : vector<16xf32>
      %and3A_545 = arith.andi %ge3A_543, %le3A_544 : vector<16xi1>
      %and3A_546 = arith.andi %and3A_545, %and3A_297 : vector<16xi1>
      %jit3A_547 = arith.constant 0.000000e+00 : f32
      %broadcast_in_dim3A_548 = vector.broadcast %jit3A_547 : f32 to vector<16xf32>
      %select_n3A_549 = arith.select %and3A_546, %gather3A_542, %broadcast_in_dim3A_548 : vector<16xi1>, vector<16xf32>
      tpu.vector_store_idx %arg13[%broadcast_in_dim3A_541, %add3A_284], %select_n3A_549 masked %lt3A_287 : memref<25x300xf32, #tpu.memory_space<vmem>>[vector<16xi32>, vector<16xi32>], vector<16xf32>, vector<16xi1>
      %broadcast_in_dim3A_550 = arith.constant 0.000000e+00 : f32
      %broadcast_in_dim3A_551 = vector.broadcast %broadcast_in_dim3A_550 : f32 to vector<16xf32>
      %add3A_552 = arith.constant 1.300000e+01 : f32
      %add3A_553 = arith.addf %convert_element_type3A, %add3A_552 : f32
      %add3A_554 = vector.broadcast %add3A_553 : f32 to vector<16xf32>
      %add3A_555 = arith.addf %broadcast_in_dim3A_551, %add3A_554 : vector<16xf32>
      %ge3A_556 = arith.cmpf oge, %add3A_555, %get3A_303 : vector<16xf32>
      %select_n3A_557 = arith.select %ge3A_556, %broadcast_in_dim3A_43, %broadcast_in_dim3A_45 : vector<16xi1>, vector<16xi32>
      %add3A_558 = arith.addi %select_n3A_557, %select_n3A_291 : vector<16xi32>
      %broadcast_in_dim3A_559 = arith.constant 13 : i32
      %broadcast_in_dim3A_560 = vector.broadcast %broadcast_in_dim3A_559 : i32 to vector<16xi32>
      %gather3A_561 = tpu.vector_load_idx %arg11[%add3A_558, %broadcast_in_dim3A_560, %add3A_284] masked %lt3A_287 : memref<4x25x300xf32, #tpu.memory_space<vmem>>[vector<16xi32>, vector<16xi32>, vector<16xi32>], vector<16xf32>, vector<16xi1>
      %ge3A_562 = arith.cmpf oge, %add3A_555, %get3A_299 : vector<16xf32>
      %le3A_563 = arith.cmpf ole, %add3A_555, %get3A_301 : vector<16xf32>
      %and3A_564 = arith.andi %ge3A_562, %le3A_563 : vector<16xi1>
      %and3A_565 = arith.andi %and3A_564, %and3A_297 : vector<16xi1>
      %jit3A_566 = arith.constant 0.000000e+00 : f32
      %broadcast_in_dim3A_567 = vector.broadcast %jit3A_566 : f32 to vector<16xf32>
      %select_n3A_568 = arith.select %and3A_565, %gather3A_561, %broadcast_in_dim3A_567 : vector<16xi1>, vector<16xf32>
      tpu.vector_store_idx %arg13[%broadcast_in_dim3A_560, %add3A_284], %select_n3A_568 masked %lt3A_287 : memref<25x300xf32, #tpu.memory_space<vmem>>[vector<16xi32>, vector<16xi32>], vector<16xf32>, vector<16xi1>
      %broadcast_in_dim3A_569 = arith.constant 0.000000e+00 : f32
      %broadcast_in_dim3A_570 = vector.broadcast %broadcast_in_dim3A_569 : f32 to vector<16xf32>
      %add3A_571 = arith.constant 1.400000e+01 : f32
      %add3A_572 = arith.addf %convert_element_type3A, %add3A_571 : f32
      %add3A_573 = vector.broadcast %add3A_572 : f32 to vector<16xf32>
      %add3A_574 = arith.addf %broadcast_in_dim3A_570, %add3A_573 : vector<16xf32>
      %ge3A_575 = arith.cmpf oge, %add3A_574, %get3A_303 : vector<16xf32>
      %select_n3A_576 = arith.select %ge3A_575, %broadcast_in_dim3A_43, %broadcast_in_dim3A_45 : vector<16xi1>, vector<16xi32>
      %add3A_577 = arith.addi %select_n3A_576, %select_n3A_291 : vector<16xi32>
      %broadcast_in_dim3A_578 = arith.constant 14 : i32
      %broadcast_in_dim3A_579 = vector.broadcast %broadcast_in_dim3A_578 : i32 to vector<16xi32>
      %gather3A_580 = tpu.vector_load_idx %arg11[%add3A_577, %broadcast_in_dim3A_579, %add3A_284] masked %lt3A_287 : memref<4x25x300xf32, #tpu.memory_space<vmem>>[vector<16xi32>, vector<16xi32>, vector<16xi32>], vector<16xf32>, vector<16xi1>
      %ge3A_581 = arith.cmpf oge, %add3A_574, %get3A_299 : vector<16xf32>
      %le3A_582 = arith.cmpf ole, %add3A_574, %get3A_301 : vector<16xf32>
      %and3A_583 = arith.andi %ge3A_581, %le3A_582 : vector<16xi1>
      %and3A_584 = arith.andi %and3A_583, %and3A_297 : vector<16xi1>
      %jit3A_585 = arith.constant 0.000000e+00 : f32
      %broadcast_in_dim3A_586 = vector.broadcast %jit3A_585 : f32 to vector<16xf32>
      %select_n3A_587 = arith.select %and3A_584, %gather3A_580, %broadcast_in_dim3A_586 : vector<16xi1>, vector<16xf32>
      tpu.vector_store_idx %arg13[%broadcast_in_dim3A_579, %add3A_284], %select_n3A_587 masked %lt3A_287 : memref<25x300xf32, #tpu.memory_space<vmem>>[vector<16xi32>, vector<16xi32>], vector<16xf32>, vector<16xi1>
      %broadcast_in_dim3A_588 = arith.constant 0.000000e+00 : f32
      %broadcast_in_dim3A_589 = vector.broadcast %broadcast_in_dim3A_588 : f32 to vector<16xf32>
      %add3A_590 = arith.constant 1.500000e+01 : f32
      %add3A_591 = arith.addf %convert_element_type3A, %add3A_590 : f32
      %add3A_592 = vector.broadcast %add3A_591 : f32 to vector<16xf32>
      %add3A_593 = arith.addf %broadcast_in_dim3A_589, %add3A_592 : vector<16xf32>
      %ge3A_594 = arith.cmpf oge, %add3A_593, %get3A_303 : vector<16xf32>
      %select_n3A_595 = arith.select %ge3A_594, %broadcast_in_dim3A_43, %broadcast_in_dim3A_45 : vector<16xi1>, vector<16xi32>
      %add3A_596 = arith.addi %select_n3A_595, %select_n3A_291 : vector<16xi32>
      %broadcast_in_dim3A_597 = arith.constant 15 : i32
      %broadcast_in_dim3A_598 = vector.broadcast %broadcast_in_dim3A_597 : i32 to vector<16xi32>
      %gather3A_599 = tpu.vector_load_idx %arg11[%add3A_596, %broadcast_in_dim3A_598, %add3A_284] masked %lt3A_287 : memref<4x25x300xf32, #tpu.memory_space<vmem>>[vector<16xi32>, vector<16xi32>, vector<16xi32>], vector<16xf32>, vector<16xi1>
      %ge3A_600 = arith.cmpf oge, %add3A_593, %get3A_299 : vector<16xf32>
      %le3A_601 = arith.cmpf ole, %add3A_593, %get3A_301 : vector<16xf32>
      %and3A_602 = arith.andi %ge3A_600, %le3A_601 : vector<16xi1>
      %and3A_603 = arith.andi %and3A_602, %and3A_297 : vector<16xi1>
      %jit3A_604 = arith.constant 0.000000e+00 : f32
      %broadcast_in_dim3A_605 = vector.broadcast %jit3A_604 : f32 to vector<16xf32>
      %select_n3A_606 = arith.select %and3A_603, %gather3A_599, %broadcast_in_dim3A_605 : vector<16xi1>, vector<16xf32>
      tpu.vector_store_idx %arg13[%broadcast_in_dim3A_598, %add3A_284], %select_n3A_606 masked %lt3A_287 : memref<25x300xf32, #tpu.memory_space<vmem>>[vector<16xi32>, vector<16xi32>], vector<16xf32>, vector<16xi1>
      %broadcast_in_dim3A_607 = arith.constant 0.000000e+00 : f32
      %broadcast_in_dim3A_608 = vector.broadcast %broadcast_in_dim3A_607 : f32 to vector<16xf32>
      %add3A_609 = arith.constant 1.600000e+01 : f32
      %add3A_610 = arith.addf %convert_element_type3A, %add3A_609 : f32
      %add3A_611 = vector.broadcast %add3A_610 : f32 to vector<16xf32>
      %add3A_612 = arith.addf %broadcast_in_dim3A_608, %add3A_611 : vector<16xf32>
      %ge3A_613 = arith.cmpf oge, %add3A_612, %get3A_303 : vector<16xf32>
      %select_n3A_614 = arith.select %ge3A_613, %broadcast_in_dim3A_43, %broadcast_in_dim3A_45 : vector<16xi1>, vector<16xi32>
      %add3A_615 = arith.addi %select_n3A_614, %select_n3A_291 : vector<16xi32>
      %broadcast_in_dim3A_616 = arith.constant 16 : i32
      %broadcast_in_dim3A_617 = vector.broadcast %broadcast_in_dim3A_616 : i32 to vector<16xi32>
      %gather3A_618 = tpu.vector_load_idx %arg11[%add3A_615, %broadcast_in_dim3A_617, %add3A_284] masked %lt3A_287 : memref<4x25x300xf32, #tpu.memory_space<vmem>>[vector<16xi32>, vector<16xi32>, vector<16xi32>], vector<16xf32>, vector<16xi1>
      %ge3A_619 = arith.cmpf oge, %add3A_612, %get3A_299 : vector<16xf32>
      %le3A_620 = arith.cmpf ole, %add3A_612, %get3A_301 : vector<16xf32>
      %and3A_621 = arith.andi %ge3A_619, %le3A_620 : vector<16xi1>
      %and3A_622 = arith.andi %and3A_621, %and3A_297 : vector<16xi1>
      %jit3A_623 = arith.constant 0.000000e+00 : f32
      %broadcast_in_dim3A_624 = vector.broadcast %jit3A_623 : f32 to vector<16xf32>
      %select_n3A_625 = arith.select %and3A_622, %gather3A_618, %broadcast_in_dim3A_624 : vector<16xi1>, vector<16xf32>
      tpu.vector_store_idx %arg13[%broadcast_in_dim3A_617, %add3A_284], %select_n3A_625 masked %lt3A_287 : memref<25x300xf32, #tpu.memory_space<vmem>>[vector<16xi32>, vector<16xi32>], vector<16xf32>, vector<16xi1>
      %broadcast_in_dim3A_626 = arith.constant 0.000000e+00 : f32
      %broadcast_in_dim3A_627 = vector.broadcast %broadcast_in_dim3A_626 : f32 to vector<16xf32>
      %add3A_628 = arith.constant 1.700000e+01 : f32
      %add3A_629 = arith.addf %convert_element_type3A, %add3A_628 : f32
      %add3A_630 = vector.broadcast %add3A_629 : f32 to vector<16xf32>
      %add3A_631 = arith.addf %broadcast_in_dim3A_627, %add3A_630 : vector<16xf32>
      %ge3A_632 = arith.cmpf oge, %add3A_631, %get3A_303 : vector<16xf32>
      %select_n3A_633 = arith.select %ge3A_632, %broadcast_in_dim3A_43, %broadcast_in_dim3A_45 : vector<16xi1>, vector<16xi32>
      %add3A_634 = arith.addi %select_n3A_633, %select_n3A_291 : vector<16xi32>
      %broadcast_in_dim3A_635 = arith.constant 17 : i32
      %broadcast_in_dim3A_636 = vector.broadcast %broadcast_in_dim3A_635 : i32 to vector<16xi32>
      %gather3A_637 = tpu.vector_load_idx %arg11[%add3A_634, %broadcast_in_dim3A_636, %add3A_284] masked %lt3A_287 : memref<4x25x300xf32, #tpu.memory_space<vmem>>[vector<16xi32>, vector<16xi32>, vector<16xi32>], vector<16xf32>, vector<16xi1>
      %ge3A_638 = arith.cmpf oge, %add3A_631, %get3A_299 : vector<16xf32>
      %le3A_639 = arith.cmpf ole, %add3A_631, %get3A_301 : vector<16xf32>
      %and3A_640 = arith.andi %ge3A_638, %le3A_639 : vector<16xi1>
      %and3A_641 = arith.andi %and3A_640, %and3A_297 : vector<16xi1>
      %jit3A_642 = arith.constant 0.000000e+00 : f32
      %broadcast_in_dim3A_643 = vector.broadcast %jit3A_642 : f32 to vector<16xf32>
      %select_n3A_644 = arith.select %and3A_641, %gather3A_637, %broadcast_in_dim3A_643 : vector<16xi1>, vector<16xf32>
      tpu.vector_store_idx %arg13[%broadcast_in_dim3A_636, %add3A_284], %select_n3A_644 masked %lt3A_287 : memref<25x300xf32, #tpu.memory_space<vmem>>[vector<16xi32>, vector<16xi32>], vector<16xf32>, vector<16xi1>
      %broadcast_in_dim3A_645 = arith.constant 0.000000e+00 : f32
      %broadcast_in_dim3A_646 = vector.broadcast %broadcast_in_dim3A_645 : f32 to vector<16xf32>
      %add3A_647 = arith.constant 1.800000e+01 : f32
      %add3A_648 = arith.addf %convert_element_type3A, %add3A_647 : f32
      %add3A_649 = vector.broadcast %add3A_648 : f32 to vector<16xf32>
      %add3A_650 = arith.addf %broadcast_in_dim3A_646, %add3A_649 : vector<16xf32>
      %ge3A_651 = arith.cmpf oge, %add3A_650, %get3A_303 : vector<16xf32>
      %select_n3A_652 = arith.select %ge3A_651, %broadcast_in_dim3A_43, %broadcast_in_dim3A_45 : vector<16xi1>, vector<16xi32>
      %add3A_653 = arith.addi %select_n3A_652, %select_n3A_291 : vector<16xi32>
      %broadcast_in_dim3A_654 = arith.constant 18 : i32
      %broadcast_in_dim3A_655 = vector.broadcast %broadcast_in_dim3A_654 : i32 to vector<16xi32>
      %gather3A_656 = tpu.vector_load_idx %arg11[%add3A_653, %broadcast_in_dim3A_655, %add3A_284] masked %lt3A_287 : memref<4x25x300xf32, #tpu.memory_space<vmem>>[vector<16xi32>, vector<16xi32>, vector<16xi32>], vector<16xf32>, vector<16xi1>
      %ge3A_657 = arith.cmpf oge, %add3A_650, %get3A_299 : vector<16xf32>
      %le3A_658 = arith.cmpf ole, %add3A_650, %get3A_301 : vector<16xf32>
      %and3A_659 = arith.andi %ge3A_657, %le3A_658 : vector<16xi1>
      %and3A_660 = arith.andi %and3A_659, %and3A_297 : vector<16xi1>
      %jit3A_661 = arith.constant 0.000000e+00 : f32
      %broadcast_in_dim3A_662 = vector.broadcast %jit3A_661 : f32 to vector<16xf32>
      %select_n3A_663 = arith.select %and3A_660, %gather3A_656, %broadcast_in_dim3A_662 : vector<16xi1>, vector<16xf32>
      tpu.vector_store_idx %arg13[%broadcast_in_dim3A_655, %add3A_284], %select_n3A_663 masked %lt3A_287 : memref<25x300xf32, #tpu.memory_space<vmem>>[vector<16xi32>, vector<16xi32>], vector<16xf32>, vector<16xi1>
      %broadcast_in_dim3A_664 = arith.constant 0.000000e+00 : f32
      %broadcast_in_dim3A_665 = vector.broadcast %broadcast_in_dim3A_664 : f32 to vector<16xf32>
      %add3A_666 = arith.constant 1.900000e+01 : f32
      %add3A_667 = arith.addf %convert_element_type3A, %add3A_666 : f32
      %add3A_668 = vector.broadcast %add3A_667 : f32 to vector<16xf32>
      %add3A_669 = arith.addf %broadcast_in_dim3A_665, %add3A_668 : vector<16xf32>
      %ge3A_670 = arith.cmpf oge, %add3A_669, %get3A_303 : vector<16xf32>
      %select_n3A_671 = arith.select %ge3A_670, %broadcast_in_dim3A_43, %broadcast_in_dim3A_45 : vector<16xi1>, vector<16xi32>
      %add3A_672 = arith.addi %select_n3A_671, %select_n3A_291 : vector<16xi32>
      %broadcast_in_dim3A_673 = arith.constant 19 : i32
      %broadcast_in_dim3A_674 = vector.broadcast %broadcast_in_dim3A_673 : i32 to vector<16xi32>
      %gather3A_675 = tpu.vector_load_idx %arg11[%add3A_672, %broadcast_in_dim3A_674, %add3A_284] masked %lt3A_287 : memref<4x25x300xf32, #tpu.memory_space<vmem>>[vector<16xi32>, vector<16xi32>, vector<16xi32>], vector<16xf32>, vector<16xi1>
      %ge3A_676 = arith.cmpf oge, %add3A_669, %get3A_299 : vector<16xf32>
      %le3A_677 = arith.cmpf ole, %add3A_669, %get3A_301 : vector<16xf32>
      %and3A_678 = arith.andi %ge3A_676, %le3A_677 : vector<16xi1>
      %and3A_679 = arith.andi %and3A_678, %and3A_297 : vector<16xi1>
      %jit3A_680 = arith.constant 0.000000e+00 : f32
      %broadcast_in_dim3A_681 = vector.broadcast %jit3A_680 : f32 to vector<16xf32>
      %select_n3A_682 = arith.select %and3A_679, %gather3A_675, %broadcast_in_dim3A_681 : vector<16xi1>, vector<16xf32>
      tpu.vector_store_idx %arg13[%broadcast_in_dim3A_674, %add3A_284], %select_n3A_682 masked %lt3A_287 : memref<25x300xf32, #tpu.memory_space<vmem>>[vector<16xi32>, vector<16xi32>], vector<16xf32>, vector<16xi1>
      %broadcast_in_dim3A_683 = arith.constant 0.000000e+00 : f32
      %broadcast_in_dim3A_684 = vector.broadcast %broadcast_in_dim3A_683 : f32 to vector<16xf32>
      %add3A_685 = arith.constant 2.000000e+01 : f32
      %add3A_686 = arith.addf %convert_element_type3A, %add3A_685 : f32
      %add3A_687 = vector.broadcast %add3A_686 : f32 to vector<16xf32>
      %add3A_688 = arith.addf %broadcast_in_dim3A_684, %add3A_687 : vector<16xf32>
      %ge3A_689 = arith.cmpf oge, %add3A_688, %get3A_303 : vector<16xf32>
      %select_n3A_690 = arith.select %ge3A_689, %broadcast_in_dim3A_43, %broadcast_in_dim3A_45 : vector<16xi1>, vector<16xi32>
      %add3A_691 = arith.addi %select_n3A_690, %select_n3A_291 : vector<16xi32>
      %broadcast_in_dim3A_692 = arith.constant 20 : i32
      %broadcast_in_dim3A_693 = vector.broadcast %broadcast_in_dim3A_692 : i32 to vector<16xi32>
      %gather3A_694 = tpu.vector_load_idx %arg11[%add3A_691, %broadcast_in_dim3A_693, %add3A_284] masked %lt3A_287 : memref<4x25x300xf32, #tpu.memory_space<vmem>>[vector<16xi32>, vector<16xi32>, vector<16xi32>], vector<16xf32>, vector<16xi1>
      %ge3A_695 = arith.cmpf oge, %add3A_688, %get3A_299 : vector<16xf32>
      %le3A_696 = arith.cmpf ole, %add3A_688, %get3A_301 : vector<16xf32>
      %and3A_697 = arith.andi %ge3A_695, %le3A_696 : vector<16xi1>
      %and3A_698 = arith.andi %and3A_697, %and3A_297 : vector<16xi1>
      %jit3A_699 = arith.constant 0.000000e+00 : f32
      %broadcast_in_dim3A_700 = vector.broadcast %jit3A_699 : f32 to vector<16xf32>
      %select_n3A_701 = arith.select %and3A_698, %gather3A_694, %broadcast_in_dim3A_700 : vector<16xi1>, vector<16xf32>
      tpu.vector_store_idx %arg13[%broadcast_in_dim3A_693, %add3A_284], %select_n3A_701 masked %lt3A_287 : memref<25x300xf32, #tpu.memory_space<vmem>>[vector<16xi32>, vector<16xi32>], vector<16xf32>, vector<16xi1>
      %broadcast_in_dim3A_702 = arith.constant 0.000000e+00 : f32
      %broadcast_in_dim3A_703 = vector.broadcast %broadcast_in_dim3A_702 : f32 to vector<16xf32>
      %add3A_704 = arith.constant 2.100000e+01 : f32
      %add3A_705 = arith.addf %convert_element_type3A, %add3A_704 : f32
      %add3A_706 = vector.broadcast %add3A_705 : f32 to vector<16xf32>
      %add3A_707 = arith.addf %broadcast_in_dim3A_703, %add3A_706 : vector<16xf32>
      %ge3A_708 = arith.cmpf oge, %add3A_707, %get3A_303 : vector<16xf32>
      %select_n3A_709 = arith.select %ge3A_708, %broadcast_in_dim3A_43, %broadcast_in_dim3A_45 : vector<16xi1>, vector<16xi32>
      %add3A_710 = arith.addi %select_n3A_709, %select_n3A_291 : vector<16xi32>
      %broadcast_in_dim3A_711 = arith.constant 21 : i32
      %broadcast_in_dim3A_712 = vector.broadcast %broadcast_in_dim3A_711 : i32 to vector<16xi32>
      %gather3A_713 = tpu.vector_load_idx %arg11[%add3A_710, %broadcast_in_dim3A_712, %add3A_284] masked %lt3A_287 : memref<4x25x300xf32, #tpu.memory_space<vmem>>[vector<16xi32>, vector<16xi32>, vector<16xi32>], vector<16xf32>, vector<16xi1>
      %ge3A_714 = arith.cmpf oge, %add3A_707, %get3A_299 : vector<16xf32>
      %le3A_715 = arith.cmpf ole, %add3A_707, %get3A_301 : vector<16xf32>
      %and3A_716 = arith.andi %ge3A_714, %le3A_715 : vector<16xi1>
      %and3A_717 = arith.andi %and3A_716, %and3A_297 : vector<16xi1>
      %jit3A_718 = arith.constant 0.000000e+00 : f32
      %broadcast_in_dim3A_719 = vector.broadcast %jit3A_718 : f32 to vector<16xf32>
      %select_n3A_720 = arith.select %and3A_717, %gather3A_713, %broadcast_in_dim3A_719 : vector<16xi1>, vector<16xf32>
      tpu.vector_store_idx %arg13[%broadcast_in_dim3A_712, %add3A_284], %select_n3A_720 masked %lt3A_287 : memref<25x300xf32, #tpu.memory_space<vmem>>[vector<16xi32>, vector<16xi32>], vector<16xf32>, vector<16xi1>
      %broadcast_in_dim3A_721 = arith.constant 0.000000e+00 : f32
      %broadcast_in_dim3A_722 = vector.broadcast %broadcast_in_dim3A_721 : f32 to vector<16xf32>
      %add3A_723 = arith.constant 2.200000e+01 : f32
      %add3A_724 = arith.addf %convert_element_type3A, %add3A_723 : f32
      %add3A_725 = vector.broadcast %add3A_724 : f32 to vector<16xf32>
      %add3A_726 = arith.addf %broadcast_in_dim3A_722, %add3A_725 : vector<16xf32>
      %ge3A_727 = arith.cmpf oge, %add3A_726, %get3A_303 : vector<16xf32>
      %select_n3A_728 = arith.select %ge3A_727, %broadcast_in_dim3A_43, %broadcast_in_dim3A_45 : vector<16xi1>, vector<16xi32>
      %add3A_729 = arith.addi %select_n3A_728, %select_n3A_291 : vector<16xi32>
      %broadcast_in_dim3A_730 = arith.constant 22 : i32
      %broadcast_in_dim3A_731 = vector.broadcast %broadcast_in_dim3A_730 : i32 to vector<16xi32>
      %gather3A_732 = tpu.vector_load_idx %arg11[%add3A_729, %broadcast_in_dim3A_731, %add3A_284] masked %lt3A_287 : memref<4x25x300xf32, #tpu.memory_space<vmem>>[vector<16xi32>, vector<16xi32>, vector<16xi32>], vector<16xf32>, vector<16xi1>
      %ge3A_733 = arith.cmpf oge, %add3A_726, %get3A_299 : vector<16xf32>
      %le3A_734 = arith.cmpf ole, %add3A_726, %get3A_301 : vector<16xf32>
      %and3A_735 = arith.andi %ge3A_733, %le3A_734 : vector<16xi1>
      %and3A_736 = arith.andi %and3A_735, %and3A_297 : vector<16xi1>
      %jit3A_737 = arith.constant 0.000000e+00 : f32
      %broadcast_in_dim3A_738 = vector.broadcast %jit3A_737 : f32 to vector<16xf32>
      %select_n3A_739 = arith.select %and3A_736, %gather3A_732, %broadcast_in_dim3A_738 : vector<16xi1>, vector<16xf32>
      tpu.vector_store_idx %arg13[%broadcast_in_dim3A_731, %add3A_284], %select_n3A_739 masked %lt3A_287 : memref<25x300xf32, #tpu.memory_space<vmem>>[vector<16xi32>, vector<16xi32>], vector<16xf32>, vector<16xi1>
      %broadcast_in_dim3A_740 = arith.constant 0.000000e+00 : f32
      %broadcast_in_dim3A_741 = vector.broadcast %broadcast_in_dim3A_740 : f32 to vector<16xf32>
      %add3A_742 = arith.constant 2.300000e+01 : f32
      %add3A_743 = arith.addf %convert_element_type3A, %add3A_742 : f32
      %add3A_744 = vector.broadcast %add3A_743 : f32 to vector<16xf32>
      %add3A_745 = arith.addf %broadcast_in_dim3A_741, %add3A_744 : vector<16xf32>
      %ge3A_746 = arith.cmpf oge, %add3A_745, %get3A_303 : vector<16xf32>
      %select_n3A_747 = arith.select %ge3A_746, %broadcast_in_dim3A_43, %broadcast_in_dim3A_45 : vector<16xi1>, vector<16xi32>
      %add3A_748 = arith.addi %select_n3A_747, %select_n3A_291 : vector<16xi32>
      %broadcast_in_dim3A_749 = arith.constant 23 : i32
      %broadcast_in_dim3A_750 = vector.broadcast %broadcast_in_dim3A_749 : i32 to vector<16xi32>
      %gather3A_751 = tpu.vector_load_idx %arg11[%add3A_748, %broadcast_in_dim3A_750, %add3A_284] masked %lt3A_287 : memref<4x25x300xf32, #tpu.memory_space<vmem>>[vector<16xi32>, vector<16xi32>, vector<16xi32>], vector<16xf32>, vector<16xi1>
      %ge3A_752 = arith.cmpf oge, %add3A_745, %get3A_299 : vector<16xf32>
      %le3A_753 = arith.cmpf ole, %add3A_745, %get3A_301 : vector<16xf32>
      %and3A_754 = arith.andi %ge3A_752, %le3A_753 : vector<16xi1>
      %and3A_755 = arith.andi %and3A_754, %and3A_297 : vector<16xi1>
      %jit3A_756 = arith.constant 0.000000e+00 : f32
      %broadcast_in_dim3A_757 = vector.broadcast %jit3A_756 : f32 to vector<16xf32>
      %select_n3A_758 = arith.select %and3A_755, %gather3A_751, %broadcast_in_dim3A_757 : vector<16xi1>, vector<16xf32>
      tpu.vector_store_idx %arg13[%broadcast_in_dim3A_750, %add3A_284], %select_n3A_758 masked %lt3A_287 : memref<25x300xf32, #tpu.memory_space<vmem>>[vector<16xi32>, vector<16xi32>], vector<16xf32>, vector<16xi1>
      %broadcast_in_dim3A_759 = arith.constant 0.000000e+00 : f32
      %broadcast_in_dim3A_760 = vector.broadcast %broadcast_in_dim3A_759 : f32 to vector<16xf32>
      %add3A_761 = arith.constant 2.400000e+01 : f32
      %add3A_762 = arith.addf %convert_element_type3A, %add3A_761 : f32
      %add3A_763 = vector.broadcast %add3A_762 : f32 to vector<16xf32>
      %add3A_764 = arith.addf %broadcast_in_dim3A_760, %add3A_763 : vector<16xf32>
      %ge3A_765 = arith.cmpf oge, %add3A_764, %get3A_303 : vector<16xf32>
      %select_n3A_766 = arith.select %ge3A_765, %broadcast_in_dim3A_43, %broadcast_in_dim3A_45 : vector<16xi1>, vector<16xi32>
      %add3A_767 = arith.addi %select_n3A_766, %select_n3A_291 : vector<16xi32>
      %broadcast_in_dim3A_768 = arith.constant 24 : i32
      %broadcast_in_dim3A_769 = vector.broadcast %broadcast_in_dim3A_768 : i32 to vector<16xi32>
      %gather3A_770 = tpu.vector_load_idx %arg11[%add3A_767, %broadcast_in_dim3A_769, %add3A_284] masked %lt3A_287 : memref<4x25x300xf32, #tpu.memory_space<vmem>>[vector<16xi32>, vector<16xi32>, vector<16xi32>], vector<16xf32>, vector<16xi1>
      %ge3A_771 = arith.cmpf oge, %add3A_764, %get3A_299 : vector<16xf32>
      %le3A_772 = arith.cmpf ole, %add3A_764, %get3A_301 : vector<16xf32>
      %and3A_773 = arith.andi %ge3A_771, %le3A_772 : vector<16xi1>
      %and3A_774 = arith.andi %and3A_773, %and3A_297 : vector<16xi1>
      %jit3A_775 = arith.constant 0.000000e+00 : f32
      %broadcast_in_dim3A_776 = vector.broadcast %jit3A_775 : f32 to vector<16xf32>
      %select_n3A_777 = arith.select %and3A_774, %gather3A_770, %broadcast_in_dim3A_776 : vector<16xi1>, vector<16xf32>
      tpu.vector_store_idx %arg13[%broadcast_in_dim3A_769, %add3A_284], %select_n3A_777 masked %lt3A_287 : memref<25x300xf32, #tpu.memory_space<vmem>>[vector<16xi32>, vector<16xi32>], vector<16xf32>, vector<16xi1>
      %dma_start3A_778 = arith.constant 0 : i32
      %dma_start3A_779 = tpu.memref_slice %arg4[%add3A_137, %mul3A_11, %dma_start3A_778] : memref<200x200x300xf32, #tpu.memory_space<hbm>> -> memref<1x25x300xf32, #tpu.memory_space<hbm>>
      %dma_start3A_780 = tpu.memref_squeeze %dma_start3A_779 : memref<1x25x300xf32, #tpu.memory_space<hbm>> -> memref<25x300xf32, #tpu.memory_space<hbm>>
      %dma_start3A_781 = arith.constant 0 : i32
      %dma_start3A_782 = tpu.memref_slice %arg4[%add3A_137, %mul3A_11, %dma_start3A_781] : memref<200x200x300xf32, #tpu.memory_space<hbm>> -> memref<1x25x300xf32, #tpu.memory_space<hbm>>
      %dma_start3A_783 = tpu.memref_squeeze %dma_start3A_782 : memref<1x25x300xf32, #tpu.memory_space<hbm>> -> memref<25x300xf32, #tpu.memory_space<hbm>>
      tpu.enqueue_dma source(%arg13 : memref<25x300xf32, #tpu.memory_space<vmem>>) target(%dma_start3A_783 : memref<25x300xf32, #tpu.memory_space<hbm>>) target_semaphore(%arg17 : memref<!tpu.dma_semaphore, #tpu.memory_space<semaphore_mem>>)
      %lt3A_784 = arith.constant 24 : i32
      %lt3A_785 = arith.cmpi slt, %scan3A_134, %lt3A_784 : i32
      %convert_element_type3A_786 = arith.extui %lt3A_785 : i1 to i32
      %cond3A_787 = arith.constant 0 : i32
      %cond3A_788 = arith.cmpi ne, %convert_element_type3A_786, %cond3A_787 : i32
      scf.if %cond3A_788 {
        %add3A_1375 = arith.constant 2 : i32
        %add3A_1376 = arith.addi %add3A_137, %add3A_1375 : i32
        %dma_start3A_1377 = arith.constant 0 : i32
        %dma_start3A_1378 = arith.constant 0 : i32
        %dma_start3A_1379 = arith.constant 0 : i32
        %dma_start3A_1380 = arith.constant 0 : i32
        %dma_start3A_1381 = tpu.memref_slice %arg11[%dma_start3A_1378, %dma_start3A_1379, %dma_start3A_1380] : memref<4x25x300xf32, #tpu.memory_space<vmem>> -> memref<1x25x300xf32, #tpu.memory_space<vmem>>
        %dma_start3A_1382 = tpu.memref_squeeze %dma_start3A_1381 : memref<1x25x300xf32, #tpu.memory_space<vmem>> -> memref<25x300xf32, #tpu.memory_space<vmem>>
        %dma_start3A_1383 = arith.constant 0 : i32
        %dma_start3A_1384 = tpu.memref_slice %arg3[%dma_start3A_1377, %add3A_1376, %mul3A_11, %dma_start3A_1383] : memref<4x200x200x300xf32, #tpu.memory_space<hbm>> -> memref<1x1x25x300xf32, #tpu.memory_space<hbm>>
        %dma_start3A_1385 = tpu.memref_squeeze %dma_start3A_1384 : memref<1x1x25x300xf32, #tpu.memory_space<hbm>> -> memref<25x300xf32, #tpu.memory_space<hbm>>
        %dma_start3A_1386 = arith.constant 0 : i32
        %dma_start3A_1387 = arith.constant 0 : i32
        %dma_start3A_1388 = tpu.memref_slice %arg11[%dma_start3A_1378, %dma_start3A_1386, %dma_start3A_1387] : memref<4x25x300xf32, #tpu.memory_space<vmem>> -> memref<1x25x300xf32, #tpu.memory_space<vmem>>
        %dma_start3A_1389 = tpu.memref_squeeze %dma_start3A_1388 : memref<1x25x300xf32, #tpu.memory_space<vmem>> -> memref<25x300xf32, #tpu.memory_space<vmem>>
        %dma_start3A_1390 = arith.constant 0 : i32
        %dma_start3A_1391 = tpu.memref_slice %arg3[%dma_start3A_1377, %add3A_1376, %mul3A_11, %dma_start3A_1390] : memref<4x200x200x300xf32, #tpu.memory_space<hbm>> -> memref<1x1x25x300xf32, #tpu.memory_space<hbm>>
        %dma_start3A_1392 = tpu.memref_squeeze %dma_start3A_1391 : memref<1x1x25x300xf32, #tpu.memory_space<hbm>> -> memref<25x300xf32, #tpu.memory_space<hbm>>
        tpu.enqueue_dma source(%dma_start3A_1392 : memref<25x300xf32, #tpu.memory_space<hbm>>) target(%dma_start3A_1389 : memref<25x300xf32, #tpu.memory_space<vmem>>) target_semaphore(%arg15 : memref<!tpu.dma_semaphore, #tpu.memory_space<semaphore_mem>>)
        %dma_start3A_1393 = arith.constant 1 : i32
        %dma_start3A_1394 = arith.constant 1 : i32
        %dma_start3A_1395 = arith.constant 0 : i32
        %dma_start3A_1396 = arith.constant 0 : i32
        %dma_start3A_1397 = tpu.memref_slice %arg11[%dma_start3A_1394, %dma_start3A_1395, %dma_start3A_1396] : memref<4x25x300xf32, #tpu.memory_space<vmem>> -> memref<1x25x300xf32, #tpu.memory_space<vmem>>
        %dma_start3A_1398 = tpu.memref_squeeze %dma_start3A_1397 : memref<1x25x300xf32, #tpu.memory_space<vmem>> -> memref<25x300xf32, #tpu.memory_space<vmem>>
        %dma_start3A_1399 = arith.constant 0 : i32
        %dma_start3A_1400 = tpu.memref_slice %arg3[%dma_start3A_1393, %add3A_1376, %mul3A_11, %dma_start3A_1399] : memref<4x200x200x300xf32, #tpu.memory_space<hbm>> -> memref<1x1x25x300xf32, #tpu.memory_space<hbm>>
        %dma_start3A_1401 = tpu.memref_squeeze %dma_start3A_1400 : memref<1x1x25x300xf32, #tpu.memory_space<hbm>> -> memref<25x300xf32, #tpu.memory_space<hbm>>
        %dma_start3A_1402 = arith.constant 0 : i32
        %dma_start3A_1403 = arith.constant 0 : i32
        %dma_start3A_1404 = tpu.memref_slice %arg11[%dma_start3A_1394, %dma_start3A_1402, %dma_start3A_1403] : memref<4x25x300xf32, #tpu.memory_space<vmem>> -> memref<1x25x300xf32, #tpu.memory_space<vmem>>
        %dma_start3A_1405 = tpu.memref_squeeze %dma_start3A_1404 : memref<1x25x300xf32, #tpu.memory_space<vmem>> -> memref<25x300xf32, #tpu.memory_space<vmem>>
        %dma_start3A_1406 = arith.constant 0 : i32
        %dma_start3A_1407 = tpu.memref_slice %arg3[%dma_start3A_1393, %add3A_1376, %mul3A_11, %dma_start3A_1406] : memref<4x200x200x300xf32, #tpu.memory_space<hbm>> -> memref<1x1x25x300xf32, #tpu.memory_space<hbm>>
        %dma_start3A_1408 = tpu.memref_squeeze %dma_start3A_1407 : memref<1x1x25x300xf32, #tpu.memory_space<hbm>> -> memref<25x300xf32, #tpu.memory_space<hbm>>
        tpu.enqueue_dma source(%dma_start3A_1408 : memref<25x300xf32, #tpu.memory_space<hbm>>) target(%dma_start3A_1405 : memref<25x300xf32, #tpu.memory_space<vmem>>) target_semaphore(%arg15 : memref<!tpu.dma_semaphore, #tpu.memory_space<semaphore_mem>>)
        %dma_start3A_1409 = arith.constant 2 : i32
        %dma_start3A_1410 = arith.constant 2 : i32
        %dma_start3A_1411 = arith.constant 0 : i32
        %dma_start3A_1412 = arith.constant 0 : i32
        %dma_start3A_1413 = tpu.memref_slice %arg11[%dma_start3A_1410, %dma_start3A_1411, %dma_start3A_1412] : memref<4x25x300xf32, #tpu.memory_space<vmem>> -> memref<1x25x300xf32, #tpu.memory_space<vmem>>
        %dma_start3A_1414 = tpu.memref_squeeze %dma_start3A_1413 : memref<1x25x300xf32, #tpu.memory_space<vmem>> -> memref<25x300xf32, #tpu.memory_space<vmem>>
        %dma_start3A_1415 = arith.constant 0 : i32
        %dma_start3A_1416 = tpu.memref_slice %arg3[%dma_start3A_1409, %add3A_1376, %mul3A_11, %dma_start3A_1415] : memref<4x200x200x300xf32, #tpu.memory_space<hbm>> -> memref<1x1x25x300xf32, #tpu.memory_space<hbm>>
        %dma_start3A_1417 = tpu.memref_squeeze %dma_start3A_1416 : memref<1x1x25x300xf32, #tpu.memory_space<hbm>> -> memref<25x300xf32, #tpu.memory_space<hbm>>
        %dma_start3A_1418 = arith.constant 0 : i32
        %dma_start3A_1419 = arith.constant 0 : i32
        %dma_start3A_1420 = tpu.memref_slice %arg11[%dma_start3A_1410, %dma_start3A_1418, %dma_start3A_1419] : memref<4x25x300xf32, #tpu.memory_space<vmem>> -> memref<1x25x300xf32, #tpu.memory_space<vmem>>
        %dma_start3A_1421 = tpu.memref_squeeze %dma_start3A_1420 : memref<1x25x300xf32, #tpu.memory_space<vmem>> -> memref<25x300xf32, #tpu.memory_space<vmem>>
        %dma_start3A_1422 = arith.constant 0 : i32
        %dma_start3A_1423 = tpu.memref_slice %arg3[%dma_start3A_1409, %add3A_1376, %mul3A_11, %dma_start3A_1422] : memref<4x200x200x300xf32, #tpu.memory_space<hbm>> -> memref<1x1x25x300xf32, #tpu.memory_space<hbm>>
        %dma_start3A_1424 = tpu.memref_squeeze %dma_start3A_1423 : memref<1x1x25x300xf32, #tpu.memory_space<hbm>> -> memref<25x300xf32, #tpu.memory_space<hbm>>
        tpu.enqueue_dma source(%dma_start3A_1424 : memref<25x300xf32, #tpu.memory_space<hbm>>) target(%dma_start3A_1421 : memref<25x300xf32, #tpu.memory_space<vmem>>) target_semaphore(%arg15 : memref<!tpu.dma_semaphore, #tpu.memory_space<semaphore_mem>>)
        %dma_start3A_1425 = arith.constant 3 : i32
        %dma_start3A_1426 = arith.constant 3 : i32
        %dma_start3A_1427 = arith.constant 0 : i32
        %dma_start3A_1428 = arith.constant 0 : i32
        %dma_start3A_1429 = tpu.memref_slice %arg11[%dma_start3A_1426, %dma_start3A_1427, %dma_start3A_1428] : memref<4x25x300xf32, #tpu.memory_space<vmem>> -> memref<1x25x300xf32, #tpu.memory_space<vmem>>
        %dma_start3A_1430 = tpu.memref_squeeze %dma_start3A_1429 : memref<1x25x300xf32, #tpu.memory_space<vmem>> -> memref<25x300xf32, #tpu.memory_space<vmem>>
        %dma_start3A_1431 = arith.constant 0 : i32
        %dma_start3A_1432 = tpu.memref_slice %arg3[%dma_start3A_1425, %add3A_1376, %mul3A_11, %dma_start3A_1431] : memref<4x200x200x300xf32, #tpu.memory_space<hbm>> -> memref<1x1x25x300xf32, #tpu.memory_space<hbm>>
        %dma_start3A_1433 = tpu.memref_squeeze %dma_start3A_1432 : memref<1x1x25x300xf32, #tpu.memory_space<hbm>> -> memref<25x300xf32, #tpu.memory_space<hbm>>
        %dma_start3A_1434 = arith.constant 0 : i32
        %dma_start3A_1435 = arith.constant 0 : i32
        %dma_start3A_1436 = tpu.memref_slice %arg11[%dma_start3A_1426, %dma_start3A_1434, %dma_start3A_1435] : memref<4x25x300xf32, #tpu.memory_space<vmem>> -> memref<1x25x300xf32, #tpu.memory_space<vmem>>
        %dma_start3A_1437 = tpu.memref_squeeze %dma_start3A_1436 : memref<1x25x300xf32, #tpu.memory_space<vmem>> -> memref<25x300xf32, #tpu.memory_space<vmem>>
        %dma_start3A_1438 = arith.constant 0 : i32
        %dma_start3A_1439 = tpu.memref_slice %arg3[%dma_start3A_1425, %add3A_1376, %mul3A_11, %dma_start3A_1438] : memref<4x200x200x300xf32, #tpu.memory_space<hbm>> -> memref<1x1x25x300xf32, #tpu.memory_space<hbm>>
        %dma_start3A_1440 = tpu.memref_squeeze %dma_start3A_1439 : memref<1x1x25x300xf32, #tpu.memory_space<hbm>> -> memref<25x300xf32, #tpu.memory_space<hbm>>
        tpu.enqueue_dma source(%dma_start3A_1440 : memref<25x300xf32, #tpu.memory_space<hbm>>) target(%dma_start3A_1437 : memref<25x300xf32, #tpu.memory_space<vmem>>) target_semaphore(%arg15 : memref<!tpu.dma_semaphore, #tpu.memory_space<semaphore_mem>>)
      } else {
      }
      %dma_wait3A_789 = arith.constant 0 : i32
      %dma_wait3A_790 = arith.constant 0 : i32
      %dma_wait3A_791 = arith.constant 0 : i32
      %dma_wait3A_792 = arith.constant 0 : i32
      %dma_wait3A_793 = tpu.memref_slice %arg12[%dma_wait3A_790, %dma_wait3A_791, %dma_wait3A_792] : memref<4x25x300xf32, #tpu.memory_space<vmem>> -> memref<1x25x300xf32, #tpu.memory_space<vmem>>
      %dma_wait3A_794 = tpu.memref_squeeze %dma_wait3A_793 : memref<1x25x300xf32, #tpu.memory_space<vmem>> -> memref<25x300xf32, #tpu.memory_space<vmem>>
      %dma_wait3A_795 = arith.constant 0 : i32
      %dma_wait3A_796 = tpu.memref_slice %arg3[%dma_wait3A_789, %add3A_139, %mul3A_11, %dma_wait3A_795] : memref<4x200x200x300xf32, #tpu.memory_space<hbm>> -> memref<1x1x25x300xf32, #tpu.memory_space<hbm>>
      %dma_wait3A_797 = tpu.memref_squeeze %dma_wait3A_796 : memref<1x1x25x300xf32, #tpu.memory_space<hbm>> -> memref<25x300xf32, #tpu.memory_space<hbm>>
      %dma_wait3A_798 = arith.constant 0 : i32
      %dma_wait3A_799 = arith.constant 0 : i32
      %dma_wait3A_800 = tpu.memref_slice %arg12[%dma_wait3A_790, %dma_wait3A_798, %dma_wait3A_799] : memref<4x25x300xf32, #tpu.memory_space<vmem>> -> memref<1x25x300xf32, #tpu.memory_space<vmem>>
      %dma_wait3A_801 = tpu.memref_squeeze %dma_wait3A_800 : memref<1x25x300xf32, #tpu.memory_space<vmem>> -> memref<25x300xf32, #tpu.memory_space<vmem>>
      %dma_wait3A_802 = arith.constant 0 : i32
      %dma_wait3A_803 = tpu.memref_slice %arg3[%dma_wait3A_789, %add3A_139, %mul3A_11, %dma_wait3A_802] : memref<4x200x200x300xf32, #tpu.memory_space<hbm>> -> memref<1x1x25x300xf32, #tpu.memory_space<hbm>>
      %dma_wait3A_804 = tpu.memref_squeeze %dma_wait3A_803 : memref<1x1x25x300xf32, #tpu.memory_space<hbm>> -> memref<25x300xf32, #tpu.memory_space<hbm>>
      tpu.wait_dma2 semaphore(%arg16 : memref<!tpu.dma_semaphore, #tpu.memory_space<semaphore_mem>>) src(%dma_wait3A_804 : memref<25x300xf32, #tpu.memory_space<hbm>>) dst(%dma_wait3A_801 : memref<25x300xf32, #tpu.memory_space<vmem>>)
      %dma_wait3A_805 = arith.constant 1 : i32
      %dma_wait3A_806 = arith.constant 1 : i32
      %dma_wait3A_807 = arith.constant 0 : i32
      %dma_wait3A_808 = arith.constant 0 : i32
      %dma_wait3A_809 = tpu.memref_slice %arg12[%dma_wait3A_806, %dma_wait3A_807, %dma_wait3A_808] : memref<4x25x300xf32, #tpu.memory_space<vmem>> -> memref<1x25x300xf32, #tpu.memory_space<vmem>>
      %dma_wait3A_810 = tpu.memref_squeeze %dma_wait3A_809 : memref<1x25x300xf32, #tpu.memory_space<vmem>> -> memref<25x300xf32, #tpu.memory_space<vmem>>
      %dma_wait3A_811 = arith.constant 0 : i32
      %dma_wait3A_812 = tpu.memref_slice %arg3[%dma_wait3A_805, %add3A_139, %mul3A_11, %dma_wait3A_811] : memref<4x200x200x300xf32, #tpu.memory_space<hbm>> -> memref<1x1x25x300xf32, #tpu.memory_space<hbm>>
      %dma_wait3A_813 = tpu.memref_squeeze %dma_wait3A_812 : memref<1x1x25x300xf32, #tpu.memory_space<hbm>> -> memref<25x300xf32, #tpu.memory_space<hbm>>
      %dma_wait3A_814 = arith.constant 0 : i32
      %dma_wait3A_815 = arith.constant 0 : i32
      %dma_wait3A_816 = tpu.memref_slice %arg12[%dma_wait3A_806, %dma_wait3A_814, %dma_wait3A_815] : memref<4x25x300xf32, #tpu.memory_space<vmem>> -> memref<1x25x300xf32, #tpu.memory_space<vmem>>
      %dma_wait3A_817 = tpu.memref_squeeze %dma_wait3A_816 : memref<1x25x300xf32, #tpu.memory_space<vmem>> -> memref<25x300xf32, #tpu.memory_space<vmem>>
      %dma_wait3A_818 = arith.constant 0 : i32
      %dma_wait3A_819 = tpu.memref_slice %arg3[%dma_wait3A_805, %add3A_139, %mul3A_11, %dma_wait3A_818] : memref<4x200x200x300xf32, #tpu.memory_space<hbm>> -> memref<1x1x25x300xf32, #tpu.memory_space<hbm>>
      %dma_wait3A_820 = tpu.memref_squeeze %dma_wait3A_819 : memref<1x1x25x300xf32, #tpu.memory_space<hbm>> -> memref<25x300xf32, #tpu.memory_space<hbm>>
      tpu.wait_dma2 semaphore(%arg16 : memref<!tpu.dma_semaphore, #tpu.memory_space<semaphore_mem>>) src(%dma_wait3A_820 : memref<25x300xf32, #tpu.memory_space<hbm>>) dst(%dma_wait3A_817 : memref<25x300xf32, #tpu.memory_space<vmem>>)
      %dma_wait3A_821 = arith.constant 2 : i32
      %dma_wait3A_822 = arith.constant 2 : i32
      %dma_wait3A_823 = arith.constant 0 : i32
      %dma_wait3A_824 = arith.constant 0 : i32
      %dma_wait3A_825 = tpu.memref_slice %arg12[%dma_wait3A_822, %dma_wait3A_823, %dma_wait3A_824] : memref<4x25x300xf32, #tpu.memory_space<vmem>> -> memref<1x25x300xf32, #tpu.memory_space<vmem>>
      %dma_wait3A_826 = tpu.memref_squeeze %dma_wait3A_825 : memref<1x25x300xf32, #tpu.memory_space<vmem>> -> memref<25x300xf32, #tpu.memory_space<vmem>>
      %dma_wait3A_827 = arith.constant 0 : i32
      %dma_wait3A_828 = tpu.memref_slice %arg3[%dma_wait3A_821, %add3A_139, %mul3A_11, %dma_wait3A_827] : memref<4x200x200x300xf32, #tpu.memory_space<hbm>> -> memref<1x1x25x300xf32, #tpu.memory_space<hbm>>
      %dma_wait3A_829 = tpu.memref_squeeze %dma_wait3A_828 : memref<1x1x25x300xf32, #tpu.memory_space<hbm>> -> memref<25x300xf32, #tpu.memory_space<hbm>>
      %dma_wait3A_830 = arith.constant 0 : i32
      %dma_wait3A_831 = arith.constant 0 : i32
      %dma_wait3A_832 = tpu.memref_slice %arg12[%dma_wait3A_822, %dma_wait3A_830, %dma_wait3A_831] : memref<4x25x300xf32, #tpu.memory_space<vmem>> -> memref<1x25x300xf32, #tpu.memory_space<vmem>>
      %dma_wait3A_833 = tpu.memref_squeeze %dma_wait3A_832 : memref<1x25x300xf32, #tpu.memory_space<vmem>> -> memref<25x300xf32, #tpu.memory_space<vmem>>
      %dma_wait3A_834 = arith.constant 0 : i32
      %dma_wait3A_835 = tpu.memref_slice %arg3[%dma_wait3A_821, %add3A_139, %mul3A_11, %dma_wait3A_834] : memref<4x200x200x300xf32, #tpu.memory_space<hbm>> -> memref<1x1x25x300xf32, #tpu.memory_space<hbm>>
      %dma_wait3A_836 = tpu.memref_squeeze %dma_wait3A_835 : memref<1x1x25x300xf32, #tpu.memory_space<hbm>> -> memref<25x300xf32, #tpu.memory_space<hbm>>
      tpu.wait_dma2 semaphore(%arg16 : memref<!tpu.dma_semaphore, #tpu.memory_space<semaphore_mem>>) src(%dma_wait3A_836 : memref<25x300xf32, #tpu.memory_space<hbm>>) dst(%dma_wait3A_833 : memref<25x300xf32, #tpu.memory_space<vmem>>)
      %dma_wait3A_837 = arith.constant 3 : i32
      %dma_wait3A_838 = arith.constant 3 : i32
      %dma_wait3A_839 = arith.constant 0 : i32
      %dma_wait3A_840 = arith.constant 0 : i32
      %dma_wait3A_841 = tpu.memref_slice %arg12[%dma_wait3A_838, %dma_wait3A_839, %dma_wait3A_840] : memref<4x25x300xf32, #tpu.memory_space<vmem>> -> memref<1x25x300xf32, #tpu.memory_space<vmem>>
      %dma_wait3A_842 = tpu.memref_squeeze %dma_wait3A_841 : memref<1x25x300xf32, #tpu.memory_space<vmem>> -> memref<25x300xf32, #tpu.memory_space<vmem>>
      %dma_wait3A_843 = arith.constant 0 : i32
      %dma_wait3A_844 = tpu.memref_slice %arg3[%dma_wait3A_837, %add3A_139, %mul3A_11, %dma_wait3A_843] : memref<4x200x200x300xf32, #tpu.memory_space<hbm>> -> memref<1x1x25x300xf32, #tpu.memory_space<hbm>>
      %dma_wait3A_845 = tpu.memref_squeeze %dma_wait3A_844 : memref<1x1x25x300xf32, #tpu.memory_space<hbm>> -> memref<25x300xf32, #tpu.memory_space<hbm>>
      %dma_wait3A_846 = arith.constant 0 : i32
      %dma_wait3A_847 = arith.constant 0 : i32
      %dma_wait3A_848 = tpu.memref_slice %arg12[%dma_wait3A_838, %dma_wait3A_846, %dma_wait3A_847] : memref<4x25x300xf32, #tpu.memory_space<vmem>> -> memref<1x25x300xf32, #tpu.memory_space<vmem>>
      %dma_wait3A_849 = tpu.memref_squeeze %dma_wait3A_848 : memref<1x25x300xf32, #tpu.memory_space<vmem>> -> memref<25x300xf32, #tpu.memory_space<vmem>>
      %dma_wait3A_850 = arith.constant 0 : i32
      %dma_wait3A_851 = tpu.memref_slice %arg3[%dma_wait3A_837, %add3A_139, %mul3A_11, %dma_wait3A_850] : memref<4x200x200x300xf32, #tpu.memory_space<hbm>> -> memref<1x1x25x300xf32, #tpu.memory_space<hbm>>
      %dma_wait3A_852 = tpu.memref_squeeze %dma_wait3A_851 : memref<1x1x25x300xf32, #tpu.memory_space<hbm>> -> memref<25x300xf32, #tpu.memory_space<hbm>>
      tpu.wait_dma2 semaphore(%arg16 : memref<!tpu.dma_semaphore, #tpu.memory_space<semaphore_mem>>) src(%dma_wait3A_852 : memref<25x300xf32, #tpu.memory_space<hbm>>) dst(%dma_wait3A_849 : memref<25x300xf32, #tpu.memory_space<vmem>>)
      %ge3A_853 = arith.constant 1 : i32
      %ge3A_854 = arith.cmpi sge, %scan3A_134, %ge3A_853 : i32
      %convert_element_type3A_855 = arith.extui %ge3A_854 : i1 to i32
      %cond3A_856 = arith.constant 0 : i32
      %cond3A_857 = arith.cmpi ne, %convert_element_type3A_855, %cond3A_856 : i32
      scf.if %cond3A_857 {
        %sub3A_1375 = arith.constant 2 : i32
        %sub3A_1376 = arith.subi %add3A_139, %sub3A_1375 : i32
        %dma_wait3A_1377 = arith.constant 0 : i32
        %dma_wait3A_1378 = tpu.memref_slice %arg4[%sub3A_1376, %mul3A_11, %dma_wait3A_1377] : memref<200x200x300xf32, #tpu.memory_space<hbm>> -> memref<1x25x300xf32, #tpu.memory_space<hbm>>
        %dma_wait3A_1379 = tpu.memref_squeeze %dma_wait3A_1378 : memref<1x25x300xf32, #tpu.memory_space<hbm>> -> memref<25x300xf32, #tpu.memory_space<hbm>>
        %dma_wait3A_1380 = arith.constant 0 : i32
        %dma_wait3A_1381 = tpu.memref_slice %arg4[%sub3A_1376, %mul3A_11, %dma_wait3A_1380] : memref<200x200x300xf32, #tpu.memory_space<hbm>> -> memref<1x25x300xf32, #tpu.memory_space<hbm>>
        %dma_wait3A_1382 = tpu.memref_squeeze %dma_wait3A_1381 : memref<1x25x300xf32, #tpu.memory_space<hbm>> -> memref<25x300xf32, #tpu.memory_space<hbm>>
        tpu.wait_dma2 semaphore(%arg18 : memref<!tpu.dma_semaphore, #tpu.memory_space<semaphore_mem>>) src(%arg14 : memref<25x300xf32, #tpu.memory_space<vmem>>) dst(%dma_wait3A_1382 : memref<25x300xf32, #tpu.memory_space<hbm>>)
      } else {
      }
      %broadcast_in_dim3A_858 = arith.constant 0.000000e+00 : f32
      %broadcast_in_dim3A_859 = vector.broadcast %broadcast_in_dim3A_858 : f32 to vector<16xf32>
      %convert_element_type3A_860 = arith.sitofp %add3A_139 : i32 to f32
      %add3A_861 = vector.broadcast %convert_element_type3A_860 : f32 to vector<16xf32>
      %add3A_862 = arith.addf %broadcast_in_dim3A_859, %add3A_861 : vector<16xf32>
      %scan3A_863 = arith.constant 0 : i32
      %scan3A_864 = arith.constant 0 : i32
      %scan3A_865 = arith.constant 18 : i32
      %scan3A_866 = arith.addi %scan3A_864, %scan3A_865 : i32
      %scan3A_867 = arith.constant 1 : i32
      scf.for %scan3A_1375 = %scan3A_864 to %scan3A_866 step %scan3A_867  : i32 {
        %mul3A_1376 = arith.constant 16 : i32
        %mul3A_1377 = arith.muli %scan3A_1375, %mul3A_1376 : i32
        %get3A_1378 = arith.index_cast %mul3A_1377 : i32 to index
        %get3A_1379 = tpu.vector_load %arg10[%get3A_1378] {strides = array<i32>} : memref<304xf32, #tpu.memory_space<vmem>>, vector<16xf32>,
        %ge3A_1380 = arith.cmpf oge, %add3A_862, %get3A_1379 : vector<16xf32>
        %get3A_1381 = arith.index_cast %mul3A_1377 : i32 to index
        %get3A_1382 = tpu.vector_load %arg6[%get3A_1381] {strides = array<i32>} : memref<304xf32, #tpu.memory_space<vmem>>, vector<16xf32>,
        %ge3A_1383 = arith.cmpf oge, %add3A_862, %get3A_1382 : vector<16xf32>
        %get3A_1384 = arith.index_cast %mul3A_1377 : i32 to index
        %get3A_1385 = tpu.vector_load %arg8[%get3A_1384] {strides = array<i32>} : memref<304xf32, #tpu.memory_space<vmem>>, vector<16xf32>,
        %le3A_1386 = arith.cmpf ole, %add3A_862, %get3A_1385 : vector<16xf32>
        %and3A_1387 = arith.andi %ge3A_1383, %le3A_1386 : vector<16xi1>
        %get3A_1388 = arith.index_cast %mul3A_1377 : i32 to index
        %get3A_1389 = tpu.vector_load %arg5[%get3A_1388] {strides = array<i32>} : memref<304xf32, #tpu.memory_space<vmem>>, vector<16xf32>,
        %get3A_1390 = arith.index_cast %mul3A_1377 : i32 to index
        %get3A_1391 = tpu.vector_load %arg7[%get3A_1390] {strides = array<i32>} : memref<304xf32, #tpu.memory_space<vmem>>, vector<16xf32>,
        %get3A_1392 = arith.index_cast %mul3A_1377 : i32 to index
        %get3A_1393 = tpu.vector_load %arg9[%get3A_1392] {strides = array<i32>} : memref<304xf32, #tpu.memory_space<vmem>>, vector<16xf32>,
        %broadcast_in_dim3A_1394 = arith.constant 0.000000e+00 : f32
        %broadcast_in_dim3A_1395 = vector.broadcast %broadcast_in_dim3A_1394 : f32 to vector<16xf32>
        %add3A_1396 = arith.constant 0.000000e+00 : f32
        %add3A_1397 = arith.addf %convert_element_type3A, %add3A_1396 : f32
        %add3A_1398 = vector.broadcast %add3A_1397 : f32 to vector<16xf32>
        %add3A_1399 = arith.addf %broadcast_in_dim3A_1395, %add3A_1398 : vector<16xf32>
        %ge3A_1400 = arith.cmpf oge, %add3A_1399, %get3A_1393 : vector<16xf32>
        %get3A_1401 = arith.constant 0 : i32
        %get3A_1402 = arith.constant 0 : i32
        %get3A_1403 = arith.index_cast %get3A_1401 : i32 to index
        %get3A_1404 = arith.index_cast %get3A_1402 : i32 to index
        %get3A_1405 = arith.index_cast %mul3A_1377 : i32 to index
        %get3A_1406 = tpu.vector_load %arg12[%get3A_1403, %get3A_1404, %get3A_1405] {strides = array<i32>} : memref<4x25x300xf32, #tpu.memory_space<vmem>>, vector<16xf32>,
        %get3A_1407 = arith.constant 1 : i32
        %get3A_1408 = arith.constant 0 : i32
        %get3A_1409 = arith.index_cast %get3A_1407 : i32 to index
        %get3A_1410 = arith.index_cast %get3A_1408 : i32 to index
        %get3A_1411 = arith.index_cast %mul3A_1377 : i32 to index
        %get3A_1412 = tpu.vector_load %arg12[%get3A_1409, %get3A_1410, %get3A_1411] {strides = array<i32>} : memref<4x25x300xf32, #tpu.memory_space<vmem>>, vector<16xf32>,
        %get3A_1413 = arith.constant 2 : i32
        %get3A_1414 = arith.constant 0 : i32
        %get3A_1415 = arith.index_cast %get3A_1413 : i32 to index
        %get3A_1416 = arith.index_cast %get3A_1414 : i32 to index
        %get3A_1417 = arith.index_cast %mul3A_1377 : i32 to index
        %get3A_1418 = tpu.vector_load %arg12[%get3A_1415, %get3A_1416, %get3A_1417] {strides = array<i32>} : memref<4x25x300xf32, #tpu.memory_space<vmem>>, vector<16xf32>,
        %get3A_1419 = arith.constant 3 : i32
        %get3A_1420 = arith.constant 0 : i32
        %get3A_1421 = arith.index_cast %get3A_1419 : i32 to index
        %get3A_1422 = arith.index_cast %get3A_1420 : i32 to index
        %get3A_1423 = arith.index_cast %mul3A_1377 : i32 to index
        %get3A_1424 = tpu.vector_load %arg12[%get3A_1421, %get3A_1422, %get3A_1423] {strides = array<i32>} : memref<4x25x300xf32, #tpu.memory_space<vmem>>, vector<16xf32>,
        %select_n3A_1425 = arith.select %ge3A_1400, %get3A_1412, %get3A_1406 : vector<16xi1>, vector<16xf32>
        %select_n3A_1426 = arith.select %ge3A_1400, %get3A_1424, %get3A_1418 : vector<16xi1>, vector<16xf32>
        %select_n3A_1427 = arith.select %ge3A_1380, %select_n3A_1426, %select_n3A_1425 : vector<16xi1>, vector<16xf32>
        %ge3A_1428 = arith.cmpf oge, %add3A_1399, %get3A_1389 : vector<16xf32>
        %le3A_1429 = arith.cmpf ole, %add3A_1399, %get3A_1391 : vector<16xf32>
        %and3A_1430 = arith.andi %ge3A_1428, %le3A_1429 : vector<16xi1>
        %and3A_1431 = arith.andi %and3A_1430, %and3A_1387 : vector<16xi1>
        %jit3A_1432 = arith.constant 0.000000e+00 : f32
        %broadcast_in_dim3A_1433 = vector.broadcast %jit3A_1432 : f32 to vector<16xf32>
        %select_n3A_1434 = arith.select %and3A_1431, %select_n3A_1427, %broadcast_in_dim3A_1433 : vector<16xi1>, vector<16xf32>
        %swap3A = arith.constant 0 : i32
        %swap3A_1435 = arith.index_cast %swap3A : i32 to index
        %swap3A_1436 = arith.index_cast %mul3A_1377 : i32 to index
        %swap3A_1437 = tpu.vector_load %arg14[%swap3A_1435, %swap3A_1436] {strides = array<i32>} : memref<25x300xf32, #tpu.memory_space<vmem>>, vector<16xf32>,
        tpu.vector_store %arg14[%swap3A_1435, %swap3A_1436], %select_n3A_1434 {strides = array<i32>} : memref<25x300xf32, #tpu.memory_space<vmem>>, vector<16xf32>,
        %broadcast_in_dim3A_1438 = arith.constant 0.000000e+00 : f32
        %broadcast_in_dim3A_1439 = vector.broadcast %broadcast_in_dim3A_1438 : f32 to vector<16xf32>
        %add3A_1440 = arith.constant 1.000000e+00 : f32
        %add3A_1441 = arith.addf %convert_element_type3A, %add3A_1440 : f32
        %add3A_1442 = vector.broadcast %add3A_1441 : f32 to vector<16xf32>
        %add3A_1443 = arith.addf %broadcast_in_dim3A_1439, %add3A_1442 : vector<16xf32>
        %ge3A_1444 = arith.cmpf oge, %add3A_1443, %get3A_1393 : vector<16xf32>
        %get3A_1445 = arith.constant 0 : i32
        %get3A_1446 = arith.constant 1 : i32
        %get3A_1447 = arith.index_cast %get3A_1445 : i32 to index
        %get3A_1448 = arith.index_cast %get3A_1446 : i32 to index
        %get3A_1449 = arith.index_cast %mul3A_1377 : i32 to index
        %get3A_1450 = tpu.vector_load %arg12[%get3A_1447, %get3A_1448, %get3A_1449] {strides = array<i32>} : memref<4x25x300xf32, #tpu.memory_space<vmem>>, vector<16xf32>,
        %get3A_1451 = arith.constant 1 : i32
        %get3A_1452 = arith.constant 1 : i32
        %get3A_1453 = arith.index_cast %get3A_1451 : i32 to index
        %get3A_1454 = arith.index_cast %get3A_1452 : i32 to index
        %get3A_1455 = arith.index_cast %mul3A_1377 : i32 to index
        %get3A_1456 = tpu.vector_load %arg12[%get3A_1453, %get3A_1454, %get3A_1455] {strides = array<i32>} : memref<4x25x300xf32, #tpu.memory_space<vmem>>, vector<16xf32>,
        %get3A_1457 = arith.constant 2 : i32
        %get3A_1458 = arith.constant 1 : i32
        %get3A_1459 = arith.index_cast %get3A_1457 : i32 to index
        %get3A_1460 = arith.index_cast %get3A_1458 : i32 to index
        %get3A_1461 = arith.index_cast %mul3A_1377 : i32 to index
        %get3A_1462 = tpu.vector_load %arg12[%get3A_1459, %get3A_1460, %get3A_1461] {strides = array<i32>} : memref<4x25x300xf32, #tpu.memory_space<vmem>>, vector<16xf32>,
        %get3A_1463 = arith.constant 3 : i32
        %get3A_1464 = arith.constant 1 : i32
        %get3A_1465 = arith.index_cast %get3A_1463 : i32 to index
        %get3A_1466 = arith.index_cast %get3A_1464 : i32 to index
        %get3A_1467 = arith.index_cast %mul3A_1377 : i32 to index
        %get3A_1468 = tpu.vector_load %arg12[%get3A_1465, %get3A_1466, %get3A_1467] {strides = array<i32>} : memref<4x25x300xf32, #tpu.memory_space<vmem>>, vector<16xf32>,
        %select_n3A_1469 = arith.select %ge3A_1444, %get3A_1456, %get3A_1450 : vector<16xi1>, vector<16xf32>
        %select_n3A_1470 = arith.select %ge3A_1444, %get3A_1468, %get3A_1462 : vector<16xi1>, vector<16xf32>
        %select_n3A_1471 = arith.select %ge3A_1380, %select_n3A_1470, %select_n3A_1469 : vector<16xi1>, vector<16xf32>
        %ge3A_1472 = arith.cmpf oge, %add3A_1443, %get3A_1389 : vector<16xf32>
        %le3A_1473 = arith.cmpf ole, %add3A_1443, %get3A_1391 : vector<16xf32>
        %and3A_1474 = arith.andi %ge3A_1472, %le3A_1473 : vector<16xi1>
        %and3A_1475 = arith.andi %and3A_1474, %and3A_1387 : vector<16xi1>
        %jit3A_1476 = arith.constant 0.000000e+00 : f32
        %broadcast_in_dim3A_1477 = vector.broadcast %jit3A_1476 : f32 to vector<16xf32>
        %select_n3A_1478 = arith.select %and3A_1475, %select_n3A_1471, %broadcast_in_dim3A_1477 : vector<16xi1>, vector<16xf32>
        %swap3A_1479 = arith.constant 1 : i32
        %swap3A_1480 = arith.index_cast %swap3A_1479 : i32 to index
        %swap3A_1481 = arith.index_cast %mul3A_1377 : i32 to index
        %swap3A_1482 = tpu.vector_load %arg14[%swap3A_1480, %swap3A_1481] {strides = array<i32>} : memref<25x300xf32, #tpu.memory_space<vmem>>, vector<16xf32>,
        tpu.vector_store %arg14[%swap3A_1480, %swap3A_1481], %select_n3A_1478 {strides = array<i32>} : memref<25x300xf32, #tpu.memory_space<vmem>>, vector<16xf32>,
        %broadcast_in_dim3A_1483 = arith.constant 0.000000e+00 : f32
        %broadcast_in_dim3A_1484 = vector.broadcast %broadcast_in_dim3A_1483 : f32 to vector<16xf32>
        %add3A_1485 = arith.constant 2.000000e+00 : f32
        %add3A_1486 = arith.addf %convert_element_type3A, %add3A_1485 : f32
        %add3A_1487 = vector.broadcast %add3A_1486 : f32 to vector<16xf32>
        %add3A_1488 = arith.addf %broadcast_in_dim3A_1484, %add3A_1487 : vector<16xf32>
        %ge3A_1489 = arith.cmpf oge, %add3A_1488, %get3A_1393 : vector<16xf32>
        %get3A_1490 = arith.constant 0 : i32
        %get3A_1491 = arith.constant 2 : i32
        %get3A_1492 = arith.index_cast %get3A_1490 : i32 to index
        %get3A_1493 = arith.index_cast %get3A_1491 : i32 to index
        %get3A_1494 = arith.index_cast %mul3A_1377 : i32 to index
        %get3A_1495 = tpu.vector_load %arg12[%get3A_1492, %get3A_1493, %get3A_1494] {strides = array<i32>} : memref<4x25x300xf32, #tpu.memory_space<vmem>>, vector<16xf32>,
        %get3A_1496 = arith.constant 1 : i32
        %get3A_1497 = arith.constant 2 : i32
        %get3A_1498 = arith.index_cast %get3A_1496 : i32 to index
        %get3A_1499 = arith.index_cast %get3A_1497 : i32 to index
        %get3A_1500 = arith.index_cast %mul3A_1377 : i32 to index
        %get3A_1501 = tpu.vector_load %arg12[%get3A_1498, %get3A_1499, %get3A_1500] {strides = array<i32>} : memref<4x25x300xf32, #tpu.memory_space<vmem>>, vector<16xf32>,
        %get3A_1502 = arith.constant 2 : i32
        %get3A_1503 = arith.constant 2 : i32
        %get3A_1504 = arith.index_cast %get3A_1502 : i32 to index
        %get3A_1505 = arith.index_cast %get3A_1503 : i32 to index
        %get3A_1506 = arith.index_cast %mul3A_1377 : i32 to index
        %get3A_1507 = tpu.vector_load %arg12[%get3A_1504, %get3A_1505, %get3A_1506] {strides = array<i32>} : memref<4x25x300xf32, #tpu.memory_space<vmem>>, vector<16xf32>,
        %get3A_1508 = arith.constant 3 : i32
        %get3A_1509 = arith.constant 2 : i32
        %get3A_1510 = arith.index_cast %get3A_1508 : i32 to index
        %get3A_1511 = arith.index_cast %get3A_1509 : i32 to index
        %get3A_1512 = arith.index_cast %mul3A_1377 : i32 to index
        %get3A_1513 = tpu.vector_load %arg12[%get3A_1510, %get3A_1511, %get3A_1512] {strides = array<i32>} : memref<4x25x300xf32, #tpu.memory_space<vmem>>, vector<16xf32>,
        %select_n3A_1514 = arith.select %ge3A_1489, %get3A_1501, %get3A_1495 : vector<16xi1>, vector<16xf32>
        %select_n3A_1515 = arith.select %ge3A_1489, %get3A_1513, %get3A_1507 : vector<16xi1>, vector<16xf32>
        %select_n3A_1516 = arith.select %ge3A_1380, %select_n3A_1515, %select_n3A_1514 : vector<16xi1>, vector<16xf32>
        %ge3A_1517 = arith.cmpf oge, %add3A_1488, %get3A_1389 : vector<16xf32>
        %le3A_1518 = arith.cmpf ole, %add3A_1488, %get3A_1391 : vector<16xf32>
        %and3A_1519 = arith.andi %ge3A_1517, %le3A_1518 : vector<16xi1>
        %and3A_1520 = arith.andi %and3A_1519, %and3A_1387 : vector<16xi1>
        %jit3A_1521 = arith.constant 0.000000e+00 : f32
        %broadcast_in_dim3A_1522 = vector.broadcast %jit3A_1521 : f32 to vector<16xf32>
        %select_n3A_1523 = arith.select %and3A_1520, %select_n3A_1516, %broadcast_in_dim3A_1522 : vector<16xi1>, vector<16xf32>
        %swap3A_1524 = arith.constant 2 : i32
        %swap3A_1525 = arith.index_cast %swap3A_1524 : i32 to index
        %swap3A_1526 = arith.index_cast %mul3A_1377 : i32 to index
        %swap3A_1527 = tpu.vector_load %arg14[%swap3A_1525, %swap3A_1526] {strides = array<i32>} : memref<25x300xf32, #tpu.memory_space<vmem>>, vector<16xf32>,
        tpu.vector_store %arg14[%swap3A_1525, %swap3A_1526], %select_n3A_1523 {strides = array<i32>} : memref<25x300xf32, #tpu.memory_space<vmem>>, vector<16xf32>,
        %broadcast_in_dim3A_1528 = arith.constant 0.000000e+00 : f32
        %broadcast_in_dim3A_1529 = vector.broadcast %broadcast_in_dim3A_1528 : f32 to vector<16xf32>
        %add3A_1530 = arith.constant 3.000000e+00 : f32
        %add3A_1531 = arith.addf %convert_element_type3A, %add3A_1530 : f32
        %add3A_1532 = vector.broadcast %add3A_1531 : f32 to vector<16xf32>
        %add3A_1533 = arith.addf %broadcast_in_dim3A_1529, %add3A_1532 : vector<16xf32>
        %ge3A_1534 = arith.cmpf oge, %add3A_1533, %get3A_1393 : vector<16xf32>
        %get3A_1535 = arith.constant 0 : i32
        %get3A_1536 = arith.constant 3 : i32
        %get3A_1537 = arith.index_cast %get3A_1535 : i32 to index
        %get3A_1538 = arith.index_cast %get3A_1536 : i32 to index
        %get3A_1539 = arith.index_cast %mul3A_1377 : i32 to index
        %get3A_1540 = tpu.vector_load %arg12[%get3A_1537, %get3A_1538, %get3A_1539] {strides = array<i32>} : memref<4x25x300xf32, #tpu.memory_space<vmem>>, vector<16xf32>,
        %get3A_1541 = arith.constant 1 : i32
        %get3A_1542 = arith.constant 3 : i32
        %get3A_1543 = arith.index_cast %get3A_1541 : i32 to index
        %get3A_1544 = arith.index_cast %get3A_1542 : i32 to index
        %get3A_1545 = arith.index_cast %mul3A_1377 : i32 to index
        %get3A_1546 = tpu.vector_load %arg12[%get3A_1543, %get3A_1544, %get3A_1545] {strides = array<i32>} : memref<4x25x300xf32, #tpu.memory_space<vmem>>, vector<16xf32>,
        %get3A_1547 = arith.constant 2 : i32
        %get3A_1548 = arith.constant 3 : i32
        %get3A_1549 = arith.index_cast %get3A_1547 : i32 to index
        %get3A_1550 = arith.index_cast %get3A_1548 : i32 to index
        %get3A_1551 = arith.index_cast %mul3A_1377 : i32 to index
        %get3A_1552 = tpu.vector_load %arg12[%get3A_1549, %get3A_1550, %get3A_1551] {strides = array<i32>} : memref<4x25x300xf32, #tpu.memory_space<vmem>>, vector<16xf32>,
        %get3A_1553 = arith.constant 3 : i32
        %get3A_1554 = arith.constant 3 : i32
        %get3A_1555 = arith.index_cast %get3A_1553 : i32 to index
        %get3A_1556 = arith.index_cast %get3A_1554 : i32 to index
        %get3A_1557 = arith.index_cast %mul3A_1377 : i32 to index
        %get3A_1558 = tpu.vector_load %arg12[%get3A_1555, %get3A_1556, %get3A_1557] {strides = array<i32>} : memref<4x25x300xf32, #tpu.memory_space<vmem>>, vector<16xf32>,
        %select_n3A_1559 = arith.select %ge3A_1534, %get3A_1546, %get3A_1540 : vector<16xi1>, vector<16xf32>
        %select_n3A_1560 = arith.select %ge3A_1534, %get3A_1558, %get3A_1552 : vector<16xi1>, vector<16xf32>
        %select_n3A_1561 = arith.select %ge3A_1380, %select_n3A_1560, %select_n3A_1559 : vector<16xi1>, vector<16xf32>
        %ge3A_1562 = arith.cmpf oge, %add3A_1533, %get3A_1389 : vector<16xf32>
        %le3A_1563 = arith.cmpf ole, %add3A_1533, %get3A_1391 : vector<16xf32>
        %and3A_1564 = arith.andi %ge3A_1562, %le3A_1563 : vector<16xi1>
        %and3A_1565 = arith.andi %and3A_1564, %and3A_1387 : vector<16xi1>
        %jit3A_1566 = arith.constant 0.000000e+00 : f32
        %broadcast_in_dim3A_1567 = vector.broadcast %jit3A_1566 : f32 to vector<16xf32>
        %select_n3A_1568 = arith.select %and3A_1565, %select_n3A_1561, %broadcast_in_dim3A_1567 : vector<16xi1>, vector<16xf32>
        %swap3A_1569 = arith.constant 3 : i32
        %swap3A_1570 = arith.index_cast %swap3A_1569 : i32 to index
        %swap3A_1571 = arith.index_cast %mul3A_1377 : i32 to index
        %swap3A_1572 = tpu.vector_load %arg14[%swap3A_1570, %swap3A_1571] {strides = array<i32>} : memref<25x300xf32, #tpu.memory_space<vmem>>, vector<16xf32>,
        tpu.vector_store %arg14[%swap3A_1570, %swap3A_1571], %select_n3A_1568 {strides = array<i32>} : memref<25x300xf32, #tpu.memory_space<vmem>>, vector<16xf32>,
        %broadcast_in_dim3A_1573 = arith.constant 0.000000e+00 : f32
        %broadcast_in_dim3A_1574 = vector.broadcast %broadcast_in_dim3A_1573 : f32 to vector<16xf32>
        %add3A_1575 = arith.constant 4.000000e+00 : f32
        %add3A_1576 = arith.addf %convert_element_type3A, %add3A_1575 : f32
        %add3A_1577 = vector.broadcast %add3A_1576 : f32 to vector<16xf32>
        %add3A_1578 = arith.addf %broadcast_in_dim3A_1574, %add3A_1577 : vector<16xf32>
        %ge3A_1579 = arith.cmpf oge, %add3A_1578, %get3A_1393 : vector<16xf32>
        %get3A_1580 = arith.constant 0 : i32
        %get3A_1581 = arith.constant 4 : i32
        %get3A_1582 = arith.index_cast %get3A_1580 : i32 to index
        %get3A_1583 = arith.index_cast %get3A_1581 : i32 to index
        %get3A_1584 = arith.index_cast %mul3A_1377 : i32 to index
        %get3A_1585 = tpu.vector_load %arg12[%get3A_1582, %get3A_1583, %get3A_1584] {strides = array<i32>} : memref<4x25x300xf32, #tpu.memory_space<vmem>>, vector<16xf32>,
        %get3A_1586 = arith.constant 1 : i32
        %get3A_1587 = arith.constant 4 : i32
        %get3A_1588 = arith.index_cast %get3A_1586 : i32 to index
        %get3A_1589 = arith.index_cast %get3A_1587 : i32 to index
        %get3A_1590 = arith.index_cast %mul3A_1377 : i32 to index
        %get3A_1591 = tpu.vector_load %arg12[%get3A_1588, %get3A_1589, %get3A_1590] {strides = array<i32>} : memref<4x25x300xf32, #tpu.memory_space<vmem>>, vector<16xf32>,
        %get3A_1592 = arith.constant 2 : i32
        %get3A_1593 = arith.constant 4 : i32
        %get3A_1594 = arith.index_cast %get3A_1592 : i32 to index
        %get3A_1595 = arith.index_cast %get3A_1593 : i32 to index
        %get3A_1596 = arith.index_cast %mul3A_1377 : i32 to index
        %get3A_1597 = tpu.vector_load %arg12[%get3A_1594, %get3A_1595, %get3A_1596] {strides = array<i32>} : memref<4x25x300xf32, #tpu.memory_space<vmem>>, vector<16xf32>,
        %get3A_1598 = arith.constant 3 : i32
        %get3A_1599 = arith.constant 4 : i32
        %get3A_1600 = arith.index_cast %get3A_1598 : i32 to index
        %get3A_1601 = arith.index_cast %get3A_1599 : i32 to index
        %get3A_1602 = arith.index_cast %mul3A_1377 : i32 to index
        %get3A_1603 = tpu.vector_load %arg12[%get3A_1600, %get3A_1601, %get3A_1602] {strides = array<i32>} : memref<4x25x300xf32, #tpu.memory_space<vmem>>, vector<16xf32>,
        %select_n3A_1604 = arith.select %ge3A_1579, %get3A_1591, %get3A_1585 : vector<16xi1>, vector<16xf32>
        %select_n3A_1605 = arith.select %ge3A_1579, %get3A_1603, %get3A_1597 : vector<16xi1>, vector<16xf32>
        %select_n3A_1606 = arith.select %ge3A_1380, %select_n3A_1605, %select_n3A_1604 : vector<16xi1>, vector<16xf32>
        %ge3A_1607 = arith.cmpf oge, %add3A_1578, %get3A_1389 : vector<16xf32>
        %le3A_1608 = arith.cmpf ole, %add3A_1578, %get3A_1391 : vector<16xf32>
        %and3A_1609 = arith.andi %ge3A_1607, %le3A_1608 : vector<16xi1>
        %and3A_1610 = arith.andi %and3A_1609, %and3A_1387 : vector<16xi1>
        %jit3A_1611 = arith.constant 0.000000e+00 : f32
        %broadcast_in_dim3A_1612 = vector.broadcast %jit3A_1611 : f32 to vector<16xf32>
        %select_n3A_1613 = arith.select %and3A_1610, %select_n3A_1606, %broadcast_in_dim3A_1612 : vector<16xi1>, vector<16xf32>
        %swap3A_1614 = arith.constant 4 : i32
        %swap3A_1615 = arith.index_cast %swap3A_1614 : i32 to index
        %swap3A_1616 = arith.index_cast %mul3A_1377 : i32 to index
        %swap3A_1617 = tpu.vector_load %arg14[%swap3A_1615, %swap3A_1616] {strides = array<i32>} : memref<25x300xf32, #tpu.memory_space<vmem>>, vector<16xf32>,
        tpu.vector_store %arg14[%swap3A_1615, %swap3A_1616], %select_n3A_1613 {strides = array<i32>} : memref<25x300xf32, #tpu.memory_space<vmem>>, vector<16xf32>,
        %broadcast_in_dim3A_1618 = arith.constant 0.000000e+00 : f32
        %broadcast_in_dim3A_1619 = vector.broadcast %broadcast_in_dim3A_1618 : f32 to vector<16xf32>
        %add3A_1620 = arith.constant 5.000000e+00 : f32
        %add3A_1621 = arith.addf %convert_element_type3A, %add3A_1620 : f32
        %add3A_1622 = vector.broadcast %add3A_1621 : f32 to vector<16xf32>
        %add3A_1623 = arith.addf %broadcast_in_dim3A_1619, %add3A_1622 : vector<16xf32>
        %ge3A_1624 = arith.cmpf oge, %add3A_1623, %get3A_1393 : vector<16xf32>
        %get3A_1625 = arith.constant 0 : i32
        %get3A_1626 = arith.constant 5 : i32
        %get3A_1627 = arith.index_cast %get3A_1625 : i32 to index
        %get3A_1628 = arith.index_cast %get3A_1626 : i32 to index
        %get3A_1629 = arith.index_cast %mul3A_1377 : i32 to index
        %get3A_1630 = tpu.vector_load %arg12[%get3A_1627, %get3A_1628, %get3A_1629] {strides = array<i32>} : memref<4x25x300xf32, #tpu.memory_space<vmem>>, vector<16xf32>,
        %get3A_1631 = arith.constant 1 : i32
        %get3A_1632 = arith.constant 5 : i32
        %get3A_1633 = arith.index_cast %get3A_1631 : i32 to index
        %get3A_1634 = arith.index_cast %get3A_1632 : i32 to index
        %get3A_1635 = arith.index_cast %mul3A_1377 : i32 to index
        %get3A_1636 = tpu.vector_load %arg12[%get3A_1633, %get3A_1634, %get3A_1635] {strides = array<i32>} : memref<4x25x300xf32, #tpu.memory_space<vmem>>, vector<16xf32>,
        %get3A_1637 = arith.constant 2 : i32
        %get3A_1638 = arith.constant 5 : i32
        %get3A_1639 = arith.index_cast %get3A_1637 : i32 to index
        %get3A_1640 = arith.index_cast %get3A_1638 : i32 to index
        %get3A_1641 = arith.index_cast %mul3A_1377 : i32 to index
        %get3A_1642 = tpu.vector_load %arg12[%get3A_1639, %get3A_1640, %get3A_1641] {strides = array<i32>} : memref<4x25x300xf32, #tpu.memory_space<vmem>>, vector<16xf32>,
        %get3A_1643 = arith.constant 3 : i32
        %get3A_1644 = arith.constant 5 : i32
        %get3A_1645 = arith.index_cast %get3A_1643 : i32 to index
        %get3A_1646 = arith.index_cast %get3A_1644 : i32 to index
        %get3A_1647 = arith.index_cast %mul3A_1377 : i32 to index
        %get3A_1648 = tpu.vector_load %arg12[%get3A_1645, %get3A_1646, %get3A_1647] {strides = array<i32>} : memref<4x25x300xf32, #tpu.memory_space<vmem>>, vector<16xf32>,
        %select_n3A_1649 = arith.select %ge3A_1624, %get3A_1636, %get3A_1630 : vector<16xi1>, vector<16xf32>
        %select_n3A_1650 = arith.select %ge3A_1624, %get3A_1648, %get3A_1642 : vector<16xi1>, vector<16xf32>
        %select_n3A_1651 = arith.select %ge3A_1380, %select_n3A_1650, %select_n3A_1649 : vector<16xi1>, vector<16xf32>
        %ge3A_1652 = arith.cmpf oge, %add3A_1623, %get3A_1389 : vector<16xf32>
        %le3A_1653 = arith.cmpf ole, %add3A_1623, %get3A_1391 : vector<16xf32>
        %and3A_1654 = arith.andi %ge3A_1652, %le3A_1653 : vector<16xi1>
        %and3A_1655 = arith.andi %and3A_1654, %and3A_1387 : vector<16xi1>
        %jit3A_1656 = arith.constant 0.000000e+00 : f32
        %broadcast_in_dim3A_1657 = vector.broadcast %jit3A_1656 : f32 to vector<16xf32>
        %select_n3A_1658 = arith.select %and3A_1655, %select_n3A_1651, %broadcast_in_dim3A_1657 : vector<16xi1>, vector<16xf32>
        %swap3A_1659 = arith.constant 5 : i32
        %swap3A_1660 = arith.index_cast %swap3A_1659 : i32 to index
        %swap3A_1661 = arith.index_cast %mul3A_1377 : i32 to index
        %swap3A_1662 = tpu.vector_load %arg14[%swap3A_1660, %swap3A_1661] {strides = array<i32>} : memref<25x300xf32, #tpu.memory_space<vmem>>, vector<16xf32>,
        tpu.vector_store %arg14[%swap3A_1660, %swap3A_1661], %select_n3A_1658 {strides = array<i32>} : memref<25x300xf32, #tpu.memory_space<vmem>>, vector<16xf32>,
        %broadcast_in_dim3A_1663 = arith.constant 0.000000e+00 : f32
        %broadcast_in_dim3A_1664 = vector.broadcast %broadcast_in_dim3A_1663 : f32 to vector<16xf32>
        %add3A_1665 = arith.constant 6.000000e+00 : f32
        %add3A_1666 = arith.addf %convert_element_type3A, %add3A_1665 : f32
        %add3A_1667 = vector.broadcast %add3A_1666 : f32 to vector<16xf32>
        %add3A_1668 = arith.addf %broadcast_in_dim3A_1664, %add3A_1667 : vector<16xf32>
        %ge3A_1669 = arith.cmpf oge, %add3A_1668, %get3A_1393 : vector<16xf32>
        %get3A_1670 = arith.constant 0 : i32
        %get3A_1671 = arith.constant 6 : i32
        %get3A_1672 = arith.index_cast %get3A_1670 : i32 to index
        %get3A_1673 = arith.index_cast %get3A_1671 : i32 to index
        %get3A_1674 = arith.index_cast %mul3A_1377 : i32 to index
        %get3A_1675 = tpu.vector_load %arg12[%get3A_1672, %get3A_1673, %get3A_1674] {strides = array<i32>} : memref<4x25x300xf32, #tpu.memory_space<vmem>>, vector<16xf32>,
        %get3A_1676 = arith.constant 1 : i32
        %get3A_1677 = arith.constant 6 : i32
        %get3A_1678 = arith.index_cast %get3A_1676 : i32 to index
        %get3A_1679 = arith.index_cast %get3A_1677 : i32 to index
        %get3A_1680 = arith.index_cast %mul3A_1377 : i32 to index
        %get3A_1681 = tpu.vector_load %arg12[%get3A_1678, %get3A_1679, %get3A_1680] {strides = array<i32>} : memref<4x25x300xf32, #tpu.memory_space<vmem>>, vector<16xf32>,
        %get3A_1682 = arith.constant 2 : i32
        %get3A_1683 = arith.constant 6 : i32
        %get3A_1684 = arith.index_cast %get3A_1682 : i32 to index
        %get3A_1685 = arith.index_cast %get3A_1683 : i32 to index
        %get3A_1686 = arith.index_cast %mul3A_1377 : i32 to index
        %get3A_1687 = tpu.vector_load %arg12[%get3A_1684, %get3A_1685, %get3A_1686] {strides = array<i32>} : memref<4x25x300xf32, #tpu.memory_space<vmem>>, vector<16xf32>,
        %get3A_1688 = arith.constant 3 : i32
        %get3A_1689 = arith.constant 6 : i32
        %get3A_1690 = arith.index_cast %get3A_1688 : i32 to index
        %get3A_1691 = arith.index_cast %get3A_1689 : i32 to index
        %get3A_1692 = arith.index_cast %mul3A_1377 : i32 to index
        %get3A_1693 = tpu.vector_load %arg12[%get3A_1690, %get3A_1691, %get3A_1692] {strides = array<i32>} : memref<4x25x300xf32, #tpu.memory_space<vmem>>, vector<16xf32>,
        %select_n3A_1694 = arith.select %ge3A_1669, %get3A_1681, %get3A_1675 : vector<16xi1>, vector<16xf32>
        %select_n3A_1695 = arith.select %ge3A_1669, %get3A_1693, %get3A_1687 : vector<16xi1>, vector<16xf32>
        %select_n3A_1696 = arith.select %ge3A_1380, %select_n3A_1695, %select_n3A_1694 : vector<16xi1>, vector<16xf32>
        %ge3A_1697 = arith.cmpf oge, %add3A_1668, %get3A_1389 : vector<16xf32>
        %le3A_1698 = arith.cmpf ole, %add3A_1668, %get3A_1391 : vector<16xf32>
        %and3A_1699 = arith.andi %ge3A_1697, %le3A_1698 : vector<16xi1>
        %and3A_1700 = arith.andi %and3A_1699, %and3A_1387 : vector<16xi1>
        %jit3A_1701 = arith.constant 0.000000e+00 : f32
        %broadcast_in_dim3A_1702 = vector.broadcast %jit3A_1701 : f32 to vector<16xf32>
        %select_n3A_1703 = arith.select %and3A_1700, %select_n3A_1696, %broadcast_in_dim3A_1702 : vector<16xi1>, vector<16xf32>
        %swap3A_1704 = arith.constant 6 : i32
        %swap3A_1705 = arith.index_cast %swap3A_1704 : i32 to index
        %swap3A_1706 = arith.index_cast %mul3A_1377 : i32 to index
        %swap3A_1707 = tpu.vector_load %arg14[%swap3A_1705, %swap3A_1706] {strides = array<i32>} : memref<25x300xf32, #tpu.memory_space<vmem>>, vector<16xf32>,
        tpu.vector_store %arg14[%swap3A_1705, %swap3A_1706], %select_n3A_1703 {strides = array<i32>} : memref<25x300xf32, #tpu.memory_space<vmem>>, vector<16xf32>,
        %broadcast_in_dim3A_1708 = arith.constant 0.000000e+00 : f32
        %broadcast_in_dim3A_1709 = vector.broadcast %broadcast_in_dim3A_1708 : f32 to vector<16xf32>
        %add3A_1710 = arith.constant 7.000000e+00 : f32
        %add3A_1711 = arith.addf %convert_element_type3A, %add3A_1710 : f32
        %add3A_1712 = vector.broadcast %add3A_1711 : f32 to vector<16xf32>
        %add3A_1713 = arith.addf %broadcast_in_dim3A_1709, %add3A_1712 : vector<16xf32>
        %ge3A_1714 = arith.cmpf oge, %add3A_1713, %get3A_1393 : vector<16xf32>
        %get3A_1715 = arith.constant 0 : i32
        %get3A_1716 = arith.constant 7 : i32
        %get3A_1717 = arith.index_cast %get3A_1715 : i32 to index
        %get3A_1718 = arith.index_cast %get3A_1716 : i32 to index
        %get3A_1719 = arith.index_cast %mul3A_1377 : i32 to index
        %get3A_1720 = tpu.vector_load %arg12[%get3A_1717, %get3A_1718, %get3A_1719] {strides = array<i32>} : memref<4x25x300xf32, #tpu.memory_space<vmem>>, vector<16xf32>,
        %get3A_1721 = arith.constant 1 : i32
        %get3A_1722 = arith.constant 7 : i32
        %get3A_1723 = arith.index_cast %get3A_1721 : i32 to index
        %get3A_1724 = arith.index_cast %get3A_1722 : i32 to index
        %get3A_1725 = arith.index_cast %mul3A_1377 : i32 to index
        %get3A_1726 = tpu.vector_load %arg12[%get3A_1723, %get3A_1724, %get3A_1725] {strides = array<i32>} : memref<4x25x300xf32, #tpu.memory_space<vmem>>, vector<16xf32>,
        %get3A_1727 = arith.constant 2 : i32
        %get3A_1728 = arith.constant 7 : i32
        %get3A_1729 = arith.index_cast %get3A_1727 : i32 to index
        %get3A_1730 = arith.index_cast %get3A_1728 : i32 to index
        %get3A_1731 = arith.index_cast %mul3A_1377 : i32 to index
        %get3A_1732 = tpu.vector_load %arg12[%get3A_1729, %get3A_1730, %get3A_1731] {strides = array<i32>} : memref<4x25x300xf32, #tpu.memory_space<vmem>>, vector<16xf32>,
        %get3A_1733 = arith.constant 3 : i32
        %get3A_1734 = arith.constant 7 : i32
        %get3A_1735 = arith.index_cast %get3A_1733 : i32 to index
        %get3A_1736 = arith.index_cast %get3A_1734 : i32 to index
        %get3A_1737 = arith.index_cast %mul3A_1377 : i32 to index
        %get3A_1738 = tpu.vector_load %arg12[%get3A_1735, %get3A_1736, %get3A_1737] {strides = array<i32>} : memref<4x25x300xf32, #tpu.memory_space<vmem>>, vector<16xf32>,
        %select_n3A_1739 = arith.select %ge3A_1714, %get3A_1726, %get3A_1720 : vector<16xi1>, vector<16xf32>
        %select_n3A_1740 = arith.select %ge3A_1714, %get3A_1738, %get3A_1732 : vector<16xi1>, vector<16xf32>
        %select_n3A_1741 = arith.select %ge3A_1380, %select_n3A_1740, %select_n3A_1739 : vector<16xi1>, vector<16xf32>
        %ge3A_1742 = arith.cmpf oge, %add3A_1713, %get3A_1389 : vector<16xf32>
        %le3A_1743 = arith.cmpf ole, %add3A_1713, %get3A_1391 : vector<16xf32>
        %and3A_1744 = arith.andi %ge3A_1742, %le3A_1743 : vector<16xi1>
        %and3A_1745 = arith.andi %and3A_1744, %and3A_1387 : vector<16xi1>
        %jit3A_1746 = arith.constant 0.000000e+00 : f32
        %broadcast_in_dim3A_1747 = vector.broadcast %jit3A_1746 : f32 to vector<16xf32>
        %select_n3A_1748 = arith.select %and3A_1745, %select_n3A_1741, %broadcast_in_dim3A_1747 : vector<16xi1>, vector<16xf32>
        %swap3A_1749 = arith.constant 7 : i32
        %swap3A_1750 = arith.index_cast %swap3A_1749 : i32 to index
        %swap3A_1751 = arith.index_cast %mul3A_1377 : i32 to index
        %swap3A_1752 = tpu.vector_load %arg14[%swap3A_1750, %swap3A_1751] {strides = array<i32>} : memref<25x300xf32, #tpu.memory_space<vmem>>, vector<16xf32>,
        tpu.vector_store %arg14[%swap3A_1750, %swap3A_1751], %select_n3A_1748 {strides = array<i32>} : memref<25x300xf32, #tpu.memory_space<vmem>>, vector<16xf32>,
        %broadcast_in_dim3A_1753 = arith.constant 0.000000e+00 : f32
        %broadcast_in_dim3A_1754 = vector.broadcast %broadcast_in_dim3A_1753 : f32 to vector<16xf32>
        %add3A_1755 = arith.constant 8.000000e+00 : f32
        %add3A_1756 = arith.addf %convert_element_type3A, %add3A_1755 : f32
        %add3A_1757 = vector.broadcast %add3A_1756 : f32 to vector<16xf32>
        %add3A_1758 = arith.addf %broadcast_in_dim3A_1754, %add3A_1757 : vector<16xf32>
        %ge3A_1759 = arith.cmpf oge, %add3A_1758, %get3A_1393 : vector<16xf32>
        %get3A_1760 = arith.constant 0 : i32
        %get3A_1761 = arith.constant 8 : i32
        %get3A_1762 = arith.index_cast %get3A_1760 : i32 to index
        %get3A_1763 = arith.index_cast %get3A_1761 : i32 to index
        %get3A_1764 = arith.index_cast %mul3A_1377 : i32 to index
        %get3A_1765 = tpu.vector_load %arg12[%get3A_1762, %get3A_1763, %get3A_1764] {strides = array<i32>} : memref<4x25x300xf32, #tpu.memory_space<vmem>>, vector<16xf32>,
        %get3A_1766 = arith.constant 1 : i32
        %get3A_1767 = arith.constant 8 : i32
        %get3A_1768 = arith.index_cast %get3A_1766 : i32 to index
        %get3A_1769 = arith.index_cast %get3A_1767 : i32 to index
        %get3A_1770 = arith.index_cast %mul3A_1377 : i32 to index
        %get3A_1771 = tpu.vector_load %arg12[%get3A_1768, %get3A_1769, %get3A_1770] {strides = array<i32>} : memref<4x25x300xf32, #tpu.memory_space<vmem>>, vector<16xf32>,
        %get3A_1772 = arith.constant 2 : i32
        %get3A_1773 = arith.constant 8 : i32
        %get3A_1774 = arith.index_cast %get3A_1772 : i32 to index
        %get3A_1775 = arith.index_cast %get3A_1773 : i32 to index
        %get3A_1776 = arith.index_cast %mul3A_1377 : i32 to index
        %get3A_1777 = tpu.vector_load %arg12[%get3A_1774, %get3A_1775, %get3A_1776] {strides = array<i32>} : memref<4x25x300xf32, #tpu.memory_space<vmem>>, vector<16xf32>,
        %get3A_1778 = arith.constant 3 : i32
        %get3A_1779 = arith.constant 8 : i32
        %get3A_1780 = arith.index_cast %get3A_1778 : i32 to index
        %get3A_1781 = arith.index_cast %get3A_1779 : i32 to index
        %get3A_1782 = arith.index_cast %mul3A_1377 : i32 to index
        %get3A_1783 = tpu.vector_load %arg12[%get3A_1780, %get3A_1781, %get3A_1782] {strides = array<i32>} : memref<4x25x300xf32, #tpu.memory_space<vmem>>, vector<16xf32>,
        %select_n3A_1784 = arith.select %ge3A_1759, %get3A_1771, %get3A_1765 : vector<16xi1>, vector<16xf32>
        %select_n3A_1785 = arith.select %ge3A_1759, %get3A_1783, %get3A_1777 : vector<16xi1>, vector<16xf32>
        %select_n3A_1786 = arith.select %ge3A_1380, %select_n3A_1785, %select_n3A_1784 : vector<16xi1>, vector<16xf32>
        %ge3A_1787 = arith.cmpf oge, %add3A_1758, %get3A_1389 : vector<16xf32>
        %le3A_1788 = arith.cmpf ole, %add3A_1758, %get3A_1391 : vector<16xf32>
        %and3A_1789 = arith.andi %ge3A_1787, %le3A_1788 : vector<16xi1>
        %and3A_1790 = arith.andi %and3A_1789, %and3A_1387 : vector<16xi1>
        %jit3A_1791 = arith.constant 0.000000e+00 : f32
        %broadcast_in_dim3A_1792 = vector.broadcast %jit3A_1791 : f32 to vector<16xf32>
        %select_n3A_1793 = arith.select %and3A_1790, %select_n3A_1786, %broadcast_in_dim3A_1792 : vector<16xi1>, vector<16xf32>
        %swap3A_1794 = arith.constant 8 : i32
        %swap3A_1795 = arith.index_cast %swap3A_1794 : i32 to index
        %swap3A_1796 = arith.index_cast %mul3A_1377 : i32 to index
        %swap3A_1797 = tpu.vector_load %arg14[%swap3A_1795, %swap3A_1796] {strides = array<i32>} : memref<25x300xf32, #tpu.memory_space<vmem>>, vector<16xf32>,
        tpu.vector_store %arg14[%swap3A_1795, %swap3A_1796], %select_n3A_1793 {strides = array<i32>} : memref<25x300xf32, #tpu.memory_space<vmem>>, vector<16xf32>,
        %broadcast_in_dim3A_1798 = arith.constant 0.000000e+00 : f32
        %broadcast_in_dim3A_1799 = vector.broadcast %broadcast_in_dim3A_1798 : f32 to vector<16xf32>
        %add3A_1800 = arith.constant 9.000000e+00 : f32
        %add3A_1801 = arith.addf %convert_element_type3A, %add3A_1800 : f32
        %add3A_1802 = vector.broadcast %add3A_1801 : f32 to vector<16xf32>
        %add3A_1803 = arith.addf %broadcast_in_dim3A_1799, %add3A_1802 : vector<16xf32>
        %ge3A_1804 = arith.cmpf oge, %add3A_1803, %get3A_1393 : vector<16xf32>
        %get3A_1805 = arith.constant 0 : i32
        %get3A_1806 = arith.constant 9 : i32
        %get3A_1807 = arith.index_cast %get3A_1805 : i32 to index
        %get3A_1808 = arith.index_cast %get3A_1806 : i32 to index
        %get3A_1809 = arith.index_cast %mul3A_1377 : i32 to index
        %get3A_1810 = tpu.vector_load %arg12[%get3A_1807, %get3A_1808, %get3A_1809] {strides = array<i32>} : memref<4x25x300xf32, #tpu.memory_space<vmem>>, vector<16xf32>,
        %get3A_1811 = arith.constant 1 : i32
        %get3A_1812 = arith.constant 9 : i32
        %get3A_1813 = arith.index_cast %get3A_1811 : i32 to index
        %get3A_1814 = arith.index_cast %get3A_1812 : i32 to index
        %get3A_1815 = arith.index_cast %mul3A_1377 : i32 to index
        %get3A_1816 = tpu.vector_load %arg12[%get3A_1813, %get3A_1814, %get3A_1815] {strides = array<i32>} : memref<4x25x300xf32, #tpu.memory_space<vmem>>, vector<16xf32>,
        %get3A_1817 = arith.constant 2 : i32
        %get3A_1818 = arith.constant 9 : i32
        %get3A_1819 = arith.index_cast %get3A_1817 : i32 to index
        %get3A_1820 = arith.index_cast %get3A_1818 : i32 to index
        %get3A_1821 = arith.index_cast %mul3A_1377 : i32 to index
        %get3A_1822 = tpu.vector_load %arg12[%get3A_1819, %get3A_1820, %get3A_1821] {strides = array<i32>} : memref<4x25x300xf32, #tpu.memory_space<vmem>>, vector<16xf32>,
        %get3A_1823 = arith.constant 3 : i32
        %get3A_1824 = arith.constant 9 : i32
        %get3A_1825 = arith.index_cast %get3A_1823 : i32 to index
        %get3A_1826 = arith.index_cast %get3A_1824 : i32 to index
        %get3A_1827 = arith.index_cast %mul3A_1377 : i32 to index
        %get3A_1828 = tpu.vector_load %arg12[%get3A_1825, %get3A_1826, %get3A_1827] {strides = array<i32>} : memref<4x25x300xf32, #tpu.memory_space<vmem>>, vector<16xf32>,
        %select_n3A_1829 = arith.select %ge3A_1804, %get3A_1816, %get3A_1810 : vector<16xi1>, vector<16xf32>
        %select_n3A_1830 = arith.select %ge3A_1804, %get3A_1828, %get3A_1822 : vector<16xi1>, vector<16xf32>
        %select_n3A_1831 = arith.select %ge3A_1380, %select_n3A_1830, %select_n3A_1829 : vector<16xi1>, vector<16xf32>
        %ge3A_1832 = arith.cmpf oge, %add3A_1803, %get3A_1389 : vector<16xf32>
        %le3A_1833 = arith.cmpf ole, %add3A_1803, %get3A_1391 : vector<16xf32>
        %and3A_1834 = arith.andi %ge3A_1832, %le3A_1833 : vector<16xi1>
        %and3A_1835 = arith.andi %and3A_1834, %and3A_1387 : vector<16xi1>
        %jit3A_1836 = arith.constant 0.000000e+00 : f32
        %broadcast_in_dim3A_1837 = vector.broadcast %jit3A_1836 : f32 to vector<16xf32>
        %select_n3A_1838 = arith.select %and3A_1835, %select_n3A_1831, %broadcast_in_dim3A_1837 : vector<16xi1>, vector<16xf32>
        %swap3A_1839 = arith.constant 9 : i32
        %swap3A_1840 = arith.index_cast %swap3A_1839 : i32 to index
        %swap3A_1841 = arith.index_cast %mul3A_1377 : i32 to index
        %swap3A_1842 = tpu.vector_load %arg14[%swap3A_1840, %swap3A_1841] {strides = array<i32>} : memref<25x300xf32, #tpu.memory_space<vmem>>, vector<16xf32>,
        tpu.vector_store %arg14[%swap3A_1840, %swap3A_1841], %select_n3A_1838 {strides = array<i32>} : memref<25x300xf32, #tpu.memory_space<vmem>>, vector<16xf32>,
        %broadcast_in_dim3A_1843 = arith.constant 0.000000e+00 : f32
        %broadcast_in_dim3A_1844 = vector.broadcast %broadcast_in_dim3A_1843 : f32 to vector<16xf32>
        %add3A_1845 = arith.constant 1.000000e+01 : f32
        %add3A_1846 = arith.addf %convert_element_type3A, %add3A_1845 : f32
        %add3A_1847 = vector.broadcast %add3A_1846 : f32 to vector<16xf32>
        %add3A_1848 = arith.addf %broadcast_in_dim3A_1844, %add3A_1847 : vector<16xf32>
        %ge3A_1849 = arith.cmpf oge, %add3A_1848, %get3A_1393 : vector<16xf32>
        %get3A_1850 = arith.constant 0 : i32
        %get3A_1851 = arith.constant 10 : i32
        %get3A_1852 = arith.index_cast %get3A_1850 : i32 to index
        %get3A_1853 = arith.index_cast %get3A_1851 : i32 to index
        %get3A_1854 = arith.index_cast %mul3A_1377 : i32 to index
        %get3A_1855 = tpu.vector_load %arg12[%get3A_1852, %get3A_1853, %get3A_1854] {strides = array<i32>} : memref<4x25x300xf32, #tpu.memory_space<vmem>>, vector<16xf32>,
        %get3A_1856 = arith.constant 1 : i32
        %get3A_1857 = arith.constant 10 : i32
        %get3A_1858 = arith.index_cast %get3A_1856 : i32 to index
        %get3A_1859 = arith.index_cast %get3A_1857 : i32 to index
        %get3A_1860 = arith.index_cast %mul3A_1377 : i32 to index
        %get3A_1861 = tpu.vector_load %arg12[%get3A_1858, %get3A_1859, %get3A_1860] {strides = array<i32>} : memref<4x25x300xf32, #tpu.memory_space<vmem>>, vector<16xf32>,
        %get3A_1862 = arith.constant 2 : i32
        %get3A_1863 = arith.constant 10 : i32
        %get3A_1864 = arith.index_cast %get3A_1862 : i32 to index
        %get3A_1865 = arith.index_cast %get3A_1863 : i32 to index
        %get3A_1866 = arith.index_cast %mul3A_1377 : i32 to index
        %get3A_1867 = tpu.vector_load %arg12[%get3A_1864, %get3A_1865, %get3A_1866] {strides = array<i32>} : memref<4x25x300xf32, #tpu.memory_space<vmem>>, vector<16xf32>,
        %get3A_1868 = arith.constant 3 : i32
        %get3A_1869 = arith.constant 10 : i32
        %get3A_1870 = arith.index_cast %get3A_1868 : i32 to index
        %get3A_1871 = arith.index_cast %get3A_1869 : i32 to index
        %get3A_1872 = arith.index_cast %mul3A_1377 : i32 to index
        %get3A_1873 = tpu.vector_load %arg12[%get3A_1870, %get3A_1871, %get3A_1872] {strides = array<i32>} : memref<4x25x300xf32, #tpu.memory_space<vmem>>, vector<16xf32>,
        %select_n3A_1874 = arith.select %ge3A_1849, %get3A_1861, %get3A_1855 : vector<16xi1>, vector<16xf32>
        %select_n3A_1875 = arith.select %ge3A_1849, %get3A_1873, %get3A_1867 : vector<16xi1>, vector<16xf32>
        %select_n3A_1876 = arith.select %ge3A_1380, %select_n3A_1875, %select_n3A_1874 : vector<16xi1>, vector<16xf32>
        %ge3A_1877 = arith.cmpf oge, %add3A_1848, %get3A_1389 : vector<16xf32>
        %le3A_1878 = arith.cmpf ole, %add3A_1848, %get3A_1391 : vector<16xf32>
        %and3A_1879 = arith.andi %ge3A_1877, %le3A_1878 : vector<16xi1>
        %and3A_1880 = arith.andi %and3A_1879, %and3A_1387 : vector<16xi1>
        %jit3A_1881 = arith.constant 0.000000e+00 : f32
        %broadcast_in_dim3A_1882 = vector.broadcast %jit3A_1881 : f32 to vector<16xf32>
        %select_n3A_1883 = arith.select %and3A_1880, %select_n3A_1876, %broadcast_in_dim3A_1882 : vector<16xi1>, vector<16xf32>
        %swap3A_1884 = arith.constant 10 : i32
        %swap3A_1885 = arith.index_cast %swap3A_1884 : i32 to index
        %swap3A_1886 = arith.index_cast %mul3A_1377 : i32 to index
        %swap3A_1887 = tpu.vector_load %arg14[%swap3A_1885, %swap3A_1886] {strides = array<i32>} : memref<25x300xf32, #tpu.memory_space<vmem>>, vector<16xf32>,
        tpu.vector_store %arg14[%swap3A_1885, %swap3A_1886], %select_n3A_1883 {strides = array<i32>} : memref<25x300xf32, #tpu.memory_space<vmem>>, vector<16xf32>,
        %broadcast_in_dim3A_1888 = arith.constant 0.000000e+00 : f32
        %broadcast_in_dim3A_1889 = vector.broadcast %broadcast_in_dim3A_1888 : f32 to vector<16xf32>
        %add3A_1890 = arith.constant 1.100000e+01 : f32
        %add3A_1891 = arith.addf %convert_element_type3A, %add3A_1890 : f32
        %add3A_1892 = vector.broadcast %add3A_1891 : f32 to vector<16xf32>
        %add3A_1893 = arith.addf %broadcast_in_dim3A_1889, %add3A_1892 : vector<16xf32>
        %ge3A_1894 = arith.cmpf oge, %add3A_1893, %get3A_1393 : vector<16xf32>
        %get3A_1895 = arith.constant 0 : i32
        %get3A_1896 = arith.constant 11 : i32
        %get3A_1897 = arith.index_cast %get3A_1895 : i32 to index
        %get3A_1898 = arith.index_cast %get3A_1896 : i32 to index
        %get3A_1899 = arith.index_cast %mul3A_1377 : i32 to index
        %get3A_1900 = tpu.vector_load %arg12[%get3A_1897, %get3A_1898, %get3A_1899] {strides = array<i32>} : memref<4x25x300xf32, #tpu.memory_space<vmem>>, vector<16xf32>,
        %get3A_1901 = arith.constant 1 : i32
        %get3A_1902 = arith.constant 11 : i32
        %get3A_1903 = arith.index_cast %get3A_1901 : i32 to index
        %get3A_1904 = arith.index_cast %get3A_1902 : i32 to index
        %get3A_1905 = arith.index_cast %mul3A_1377 : i32 to index
        %get3A_1906 = tpu.vector_load %arg12[%get3A_1903, %get3A_1904, %get3A_1905] {strides = array<i32>} : memref<4x25x300xf32, #tpu.memory_space<vmem>>, vector<16xf32>,
        %get3A_1907 = arith.constant 2 : i32
        %get3A_1908 = arith.constant 11 : i32
        %get3A_1909 = arith.index_cast %get3A_1907 : i32 to index
        %get3A_1910 = arith.index_cast %get3A_1908 : i32 to index
        %get3A_1911 = arith.index_cast %mul3A_1377 : i32 to index
        %get3A_1912 = tpu.vector_load %arg12[%get3A_1909, %get3A_1910, %get3A_1911] {strides = array<i32>} : memref<4x25x300xf32, #tpu.memory_space<vmem>>, vector<16xf32>,
        %get3A_1913 = arith.constant 3 : i32
        %get3A_1914 = arith.constant 11 : i32
        %get3A_1915 = arith.index_cast %get3A_1913 : i32 to index
        %get3A_1916 = arith.index_cast %get3A_1914 : i32 to index
        %get3A_1917 = arith.index_cast %mul3A_1377 : i32 to index
        %get3A_1918 = tpu.vector_load %arg12[%get3A_1915, %get3A_1916, %get3A_1917] {strides = array<i32>} : memref<4x25x300xf32, #tpu.memory_space<vmem>>, vector<16xf32>,
        %select_n3A_1919 = arith.select %ge3A_1894, %get3A_1906, %get3A_1900 : vector<16xi1>, vector<16xf32>
        %select_n3A_1920 = arith.select %ge3A_1894, %get3A_1918, %get3A_1912 : vector<16xi1>, vector<16xf32>
        %select_n3A_1921 = arith.select %ge3A_1380, %select_n3A_1920, %select_n3A_1919 : vector<16xi1>, vector<16xf32>
        %ge3A_1922 = arith.cmpf oge, %add3A_1893, %get3A_1389 : vector<16xf32>
        %le3A_1923 = arith.cmpf ole, %add3A_1893, %get3A_1391 : vector<16xf32>
        %and3A_1924 = arith.andi %ge3A_1922, %le3A_1923 : vector<16xi1>
        %and3A_1925 = arith.andi %and3A_1924, %and3A_1387 : vector<16xi1>
        %jit3A_1926 = arith.constant 0.000000e+00 : f32
        %broadcast_in_dim3A_1927 = vector.broadcast %jit3A_1926 : f32 to vector<16xf32>
        %select_n3A_1928 = arith.select %and3A_1925, %select_n3A_1921, %broadcast_in_dim3A_1927 : vector<16xi1>, vector<16xf32>
        %swap3A_1929 = arith.constant 11 : i32
        %swap3A_1930 = arith.index_cast %swap3A_1929 : i32 to index
        %swap3A_1931 = arith.index_cast %mul3A_1377 : i32 to index
        %swap3A_1932 = tpu.vector_load %arg14[%swap3A_1930, %swap3A_1931] {strides = array<i32>} : memref<25x300xf32, #tpu.memory_space<vmem>>, vector<16xf32>,
        tpu.vector_store %arg14[%swap3A_1930, %swap3A_1931], %select_n3A_1928 {strides = array<i32>} : memref<25x300xf32, #tpu.memory_space<vmem>>, vector<16xf32>,
        %broadcast_in_dim3A_1933 = arith.constant 0.000000e+00 : f32
        %broadcast_in_dim3A_1934 = vector.broadcast %broadcast_in_dim3A_1933 : f32 to vector<16xf32>
        %add3A_1935 = arith.constant 1.200000e+01 : f32
        %add3A_1936 = arith.addf %convert_element_type3A, %add3A_1935 : f32
        %add3A_1937 = vector.broadcast %add3A_1936 : f32 to vector<16xf32>
        %add3A_1938 = arith.addf %broadcast_in_dim3A_1934, %add3A_1937 : vector<16xf32>
        %ge3A_1939 = arith.cmpf oge, %add3A_1938, %get3A_1393 : vector<16xf32>
        %get3A_1940 = arith.constant 0 : i32
        %get3A_1941 = arith.constant 12 : i32
        %get3A_1942 = arith.index_cast %get3A_1940 : i32 to index
        %get3A_1943 = arith.index_cast %get3A_1941 : i32 to index
        %get3A_1944 = arith.index_cast %mul3A_1377 : i32 to index
        %get3A_1945 = tpu.vector_load %arg12[%get3A_1942, %get3A_1943, %get3A_1944] {strides = array<i32>} : memref<4x25x300xf32, #tpu.memory_space<vmem>>, vector<16xf32>,
        %get3A_1946 = arith.constant 1 : i32
        %get3A_1947 = arith.constant 12 : i32
        %get3A_1948 = arith.index_cast %get3A_1946 : i32 to index
        %get3A_1949 = arith.index_cast %get3A_1947 : i32 to index
        %get3A_1950 = arith.index_cast %mul3A_1377 : i32 to index
        %get3A_1951 = tpu.vector_load %arg12[%get3A_1948, %get3A_1949, %get3A_1950] {strides = array<i32>} : memref<4x25x300xf32, #tpu.memory_space<vmem>>, vector<16xf32>,
        %get3A_1952 = arith.constant 2 : i32
        %get3A_1953 = arith.constant 12 : i32
        %get3A_1954 = arith.index_cast %get3A_1952 : i32 to index
        %get3A_1955 = arith.index_cast %get3A_1953 : i32 to index
        %get3A_1956 = arith.index_cast %mul3A_1377 : i32 to index
        %get3A_1957 = tpu.vector_load %arg12[%get3A_1954, %get3A_1955, %get3A_1956] {strides = array<i32>} : memref<4x25x300xf32, #tpu.memory_space<vmem>>, vector<16xf32>,
        %get3A_1958 = arith.constant 3 : i32
        %get3A_1959 = arith.constant 12 : i32
        %get3A_1960 = arith.index_cast %get3A_1958 : i32 to index
        %get3A_1961 = arith.index_cast %get3A_1959 : i32 to index
        %get3A_1962 = arith.index_cast %mul3A_1377 : i32 to index
        %get3A_1963 = tpu.vector_load %arg12[%get3A_1960, %get3A_1961, %get3A_1962] {strides = array<i32>} : memref<4x25x300xf32, #tpu.memory_space<vmem>>, vector<16xf32>,
        %select_n3A_1964 = arith.select %ge3A_1939, %get3A_1951, %get3A_1945 : vector<16xi1>, vector<16xf32>
        %select_n3A_1965 = arith.select %ge3A_1939, %get3A_1963, %get3A_1957 : vector<16xi1>, vector<16xf32>
        %select_n3A_1966 = arith.select %ge3A_1380, %select_n3A_1965, %select_n3A_1964 : vector<16xi1>, vector<16xf32>
        %ge3A_1967 = arith.cmpf oge, %add3A_1938, %get3A_1389 : vector<16xf32>
        %le3A_1968 = arith.cmpf ole, %add3A_1938, %get3A_1391 : vector<16xf32>
        %and3A_1969 = arith.andi %ge3A_1967, %le3A_1968 : vector<16xi1>
        %and3A_1970 = arith.andi %and3A_1969, %and3A_1387 : vector<16xi1>
        %jit3A_1971 = arith.constant 0.000000e+00 : f32
        %broadcast_in_dim3A_1972 = vector.broadcast %jit3A_1971 : f32 to vector<16xf32>
        %select_n3A_1973 = arith.select %and3A_1970, %select_n3A_1966, %broadcast_in_dim3A_1972 : vector<16xi1>, vector<16xf32>
        %swap3A_1974 = arith.constant 12 : i32
        %swap3A_1975 = arith.index_cast %swap3A_1974 : i32 to index
        %swap3A_1976 = arith.index_cast %mul3A_1377 : i32 to index
        %swap3A_1977 = tpu.vector_load %arg14[%swap3A_1975, %swap3A_1976] {strides = array<i32>} : memref<25x300xf32, #tpu.memory_space<vmem>>, vector<16xf32>,
        tpu.vector_store %arg14[%swap3A_1975, %swap3A_1976], %select_n3A_1973 {strides = array<i32>} : memref<25x300xf32, #tpu.memory_space<vmem>>, vector<16xf32>,
        %broadcast_in_dim3A_1978 = arith.constant 0.000000e+00 : f32
        %broadcast_in_dim3A_1979 = vector.broadcast %broadcast_in_dim3A_1978 : f32 to vector<16xf32>
        %add3A_1980 = arith.constant 1.300000e+01 : f32
        %add3A_1981 = arith.addf %convert_element_type3A, %add3A_1980 : f32
        %add3A_1982 = vector.broadcast %add3A_1981 : f32 to vector<16xf32>
        %add3A_1983 = arith.addf %broadcast_in_dim3A_1979, %add3A_1982 : vector<16xf32>
        %ge3A_1984 = arith.cmpf oge, %add3A_1983, %get3A_1393 : vector<16xf32>
        %get3A_1985 = arith.constant 0 : i32
        %get3A_1986 = arith.constant 13 : i32
        %get3A_1987 = arith.index_cast %get3A_1985 : i32 to index
        %get3A_1988 = arith.index_cast %get3A_1986 : i32 to index
        %get3A_1989 = arith.index_cast %mul3A_1377 : i32 to index
        %get3A_1990 = tpu.vector_load %arg12[%get3A_1987, %get3A_1988, %get3A_1989] {strides = array<i32>} : memref<4x25x300xf32, #tpu.memory_space<vmem>>, vector<16xf32>,
        %get3A_1991 = arith.constant 1 : i32
        %get3A_1992 = arith.constant 13 : i32
        %get3A_1993 = arith.index_cast %get3A_1991 : i32 to index
        %get3A_1994 = arith.index_cast %get3A_1992 : i32 to index
        %get3A_1995 = arith.index_cast %mul3A_1377 : i32 to index
        %get3A_1996 = tpu.vector_load %arg12[%get3A_1993, %get3A_1994, %get3A_1995] {strides = array<i32>} : memref<4x25x300xf32, #tpu.memory_space<vmem>>, vector<16xf32>,
        %get3A_1997 = arith.constant 2 : i32
        %get3A_1998 = arith.constant 13 : i32
        %get3A_1999 = arith.index_cast %get3A_1997 : i32 to index
        %get3A_2000 = arith.index_cast %get3A_1998 : i32 to index
        %get3A_2001 = arith.index_cast %mul3A_1377 : i32 to index
        %get3A_2002 = tpu.vector_load %arg12[%get3A_1999, %get3A_2000, %get3A_2001] {strides = array<i32>} : memref<4x25x300xf32, #tpu.memory_space<vmem>>, vector<16xf32>,
        %get3A_2003 = arith.constant 3 : i32
        %get3A_2004 = arith.constant 13 : i32
        %get3A_2005 = arith.index_cast %get3A_2003 : i32 to index
        %get3A_2006 = arith.index_cast %get3A_2004 : i32 to index
        %get3A_2007 = arith.index_cast %mul3A_1377 : i32 to index
        %get3A_2008 = tpu.vector_load %arg12[%get3A_2005, %get3A_2006, %get3A_2007] {strides = array<i32>} : memref<4x25x300xf32, #tpu.memory_space<vmem>>, vector<16xf32>,
        %select_n3A_2009 = arith.select %ge3A_1984, %get3A_1996, %get3A_1990 : vector<16xi1>, vector<16xf32>
        %select_n3A_2010 = arith.select %ge3A_1984, %get3A_2008, %get3A_2002 : vector<16xi1>, vector<16xf32>
        %select_n3A_2011 = arith.select %ge3A_1380, %select_n3A_2010, %select_n3A_2009 : vector<16xi1>, vector<16xf32>
        %ge3A_2012 = arith.cmpf oge, %add3A_1983, %get3A_1389 : vector<16xf32>
        %le3A_2013 = arith.cmpf ole, %add3A_1983, %get3A_1391 : vector<16xf32>
        %and3A_2014 = arith.andi %ge3A_2012, %le3A_2013 : vector<16xi1>
        %and3A_2015 = arith.andi %and3A_2014, %and3A_1387 : vector<16xi1>
        %jit3A_2016 = arith.constant 0.000000e+00 : f32
        %broadcast_in_dim3A_2017 = vector.broadcast %jit3A_2016 : f32 to vector<16xf32>
        %select_n3A_2018 = arith.select %and3A_2015, %select_n3A_2011, %broadcast_in_dim3A_2017 : vector<16xi1>, vector<16xf32>
        %swap3A_2019 = arith.constant 13 : i32
        %swap3A_2020 = arith.index_cast %swap3A_2019 : i32 to index
        %swap3A_2021 = arith.index_cast %mul3A_1377 : i32 to index
        %swap3A_2022 = tpu.vector_load %arg14[%swap3A_2020, %swap3A_2021] {strides = array<i32>} : memref<25x300xf32, #tpu.memory_space<vmem>>, vector<16xf32>,
        tpu.vector_store %arg14[%swap3A_2020, %swap3A_2021], %select_n3A_2018 {strides = array<i32>} : memref<25x300xf32, #tpu.memory_space<vmem>>, vector<16xf32>,
        %broadcast_in_dim3A_2023 = arith.constant 0.000000e+00 : f32
        %broadcast_in_dim3A_2024 = vector.broadcast %broadcast_in_dim3A_2023 : f32 to vector<16xf32>
        %add3A_2025 = arith.constant 1.400000e+01 : f32
        %add3A_2026 = arith.addf %convert_element_type3A, %add3A_2025 : f32
        %add3A_2027 = vector.broadcast %add3A_2026 : f32 to vector<16xf32>
        %add3A_2028 = arith.addf %broadcast_in_dim3A_2024, %add3A_2027 : vector<16xf32>
        %ge3A_2029 = arith.cmpf oge, %add3A_2028, %get3A_1393 : vector<16xf32>
        %get3A_2030 = arith.constant 0 : i32
        %get3A_2031 = arith.constant 14 : i32
        %get3A_2032 = arith.index_cast %get3A_2030 : i32 to index
        %get3A_2033 = arith.index_cast %get3A_2031 : i32 to index
        %get3A_2034 = arith.index_cast %mul3A_1377 : i32 to index
        %get3A_2035 = tpu.vector_load %arg12[%get3A_2032, %get3A_2033, %get3A_2034] {strides = array<i32>} : memref<4x25x300xf32, #tpu.memory_space<vmem>>, vector<16xf32>,
        %get3A_2036 = arith.constant 1 : i32
        %get3A_2037 = arith.constant 14 : i32
        %get3A_2038 = arith.index_cast %get3A_2036 : i32 to index
        %get3A_2039 = arith.index_cast %get3A_2037 : i32 to index
        %get3A_2040 = arith.index_cast %mul3A_1377 : i32 to index
        %get3A_2041 = tpu.vector_load %arg12[%get3A_2038, %get3A_2039, %get3A_2040] {strides = array<i32>} : memref<4x25x300xf32, #tpu.memory_space<vmem>>, vector<16xf32>,
        %get3A_2042 = arith.constant 2 : i32
        %get3A_2043 = arith.constant 14 : i32
        %get3A_2044 = arith.index_cast %get3A_2042 : i32 to index
        %get3A_2045 = arith.index_cast %get3A_2043 : i32 to index
        %get3A_2046 = arith.index_cast %mul3A_1377 : i32 to index
        %get3A_2047 = tpu.vector_load %arg12[%get3A_2044, %get3A_2045, %get3A_2046] {strides = array<i32>} : memref<4x25x300xf32, #tpu.memory_space<vmem>>, vector<16xf32>,
        %get3A_2048 = arith.constant 3 : i32
        %get3A_2049 = arith.constant 14 : i32
        %get3A_2050 = arith.index_cast %get3A_2048 : i32 to index
        %get3A_2051 = arith.index_cast %get3A_2049 : i32 to index
        %get3A_2052 = arith.index_cast %mul3A_1377 : i32 to index
        %get3A_2053 = tpu.vector_load %arg12[%get3A_2050, %get3A_2051, %get3A_2052] {strides = array<i32>} : memref<4x25x300xf32, #tpu.memory_space<vmem>>, vector<16xf32>,
        %select_n3A_2054 = arith.select %ge3A_2029, %get3A_2041, %get3A_2035 : vector<16xi1>, vector<16xf32>
        %select_n3A_2055 = arith.select %ge3A_2029, %get3A_2053, %get3A_2047 : vector<16xi1>, vector<16xf32>
        %select_n3A_2056 = arith.select %ge3A_1380, %select_n3A_2055, %select_n3A_2054 : vector<16xi1>, vector<16xf32>
        %ge3A_2057 = arith.cmpf oge, %add3A_2028, %get3A_1389 : vector<16xf32>
        %le3A_2058 = arith.cmpf ole, %add3A_2028, %get3A_1391 : vector<16xf32>
        %and3A_2059 = arith.andi %ge3A_2057, %le3A_2058 : vector<16xi1>
        %and3A_2060 = arith.andi %and3A_2059, %and3A_1387 : vector<16xi1>
        %jit3A_2061 = arith.constant 0.000000e+00 : f32
        %broadcast_in_dim3A_2062 = vector.broadcast %jit3A_2061 : f32 to vector<16xf32>
        %select_n3A_2063 = arith.select %and3A_2060, %select_n3A_2056, %broadcast_in_dim3A_2062 : vector<16xi1>, vector<16xf32>
        %swap3A_2064 = arith.constant 14 : i32
        %swap3A_2065 = arith.index_cast %swap3A_2064 : i32 to index
        %swap3A_2066 = arith.index_cast %mul3A_1377 : i32 to index
        %swap3A_2067 = tpu.vector_load %arg14[%swap3A_2065, %swap3A_2066] {strides = array<i32>} : memref<25x300xf32, #tpu.memory_space<vmem>>, vector<16xf32>,
        tpu.vector_store %arg14[%swap3A_2065, %swap3A_2066], %select_n3A_2063 {strides = array<i32>} : memref<25x300xf32, #tpu.memory_space<vmem>>, vector<16xf32>,
        %broadcast_in_dim3A_2068 = arith.constant 0.000000e+00 : f32
        %broadcast_in_dim3A_2069 = vector.broadcast %broadcast_in_dim3A_2068 : f32 to vector<16xf32>
        %add3A_2070 = arith.constant 1.500000e+01 : f32
        %add3A_2071 = arith.addf %convert_element_type3A, %add3A_2070 : f32
        %add3A_2072 = vector.broadcast %add3A_2071 : f32 to vector<16xf32>
        %add3A_2073 = arith.addf %broadcast_in_dim3A_2069, %add3A_2072 : vector<16xf32>
        %ge3A_2074 = arith.cmpf oge, %add3A_2073, %get3A_1393 : vector<16xf32>
        %get3A_2075 = arith.constant 0 : i32
        %get3A_2076 = arith.constant 15 : i32
        %get3A_2077 = arith.index_cast %get3A_2075 : i32 to index
        %get3A_2078 = arith.index_cast %get3A_2076 : i32 to index
        %get3A_2079 = arith.index_cast %mul3A_1377 : i32 to index
        %get3A_2080 = tpu.vector_load %arg12[%get3A_2077, %get3A_2078, %get3A_2079] {strides = array<i32>} : memref<4x25x300xf32, #tpu.memory_space<vmem>>, vector<16xf32>,
        %get3A_2081 = arith.constant 1 : i32
        %get3A_2082 = arith.constant 15 : i32
        %get3A_2083 = arith.index_cast %get3A_2081 : i32 to index
        %get3A_2084 = arith.index_cast %get3A_2082 : i32 to index
        %get3A_2085 = arith.index_cast %mul3A_1377 : i32 to index
        %get3A_2086 = tpu.vector_load %arg12[%get3A_2083, %get3A_2084, %get3A_2085] {strides = array<i32>} : memref<4x25x300xf32, #tpu.memory_space<vmem>>, vector<16xf32>,
        %get3A_2087 = arith.constant 2 : i32
        %get3A_2088 = arith.constant 15 : i32
        %get3A_2089 = arith.index_cast %get3A_2087 : i32 to index
        %get3A_2090 = arith.index_cast %get3A_2088 : i32 to index
        %get3A_2091 = arith.index_cast %mul3A_1377 : i32 to index
        %get3A_2092 = tpu.vector_load %arg12[%get3A_2089, %get3A_2090, %get3A_2091] {strides = array<i32>} : memref<4x25x300xf32, #tpu.memory_space<vmem>>, vector<16xf32>,
        %get3A_2093 = arith.constant 3 : i32
        %get3A_2094 = arith.constant 15 : i32
        %get3A_2095 = arith.index_cast %get3A_2093 : i32 to index
        %get3A_2096 = arith.index_cast %get3A_2094 : i32 to index
        %get3A_2097 = arith.index_cast %mul3A_1377 : i32 to index
        %get3A_2098 = tpu.vector_load %arg12[%get3A_2095, %get3A_2096, %get3A_2097] {strides = array<i32>} : memref<4x25x300xf32, #tpu.memory_space<vmem>>, vector<16xf32>,
        %select_n3A_2099 = arith.select %ge3A_2074, %get3A_2086, %get3A_2080 : vector<16xi1>, vector<16xf32>
        %select_n3A_2100 = arith.select %ge3A_2074, %get3A_2098, %get3A_2092 : vector<16xi1>, vector<16xf32>
        %select_n3A_2101 = arith.select %ge3A_1380, %select_n3A_2100, %select_n3A_2099 : vector<16xi1>, vector<16xf32>
        %ge3A_2102 = arith.cmpf oge, %add3A_2073, %get3A_1389 : vector<16xf32>
        %le3A_2103 = arith.cmpf ole, %add3A_2073, %get3A_1391 : vector<16xf32>
        %and3A_2104 = arith.andi %ge3A_2102, %le3A_2103 : vector<16xi1>
        %and3A_2105 = arith.andi %and3A_2104, %and3A_1387 : vector<16xi1>
        %jit3A_2106 = arith.constant 0.000000e+00 : f32
        %broadcast_in_dim3A_2107 = vector.broadcast %jit3A_2106 : f32 to vector<16xf32>
        %select_n3A_2108 = arith.select %and3A_2105, %select_n3A_2101, %broadcast_in_dim3A_2107 : vector<16xi1>, vector<16xf32>
        %swap3A_2109 = arith.constant 15 : i32
        %swap3A_2110 = arith.index_cast %swap3A_2109 : i32 to index
        %swap3A_2111 = arith.index_cast %mul3A_1377 : i32 to index
        %swap3A_2112 = tpu.vector_load %arg14[%swap3A_2110, %swap3A_2111] {strides = array<i32>} : memref<25x300xf32, #tpu.memory_space<vmem>>, vector<16xf32>,
        tpu.vector_store %arg14[%swap3A_2110, %swap3A_2111], %select_n3A_2108 {strides = array<i32>} : memref<25x300xf32, #tpu.memory_space<vmem>>, vector<16xf32>,
        %broadcast_in_dim3A_2113 = arith.constant 0.000000e+00 : f32
        %broadcast_in_dim3A_2114 = vector.broadcast %broadcast_in_dim3A_2113 : f32 to vector<16xf32>
        %add3A_2115 = arith.constant 1.600000e+01 : f32
        %add3A_2116 = arith.addf %convert_element_type3A, %add3A_2115 : f32
        %add3A_2117 = vector.broadcast %add3A_2116 : f32 to vector<16xf32>
        %add3A_2118 = arith.addf %broadcast_in_dim3A_2114, %add3A_2117 : vector<16xf32>
        %ge3A_2119 = arith.cmpf oge, %add3A_2118, %get3A_1393 : vector<16xf32>
        %get3A_2120 = arith.constant 0 : i32
        %get3A_2121 = arith.constant 16 : i32
        %get3A_2122 = arith.index_cast %get3A_2120 : i32 to index
        %get3A_2123 = arith.index_cast %get3A_2121 : i32 to index
        %get3A_2124 = arith.index_cast %mul3A_1377 : i32 to index
        %get3A_2125 = tpu.vector_load %arg12[%get3A_2122, %get3A_2123, %get3A_2124] {strides = array<i32>} : memref<4x25x300xf32, #tpu.memory_space<vmem>>, vector<16xf32>,
        %get3A_2126 = arith.constant 1 : i32
        %get3A_2127 = arith.constant 16 : i32
        %get3A_2128 = arith.index_cast %get3A_2126 : i32 to index
        %get3A_2129 = arith.index_cast %get3A_2127 : i32 to index
        %get3A_2130 = arith.index_cast %mul3A_1377 : i32 to index
        %get3A_2131 = tpu.vector_load %arg12[%get3A_2128, %get3A_2129, %get3A_2130] {strides = array<i32>} : memref<4x25x300xf32, #tpu.memory_space<vmem>>, vector<16xf32>,
        %get3A_2132 = arith.constant 2 : i32
        %get3A_2133 = arith.constant 16 : i32
        %get3A_2134 = arith.index_cast %get3A_2132 : i32 to index
        %get3A_2135 = arith.index_cast %get3A_2133 : i32 to index
        %get3A_2136 = arith.index_cast %mul3A_1377 : i32 to index
        %get3A_2137 = tpu.vector_load %arg12[%get3A_2134, %get3A_2135, %get3A_2136] {strides = array<i32>} : memref<4x25x300xf32, #tpu.memory_space<vmem>>, vector<16xf32>,
        %get3A_2138 = arith.constant 3 : i32
        %get3A_2139 = arith.constant 16 : i32
        %get3A_2140 = arith.index_cast %get3A_2138 : i32 to index
        %get3A_2141 = arith.index_cast %get3A_2139 : i32 to index
        %get3A_2142 = arith.index_cast %mul3A_1377 : i32 to index
        %get3A_2143 = tpu.vector_load %arg12[%get3A_2140, %get3A_2141, %get3A_2142] {strides = array<i32>} : memref<4x25x300xf32, #tpu.memory_space<vmem>>, vector<16xf32>,
        %select_n3A_2144 = arith.select %ge3A_2119, %get3A_2131, %get3A_2125 : vector<16xi1>, vector<16xf32>
        %select_n3A_2145 = arith.select %ge3A_2119, %get3A_2143, %get3A_2137 : vector<16xi1>, vector<16xf32>
        %select_n3A_2146 = arith.select %ge3A_1380, %select_n3A_2145, %select_n3A_2144 : vector<16xi1>, vector<16xf32>
        %ge3A_2147 = arith.cmpf oge, %add3A_2118, %get3A_1389 : vector<16xf32>
        %le3A_2148 = arith.cmpf ole, %add3A_2118, %get3A_1391 : vector<16xf32>
        %and3A_2149 = arith.andi %ge3A_2147, %le3A_2148 : vector<16xi1>
        %and3A_2150 = arith.andi %and3A_2149, %and3A_1387 : vector<16xi1>
        %jit3A_2151 = arith.constant 0.000000e+00 : f32
        %broadcast_in_dim3A_2152 = vector.broadcast %jit3A_2151 : f32 to vector<16xf32>
        %select_n3A_2153 = arith.select %and3A_2150, %select_n3A_2146, %broadcast_in_dim3A_2152 : vector<16xi1>, vector<16xf32>
        %swap3A_2154 = arith.constant 16 : i32
        %swap3A_2155 = arith.index_cast %swap3A_2154 : i32 to index
        %swap3A_2156 = arith.index_cast %mul3A_1377 : i32 to index
        %swap3A_2157 = tpu.vector_load %arg14[%swap3A_2155, %swap3A_2156] {strides = array<i32>} : memref<25x300xf32, #tpu.memory_space<vmem>>, vector<16xf32>,
        tpu.vector_store %arg14[%swap3A_2155, %swap3A_2156], %select_n3A_2153 {strides = array<i32>} : memref<25x300xf32, #tpu.memory_space<vmem>>, vector<16xf32>,
        %broadcast_in_dim3A_2158 = arith.constant 0.000000e+00 : f32
        %broadcast_in_dim3A_2159 = vector.broadcast %broadcast_in_dim3A_2158 : f32 to vector<16xf32>
        %add3A_2160 = arith.constant 1.700000e+01 : f32
        %add3A_2161 = arith.addf %convert_element_type3A, %add3A_2160 : f32
        %add3A_2162 = vector.broadcast %add3A_2161 : f32 to vector<16xf32>
        %add3A_2163 = arith.addf %broadcast_in_dim3A_2159, %add3A_2162 : vector<16xf32>
        %ge3A_2164 = arith.cmpf oge, %add3A_2163, %get3A_1393 : vector<16xf32>
        %get3A_2165 = arith.constant 0 : i32
        %get3A_2166 = arith.constant 17 : i32
        %get3A_2167 = arith.index_cast %get3A_2165 : i32 to index
        %get3A_2168 = arith.index_cast %get3A_2166 : i32 to index
        %get3A_2169 = arith.index_cast %mul3A_1377 : i32 to index
        %get3A_2170 = tpu.vector_load %arg12[%get3A_2167, %get3A_2168, %get3A_2169] {strides = array<i32>} : memref<4x25x300xf32, #tpu.memory_space<vmem>>, vector<16xf32>,
        %get3A_2171 = arith.constant 1 : i32
        %get3A_2172 = arith.constant 17 : i32
        %get3A_2173 = arith.index_cast %get3A_2171 : i32 to index
        %get3A_2174 = arith.index_cast %get3A_2172 : i32 to index
        %get3A_2175 = arith.index_cast %mul3A_1377 : i32 to index
        %get3A_2176 = tpu.vector_load %arg12[%get3A_2173, %get3A_2174, %get3A_2175] {strides = array<i32>} : memref<4x25x300xf32, #tpu.memory_space<vmem>>, vector<16xf32>,
        %get3A_2177 = arith.constant 2 : i32
        %get3A_2178 = arith.constant 17 : i32
        %get3A_2179 = arith.index_cast %get3A_2177 : i32 to index
        %get3A_2180 = arith.index_cast %get3A_2178 : i32 to index
        %get3A_2181 = arith.index_cast %mul3A_1377 : i32 to index
        %get3A_2182 = tpu.vector_load %arg12[%get3A_2179, %get3A_2180, %get3A_2181] {strides = array<i32>} : memref<4x25x300xf32, #tpu.memory_space<vmem>>, vector<16xf32>,
        %get3A_2183 = arith.constant 3 : i32
        %get3A_2184 = arith.constant 17 : i32
        %get3A_2185 = arith.index_cast %get3A_2183 : i32 to index
        %get3A_2186 = arith.index_cast %get3A_2184 : i32 to index
        %get3A_2187 = arith.index_cast %mul3A_1377 : i32 to index
        %get3A_2188 = tpu.vector_load %arg12[%get3A_2185, %get3A_2186, %get3A_2187] {strides = array<i32>} : memref<4x25x300xf32, #tpu.memory_space<vmem>>, vector<16xf32>,
        %select_n3A_2189 = arith.select %ge3A_2164, %get3A_2176, %get3A_2170 : vector<16xi1>, vector<16xf32>
        %select_n3A_2190 = arith.select %ge3A_2164, %get3A_2188, %get3A_2182 : vector<16xi1>, vector<16xf32>
        %select_n3A_2191 = arith.select %ge3A_1380, %select_n3A_2190, %select_n3A_2189 : vector<16xi1>, vector<16xf32>
        %ge3A_2192 = arith.cmpf oge, %add3A_2163, %get3A_1389 : vector<16xf32>
        %le3A_2193 = arith.cmpf ole, %add3A_2163, %get3A_1391 : vector<16xf32>
        %and3A_2194 = arith.andi %ge3A_2192, %le3A_2193 : vector<16xi1>
        %and3A_2195 = arith.andi %and3A_2194, %and3A_1387 : vector<16xi1>
        %jit3A_2196 = arith.constant 0.000000e+00 : f32
        %broadcast_in_dim3A_2197 = vector.broadcast %jit3A_2196 : f32 to vector<16xf32>
        %select_n3A_2198 = arith.select %and3A_2195, %select_n3A_2191, %broadcast_in_dim3A_2197 : vector<16xi1>, vector<16xf32>
        %swap3A_2199 = arith.constant 17 : i32
        %swap3A_2200 = arith.index_cast %swap3A_2199 : i32 to index
        %swap3A_2201 = arith.index_cast %mul3A_1377 : i32 to index
        %swap3A_2202 = tpu.vector_load %arg14[%swap3A_2200, %swap3A_2201] {strides = array<i32>} : memref<25x300xf32, #tpu.memory_space<vmem>>, vector<16xf32>,
        tpu.vector_store %arg14[%swap3A_2200, %swap3A_2201], %select_n3A_2198 {strides = array<i32>} : memref<25x300xf32, #tpu.memory_space<vmem>>, vector<16xf32>,
        %broadcast_in_dim3A_2203 = arith.constant 0.000000e+00 : f32
        %broadcast_in_dim3A_2204 = vector.broadcast %broadcast_in_dim3A_2203 : f32 to vector<16xf32>
        %add3A_2205 = arith.constant 1.800000e+01 : f32
        %add3A_2206 = arith.addf %convert_element_type3A, %add3A_2205 : f32
        %add3A_2207 = vector.broadcast %add3A_2206 : f32 to vector<16xf32>
        %add3A_2208 = arith.addf %broadcast_in_dim3A_2204, %add3A_2207 : vector<16xf32>
        %ge3A_2209 = arith.cmpf oge, %add3A_2208, %get3A_1393 : vector<16xf32>
        %get3A_2210 = arith.constant 0 : i32
        %get3A_2211 = arith.constant 18 : i32
        %get3A_2212 = arith.index_cast %get3A_2210 : i32 to index
        %get3A_2213 = arith.index_cast %get3A_2211 : i32 to index
        %get3A_2214 = arith.index_cast %mul3A_1377 : i32 to index
        %get3A_2215 = tpu.vector_load %arg12[%get3A_2212, %get3A_2213, %get3A_2214] {strides = array<i32>} : memref<4x25x300xf32, #tpu.memory_space<vmem>>, vector<16xf32>,
        %get3A_2216 = arith.constant 1 : i32
        %get3A_2217 = arith.constant 18 : i32
        %get3A_2218 = arith.index_cast %get3A_2216 : i32 to index
        %get3A_2219 = arith.index_cast %get3A_2217 : i32 to index
        %get3A_2220 = arith.index_cast %mul3A_1377 : i32 to index
        %get3A_2221 = tpu.vector_load %arg12[%get3A_2218, %get3A_2219, %get3A_2220] {strides = array<i32>} : memref<4x25x300xf32, #tpu.memory_space<vmem>>, vector<16xf32>,
        %get3A_2222 = arith.constant 2 : i32
        %get3A_2223 = arith.constant 18 : i32
        %get3A_2224 = arith.index_cast %get3A_2222 : i32 to index
        %get3A_2225 = arith.index_cast %get3A_2223 : i32 to index
        %get3A_2226 = arith.index_cast %mul3A_1377 : i32 to index
        %get3A_2227 = tpu.vector_load %arg12[%get3A_2224, %get3A_2225, %get3A_2226] {strides = array<i32>} : memref<4x25x300xf32, #tpu.memory_space<vmem>>, vector<16xf32>,
        %get3A_2228 = arith.constant 3 : i32
        %get3A_2229 = arith.constant 18 : i32
        %get3A_2230 = arith.index_cast %get3A_2228 : i32 to index
        %get3A_2231 = arith.index_cast %get3A_2229 : i32 to index
        %get3A_2232 = arith.index_cast %mul3A_1377 : i32 to index
        %get3A_2233 = tpu.vector_load %arg12[%get3A_2230, %get3A_2231, %get3A_2232] {strides = array<i32>} : memref<4x25x300xf32, #tpu.memory_space<vmem>>, vector<16xf32>,
        %select_n3A_2234 = arith.select %ge3A_2209, %get3A_2221, %get3A_2215 : vector<16xi1>, vector<16xf32>
        %select_n3A_2235 = arith.select %ge3A_2209, %get3A_2233, %get3A_2227 : vector<16xi1>, vector<16xf32>
        %select_n3A_2236 = arith.select %ge3A_1380, %select_n3A_2235, %select_n3A_2234 : vector<16xi1>, vector<16xf32>
        %ge3A_2237 = arith.cmpf oge, %add3A_2208, %get3A_1389 : vector<16xf32>
        %le3A_2238 = arith.cmpf ole, %add3A_2208, %get3A_1391 : vector<16xf32>
        %and3A_2239 = arith.andi %ge3A_2237, %le3A_2238 : vector<16xi1>
        %and3A_2240 = arith.andi %and3A_2239, %and3A_1387 : vector<16xi1>
        %jit3A_2241 = arith.constant 0.000000e+00 : f32
        %broadcast_in_dim3A_2242 = vector.broadcast %jit3A_2241 : f32 to vector<16xf32>
        %select_n3A_2243 = arith.select %and3A_2240, %select_n3A_2236, %broadcast_in_dim3A_2242 : vector<16xi1>, vector<16xf32>
        %swap3A_2244 = arith.constant 18 : i32
        %swap3A_2245 = arith.index_cast %swap3A_2244 : i32 to index
        %swap3A_2246 = arith.index_cast %mul3A_1377 : i32 to index
        %swap3A_2247 = tpu.vector_load %arg14[%swap3A_2245, %swap3A_2246] {strides = array<i32>} : memref<25x300xf32, #tpu.memory_space<vmem>>, vector<16xf32>,
        tpu.vector_store %arg14[%swap3A_2245, %swap3A_2246], %select_n3A_2243 {strides = array<i32>} : memref<25x300xf32, #tpu.memory_space<vmem>>, vector<16xf32>,
        %broadcast_in_dim3A_2248 = arith.constant 0.000000e+00 : f32
        %broadcast_in_dim3A_2249 = vector.broadcast %broadcast_in_dim3A_2248 : f32 to vector<16xf32>
        %add3A_2250 = arith.constant 1.900000e+01 : f32
        %add3A_2251 = arith.addf %convert_element_type3A, %add3A_2250 : f32
        %add3A_2252 = vector.broadcast %add3A_2251 : f32 to vector<16xf32>
        %add3A_2253 = arith.addf %broadcast_in_dim3A_2249, %add3A_2252 : vector<16xf32>
        %ge3A_2254 = arith.cmpf oge, %add3A_2253, %get3A_1393 : vector<16xf32>
        %get3A_2255 = arith.constant 0 : i32
        %get3A_2256 = arith.constant 19 : i32
        %get3A_2257 = arith.index_cast %get3A_2255 : i32 to index
        %get3A_2258 = arith.index_cast %get3A_2256 : i32 to index
        %get3A_2259 = arith.index_cast %mul3A_1377 : i32 to index
        %get3A_2260 = tpu.vector_load %arg12[%get3A_2257, %get3A_2258, %get3A_2259] {strides = array<i32>} : memref<4x25x300xf32, #tpu.memory_space<vmem>>, vector<16xf32>,
        %get3A_2261 = arith.constant 1 : i32
        %get3A_2262 = arith.constant 19 : i32
        %get3A_2263 = arith.index_cast %get3A_2261 : i32 to index
        %get3A_2264 = arith.index_cast %get3A_2262 : i32 to index
        %get3A_2265 = arith.index_cast %mul3A_1377 : i32 to index
        %get3A_2266 = tpu.vector_load %arg12[%get3A_2263, %get3A_2264, %get3A_2265] {strides = array<i32>} : memref<4x25x300xf32, #tpu.memory_space<vmem>>, vector<16xf32>,
        %get3A_2267 = arith.constant 2 : i32
        %get3A_2268 = arith.constant 19 : i32
        %get3A_2269 = arith.index_cast %get3A_2267 : i32 to index
        %get3A_2270 = arith.index_cast %get3A_2268 : i32 to index
        %get3A_2271 = arith.index_cast %mul3A_1377 : i32 to index
        %get3A_2272 = tpu.vector_load %arg12[%get3A_2269, %get3A_2270, %get3A_2271] {strides = array<i32>} : memref<4x25x300xf32, #tpu.memory_space<vmem>>, vector<16xf32>,
        %get3A_2273 = arith.constant 3 : i32
        %get3A_2274 = arith.constant 19 : i32
        %get3A_2275 = arith.index_cast %get3A_2273 : i32 to index
        %get3A_2276 = arith.index_cast %get3A_2274 : i32 to index
        %get3A_2277 = arith.index_cast %mul3A_1377 : i32 to index
        %get3A_2278 = tpu.vector_load %arg12[%get3A_2275, %get3A_2276, %get3A_2277] {strides = array<i32>} : memref<4x25x300xf32, #tpu.memory_space<vmem>>, vector<16xf32>,
        %select_n3A_2279 = arith.select %ge3A_2254, %get3A_2266, %get3A_2260 : vector<16xi1>, vector<16xf32>
        %select_n3A_2280 = arith.select %ge3A_2254, %get3A_2278, %get3A_2272 : vector<16xi1>, vector<16xf32>
        %select_n3A_2281 = arith.select %ge3A_1380, %select_n3A_2280, %select_n3A_2279 : vector<16xi1>, vector<16xf32>
        %ge3A_2282 = arith.cmpf oge, %add3A_2253, %get3A_1389 : vector<16xf32>
        %le3A_2283 = arith.cmpf ole, %add3A_2253, %get3A_1391 : vector<16xf32>
        %and3A_2284 = arith.andi %ge3A_2282, %le3A_2283 : vector<16xi1>
        %and3A_2285 = arith.andi %and3A_2284, %and3A_1387 : vector<16xi1>
        %jit3A_2286 = arith.constant 0.000000e+00 : f32
        %broadcast_in_dim3A_2287 = vector.broadcast %jit3A_2286 : f32 to vector<16xf32>
        %select_n3A_2288 = arith.select %and3A_2285, %select_n3A_2281, %broadcast_in_dim3A_2287 : vector<16xi1>, vector<16xf32>
        %swap3A_2289 = arith.constant 19 : i32
        %swap3A_2290 = arith.index_cast %swap3A_2289 : i32 to index
        %swap3A_2291 = arith.index_cast %mul3A_1377 : i32 to index
        %swap3A_2292 = tpu.vector_load %arg14[%swap3A_2290, %swap3A_2291] {strides = array<i32>} : memref<25x300xf32, #tpu.memory_space<vmem>>, vector<16xf32>,
        tpu.vector_store %arg14[%swap3A_2290, %swap3A_2291], %select_n3A_2288 {strides = array<i32>} : memref<25x300xf32, #tpu.memory_space<vmem>>, vector<16xf32>,
        %broadcast_in_dim3A_2293 = arith.constant 0.000000e+00 : f32
        %broadcast_in_dim3A_2294 = vector.broadcast %broadcast_in_dim3A_2293 : f32 to vector<16xf32>
        %add3A_2295 = arith.constant 2.000000e+01 : f32
        %add3A_2296 = arith.addf %convert_element_type3A, %add3A_2295 : f32
        %add3A_2297 = vector.broadcast %add3A_2296 : f32 to vector<16xf32>
        %add3A_2298 = arith.addf %broadcast_in_dim3A_2294, %add3A_2297 : vector<16xf32>
        %ge3A_2299 = arith.cmpf oge, %add3A_2298, %get3A_1393 : vector<16xf32>
        %get3A_2300 = arith.constant 0 : i32
        %get3A_2301 = arith.constant 20 : i32
        %get3A_2302 = arith.index_cast %get3A_2300 : i32 to index
        %get3A_2303 = arith.index_cast %get3A_2301 : i32 to index
        %get3A_2304 = arith.index_cast %mul3A_1377 : i32 to index
        %get3A_2305 = tpu.vector_load %arg12[%get3A_2302, %get3A_2303, %get3A_2304] {strides = array<i32>} : memref<4x25x300xf32, #tpu.memory_space<vmem>>, vector<16xf32>,
        %get3A_2306 = arith.constant 1 : i32
        %get3A_2307 = arith.constant 20 : i32
        %get3A_2308 = arith.index_cast %get3A_2306 : i32 to index
        %get3A_2309 = arith.index_cast %get3A_2307 : i32 to index
        %get3A_2310 = arith.index_cast %mul3A_1377 : i32 to index
        %get3A_2311 = tpu.vector_load %arg12[%get3A_2308, %get3A_2309, %get3A_2310] {strides = array<i32>} : memref<4x25x300xf32, #tpu.memory_space<vmem>>, vector<16xf32>,
        %get3A_2312 = arith.constant 2 : i32
        %get3A_2313 = arith.constant 20 : i32
        %get3A_2314 = arith.index_cast %get3A_2312 : i32 to index
        %get3A_2315 = arith.index_cast %get3A_2313 : i32 to index
        %get3A_2316 = arith.index_cast %mul3A_1377 : i32 to index
        %get3A_2317 = tpu.vector_load %arg12[%get3A_2314, %get3A_2315, %get3A_2316] {strides = array<i32>} : memref<4x25x300xf32, #tpu.memory_space<vmem>>, vector<16xf32>,
        %get3A_2318 = arith.constant 3 : i32
        %get3A_2319 = arith.constant 20 : i32
        %get3A_2320 = arith.index_cast %get3A_2318 : i32 to index
        %get3A_2321 = arith.index_cast %get3A_2319 : i32 to index
        %get3A_2322 = arith.index_cast %mul3A_1377 : i32 to index
        %get3A_2323 = tpu.vector_load %arg12[%get3A_2320, %get3A_2321, %get3A_2322] {strides = array<i32>} : memref<4x25x300xf32, #tpu.memory_space<vmem>>, vector<16xf32>,
        %select_n3A_2324 = arith.select %ge3A_2299, %get3A_2311, %get3A_2305 : vector<16xi1>, vector<16xf32>
        %select_n3A_2325 = arith.select %ge3A_2299, %get3A_2323, %get3A_2317 : vector<16xi1>, vector<16xf32>
        %select_n3A_2326 = arith.select %ge3A_1380, %select_n3A_2325, %select_n3A_2324 : vector<16xi1>, vector<16xf32>
        %ge3A_2327 = arith.cmpf oge, %add3A_2298, %get3A_1389 : vector<16xf32>
        %le3A_2328 = arith.cmpf ole, %add3A_2298, %get3A_1391 : vector<16xf32>
        %and3A_2329 = arith.andi %ge3A_2327, %le3A_2328 : vector<16xi1>
        %and3A_2330 = arith.andi %and3A_2329, %and3A_1387 : vector<16xi1>
        %jit3A_2331 = arith.constant 0.000000e+00 : f32
        %broadcast_in_dim3A_2332 = vector.broadcast %jit3A_2331 : f32 to vector<16xf32>
        %select_n3A_2333 = arith.select %and3A_2330, %select_n3A_2326, %broadcast_in_dim3A_2332 : vector<16xi1>, vector<16xf32>
        %swap3A_2334 = arith.constant 20 : i32
        %swap3A_2335 = arith.index_cast %swap3A_2334 : i32 to index
        %swap3A_2336 = arith.index_cast %mul3A_1377 : i32 to index
        %swap3A_2337 = tpu.vector_load %arg14[%swap3A_2335, %swap3A_2336] {strides = array<i32>} : memref<25x300xf32, #tpu.memory_space<vmem>>, vector<16xf32>,
        tpu.vector_store %arg14[%swap3A_2335, %swap3A_2336], %select_n3A_2333 {strides = array<i32>} : memref<25x300xf32, #tpu.memory_space<vmem>>, vector<16xf32>,
        %broadcast_in_dim3A_2338 = arith.constant 0.000000e+00 : f32
        %broadcast_in_dim3A_2339 = vector.broadcast %broadcast_in_dim3A_2338 : f32 to vector<16xf32>
        %add3A_2340 = arith.constant 2.100000e+01 : f32
        %add3A_2341 = arith.addf %convert_element_type3A, %add3A_2340 : f32
        %add3A_2342 = vector.broadcast %add3A_2341 : f32 to vector<16xf32>
        %add3A_2343 = arith.addf %broadcast_in_dim3A_2339, %add3A_2342 : vector<16xf32>
        %ge3A_2344 = arith.cmpf oge, %add3A_2343, %get3A_1393 : vector<16xf32>
        %get3A_2345 = arith.constant 0 : i32
        %get3A_2346 = arith.constant 21 : i32
        %get3A_2347 = arith.index_cast %get3A_2345 : i32 to index
        %get3A_2348 = arith.index_cast %get3A_2346 : i32 to index
        %get3A_2349 = arith.index_cast %mul3A_1377 : i32 to index
        %get3A_2350 = tpu.vector_load %arg12[%get3A_2347, %get3A_2348, %get3A_2349] {strides = array<i32>} : memref<4x25x300xf32, #tpu.memory_space<vmem>>, vector<16xf32>,
        %get3A_2351 = arith.constant 1 : i32
        %get3A_2352 = arith.constant 21 : i32
        %get3A_2353 = arith.index_cast %get3A_2351 : i32 to index
        %get3A_2354 = arith.index_cast %get3A_2352 : i32 to index
        %get3A_2355 = arith.index_cast %mul3A_1377 : i32 to index
        %get3A_2356 = tpu.vector_load %arg12[%get3A_2353, %get3A_2354, %get3A_2355] {strides = array<i32>} : memref<4x25x300xf32, #tpu.memory_space<vmem>>, vector<16xf32>,
        %get3A_2357 = arith.constant 2 : i32
        %get3A_2358 = arith.constant 21 : i32
        %get3A_2359 = arith.index_cast %get3A_2357 : i32 to index
        %get3A_2360 = arith.index_cast %get3A_2358 : i32 to index
        %get3A_2361 = arith.index_cast %mul3A_1377 : i32 to index
        %get3A_2362 = tpu.vector_load %arg12[%get3A_2359, %get3A_2360, %get3A_2361] {strides = array<i32>} : memref<4x25x300xf32, #tpu.memory_space<vmem>>, vector<16xf32>,
        %get3A_2363 = arith.constant 3 : i32
        %get3A_2364 = arith.constant 21 : i32
        %get3A_2365 = arith.index_cast %get3A_2363 : i32 to index
        %get3A_2366 = arith.index_cast %get3A_2364 : i32 to index
        %get3A_2367 = arith.index_cast %mul3A_1377 : i32 to index
        %get3A_2368 = tpu.vector_load %arg12[%get3A_2365, %get3A_2366, %get3A_2367] {strides = array<i32>} : memref<4x25x300xf32, #tpu.memory_space<vmem>>, vector<16xf32>,
        %select_n3A_2369 = arith.select %ge3A_2344, %get3A_2356, %get3A_2350 : vector<16xi1>, vector<16xf32>
        %select_n3A_2370 = arith.select %ge3A_2344, %get3A_2368, %get3A_2362 : vector<16xi1>, vector<16xf32>
        %select_n3A_2371 = arith.select %ge3A_1380, %select_n3A_2370, %select_n3A_2369 : vector<16xi1>, vector<16xf32>
        %ge3A_2372 = arith.cmpf oge, %add3A_2343, %get3A_1389 : vector<16xf32>
        %le3A_2373 = arith.cmpf ole, %add3A_2343, %get3A_1391 : vector<16xf32>
        %and3A_2374 = arith.andi %ge3A_2372, %le3A_2373 : vector<16xi1>
        %and3A_2375 = arith.andi %and3A_2374, %and3A_1387 : vector<16xi1>
        %jit3A_2376 = arith.constant 0.000000e+00 : f32
        %broadcast_in_dim3A_2377 = vector.broadcast %jit3A_2376 : f32 to vector<16xf32>
        %select_n3A_2378 = arith.select %and3A_2375, %select_n3A_2371, %broadcast_in_dim3A_2377 : vector<16xi1>, vector<16xf32>
        %swap3A_2379 = arith.constant 21 : i32
        %swap3A_2380 = arith.index_cast %swap3A_2379 : i32 to index
        %swap3A_2381 = arith.index_cast %mul3A_1377 : i32 to index
        %swap3A_2382 = tpu.vector_load %arg14[%swap3A_2380, %swap3A_2381] {strides = array<i32>} : memref<25x300xf32, #tpu.memory_space<vmem>>, vector<16xf32>,
        tpu.vector_store %arg14[%swap3A_2380, %swap3A_2381], %select_n3A_2378 {strides = array<i32>} : memref<25x300xf32, #tpu.memory_space<vmem>>, vector<16xf32>,
        %broadcast_in_dim3A_2383 = arith.constant 0.000000e+00 : f32
        %broadcast_in_dim3A_2384 = vector.broadcast %broadcast_in_dim3A_2383 : f32 to vector<16xf32>
        %add3A_2385 = arith.constant 2.200000e+01 : f32
        %add3A_2386 = arith.addf %convert_element_type3A, %add3A_2385 : f32
        %add3A_2387 = vector.broadcast %add3A_2386 : f32 to vector<16xf32>
        %add3A_2388 = arith.addf %broadcast_in_dim3A_2384, %add3A_2387 : vector<16xf32>
        %ge3A_2389 = arith.cmpf oge, %add3A_2388, %get3A_1393 : vector<16xf32>
        %get3A_2390 = arith.constant 0 : i32
        %get3A_2391 = arith.constant 22 : i32
        %get3A_2392 = arith.index_cast %get3A_2390 : i32 to index
        %get3A_2393 = arith.index_cast %get3A_2391 : i32 to index
        %get3A_2394 = arith.index_cast %mul3A_1377 : i32 to index
        %get3A_2395 = tpu.vector_load %arg12[%get3A_2392, %get3A_2393, %get3A_2394] {strides = array<i32>} : memref<4x25x300xf32, #tpu.memory_space<vmem>>, vector<16xf32>,
        %get3A_2396 = arith.constant 1 : i32
        %get3A_2397 = arith.constant 22 : i32
        %get3A_2398 = arith.index_cast %get3A_2396 : i32 to index
        %get3A_2399 = arith.index_cast %get3A_2397 : i32 to index
        %get3A_2400 = arith.index_cast %mul3A_1377 : i32 to index
        %get3A_2401 = tpu.vector_load %arg12[%get3A_2398, %get3A_2399, %get3A_2400] {strides = array<i32>} : memref<4x25x300xf32, #tpu.memory_space<vmem>>, vector<16xf32>,
        %get3A_2402 = arith.constant 2 : i32
        %get3A_2403 = arith.constant 22 : i32
        %get3A_2404 = arith.index_cast %get3A_2402 : i32 to index
        %get3A_2405 = arith.index_cast %get3A_2403 : i32 to index
        %get3A_2406 = arith.index_cast %mul3A_1377 : i32 to index
        %get3A_2407 = tpu.vector_load %arg12[%get3A_2404, %get3A_2405, %get3A_2406] {strides = array<i32>} : memref<4x25x300xf32, #tpu.memory_space<vmem>>, vector<16xf32>,
        %get3A_2408 = arith.constant 3 : i32
        %get3A_2409 = arith.constant 22 : i32
        %get3A_2410 = arith.index_cast %get3A_2408 : i32 to index
        %get3A_2411 = arith.index_cast %get3A_2409 : i32 to index
        %get3A_2412 = arith.index_cast %mul3A_1377 : i32 to index
        %get3A_2413 = tpu.vector_load %arg12[%get3A_2410, %get3A_2411, %get3A_2412] {strides = array<i32>} : memref<4x25x300xf32, #tpu.memory_space<vmem>>, vector<16xf32>,
        %select_n3A_2414 = arith.select %ge3A_2389, %get3A_2401, %get3A_2395 : vector<16xi1>, vector<16xf32>
        %select_n3A_2415 = arith.select %ge3A_2389, %get3A_2413, %get3A_2407 : vector<16xi1>, vector<16xf32>
        %select_n3A_2416 = arith.select %ge3A_1380, %select_n3A_2415, %select_n3A_2414 : vector<16xi1>, vector<16xf32>
        %ge3A_2417 = arith.cmpf oge, %add3A_2388, %get3A_1389 : vector<16xf32>
        %le3A_2418 = arith.cmpf ole, %add3A_2388, %get3A_1391 : vector<16xf32>
        %and3A_2419 = arith.andi %ge3A_2417, %le3A_2418 : vector<16xi1>
        %and3A_2420 = arith.andi %and3A_2419, %and3A_1387 : vector<16xi1>
        %jit3A_2421 = arith.constant 0.000000e+00 : f32
        %broadcast_in_dim3A_2422 = vector.broadcast %jit3A_2421 : f32 to vector<16xf32>
        %select_n3A_2423 = arith.select %and3A_2420, %select_n3A_2416, %broadcast_in_dim3A_2422 : vector<16xi1>, vector<16xf32>
        %swap3A_2424 = arith.constant 22 : i32
        %swap3A_2425 = arith.index_cast %swap3A_2424 : i32 to index
        %swap3A_2426 = arith.index_cast %mul3A_1377 : i32 to index
        %swap3A_2427 = tpu.vector_load %arg14[%swap3A_2425, %swap3A_2426] {strides = array<i32>} : memref<25x300xf32, #tpu.memory_space<vmem>>, vector<16xf32>,
        tpu.vector_store %arg14[%swap3A_2425, %swap3A_2426], %select_n3A_2423 {strides = array<i32>} : memref<25x300xf32, #tpu.memory_space<vmem>>, vector<16xf32>,
        %broadcast_in_dim3A_2428 = arith.constant 0.000000e+00 : f32
        %broadcast_in_dim3A_2429 = vector.broadcast %broadcast_in_dim3A_2428 : f32 to vector<16xf32>
        %add3A_2430 = arith.constant 2.300000e+01 : f32
        %add3A_2431 = arith.addf %convert_element_type3A, %add3A_2430 : f32
        %add3A_2432 = vector.broadcast %add3A_2431 : f32 to vector<16xf32>
        %add3A_2433 = arith.addf %broadcast_in_dim3A_2429, %add3A_2432 : vector<16xf32>
        %ge3A_2434 = arith.cmpf oge, %add3A_2433, %get3A_1393 : vector<16xf32>
        %get3A_2435 = arith.constant 0 : i32
        %get3A_2436 = arith.constant 23 : i32
        %get3A_2437 = arith.index_cast %get3A_2435 : i32 to index
        %get3A_2438 = arith.index_cast %get3A_2436 : i32 to index
        %get3A_2439 = arith.index_cast %mul3A_1377 : i32 to index
        %get3A_2440 = tpu.vector_load %arg12[%get3A_2437, %get3A_2438, %get3A_2439] {strides = array<i32>} : memref<4x25x300xf32, #tpu.memory_space<vmem>>, vector<16xf32>,
        %get3A_2441 = arith.constant 1 : i32
        %get3A_2442 = arith.constant 23 : i32
        %get3A_2443 = arith.index_cast %get3A_2441 : i32 to index
        %get3A_2444 = arith.index_cast %get3A_2442 : i32 to index
        %get3A_2445 = arith.index_cast %mul3A_1377 : i32 to index
        %get3A_2446 = tpu.vector_load %arg12[%get3A_2443, %get3A_2444, %get3A_2445] {strides = array<i32>} : memref<4x25x300xf32, #tpu.memory_space<vmem>>, vector<16xf32>,
        %get3A_2447 = arith.constant 2 : i32
        %get3A_2448 = arith.constant 23 : i32
        %get3A_2449 = arith.index_cast %get3A_2447 : i32 to index
        %get3A_2450 = arith.index_cast %get3A_2448 : i32 to index
        %get3A_2451 = arith.index_cast %mul3A_1377 : i32 to index
        %get3A_2452 = tpu.vector_load %arg12[%get3A_2449, %get3A_2450, %get3A_2451] {strides = array<i32>} : memref<4x25x300xf32, #tpu.memory_space<vmem>>, vector<16xf32>,
        %get3A_2453 = arith.constant 3 : i32
        %get3A_2454 = arith.constant 23 : i32
        %get3A_2455 = arith.index_cast %get3A_2453 : i32 to index
        %get3A_2456 = arith.index_cast %get3A_2454 : i32 to index
        %get3A_2457 = arith.index_cast %mul3A_1377 : i32 to index
        %get3A_2458 = tpu.vector_load %arg12[%get3A_2455, %get3A_2456, %get3A_2457] {strides = array<i32>} : memref<4x25x300xf32, #tpu.memory_space<vmem>>, vector<16xf32>,
        %select_n3A_2459 = arith.select %ge3A_2434, %get3A_2446, %get3A_2440 : vector<16xi1>, vector<16xf32>
        %select_n3A_2460 = arith.select %ge3A_2434, %get3A_2458, %get3A_2452 : vector<16xi1>, vector<16xf32>
        %select_n3A_2461 = arith.select %ge3A_1380, %select_n3A_2460, %select_n3A_2459 : vector<16xi1>, vector<16xf32>
        %ge3A_2462 = arith.cmpf oge, %add3A_2433, %get3A_1389 : vector<16xf32>
        %le3A_2463 = arith.cmpf ole, %add3A_2433, %get3A_1391 : vector<16xf32>
        %and3A_2464 = arith.andi %ge3A_2462, %le3A_2463 : vector<16xi1>
        %and3A_2465 = arith.andi %and3A_2464, %and3A_1387 : vector<16xi1>
        %jit3A_2466 = arith.constant 0.000000e+00 : f32
        %broadcast_in_dim3A_2467 = vector.broadcast %jit3A_2466 : f32 to vector<16xf32>
        %select_n3A_2468 = arith.select %and3A_2465, %select_n3A_2461, %broadcast_in_dim3A_2467 : vector<16xi1>, vector<16xf32>
        %swap3A_2469 = arith.constant 23 : i32
        %swap3A_2470 = arith.index_cast %swap3A_2469 : i32 to index
        %swap3A_2471 = arith.index_cast %mul3A_1377 : i32 to index
        %swap3A_2472 = tpu.vector_load %arg14[%swap3A_2470, %swap3A_2471] {strides = array<i32>} : memref<25x300xf32, #tpu.memory_space<vmem>>, vector<16xf32>,
        tpu.vector_store %arg14[%swap3A_2470, %swap3A_2471], %select_n3A_2468 {strides = array<i32>} : memref<25x300xf32, #tpu.memory_space<vmem>>, vector<16xf32>,
        %broadcast_in_dim3A_2473 = arith.constant 0.000000e+00 : f32
        %broadcast_in_dim3A_2474 = vector.broadcast %broadcast_in_dim3A_2473 : f32 to vector<16xf32>
        %add3A_2475 = arith.constant 2.400000e+01 : f32
        %add3A_2476 = arith.addf %convert_element_type3A, %add3A_2475 : f32
        %add3A_2477 = vector.broadcast %add3A_2476 : f32 to vector<16xf32>
        %add3A_2478 = arith.addf %broadcast_in_dim3A_2474, %add3A_2477 : vector<16xf32>
        %ge3A_2479 = arith.cmpf oge, %add3A_2478, %get3A_1393 : vector<16xf32>
        %get3A_2480 = arith.constant 0 : i32
        %get3A_2481 = arith.constant 24 : i32
        %get3A_2482 = arith.index_cast %get3A_2480 : i32 to index
        %get3A_2483 = arith.index_cast %get3A_2481 : i32 to index
        %get3A_2484 = arith.index_cast %mul3A_1377 : i32 to index
        %get3A_2485 = tpu.vector_load %arg12[%get3A_2482, %get3A_2483, %get3A_2484] {strides = array<i32>} : memref<4x25x300xf32, #tpu.memory_space<vmem>>, vector<16xf32>,
        %get3A_2486 = arith.constant 1 : i32
        %get3A_2487 = arith.constant 24 : i32
        %get3A_2488 = arith.index_cast %get3A_2486 : i32 to index
        %get3A_2489 = arith.index_cast %get3A_2487 : i32 to index
        %get3A_2490 = arith.index_cast %mul3A_1377 : i32 to index
        %get3A_2491 = tpu.vector_load %arg12[%get3A_2488, %get3A_2489, %get3A_2490] {strides = array<i32>} : memref<4x25x300xf32, #tpu.memory_space<vmem>>, vector<16xf32>,
        %get3A_2492 = arith.constant 2 : i32
        %get3A_2493 = arith.constant 24 : i32
        %get3A_2494 = arith.index_cast %get3A_2492 : i32 to index
        %get3A_2495 = arith.index_cast %get3A_2493 : i32 to index
        %get3A_2496 = arith.index_cast %mul3A_1377 : i32 to index
        %get3A_2497 = tpu.vector_load %arg12[%get3A_2494, %get3A_2495, %get3A_2496] {strides = array<i32>} : memref<4x25x300xf32, #tpu.memory_space<vmem>>, vector<16xf32>,
        %get3A_2498 = arith.constant 3 : i32
        %get3A_2499 = arith.constant 24 : i32
        %get3A_2500 = arith.index_cast %get3A_2498 : i32 to index
        %get3A_2501 = arith.index_cast %get3A_2499 : i32 to index
        %get3A_2502 = arith.index_cast %mul3A_1377 : i32 to index
        %get3A_2503 = tpu.vector_load %arg12[%get3A_2500, %get3A_2501, %get3A_2502] {strides = array<i32>} : memref<4x25x300xf32, #tpu.memory_space<vmem>>, vector<16xf32>,
        %select_n3A_2504 = arith.select %ge3A_2479, %get3A_2491, %get3A_2485 : vector<16xi1>, vector<16xf32>
        %select_n3A_2505 = arith.select %ge3A_2479, %get3A_2503, %get3A_2497 : vector<16xi1>, vector<16xf32>
        %select_n3A_2506 = arith.select %ge3A_1380, %select_n3A_2505, %select_n3A_2504 : vector<16xi1>, vector<16xf32>
        %ge3A_2507 = arith.cmpf oge, %add3A_2478, %get3A_1389 : vector<16xf32>
        %le3A_2508 = arith.cmpf ole, %add3A_2478, %get3A_1391 : vector<16xf32>
        %and3A_2509 = arith.andi %ge3A_2507, %le3A_2508 : vector<16xi1>
        %and3A_2510 = arith.andi %and3A_2509, %and3A_1387 : vector<16xi1>
        %jit3A_2511 = arith.constant 0.000000e+00 : f32
        %broadcast_in_dim3A_2512 = vector.broadcast %jit3A_2511 : f32 to vector<16xf32>
        %select_n3A_2513 = arith.select %and3A_2510, %select_n3A_2506, %broadcast_in_dim3A_2512 : vector<16xi1>, vector<16xf32>
        %swap3A_2514 = arith.constant 24 : i32
        %swap3A_2515 = arith.index_cast %swap3A_2514 : i32 to index
        %swap3A_2516 = arith.index_cast %mul3A_1377 : i32 to index
        %swap3A_2517 = tpu.vector_load %arg14[%swap3A_2515, %swap3A_2516] {strides = array<i32>} : memref<25x300xf32, #tpu.memory_space<vmem>>, vector<16xf32>,
        tpu.vector_store %arg14[%swap3A_2515, %swap3A_2516], %select_n3A_2513 {strides = array<i32>} : memref<25x300xf32, #tpu.memory_space<vmem>>, vector<16xf32>,
      }
      %scan3A_868 = arith.constant 18 : i32
      %iota3A_869 = tpu.iota {dimensions = array<i32: 0>} : vector<16xi32>
      %add3A_870 = arith.constant 288 : i32
      %add3A_871 = vector.broadcast %add3A_870 : i32 to vector<16xi32>
      %add3A_872 = arith.addi %add3A_871, %iota3A_869 : vector<16xi32>
      %lt3A_873 = arith.constant 300 : i32
      %lt3A_874 = vector.broadcast %lt3A_873 : i32 to vector<16xi32>
      %lt3A_875 = arith.cmpi slt, %add3A_872, %lt3A_874 : vector<16xi32>
      %get3A_876 = arith.constant 288 : index
      %get3A_877 = tpu.vector_load %arg10[%get3A_876] {strides = array<i32>} : memref<304xf32, #tpu.memory_space<vmem>>, vector<16xf32>,
      %ge3A_878 = arith.cmpf oge, %add3A_862, %get3A_877 : vector<16xf32>
      %add3A_879 = arith.addi %broadcast_in_dim3A_43, %broadcast_in_dim3A_43 : vector<16xi32>
      %select_n3A_880 = arith.select %ge3A_878, %add3A_879, %broadcast_in_dim3A_45 : vector<16xi1>, vector<16xi32>
      %get3A_881 = arith.constant 288 : index
      %get3A_882 = tpu.vector_load %arg6[%get3A_881] {strides = array<i32>} : memref<304xf32, #tpu.memory_space<vmem>>, vector<16xf32>,
      %ge3A_883 = arith.cmpf oge, %add3A_862, %get3A_882 : vector<16xf32>
      %get3A_884 = arith.constant 288 : index
      %get3A_885 = tpu.vector_load %arg8[%get3A_884] {strides = array<i32>} : memref<304xf32, #tpu.memory_space<vmem>>, vector<16xf32>,
      %le3A_886 = arith.cmpf ole, %add3A_862, %get3A_885 : vector<16xf32>
      %and3A_887 = arith.andi %ge3A_883, %le3A_886 : vector<16xi1>
      %get3A_888 = arith.constant 288 : index
      %get3A_889 = tpu.vector_load %arg5[%get3A_888] {strides = array<i32>} : memref<304xf32, #tpu.memory_space<vmem>>, vector<16xf32>,
      %get3A_890 = arith.constant 288 : index
      %get3A_891 = tpu.vector_load %arg7[%get3A_890] {strides = array<i32>} : memref<304xf32, #tpu.memory_space<vmem>>, vector<16xf32>,
      %get3A_892 = arith.constant 288 : index
      %get3A_893 = tpu.vector_load %arg9[%get3A_892] {strides = array<i32>} : memref<304xf32, #tpu.memory_space<vmem>>, vector<16xf32>,
      %broadcast_in_dim3A_894 = arith.constant 0.000000e+00 : f32
      %broadcast_in_dim3A_895 = vector.broadcast %broadcast_in_dim3A_894 : f32 to vector<16xf32>
      %add3A_896 = arith.constant 0.000000e+00 : f32
      %add3A_897 = arith.addf %convert_element_type3A, %add3A_896 : f32
      %add3A_898 = vector.broadcast %add3A_897 : f32 to vector<16xf32>
      %add3A_899 = arith.addf %broadcast_in_dim3A_895, %add3A_898 : vector<16xf32>
      %ge3A_900 = arith.cmpf oge, %add3A_899, %get3A_893 : vector<16xf32>
      %select_n3A_901 = arith.select %ge3A_900, %broadcast_in_dim3A_43, %broadcast_in_dim3A_45 : vector<16xi1>, vector<16xi32>
      %add3A_902 = arith.addi %select_n3A_901, %select_n3A_880 : vector<16xi32>
      %broadcast_in_dim3A_903 = arith.constant 0 : i32
      %broadcast_in_dim3A_904 = vector.broadcast %broadcast_in_dim3A_903 : i32 to vector<16xi32>
      %gather3A_905 = tpu.vector_load_idx %arg12[%add3A_902, %broadcast_in_dim3A_904, %add3A_872] masked %lt3A_875 : memref<4x25x300xf32, #tpu.memory_space<vmem>>[vector<16xi32>, vector<16xi32>, vector<16xi32>], vector<16xf32>, vector<16xi1>
      %ge3A_906 = arith.cmpf oge, %add3A_899, %get3A_889 : vector<16xf32>
      %le3A_907 = arith.cmpf ole, %add3A_899, %get3A_891 : vector<16xf32>
      %and3A_908 = arith.andi %ge3A_906, %le3A_907 : vector<16xi1>
      %and3A_909 = arith.andi %and3A_908, %and3A_887 : vector<16xi1>
      %jit3A_910 = arith.constant 0.000000e+00 : f32
      %broadcast_in_dim3A_911 = vector.broadcast %jit3A_910 : f32 to vector<16xf32>
      %select_n3A_912 = arith.select %and3A_909, %gather3A_905, %broadcast_in_dim3A_911 : vector<16xi1>, vector<16xf32>
      tpu.vector_store_idx %arg14[%broadcast_in_dim3A_904, %add3A_872], %select_n3A_912 masked %lt3A_875 : memref<25x300xf32, #tpu.memory_space<vmem>>[vector<16xi32>, vector<16xi32>], vector<16xf32>, vector<16xi1>
      %broadcast_in_dim3A_913 = arith.constant 0.000000e+00 : f32
      %broadcast_in_dim3A_914 = vector.broadcast %broadcast_in_dim3A_913 : f32 to vector<16xf32>
      %add3A_915 = arith.constant 1.000000e+00 : f32
      %add3A_916 = arith.addf %convert_element_type3A, %add3A_915 : f32
      %add3A_917 = vector.broadcast %add3A_916 : f32 to vector<16xf32>
      %add3A_918 = arith.addf %broadcast_in_dim3A_914, %add3A_917 : vector<16xf32>
      %ge3A_919 = arith.cmpf oge, %add3A_918, %get3A_893 : vector<16xf32>
      %select_n3A_920 = arith.select %ge3A_919, %broadcast_in_dim3A_43, %broadcast_in_dim3A_45 : vector<16xi1>, vector<16xi32>
      %add3A_921 = arith.addi %select_n3A_920, %select_n3A_880 : vector<16xi32>
      %broadcast_in_dim3A_922 = arith.constant 1 : i32
      %broadcast_in_dim3A_923 = vector.broadcast %broadcast_in_dim3A_922 : i32 to vector<16xi32>
      %gather3A_924 = tpu.vector_load_idx %arg12[%add3A_921, %broadcast_in_dim3A_923, %add3A_872] masked %lt3A_875 : memref<4x25x300xf32, #tpu.memory_space<vmem>>[vector<16xi32>, vector<16xi32>, vector<16xi32>], vector<16xf32>, vector<16xi1>
      %ge3A_925 = arith.cmpf oge, %add3A_918, %get3A_889 : vector<16xf32>
      %le3A_926 = arith.cmpf ole, %add3A_918, %get3A_891 : vector<16xf32>
      %and3A_927 = arith.andi %ge3A_925, %le3A_926 : vector<16xi1>
      %and3A_928 = arith.andi %and3A_927, %and3A_887 : vector<16xi1>
      %jit3A_929 = arith.constant 0.000000e+00 : f32
      %broadcast_in_dim3A_930 = vector.broadcast %jit3A_929 : f32 to vector<16xf32>
      %select_n3A_931 = arith.select %and3A_928, %gather3A_924, %broadcast_in_dim3A_930 : vector<16xi1>, vector<16xf32>
      tpu.vector_store_idx %arg14[%broadcast_in_dim3A_923, %add3A_872], %select_n3A_931 masked %lt3A_875 : memref<25x300xf32, #tpu.memory_space<vmem>>[vector<16xi32>, vector<16xi32>], vector<16xf32>, vector<16xi1>
      %broadcast_in_dim3A_932 = arith.constant 0.000000e+00 : f32
      %broadcast_in_dim3A_933 = vector.broadcast %broadcast_in_dim3A_932 : f32 to vector<16xf32>
      %add3A_934 = arith.constant 2.000000e+00 : f32
      %add3A_935 = arith.addf %convert_element_type3A, %add3A_934 : f32
      %add3A_936 = vector.broadcast %add3A_935 : f32 to vector<16xf32>
      %add3A_937 = arith.addf %broadcast_in_dim3A_933, %add3A_936 : vector<16xf32>
      %ge3A_938 = arith.cmpf oge, %add3A_937, %get3A_893 : vector<16xf32>
      %select_n3A_939 = arith.select %ge3A_938, %broadcast_in_dim3A_43, %broadcast_in_dim3A_45 : vector<16xi1>, vector<16xi32>
      %add3A_940 = arith.addi %select_n3A_939, %select_n3A_880 : vector<16xi32>
      %broadcast_in_dim3A_941 = arith.constant 2 : i32
      %broadcast_in_dim3A_942 = vector.broadcast %broadcast_in_dim3A_941 : i32 to vector<16xi32>
      %gather3A_943 = tpu.vector_load_idx %arg12[%add3A_940, %broadcast_in_dim3A_942, %add3A_872] masked %lt3A_875 : memref<4x25x300xf32, #tpu.memory_space<vmem>>[vector<16xi32>, vector<16xi32>, vector<16xi32>], vector<16xf32>, vector<16xi1>
      %ge3A_944 = arith.cmpf oge, %add3A_937, %get3A_889 : vector<16xf32>
      %le3A_945 = arith.cmpf ole, %add3A_937, %get3A_891 : vector<16xf32>
      %and3A_946 = arith.andi %ge3A_944, %le3A_945 : vector<16xi1>
      %and3A_947 = arith.andi %and3A_946, %and3A_887 : vector<16xi1>
      %jit3A_948 = arith.constant 0.000000e+00 : f32
      %broadcast_in_dim3A_949 = vector.broadcast %jit3A_948 : f32 to vector<16xf32>
      %select_n3A_950 = arith.select %and3A_947, %gather3A_943, %broadcast_in_dim3A_949 : vector<16xi1>, vector<16xf32>
      tpu.vector_store_idx %arg14[%broadcast_in_dim3A_942, %add3A_872], %select_n3A_950 masked %lt3A_875 : memref<25x300xf32, #tpu.memory_space<vmem>>[vector<16xi32>, vector<16xi32>], vector<16xf32>, vector<16xi1>
      %broadcast_in_dim3A_951 = arith.constant 0.000000e+00 : f32
      %broadcast_in_dim3A_952 = vector.broadcast %broadcast_in_dim3A_951 : f32 to vector<16xf32>
      %add3A_953 = arith.constant 3.000000e+00 : f32
      %add3A_954 = arith.addf %convert_element_type3A, %add3A_953 : f32
      %add3A_955 = vector.broadcast %add3A_954 : f32 to vector<16xf32>
      %add3A_956 = arith.addf %broadcast_in_dim3A_952, %add3A_955 : vector<16xf32>
      %ge3A_957 = arith.cmpf oge, %add3A_956, %get3A_893 : vector<16xf32>
      %select_n3A_958 = arith.select %ge3A_957, %broadcast_in_dim3A_43, %broadcast_in_dim3A_45 : vector<16xi1>, vector<16xi32>
      %add3A_959 = arith.addi %select_n3A_958, %select_n3A_880 : vector<16xi32>
      %broadcast_in_dim3A_960 = arith.constant 3 : i32
      %broadcast_in_dim3A_961 = vector.broadcast %broadcast_in_dim3A_960 : i32 to vector<16xi32>
      %gather3A_962 = tpu.vector_load_idx %arg12[%add3A_959, %broadcast_in_dim3A_961, %add3A_872] masked %lt3A_875 : memref<4x25x300xf32, #tpu.memory_space<vmem>>[vector<16xi32>, vector<16xi32>, vector<16xi32>], vector<16xf32>, vector<16xi1>
      %ge3A_963 = arith.cmpf oge, %add3A_956, %get3A_889 : vector<16xf32>
      %le3A_964 = arith.cmpf ole, %add3A_956, %get3A_891 : vector<16xf32>
      %and3A_965 = arith.andi %ge3A_963, %le3A_964 : vector<16xi1>
      %and3A_966 = arith.andi %and3A_965, %and3A_887 : vector<16xi1>
      %jit3A_967 = arith.constant 0.000000e+00 : f32
      %broadcast_in_dim3A_968 = vector.broadcast %jit3A_967 : f32 to vector<16xf32>
      %select_n3A_969 = arith.select %and3A_966, %gather3A_962, %broadcast_in_dim3A_968 : vector<16xi1>, vector<16xf32>
      tpu.vector_store_idx %arg14[%broadcast_in_dim3A_961, %add3A_872], %select_n3A_969 masked %lt3A_875 : memref<25x300xf32, #tpu.memory_space<vmem>>[vector<16xi32>, vector<16xi32>], vector<16xf32>, vector<16xi1>
      %broadcast_in_dim3A_970 = arith.constant 0.000000e+00 : f32
      %broadcast_in_dim3A_971 = vector.broadcast %broadcast_in_dim3A_970 : f32 to vector<16xf32>
      %add3A_972 = arith.constant 4.000000e+00 : f32
      %add3A_973 = arith.addf %convert_element_type3A, %add3A_972 : f32
      %add3A_974 = vector.broadcast %add3A_973 : f32 to vector<16xf32>
      %add3A_975 = arith.addf %broadcast_in_dim3A_971, %add3A_974 : vector<16xf32>
      %ge3A_976 = arith.cmpf oge, %add3A_975, %get3A_893 : vector<16xf32>
      %select_n3A_977 = arith.select %ge3A_976, %broadcast_in_dim3A_43, %broadcast_in_dim3A_45 : vector<16xi1>, vector<16xi32>
      %add3A_978 = arith.addi %select_n3A_977, %select_n3A_880 : vector<16xi32>
      %broadcast_in_dim3A_979 = arith.constant 4 : i32
      %broadcast_in_dim3A_980 = vector.broadcast %broadcast_in_dim3A_979 : i32 to vector<16xi32>
      %gather3A_981 = tpu.vector_load_idx %arg12[%add3A_978, %broadcast_in_dim3A_980, %add3A_872] masked %lt3A_875 : memref<4x25x300xf32, #tpu.memory_space<vmem>>[vector<16xi32>, vector<16xi32>, vector<16xi32>], vector<16xf32>, vector<16xi1>
      %ge3A_982 = arith.cmpf oge, %add3A_975, %get3A_889 : vector<16xf32>
      %le3A_983 = arith.cmpf ole, %add3A_975, %get3A_891 : vector<16xf32>
      %and3A_984 = arith.andi %ge3A_982, %le3A_983 : vector<16xi1>
      %and3A_985 = arith.andi %and3A_984, %and3A_887 : vector<16xi1>
      %jit3A_986 = arith.constant 0.000000e+00 : f32
      %broadcast_in_dim3A_987 = vector.broadcast %jit3A_986 : f32 to vector<16xf32>
      %select_n3A_988 = arith.select %and3A_985, %gather3A_981, %broadcast_in_dim3A_987 : vector<16xi1>, vector<16xf32>
      tpu.vector_store_idx %arg14[%broadcast_in_dim3A_980, %add3A_872], %select_n3A_988 masked %lt3A_875 : memref<25x300xf32, #tpu.memory_space<vmem>>[vector<16xi32>, vector<16xi32>], vector<16xf32>, vector<16xi1>
      %broadcast_in_dim3A_989 = arith.constant 0.000000e+00 : f32
      %broadcast_in_dim3A_990 = vector.broadcast %broadcast_in_dim3A_989 : f32 to vector<16xf32>
      %add3A_991 = arith.constant 5.000000e+00 : f32
      %add3A_992 = arith.addf %convert_element_type3A, %add3A_991 : f32
      %add3A_993 = vector.broadcast %add3A_992 : f32 to vector<16xf32>
      %add3A_994 = arith.addf %broadcast_in_dim3A_990, %add3A_993 : vector<16xf32>
      %ge3A_995 = arith.cmpf oge, %add3A_994, %get3A_893 : vector<16xf32>
      %select_n3A_996 = arith.select %ge3A_995, %broadcast_in_dim3A_43, %broadcast_in_dim3A_45 : vector<16xi1>, vector<16xi32>
      %add3A_997 = arith.addi %select_n3A_996, %select_n3A_880 : vector<16xi32>
      %broadcast_in_dim3A_998 = arith.constant 5 : i32
      %broadcast_in_dim3A_999 = vector.broadcast %broadcast_in_dim3A_998 : i32 to vector<16xi32>
      %gather3A_1000 = tpu.vector_load_idx %arg12[%add3A_997, %broadcast_in_dim3A_999, %add3A_872] masked %lt3A_875 : memref<4x25x300xf32, #tpu.memory_space<vmem>>[vector<16xi32>, vector<16xi32>, vector<16xi32>], vector<16xf32>, vector<16xi1>
      %ge3A_1001 = arith.cmpf oge, %add3A_994, %get3A_889 : vector<16xf32>
      %le3A_1002 = arith.cmpf ole, %add3A_994, %get3A_891 : vector<16xf32>
      %and3A_1003 = arith.andi %ge3A_1001, %le3A_1002 : vector<16xi1>
      %and3A_1004 = arith.andi %and3A_1003, %and3A_887 : vector<16xi1>
      %jit3A_1005 = arith.constant 0.000000e+00 : f32
      %broadcast_in_dim3A_1006 = vector.broadcast %jit3A_1005 : f32 to vector<16xf32>
      %select_n3A_1007 = arith.select %and3A_1004, %gather3A_1000, %broadcast_in_dim3A_1006 : vector<16xi1>, vector<16xf32>
      tpu.vector_store_idx %arg14[%broadcast_in_dim3A_999, %add3A_872], %select_n3A_1007 masked %lt3A_875 : memref<25x300xf32, #tpu.memory_space<vmem>>[vector<16xi32>, vector<16xi32>], vector<16xf32>, vector<16xi1>
      %broadcast_in_dim3A_1008 = arith.constant 0.000000e+00 : f32
      %broadcast_in_dim3A_1009 = vector.broadcast %broadcast_in_dim3A_1008 : f32 to vector<16xf32>
      %add3A_1010 = arith.constant 6.000000e+00 : f32
      %add3A_1011 = arith.addf %convert_element_type3A, %add3A_1010 : f32
      %add3A_1012 = vector.broadcast %add3A_1011 : f32 to vector<16xf32>
      %add3A_1013 = arith.addf %broadcast_in_dim3A_1009, %add3A_1012 : vector<16xf32>
      %ge3A_1014 = arith.cmpf oge, %add3A_1013, %get3A_893 : vector<16xf32>
      %select_n3A_1015 = arith.select %ge3A_1014, %broadcast_in_dim3A_43, %broadcast_in_dim3A_45 : vector<16xi1>, vector<16xi32>
      %add3A_1016 = arith.addi %select_n3A_1015, %select_n3A_880 : vector<16xi32>
      %broadcast_in_dim3A_1017 = arith.constant 6 : i32
      %broadcast_in_dim3A_1018 = vector.broadcast %broadcast_in_dim3A_1017 : i32 to vector<16xi32>
      %gather3A_1019 = tpu.vector_load_idx %arg12[%add3A_1016, %broadcast_in_dim3A_1018, %add3A_872] masked %lt3A_875 : memref<4x25x300xf32, #tpu.memory_space<vmem>>[vector<16xi32>, vector<16xi32>, vector<16xi32>], vector<16xf32>, vector<16xi1>
      %ge3A_1020 = arith.cmpf oge, %add3A_1013, %get3A_889 : vector<16xf32>
      %le3A_1021 = arith.cmpf ole, %add3A_1013, %get3A_891 : vector<16xf32>
      %and3A_1022 = arith.andi %ge3A_1020, %le3A_1021 : vector<16xi1>
      %and3A_1023 = arith.andi %and3A_1022, %and3A_887 : vector<16xi1>
      %jit3A_1024 = arith.constant 0.000000e+00 : f32
      %broadcast_in_dim3A_1025 = vector.broadcast %jit3A_1024 : f32 to vector<16xf32>
      %select_n3A_1026 = arith.select %and3A_1023, %gather3A_1019, %broadcast_in_dim3A_1025 : vector<16xi1>, vector<16xf32>
      tpu.vector_store_idx %arg14[%broadcast_in_dim3A_1018, %add3A_872], %select_n3A_1026 masked %lt3A_875 : memref<25x300xf32, #tpu.memory_space<vmem>>[vector<16xi32>, vector<16xi32>], vector<16xf32>, vector<16xi1>
      %broadcast_in_dim3A_1027 = arith.constant 0.000000e+00 : f32
      %broadcast_in_dim3A_1028 = vector.broadcast %broadcast_in_dim3A_1027 : f32 to vector<16xf32>
      %add3A_1029 = arith.constant 7.000000e+00 : f32
      %add3A_1030 = arith.addf %convert_element_type3A, %add3A_1029 : f32
      %add3A_1031 = vector.broadcast %add3A_1030 : f32 to vector<16xf32>
      %add3A_1032 = arith.addf %broadcast_in_dim3A_1028, %add3A_1031 : vector<16xf32>
      %ge3A_1033 = arith.cmpf oge, %add3A_1032, %get3A_893 : vector<16xf32>
      %select_n3A_1034 = arith.select %ge3A_1033, %broadcast_in_dim3A_43, %broadcast_in_dim3A_45 : vector<16xi1>, vector<16xi32>
      %add3A_1035 = arith.addi %select_n3A_1034, %select_n3A_880 : vector<16xi32>
      %broadcast_in_dim3A_1036 = arith.constant 7 : i32
      %broadcast_in_dim3A_1037 = vector.broadcast %broadcast_in_dim3A_1036 : i32 to vector<16xi32>
      %gather3A_1038 = tpu.vector_load_idx %arg12[%add3A_1035, %broadcast_in_dim3A_1037, %add3A_872] masked %lt3A_875 : memref<4x25x300xf32, #tpu.memory_space<vmem>>[vector<16xi32>, vector<16xi32>, vector<16xi32>], vector<16xf32>, vector<16xi1>
      %ge3A_1039 = arith.cmpf oge, %add3A_1032, %get3A_889 : vector<16xf32>
      %le3A_1040 = arith.cmpf ole, %add3A_1032, %get3A_891 : vector<16xf32>
      %and3A_1041 = arith.andi %ge3A_1039, %le3A_1040 : vector<16xi1>
      %and3A_1042 = arith.andi %and3A_1041, %and3A_887 : vector<16xi1>
      %jit3A_1043 = arith.constant 0.000000e+00 : f32
      %broadcast_in_dim3A_1044 = vector.broadcast %jit3A_1043 : f32 to vector<16xf32>
      %select_n3A_1045 = arith.select %and3A_1042, %gather3A_1038, %broadcast_in_dim3A_1044 : vector<16xi1>, vector<16xf32>
      tpu.vector_store_idx %arg14[%broadcast_in_dim3A_1037, %add3A_872], %select_n3A_1045 masked %lt3A_875 : memref<25x300xf32, #tpu.memory_space<vmem>>[vector<16xi32>, vector<16xi32>], vector<16xf32>, vector<16xi1>
      %broadcast_in_dim3A_1046 = arith.constant 0.000000e+00 : f32
      %broadcast_in_dim3A_1047 = vector.broadcast %broadcast_in_dim3A_1046 : f32 to vector<16xf32>
      %add3A_1048 = arith.constant 8.000000e+00 : f32
      %add3A_1049 = arith.addf %convert_element_type3A, %add3A_1048 : f32
      %add3A_1050 = vector.broadcast %add3A_1049 : f32 to vector<16xf32>
      %add3A_1051 = arith.addf %broadcast_in_dim3A_1047, %add3A_1050 : vector<16xf32>
      %ge3A_1052 = arith.cmpf oge, %add3A_1051, %get3A_893 : vector<16xf32>
      %select_n3A_1053 = arith.select %ge3A_1052, %broadcast_in_dim3A_43, %broadcast_in_dim3A_45 : vector<16xi1>, vector<16xi32>
      %add3A_1054 = arith.addi %select_n3A_1053, %select_n3A_880 : vector<16xi32>
      %broadcast_in_dim3A_1055 = arith.constant 8 : i32
      %broadcast_in_dim3A_1056 = vector.broadcast %broadcast_in_dim3A_1055 : i32 to vector<16xi32>
      %gather3A_1057 = tpu.vector_load_idx %arg12[%add3A_1054, %broadcast_in_dim3A_1056, %add3A_872] masked %lt3A_875 : memref<4x25x300xf32, #tpu.memory_space<vmem>>[vector<16xi32>, vector<16xi32>, vector<16xi32>], vector<16xf32>, vector<16xi1>
      %ge3A_1058 = arith.cmpf oge, %add3A_1051, %get3A_889 : vector<16xf32>
      %le3A_1059 = arith.cmpf ole, %add3A_1051, %get3A_891 : vector<16xf32>
      %and3A_1060 = arith.andi %ge3A_1058, %le3A_1059 : vector<16xi1>
      %and3A_1061 = arith.andi %and3A_1060, %and3A_887 : vector<16xi1>
      %jit3A_1062 = arith.constant 0.000000e+00 : f32
      %broadcast_in_dim3A_1063 = vector.broadcast %jit3A_1062 : f32 to vector<16xf32>
      %select_n3A_1064 = arith.select %and3A_1061, %gather3A_1057, %broadcast_in_dim3A_1063 : vector<16xi1>, vector<16xf32>
      tpu.vector_store_idx %arg14[%broadcast_in_dim3A_1056, %add3A_872], %select_n3A_1064 masked %lt3A_875 : memref<25x300xf32, #tpu.memory_space<vmem>>[vector<16xi32>, vector<16xi32>], vector<16xf32>, vector<16xi1>
      %broadcast_in_dim3A_1065 = arith.constant 0.000000e+00 : f32
      %broadcast_in_dim3A_1066 = vector.broadcast %broadcast_in_dim3A_1065 : f32 to vector<16xf32>
      %add3A_1067 = arith.constant 9.000000e+00 : f32
      %add3A_1068 = arith.addf %convert_element_type3A, %add3A_1067 : f32
      %add3A_1069 = vector.broadcast %add3A_1068 : f32 to vector<16xf32>
      %add3A_1070 = arith.addf %broadcast_in_dim3A_1066, %add3A_1069 : vector<16xf32>
      %ge3A_1071 = arith.cmpf oge, %add3A_1070, %get3A_893 : vector<16xf32>
      %select_n3A_1072 = arith.select %ge3A_1071, %broadcast_in_dim3A_43, %broadcast_in_dim3A_45 : vector<16xi1>, vector<16xi32>
      %add3A_1073 = arith.addi %select_n3A_1072, %select_n3A_880 : vector<16xi32>
      %broadcast_in_dim3A_1074 = arith.constant 9 : i32
      %broadcast_in_dim3A_1075 = vector.broadcast %broadcast_in_dim3A_1074 : i32 to vector<16xi32>
      %gather3A_1076 = tpu.vector_load_idx %arg12[%add3A_1073, %broadcast_in_dim3A_1075, %add3A_872] masked %lt3A_875 : memref<4x25x300xf32, #tpu.memory_space<vmem>>[vector<16xi32>, vector<16xi32>, vector<16xi32>], vector<16xf32>, vector<16xi1>
      %ge3A_1077 = arith.cmpf oge, %add3A_1070, %get3A_889 : vector<16xf32>
      %le3A_1078 = arith.cmpf ole, %add3A_1070, %get3A_891 : vector<16xf32>
      %and3A_1079 = arith.andi %ge3A_1077, %le3A_1078 : vector<16xi1>
      %and3A_1080 = arith.andi %and3A_1079, %and3A_887 : vector<16xi1>
      %jit3A_1081 = arith.constant 0.000000e+00 : f32
      %broadcast_in_dim3A_1082 = vector.broadcast %jit3A_1081 : f32 to vector<16xf32>
      %select_n3A_1083 = arith.select %and3A_1080, %gather3A_1076, %broadcast_in_dim3A_1082 : vector<16xi1>, vector<16xf32>
      tpu.vector_store_idx %arg14[%broadcast_in_dim3A_1075, %add3A_872], %select_n3A_1083 masked %lt3A_875 : memref<25x300xf32, #tpu.memory_space<vmem>>[vector<16xi32>, vector<16xi32>], vector<16xf32>, vector<16xi1>
      %broadcast_in_dim3A_1084 = arith.constant 0.000000e+00 : f32
      %broadcast_in_dim3A_1085 = vector.broadcast %broadcast_in_dim3A_1084 : f32 to vector<16xf32>
      %add3A_1086 = arith.constant 1.000000e+01 : f32
      %add3A_1087 = arith.addf %convert_element_type3A, %add3A_1086 : f32
      %add3A_1088 = vector.broadcast %add3A_1087 : f32 to vector<16xf32>
      %add3A_1089 = arith.addf %broadcast_in_dim3A_1085, %add3A_1088 : vector<16xf32>
      %ge3A_1090 = arith.cmpf oge, %add3A_1089, %get3A_893 : vector<16xf32>
      %select_n3A_1091 = arith.select %ge3A_1090, %broadcast_in_dim3A_43, %broadcast_in_dim3A_45 : vector<16xi1>, vector<16xi32>
      %add3A_1092 = arith.addi %select_n3A_1091, %select_n3A_880 : vector<16xi32>
      %broadcast_in_dim3A_1093 = arith.constant 10 : i32
      %broadcast_in_dim3A_1094 = vector.broadcast %broadcast_in_dim3A_1093 : i32 to vector<16xi32>
      %gather3A_1095 = tpu.vector_load_idx %arg12[%add3A_1092, %broadcast_in_dim3A_1094, %add3A_872] masked %lt3A_875 : memref<4x25x300xf32, #tpu.memory_space<vmem>>[vector<16xi32>, vector<16xi32>, vector<16xi32>], vector<16xf32>, vector<16xi1>
      %ge3A_1096 = arith.cmpf oge, %add3A_1089, %get3A_889 : vector<16xf32>
      %le3A_1097 = arith.cmpf ole, %add3A_1089, %get3A_891 : vector<16xf32>
      %and3A_1098 = arith.andi %ge3A_1096, %le3A_1097 : vector<16xi1>
      %and3A_1099 = arith.andi %and3A_1098, %and3A_887 : vector<16xi1>
      %jit3A_1100 = arith.constant 0.000000e+00 : f32
      %broadcast_in_dim3A_1101 = vector.broadcast %jit3A_1100 : f32 to vector<16xf32>
      %select_n3A_1102 = arith.select %and3A_1099, %gather3A_1095, %broadcast_in_dim3A_1101 : vector<16xi1>, vector<16xf32>
      tpu.vector_store_idx %arg14[%broadcast_in_dim3A_1094, %add3A_872], %select_n3A_1102 masked %lt3A_875 : memref<25x300xf32, #tpu.memory_space<vmem>>[vector<16xi32>, vector<16xi32>], vector<16xf32>, vector<16xi1>
      %broadcast_in_dim3A_1103 = arith.constant 0.000000e+00 : f32
      %broadcast_in_dim3A_1104 = vector.broadcast %broadcast_in_dim3A_1103 : f32 to vector<16xf32>
      %add3A_1105 = arith.constant 1.100000e+01 : f32
      %add3A_1106 = arith.addf %convert_element_type3A, %add3A_1105 : f32
      %add3A_1107 = vector.broadcast %add3A_1106 : f32 to vector<16xf32>
      %add3A_1108 = arith.addf %broadcast_in_dim3A_1104, %add3A_1107 : vector<16xf32>
      %ge3A_1109 = arith.cmpf oge, %add3A_1108, %get3A_893 : vector<16xf32>
      %select_n3A_1110 = arith.select %ge3A_1109, %broadcast_in_dim3A_43, %broadcast_in_dim3A_45 : vector<16xi1>, vector<16xi32>
      %add3A_1111 = arith.addi %select_n3A_1110, %select_n3A_880 : vector<16xi32>
      %broadcast_in_dim3A_1112 = arith.constant 11 : i32
      %broadcast_in_dim3A_1113 = vector.broadcast %broadcast_in_dim3A_1112 : i32 to vector<16xi32>
      %gather3A_1114 = tpu.vector_load_idx %arg12[%add3A_1111, %broadcast_in_dim3A_1113, %add3A_872] masked %lt3A_875 : memref<4x25x300xf32, #tpu.memory_space<vmem>>[vector<16xi32>, vector<16xi32>, vector<16xi32>], vector<16xf32>, vector<16xi1>
      %ge3A_1115 = arith.cmpf oge, %add3A_1108, %get3A_889 : vector<16xf32>
      %le3A_1116 = arith.cmpf ole, %add3A_1108, %get3A_891 : vector<16xf32>
      %and3A_1117 = arith.andi %ge3A_1115, %le3A_1116 : vector<16xi1>
      %and3A_1118 = arith.andi %and3A_1117, %and3A_887 : vector<16xi1>
      %jit3A_1119 = arith.constant 0.000000e+00 : f32
      %broadcast_in_dim3A_1120 = vector.broadcast %jit3A_1119 : f32 to vector<16xf32>
      %select_n3A_1121 = arith.select %and3A_1118, %gather3A_1114, %broadcast_in_dim3A_1120 : vector<16xi1>, vector<16xf32>
      tpu.vector_store_idx %arg14[%broadcast_in_dim3A_1113, %add3A_872], %select_n3A_1121 masked %lt3A_875 : memref<25x300xf32, #tpu.memory_space<vmem>>[vector<16xi32>, vector<16xi32>], vector<16xf32>, vector<16xi1>
      %broadcast_in_dim3A_1122 = arith.constant 0.000000e+00 : f32
      %broadcast_in_dim3A_1123 = vector.broadcast %broadcast_in_dim3A_1122 : f32 to vector<16xf32>
      %add3A_1124 = arith.constant 1.200000e+01 : f32
      %add3A_1125 = arith.addf %convert_element_type3A, %add3A_1124 : f32
      %add3A_1126 = vector.broadcast %add3A_1125 : f32 to vector<16xf32>
      %add3A_1127 = arith.addf %broadcast_in_dim3A_1123, %add3A_1126 : vector<16xf32>
      %ge3A_1128 = arith.cmpf oge, %add3A_1127, %get3A_893 : vector<16xf32>
      %select_n3A_1129 = arith.select %ge3A_1128, %broadcast_in_dim3A_43, %broadcast_in_dim3A_45 : vector<16xi1>, vector<16xi32>
      %add3A_1130 = arith.addi %select_n3A_1129, %select_n3A_880 : vector<16xi32>
      %broadcast_in_dim3A_1131 = arith.constant 12 : i32
      %broadcast_in_dim3A_1132 = vector.broadcast %broadcast_in_dim3A_1131 : i32 to vector<16xi32>
      %gather3A_1133 = tpu.vector_load_idx %arg12[%add3A_1130, %broadcast_in_dim3A_1132, %add3A_872] masked %lt3A_875 : memref<4x25x300xf32, #tpu.memory_space<vmem>>[vector<16xi32>, vector<16xi32>, vector<16xi32>], vector<16xf32>, vector<16xi1>
      %ge3A_1134 = arith.cmpf oge, %add3A_1127, %get3A_889 : vector<16xf32>
      %le3A_1135 = arith.cmpf ole, %add3A_1127, %get3A_891 : vector<16xf32>
      %and3A_1136 = arith.andi %ge3A_1134, %le3A_1135 : vector<16xi1>
      %and3A_1137 = arith.andi %and3A_1136, %and3A_887 : vector<16xi1>
      %jit3A_1138 = arith.constant 0.000000e+00 : f32
      %broadcast_in_dim3A_1139 = vector.broadcast %jit3A_1138 : f32 to vector<16xf32>
      %select_n3A_1140 = arith.select %and3A_1137, %gather3A_1133, %broadcast_in_dim3A_1139 : vector<16xi1>, vector<16xf32>
      tpu.vector_store_idx %arg14[%broadcast_in_dim3A_1132, %add3A_872], %select_n3A_1140 masked %lt3A_875 : memref<25x300xf32, #tpu.memory_space<vmem>>[vector<16xi32>, vector<16xi32>], vector<16xf32>, vector<16xi1>
      %broadcast_in_dim3A_1141 = arith.constant 0.000000e+00 : f32
      %broadcast_in_dim3A_1142 = vector.broadcast %broadcast_in_dim3A_1141 : f32 to vector<16xf32>
      %add3A_1143 = arith.constant 1.300000e+01 : f32
      %add3A_1144 = arith.addf %convert_element_type3A, %add3A_1143 : f32
      %add3A_1145 = vector.broadcast %add3A_1144 : f32 to vector<16xf32>
      %add3A_1146 = arith.addf %broadcast_in_dim3A_1142, %add3A_1145 : vector<16xf32>
      %ge3A_1147 = arith.cmpf oge, %add3A_1146, %get3A_893 : vector<16xf32>
      %select_n3A_1148 = arith.select %ge3A_1147, %broadcast_in_dim3A_43, %broadcast_in_dim3A_45 : vector<16xi1>, vector<16xi32>
      %add3A_1149 = arith.addi %select_n3A_1148, %select_n3A_880 : vector<16xi32>
      %broadcast_in_dim3A_1150 = arith.constant 13 : i32
      %broadcast_in_dim3A_1151 = vector.broadcast %broadcast_in_dim3A_1150 : i32 to vector<16xi32>
      %gather3A_1152 = tpu.vector_load_idx %arg12[%add3A_1149, %broadcast_in_dim3A_1151, %add3A_872] masked %lt3A_875 : memref<4x25x300xf32, #tpu.memory_space<vmem>>[vector<16xi32>, vector<16xi32>, vector<16xi32>], vector<16xf32>, vector<16xi1>
      %ge3A_1153 = arith.cmpf oge, %add3A_1146, %get3A_889 : vector<16xf32>
      %le3A_1154 = arith.cmpf ole, %add3A_1146, %get3A_891 : vector<16xf32>
      %and3A_1155 = arith.andi %ge3A_1153, %le3A_1154 : vector<16xi1>
      %and3A_1156 = arith.andi %and3A_1155, %and3A_887 : vector<16xi1>
      %jit3A_1157 = arith.constant 0.000000e+00 : f32
      %broadcast_in_dim3A_1158 = vector.broadcast %jit3A_1157 : f32 to vector<16xf32>
      %select_n3A_1159 = arith.select %and3A_1156, %gather3A_1152, %broadcast_in_dim3A_1158 : vector<16xi1>, vector<16xf32>
      tpu.vector_store_idx %arg14[%broadcast_in_dim3A_1151, %add3A_872], %select_n3A_1159 masked %lt3A_875 : memref<25x300xf32, #tpu.memory_space<vmem>>[vector<16xi32>, vector<16xi32>], vector<16xf32>, vector<16xi1>
      %broadcast_in_dim3A_1160 = arith.constant 0.000000e+00 : f32
      %broadcast_in_dim3A_1161 = vector.broadcast %broadcast_in_dim3A_1160 : f32 to vector<16xf32>
      %add3A_1162 = arith.constant 1.400000e+01 : f32
      %add3A_1163 = arith.addf %convert_element_type3A, %add3A_1162 : f32
      %add3A_1164 = vector.broadcast %add3A_1163 : f32 to vector<16xf32>
      %add3A_1165 = arith.addf %broadcast_in_dim3A_1161, %add3A_1164 : vector<16xf32>
      %ge3A_1166 = arith.cmpf oge, %add3A_1165, %get3A_893 : vector<16xf32>
      %select_n3A_1167 = arith.select %ge3A_1166, %broadcast_in_dim3A_43, %broadcast_in_dim3A_45 : vector<16xi1>, vector<16xi32>
      %add3A_1168 = arith.addi %select_n3A_1167, %select_n3A_880 : vector<16xi32>
      %broadcast_in_dim3A_1169 = arith.constant 14 : i32
      %broadcast_in_dim3A_1170 = vector.broadcast %broadcast_in_dim3A_1169 : i32 to vector<16xi32>
      %gather3A_1171 = tpu.vector_load_idx %arg12[%add3A_1168, %broadcast_in_dim3A_1170, %add3A_872] masked %lt3A_875 : memref<4x25x300xf32, #tpu.memory_space<vmem>>[vector<16xi32>, vector<16xi32>, vector<16xi32>], vector<16xf32>, vector<16xi1>
      %ge3A_1172 = arith.cmpf oge, %add3A_1165, %get3A_889 : vector<16xf32>
      %le3A_1173 = arith.cmpf ole, %add3A_1165, %get3A_891 : vector<16xf32>
      %and3A_1174 = arith.andi %ge3A_1172, %le3A_1173 : vector<16xi1>
      %and3A_1175 = arith.andi %and3A_1174, %and3A_887 : vector<16xi1>
      %jit3A_1176 = arith.constant 0.000000e+00 : f32
      %broadcast_in_dim3A_1177 = vector.broadcast %jit3A_1176 : f32 to vector<16xf32>
      %select_n3A_1178 = arith.select %and3A_1175, %gather3A_1171, %broadcast_in_dim3A_1177 : vector<16xi1>, vector<16xf32>
      tpu.vector_store_idx %arg14[%broadcast_in_dim3A_1170, %add3A_872], %select_n3A_1178 masked %lt3A_875 : memref<25x300xf32, #tpu.memory_space<vmem>>[vector<16xi32>, vector<16xi32>], vector<16xf32>, vector<16xi1>
      %broadcast_in_dim3A_1179 = arith.constant 0.000000e+00 : f32
      %broadcast_in_dim3A_1180 = vector.broadcast %broadcast_in_dim3A_1179 : f32 to vector<16xf32>
      %add3A_1181 = arith.constant 1.500000e+01 : f32
      %add3A_1182 = arith.addf %convert_element_type3A, %add3A_1181 : f32
      %add3A_1183 = vector.broadcast %add3A_1182 : f32 to vector<16xf32>
      %add3A_1184 = arith.addf %broadcast_in_dim3A_1180, %add3A_1183 : vector<16xf32>
      %ge3A_1185 = arith.cmpf oge, %add3A_1184, %get3A_893 : vector<16xf32>
      %select_n3A_1186 = arith.select %ge3A_1185, %broadcast_in_dim3A_43, %broadcast_in_dim3A_45 : vector<16xi1>, vector<16xi32>
      %add3A_1187 = arith.addi %select_n3A_1186, %select_n3A_880 : vector<16xi32>
      %broadcast_in_dim3A_1188 = arith.constant 15 : i32
      %broadcast_in_dim3A_1189 = vector.broadcast %broadcast_in_dim3A_1188 : i32 to vector<16xi32>
      %gather3A_1190 = tpu.vector_load_idx %arg12[%add3A_1187, %broadcast_in_dim3A_1189, %add3A_872] masked %lt3A_875 : memref<4x25x300xf32, #tpu.memory_space<vmem>>[vector<16xi32>, vector<16xi32>, vector<16xi32>], vector<16xf32>, vector<16xi1>
      %ge3A_1191 = arith.cmpf oge, %add3A_1184, %get3A_889 : vector<16xf32>
      %le3A_1192 = arith.cmpf ole, %add3A_1184, %get3A_891 : vector<16xf32>
      %and3A_1193 = arith.andi %ge3A_1191, %le3A_1192 : vector<16xi1>
      %and3A_1194 = arith.andi %and3A_1193, %and3A_887 : vector<16xi1>
      %jit3A_1195 = arith.constant 0.000000e+00 : f32
      %broadcast_in_dim3A_1196 = vector.broadcast %jit3A_1195 : f32 to vector<16xf32>
      %select_n3A_1197 = arith.select %and3A_1194, %gather3A_1190, %broadcast_in_dim3A_1196 : vector<16xi1>, vector<16xf32>
      tpu.vector_store_idx %arg14[%broadcast_in_dim3A_1189, %add3A_872], %select_n3A_1197 masked %lt3A_875 : memref<25x300xf32, #tpu.memory_space<vmem>>[vector<16xi32>, vector<16xi32>], vector<16xf32>, vector<16xi1>
      %broadcast_in_dim3A_1198 = arith.constant 0.000000e+00 : f32
      %broadcast_in_dim3A_1199 = vector.broadcast %broadcast_in_dim3A_1198 : f32 to vector<16xf32>
      %add3A_1200 = arith.constant 1.600000e+01 : f32
      %add3A_1201 = arith.addf %convert_element_type3A, %add3A_1200 : f32
      %add3A_1202 = vector.broadcast %add3A_1201 : f32 to vector<16xf32>
      %add3A_1203 = arith.addf %broadcast_in_dim3A_1199, %add3A_1202 : vector<16xf32>
      %ge3A_1204 = arith.cmpf oge, %add3A_1203, %get3A_893 : vector<16xf32>
      %select_n3A_1205 = arith.select %ge3A_1204, %broadcast_in_dim3A_43, %broadcast_in_dim3A_45 : vector<16xi1>, vector<16xi32>
      %add3A_1206 = arith.addi %select_n3A_1205, %select_n3A_880 : vector<16xi32>
      %broadcast_in_dim3A_1207 = arith.constant 16 : i32
      %broadcast_in_dim3A_1208 = vector.broadcast %broadcast_in_dim3A_1207 : i32 to vector<16xi32>
      %gather3A_1209 = tpu.vector_load_idx %arg12[%add3A_1206, %broadcast_in_dim3A_1208, %add3A_872] masked %lt3A_875 : memref<4x25x300xf32, #tpu.memory_space<vmem>>[vector<16xi32>, vector<16xi32>, vector<16xi32>], vector<16xf32>, vector<16xi1>
      %ge3A_1210 = arith.cmpf oge, %add3A_1203, %get3A_889 : vector<16xf32>
      %le3A_1211 = arith.cmpf ole, %add3A_1203, %get3A_891 : vector<16xf32>
      %and3A_1212 = arith.andi %ge3A_1210, %le3A_1211 : vector<16xi1>
      %and3A_1213 = arith.andi %and3A_1212, %and3A_887 : vector<16xi1>
      %jit3A_1214 = arith.constant 0.000000e+00 : f32
      %broadcast_in_dim3A_1215 = vector.broadcast %jit3A_1214 : f32 to vector<16xf32>
      %select_n3A_1216 = arith.select %and3A_1213, %gather3A_1209, %broadcast_in_dim3A_1215 : vector<16xi1>, vector<16xf32>
      tpu.vector_store_idx %arg14[%broadcast_in_dim3A_1208, %add3A_872], %select_n3A_1216 masked %lt3A_875 : memref<25x300xf32, #tpu.memory_space<vmem>>[vector<16xi32>, vector<16xi32>], vector<16xf32>, vector<16xi1>
      %broadcast_in_dim3A_1217 = arith.constant 0.000000e+00 : f32
      %broadcast_in_dim3A_1218 = vector.broadcast %broadcast_in_dim3A_1217 : f32 to vector<16xf32>
      %add3A_1219 = arith.constant 1.700000e+01 : f32
      %add3A_1220 = arith.addf %convert_element_type3A, %add3A_1219 : f32
      %add3A_1221 = vector.broadcast %add3A_1220 : f32 to vector<16xf32>
      %add3A_1222 = arith.addf %broadcast_in_dim3A_1218, %add3A_1221 : vector<16xf32>
      %ge3A_1223 = arith.cmpf oge, %add3A_1222, %get3A_893 : vector<16xf32>
      %select_n3A_1224 = arith.select %ge3A_1223, %broadcast_in_dim3A_43, %broadcast_in_dim3A_45 : vector<16xi1>, vector<16xi32>
      %add3A_1225 = arith.addi %select_n3A_1224, %select_n3A_880 : vector<16xi32>
      %broadcast_in_dim3A_1226 = arith.constant 17 : i32
      %broadcast_in_dim3A_1227 = vector.broadcast %broadcast_in_dim3A_1226 : i32 to vector<16xi32>
      %gather3A_1228 = tpu.vector_load_idx %arg12[%add3A_1225, %broadcast_in_dim3A_1227, %add3A_872] masked %lt3A_875 : memref<4x25x300xf32, #tpu.memory_space<vmem>>[vector<16xi32>, vector<16xi32>, vector<16xi32>], vector<16xf32>, vector<16xi1>
      %ge3A_1229 = arith.cmpf oge, %add3A_1222, %get3A_889 : vector<16xf32>
      %le3A_1230 = arith.cmpf ole, %add3A_1222, %get3A_891 : vector<16xf32>
      %and3A_1231 = arith.andi %ge3A_1229, %le3A_1230 : vector<16xi1>
      %and3A_1232 = arith.andi %and3A_1231, %and3A_887 : vector<16xi1>
      %jit3A_1233 = arith.constant 0.000000e+00 : f32
      %broadcast_in_dim3A_1234 = vector.broadcast %jit3A_1233 : f32 to vector<16xf32>
      %select_n3A_1235 = arith.select %and3A_1232, %gather3A_1228, %broadcast_in_dim3A_1234 : vector<16xi1>, vector<16xf32>
      tpu.vector_store_idx %arg14[%broadcast_in_dim3A_1227, %add3A_872], %select_n3A_1235 masked %lt3A_875 : memref<25x300xf32, #tpu.memory_space<vmem>>[vector<16xi32>, vector<16xi32>], vector<16xf32>, vector<16xi1>
      %broadcast_in_dim3A_1236 = arith.constant 0.000000e+00 : f32
      %broadcast_in_dim3A_1237 = vector.broadcast %broadcast_in_dim3A_1236 : f32 to vector<16xf32>
      %add3A_1238 = arith.constant 1.800000e+01 : f32
      %add3A_1239 = arith.addf %convert_element_type3A, %add3A_1238 : f32
      %add3A_1240 = vector.broadcast %add3A_1239 : f32 to vector<16xf32>
      %add3A_1241 = arith.addf %broadcast_in_dim3A_1237, %add3A_1240 : vector<16xf32>
      %ge3A_1242 = arith.cmpf oge, %add3A_1241, %get3A_893 : vector<16xf32>
      %select_n3A_1243 = arith.select %ge3A_1242, %broadcast_in_dim3A_43, %broadcast_in_dim3A_45 : vector<16xi1>, vector<16xi32>
      %add3A_1244 = arith.addi %select_n3A_1243, %select_n3A_880 : vector<16xi32>
      %broadcast_in_dim3A_1245 = arith.constant 18 : i32
      %broadcast_in_dim3A_1246 = vector.broadcast %broadcast_in_dim3A_1245 : i32 to vector<16xi32>
      %gather3A_1247 = tpu.vector_load_idx %arg12[%add3A_1244, %broadcast_in_dim3A_1246, %add3A_872] masked %lt3A_875 : memref<4x25x300xf32, #tpu.memory_space<vmem>>[vector<16xi32>, vector<16xi32>, vector<16xi32>], vector<16xf32>, vector<16xi1>
      %ge3A_1248 = arith.cmpf oge, %add3A_1241, %get3A_889 : vector<16xf32>
      %le3A_1249 = arith.cmpf ole, %add3A_1241, %get3A_891 : vector<16xf32>
      %and3A_1250 = arith.andi %ge3A_1248, %le3A_1249 : vector<16xi1>
      %and3A_1251 = arith.andi %and3A_1250, %and3A_887 : vector<16xi1>
      %jit3A_1252 = arith.constant 0.000000e+00 : f32
      %broadcast_in_dim3A_1253 = vector.broadcast %jit3A_1252 : f32 to vector<16xf32>
      %select_n3A_1254 = arith.select %and3A_1251, %gather3A_1247, %broadcast_in_dim3A_1253 : vector<16xi1>, vector<16xf32>
      tpu.vector_store_idx %arg14[%broadcast_in_dim3A_1246, %add3A_872], %select_n3A_1254 masked %lt3A_875 : memref<25x300xf32, #tpu.memory_space<vmem>>[vector<16xi32>, vector<16xi32>], vector<16xf32>, vector<16xi1>
      %broadcast_in_dim3A_1255 = arith.constant 0.000000e+00 : f32
      %broadcast_in_dim3A_1256 = vector.broadcast %broadcast_in_dim3A_1255 : f32 to vector<16xf32>
      %add3A_1257 = arith.constant 1.900000e+01 : f32
      %add3A_1258 = arith.addf %convert_element_type3A, %add3A_1257 : f32
      %add3A_1259 = vector.broadcast %add3A_1258 : f32 to vector<16xf32>
      %add3A_1260 = arith.addf %broadcast_in_dim3A_1256, %add3A_1259 : vector<16xf32>
      %ge3A_1261 = arith.cmpf oge, %add3A_1260, %get3A_893 : vector<16xf32>
      %select_n3A_1262 = arith.select %ge3A_1261, %broadcast_in_dim3A_43, %broadcast_in_dim3A_45 : vector<16xi1>, vector<16xi32>
      %add3A_1263 = arith.addi %select_n3A_1262, %select_n3A_880 : vector<16xi32>
      %broadcast_in_dim3A_1264 = arith.constant 19 : i32
      %broadcast_in_dim3A_1265 = vector.broadcast %broadcast_in_dim3A_1264 : i32 to vector<16xi32>
      %gather3A_1266 = tpu.vector_load_idx %arg12[%add3A_1263, %broadcast_in_dim3A_1265, %add3A_872] masked %lt3A_875 : memref<4x25x300xf32, #tpu.memory_space<vmem>>[vector<16xi32>, vector<16xi32>, vector<16xi32>], vector<16xf32>, vector<16xi1>
      %ge3A_1267 = arith.cmpf oge, %add3A_1260, %get3A_889 : vector<16xf32>
      %le3A_1268 = arith.cmpf ole, %add3A_1260, %get3A_891 : vector<16xf32>
      %and3A_1269 = arith.andi %ge3A_1267, %le3A_1268 : vector<16xi1>
      %and3A_1270 = arith.andi %and3A_1269, %and3A_887 : vector<16xi1>
      %jit3A_1271 = arith.constant 0.000000e+00 : f32
      %broadcast_in_dim3A_1272 = vector.broadcast %jit3A_1271 : f32 to vector<16xf32>
      %select_n3A_1273 = arith.select %and3A_1270, %gather3A_1266, %broadcast_in_dim3A_1272 : vector<16xi1>, vector<16xf32>
      tpu.vector_store_idx %arg14[%broadcast_in_dim3A_1265, %add3A_872], %select_n3A_1273 masked %lt3A_875 : memref<25x300xf32, #tpu.memory_space<vmem>>[vector<16xi32>, vector<16xi32>], vector<16xf32>, vector<16xi1>
      %broadcast_in_dim3A_1274 = arith.constant 0.000000e+00 : f32
      %broadcast_in_dim3A_1275 = vector.broadcast %broadcast_in_dim3A_1274 : f32 to vector<16xf32>
      %add3A_1276 = arith.constant 2.000000e+01 : f32
      %add3A_1277 = arith.addf %convert_element_type3A, %add3A_1276 : f32
      %add3A_1278 = vector.broadcast %add3A_1277 : f32 to vector<16xf32>
      %add3A_1279 = arith.addf %broadcast_in_dim3A_1275, %add3A_1278 : vector<16xf32>
      %ge3A_1280 = arith.cmpf oge, %add3A_1279, %get3A_893 : vector<16xf32>
      %select_n3A_1281 = arith.select %ge3A_1280, %broadcast_in_dim3A_43, %broadcast_in_dim3A_45 : vector<16xi1>, vector<16xi32>
      %add3A_1282 = arith.addi %select_n3A_1281, %select_n3A_880 : vector<16xi32>
      %broadcast_in_dim3A_1283 = arith.constant 20 : i32
      %broadcast_in_dim3A_1284 = vector.broadcast %broadcast_in_dim3A_1283 : i32 to vector<16xi32>
      %gather3A_1285 = tpu.vector_load_idx %arg12[%add3A_1282, %broadcast_in_dim3A_1284, %add3A_872] masked %lt3A_875 : memref<4x25x300xf32, #tpu.memory_space<vmem>>[vector<16xi32>, vector<16xi32>, vector<16xi32>], vector<16xf32>, vector<16xi1>
      %ge3A_1286 = arith.cmpf oge, %add3A_1279, %get3A_889 : vector<16xf32>
      %le3A_1287 = arith.cmpf ole, %add3A_1279, %get3A_891 : vector<16xf32>
      %and3A_1288 = arith.andi %ge3A_1286, %le3A_1287 : vector<16xi1>
      %and3A_1289 = arith.andi %and3A_1288, %and3A_887 : vector<16xi1>
      %jit3A_1290 = arith.constant 0.000000e+00 : f32
      %broadcast_in_dim3A_1291 = vector.broadcast %jit3A_1290 : f32 to vector<16xf32>
      %select_n3A_1292 = arith.select %and3A_1289, %gather3A_1285, %broadcast_in_dim3A_1291 : vector<16xi1>, vector<16xf32>
      tpu.vector_store_idx %arg14[%broadcast_in_dim3A_1284, %add3A_872], %select_n3A_1292 masked %lt3A_875 : memref<25x300xf32, #tpu.memory_space<vmem>>[vector<16xi32>, vector<16xi32>], vector<16xf32>, vector<16xi1>
      %broadcast_in_dim3A_1293 = arith.constant 0.000000e+00 : f32
      %broadcast_in_dim3A_1294 = vector.broadcast %broadcast_in_dim3A_1293 : f32 to vector<16xf32>
      %add3A_1295 = arith.constant 2.100000e+01 : f32
      %add3A_1296 = arith.addf %convert_element_type3A, %add3A_1295 : f32
      %add3A_1297 = vector.broadcast %add3A_1296 : f32 to vector<16xf32>
      %add3A_1298 = arith.addf %broadcast_in_dim3A_1294, %add3A_1297 : vector<16xf32>
      %ge3A_1299 = arith.cmpf oge, %add3A_1298, %get3A_893 : vector<16xf32>
      %select_n3A_1300 = arith.select %ge3A_1299, %broadcast_in_dim3A_43, %broadcast_in_dim3A_45 : vector<16xi1>, vector<16xi32>
      %add3A_1301 = arith.addi %select_n3A_1300, %select_n3A_880 : vector<16xi32>
      %broadcast_in_dim3A_1302 = arith.constant 21 : i32
      %broadcast_in_dim3A_1303 = vector.broadcast %broadcast_in_dim3A_1302 : i32 to vector<16xi32>
      %gather3A_1304 = tpu.vector_load_idx %arg12[%add3A_1301, %broadcast_in_dim3A_1303, %add3A_872] masked %lt3A_875 : memref<4x25x300xf32, #tpu.memory_space<vmem>>[vector<16xi32>, vector<16xi32>, vector<16xi32>], vector<16xf32>, vector<16xi1>
      %ge3A_1305 = arith.cmpf oge, %add3A_1298, %get3A_889 : vector<16xf32>
      %le3A_1306 = arith.cmpf ole, %add3A_1298, %get3A_891 : vector<16xf32>
      %and3A_1307 = arith.andi %ge3A_1305, %le3A_1306 : vector<16xi1>
      %and3A_1308 = arith.andi %and3A_1307, %and3A_887 : vector<16xi1>
      %jit3A_1309 = arith.constant 0.000000e+00 : f32
      %broadcast_in_dim3A_1310 = vector.broadcast %jit3A_1309 : f32 to vector<16xf32>
      %select_n3A_1311 = arith.select %and3A_1308, %gather3A_1304, %broadcast_in_dim3A_1310 : vector<16xi1>, vector<16xf32>
      tpu.vector_store_idx %arg14[%broadcast_in_dim3A_1303, %add3A_872], %select_n3A_1311 masked %lt3A_875 : memref<25x300xf32, #tpu.memory_space<vmem>>[vector<16xi32>, vector<16xi32>], vector<16xf32>, vector<16xi1>
      %broadcast_in_dim3A_1312 = arith.constant 0.000000e+00 : f32
      %broadcast_in_dim3A_1313 = vector.broadcast %broadcast_in_dim3A_1312 : f32 to vector<16xf32>
      %add3A_1314 = arith.constant 2.200000e+01 : f32
      %add3A_1315 = arith.addf %convert_element_type3A, %add3A_1314 : f32
      %add3A_1316 = vector.broadcast %add3A_1315 : f32 to vector<16xf32>
      %add3A_1317 = arith.addf %broadcast_in_dim3A_1313, %add3A_1316 : vector<16xf32>
      %ge3A_1318 = arith.cmpf oge, %add3A_1317, %get3A_893 : vector<16xf32>
      %select_n3A_1319 = arith.select %ge3A_1318, %broadcast_in_dim3A_43, %broadcast_in_dim3A_45 : vector<16xi1>, vector<16xi32>
      %add3A_1320 = arith.addi %select_n3A_1319, %select_n3A_880 : vector<16xi32>
      %broadcast_in_dim3A_1321 = arith.constant 22 : i32
      %broadcast_in_dim3A_1322 = vector.broadcast %broadcast_in_dim3A_1321 : i32 to vector<16xi32>
      %gather3A_1323 = tpu.vector_load_idx %arg12[%add3A_1320, %broadcast_in_dim3A_1322, %add3A_872] masked %lt3A_875 : memref<4x25x300xf32, #tpu.memory_space<vmem>>[vector<16xi32>, vector<16xi32>, vector<16xi32>], vector<16xf32>, vector<16xi1>
      %ge3A_1324 = arith.cmpf oge, %add3A_1317, %get3A_889 : vector<16xf32>
      %le3A_1325 = arith.cmpf ole, %add3A_1317, %get3A_891 : vector<16xf32>
      %and3A_1326 = arith.andi %ge3A_1324, %le3A_1325 : vector<16xi1>
      %and3A_1327 = arith.andi %and3A_1326, %and3A_887 : vector<16xi1>
      %jit3A_1328 = arith.constant 0.000000e+00 : f32
      %broadcast_in_dim3A_1329 = vector.broadcast %jit3A_1328 : f32 to vector<16xf32>
      %select_n3A_1330 = arith.select %and3A_1327, %gather3A_1323, %broadcast_in_dim3A_1329 : vector<16xi1>, vector<16xf32>
      tpu.vector_store_idx %arg14[%broadcast_in_dim3A_1322, %add3A_872], %select_n3A_1330 masked %lt3A_875 : memref<25x300xf32, #tpu.memory_space<vmem>>[vector<16xi32>, vector<16xi32>], vector<16xf32>, vector<16xi1>
      %broadcast_in_dim3A_1331 = arith.constant 0.000000e+00 : f32
      %broadcast_in_dim3A_1332 = vector.broadcast %broadcast_in_dim3A_1331 : f32 to vector<16xf32>
      %add3A_1333 = arith.constant 2.300000e+01 : f32
      %add3A_1334 = arith.addf %convert_element_type3A, %add3A_1333 : f32
      %add3A_1335 = vector.broadcast %add3A_1334 : f32 to vector<16xf32>
      %add3A_1336 = arith.addf %broadcast_in_dim3A_1332, %add3A_1335 : vector<16xf32>
      %ge3A_1337 = arith.cmpf oge, %add3A_1336, %get3A_893 : vector<16xf32>
      %select_n3A_1338 = arith.select %ge3A_1337, %broadcast_in_dim3A_43, %broadcast_in_dim3A_45 : vector<16xi1>, vector<16xi32>
      %add3A_1339 = arith.addi %select_n3A_1338, %select_n3A_880 : vector<16xi32>
      %broadcast_in_dim3A_1340 = arith.constant 23 : i32
      %broadcast_in_dim3A_1341 = vector.broadcast %broadcast_in_dim3A_1340 : i32 to vector<16xi32>
      %gather3A_1342 = tpu.vector_load_idx %arg12[%add3A_1339, %broadcast_in_dim3A_1341, %add3A_872] masked %lt3A_875 : memref<4x25x300xf32, #tpu.memory_space<vmem>>[vector<16xi32>, vector<16xi32>, vector<16xi32>], vector<16xf32>, vector<16xi1>
      %ge3A_1343 = arith.cmpf oge, %add3A_1336, %get3A_889 : vector<16xf32>
      %le3A_1344 = arith.cmpf ole, %add3A_1336, %get3A_891 : vector<16xf32>
      %and3A_1345 = arith.andi %ge3A_1343, %le3A_1344 : vector<16xi1>
      %and3A_1346 = arith.andi %and3A_1345, %and3A_887 : vector<16xi1>
      %jit3A_1347 = arith.constant 0.000000e+00 : f32
      %broadcast_in_dim3A_1348 = vector.broadcast %jit3A_1347 : f32 to vector<16xf32>
      %select_n3A_1349 = arith.select %and3A_1346, %gather3A_1342, %broadcast_in_dim3A_1348 : vector<16xi1>, vector<16xf32>
      tpu.vector_store_idx %arg14[%broadcast_in_dim3A_1341, %add3A_872], %select_n3A_1349 masked %lt3A_875 : memref<25x300xf32, #tpu.memory_space<vmem>>[vector<16xi32>, vector<16xi32>], vector<16xf32>, vector<16xi1>
      %broadcast_in_dim3A_1350 = arith.constant 0.000000e+00 : f32
      %broadcast_in_dim3A_1351 = vector.broadcast %broadcast_in_dim3A_1350 : f32 to vector<16xf32>
      %add3A_1352 = arith.constant 2.400000e+01 : f32
      %add3A_1353 = arith.addf %convert_element_type3A, %add3A_1352 : f32
      %add3A_1354 = vector.broadcast %add3A_1353 : f32 to vector<16xf32>
      %add3A_1355 = arith.addf %broadcast_in_dim3A_1351, %add3A_1354 : vector<16xf32>
      %ge3A_1356 = arith.cmpf oge, %add3A_1355, %get3A_893 : vector<16xf32>
      %select_n3A_1357 = arith.select %ge3A_1356, %broadcast_in_dim3A_43, %broadcast_in_dim3A_45 : vector<16xi1>, vector<16xi32>
      %add3A_1358 = arith.addi %select_n3A_1357, %select_n3A_880 : vector<16xi32>
      %broadcast_in_dim3A_1359 = arith.constant 24 : i32
      %broadcast_in_dim3A_1360 = vector.broadcast %broadcast_in_dim3A_1359 : i32 to vector<16xi32>
      %gather3A_1361 = tpu.vector_load_idx %arg12[%add3A_1358, %broadcast_in_dim3A_1360, %add3A_872] masked %lt3A_875 : memref<4x25x300xf32, #tpu.memory_space<vmem>>[vector<16xi32>, vector<16xi32>, vector<16xi32>], vector<16xf32>, vector<16xi1>
      %ge3A_1362 = arith.cmpf oge, %add3A_1355, %get3A_889 : vector<16xf32>
      %le3A_1363 = arith.cmpf ole, %add3A_1355, %get3A_891 : vector<16xf32>
      %and3A_1364 = arith.andi %ge3A_1362, %le3A_1363 : vector<16xi1>
      %and3A_1365 = arith.andi %and3A_1364, %and3A_887 : vector<16xi1>
      %jit3A_1366 = arith.constant 0.000000e+00 : f32
      %broadcast_in_dim3A_1367 = vector.broadcast %jit3A_1366 : f32 to vector<16xf32>
      %select_n3A_1368 = arith.select %and3A_1365, %gather3A_1361, %broadcast_in_dim3A_1367 : vector<16xi1>, vector<16xf32>
      tpu.vector_store_idx %arg14[%broadcast_in_dim3A_1360, %add3A_872], %select_n3A_1368 masked %lt3A_875 : memref<25x300xf32, #tpu.memory_space<vmem>>[vector<16xi32>, vector<16xi32>], vector<16xf32>, vector<16xi1>
      %dma_start3A_1369 = arith.constant 0 : i32
      %dma_start3A_1370 = tpu.memref_slice %arg4[%add3A_139, %mul3A_11, %dma_start3A_1369] : memref<200x200x300xf32, #tpu.memory_space<hbm>> -> memref<1x25x300xf32, #tpu.memory_space<hbm>>
      %dma_start3A_1371 = tpu.memref_squeeze %dma_start3A_1370 : memref<1x25x300xf32, #tpu.memory_space<hbm>> -> memref<25x300xf32, #tpu.memory_space<hbm>>
      %dma_start3A_1372 = arith.constant 0 : i32
      %dma_start3A_1373 = tpu.memref_slice %arg4[%add3A_139, %mul3A_11, %dma_start3A_1372] : memref<200x200x300xf32, #tpu.memory_space<hbm>> -> memref<1x25x300xf32, #tpu.memory_space<hbm>>
      %dma_start3A_1374 = tpu.memref_squeeze %dma_start3A_1373 : memref<1x25x300xf32, #tpu.memory_space<hbm>> -> memref<25x300xf32, #tpu.memory_space<hbm>>
      tpu.enqueue_dma source(%arg14 : memref<25x300xf32, #tpu.memory_space<vmem>>) target(%dma_start3A_1374 : memref<25x300xf32, #tpu.memory_space<hbm>>) target_semaphore(%arg18 : memref<!tpu.dma_semaphore, #tpu.memory_space<semaphore_mem>>)
    }
    %scan3A_114 = arith.constant 25 : i32
    %add3A_115 = arith.constant 50 : i32
    %add3A_116 = arith.addi %mul3A_34, %add3A_115 : i32
    %sub3A_117 = arith.constant 2 : i32
    %sub3A_118 = arith.subi %add3A_116, %sub3A_117 : i32
    %dma_wait3A = arith.constant 0 : i32
    %dma_wait3A_119 = tpu.memref_slice %arg4[%sub3A_118, %mul3A_11, %dma_wait3A] : memref<200x200x300xf32, #tpu.memory_space<hbm>> -> memref<1x25x300xf32, #tpu.memory_space<hbm>>
    %dma_wait3A_120 = tpu.memref_squeeze %dma_wait3A_119 : memref<1x25x300xf32, #tpu.memory_space<hbm>> -> memref<25x300xf32, #tpu.memory_space<hbm>>
    %dma_wait3A_121 = arith.constant 0 : i32
    %dma_wait3A_122 = tpu.memref_slice %arg4[%sub3A_118, %mul3A_11, %dma_wait3A_121] : memref<200x200x300xf32, #tpu.memory_space<hbm>> -> memref<1x25x300xf32, #tpu.memory_space<hbm>>
    %dma_wait3A_123 = tpu.memref_squeeze %dma_wait3A_122 : memref<1x25x300xf32, #tpu.memory_space<hbm>> -> memref<25x300xf32, #tpu.memory_space<hbm>>
    tpu.wait_dma2 semaphore(%arg17 : memref<!tpu.dma_semaphore, #tpu.memory_space<semaphore_mem>>) src(%arg13 : memref<25x300xf32, #tpu.memory_space<vmem>>) dst(%dma_wait3A_123 : memref<25x300xf32, #tpu.memory_space<hbm>>)
    %add3A_124 = arith.constant 50 : i32
    %add3A_125 = arith.addi %mul3A_34, %add3A_124 : i32
    %sub3A_126 = arith.constant 1 : i32
    %sub3A_127 = arith.subi %add3A_125, %sub3A_126 : i32
    %dma_wait3A_128 = arith.constant 0 : i32
    %dma_wait3A_129 = tpu.memref_slice %arg4[%sub3A_127, %mul3A_11, %dma_wait3A_128] : memref<200x200x300xf32, #tpu.memory_space<hbm>> -> memref<1x25x300xf32, #tpu.memory_space<hbm>>
    %dma_wait3A_130 = tpu.memref_squeeze %dma_wait3A_129 : memref<1x25x300xf32, #tpu.memory_space<hbm>> -> memref<25x300xf32, #tpu.memory_space<hbm>>
    %dma_wait3A_131 = arith.constant 0 : i32
    %dma_wait3A_132 = tpu.memref_slice %arg4[%sub3A_127, %mul3A_11, %dma_wait3A_131] : memref<200x200x300xf32, #tpu.memory_space<hbm>> -> memref<1x25x300xf32, #tpu.memory_space<hbm>>
    %dma_wait3A_133 = tpu.memref_squeeze %dma_wait3A_132 : memref<1x25x300xf32, #tpu.memory_space<hbm>> -> memref<25x300xf32, #tpu.memory_space<hbm>>
    tpu.wait_dma2 semaphore(%arg18 : memref<!tpu.dma_semaphore, #tpu.memory_space<semaphore_mem>>) src(%arg14 : memref<25x300xf32, #tpu.memory_space<vmem>>) dst(%dma_wait3A_133 : memref<25x300xf32, #tpu.memory_space<hbm>>)
    return
  }
}

</mosaic_0001>

<sc_bundles>
// kernel: kernel.3.cloned.1.call-start
scs
__scs_entry_jumppad:
0x0: {  	(pc) =	sbr.rel $0x88, $3  }
0x1: {  	(tag) =	ssettag $0x0;
	lr =	simm.s32 $0x1  }
0x2: {  	[smem:$0x3F9F] =	sst lr;
	_ =	strace $0xD0000000  }
0x3: {  	_ = 	snop  }
0x4: {  	_ = 	snop  }
0x5: {  	_ = 	snop  }
0x6: {  	_ = 	snop  }
0x7: {  	_ = 	snop  }
__scs_overlays_trampoline_lowered:
0x8: {  	[smem:$0x3FAE] =	sst s0  }
0x9: {  	[smem:$0x3FAF] =	sst s1  }
0xa: {  	[smem:$0x3FB0] =	sst s2  }
0xb: {  	[smem:$0x3FB1] =	sst s3  }
0xc: {  	[smem:$0x3FB2] =	sst s4  }
0xd: {  	[smem:$0x3FB3] =	sst s5  }
0xe: {  	[smem:$0x3FB4] =	sst s6  }
0xf: {  	[smem:$0x3FB5] =	sst s7  }
0x10: {  	[smem:$0x3FB6] =	sst s8  }
0x11: {  	[smem:$0x3FB7] =	sst s9;
	s0 =	simm.s32 @!p0 $0x0  }
0x12: {  	s1 =	sld [smem:$0x3F9D];
	s0 =	simm.s32 @p0 $0x1  }
0x13: {  	[smem:$0x3FB8] =	sst s0;
	s0 =	simm.s32 @!p1 $0x0  }
0x14: {  	s2 =	sld [smem:$0x3F9C];
	s0 =	simm.s32 @p1 $0x1  }
0x15: {  	[smem:$0x3FB9] =	sst s0;
	s0 =	simm.s32 @!p2 $0x0  }
0x16: {  	s3 =	sld [smem:$0x3FDB];
	s0 =	simm.s32 @p2 $0x1  }
0x17: {  	s4 =	simm.s32 $0x1BF5;
	[smem:$0x3FBB] =	sst s0  }
0x18: {  	s0 =	sld [smem:$0x3F9E];
	_ =	swait.ge [sflag:s4], $0x0  }
0x19: {  	s7 =	sld [smem:$0x3F9F]  }
0x1a: {  	s8 =	sadd.s32 $0xFFFFE003, lr  }
0x1b: {  	s9 =	sadd.s32 $0xFFFFFEF7, lr;
	s5 =	simm.s32 $0xFFFFFFFF;
	p2 =	slt.u32 s8, $0xFFFFF086  }
0x1c: {  	p1 =	slt.u32 s9, $0xF7A;
	s5 =	simm.s32 @!p2 $0x0  }
0x1d: {  	s5 =	simm.s32 @p1 $0x1;
	p0 =	seq.s32 s7, s2  }
0x1e: {  	s7 =	smul.u32 @!p0 $0xF7A, s2;
	p2 =	seq.s32 @!p0 s5, $0x0  }
0x1f: {  	s9 =	smul.u32 $0xF7A, s1;
	s8 =	simm.s32 @!p0 $0x1BF5;
	p2 =	por !p2, p0  }
0x20: {  	[sflag:s8] =	ssyncset.s32 @!p0 $0xFFFFF086;
	s6 =	sadd.s32 @!p0 s3, s7;
	s7 =	simm.s32 @!p0 $0x108  }
0x21: {  	s3 =	sadd.s32 s3, s9;
	s6 =	sadd.s32 @!p0 $0x88, s6;
	s7 =	simm.s32 @p2 $0x1082  }
0x22: {  	[simem:s7], [sflag:s8] =	dma.local @!p0 [hbm:s6], $0xF7A  }
0x23: {  	s9 =	sor.u32 $0xD0000000, s2;
	s6 =	simm.s32 $0x108;
	_ =	swait.ge @!p0 [sflag:s8], $0x0  }
0x24: {  	s3 =	sadd.s32 $0x88, s3;
	s6 =	simm.s32 @!p1 $0x1082;
	[sflag:s4] =	ssyncset.s32 $0xFFFFF086  }
0x25: {  	[simem:s6], [sflag:s4] =	dma.local [hbm:s3], $0xF7A  }
0x26: {  	[smem:$0x3F9F] =	sst s1;
	(tag) =	ssettag s2;
	_ =	strace s9  }
0x27: {  	s1 =	sld [smem:$0x3FAF]  }
0x28: {  	s2 =	sld [smem:$0x3FB0]  }
0x29: {  	s4 =	sld [smem:$0x3FB2]  }
0x2a: {  	p0 =	seq.s32 s5, $0x0;
	s5 =	sld [smem:$0x3FB3]  }
0x2b: {  	s6 =	sld [smem:$0x3FB4]  }
0x2c: {  	s7 =	sld [smem:$0x3FB5]  }
0x2d: {  	s3 =	simm.s32 $0x108;
	s8 =	sld [smem:$0x3FB6]  }
0x2e: {  	s3 =	simm.s32 @!p0 $0x1082;
	s9 =	sld [smem:$0x3FB7]  }
0x2f: {  	lr =	sadd.s32 s0, s3;
	s0 =	sld [smem:$0x3FAE]  }
0x30: {  	s3 =	sld [smem:$0x3FB1]  }
0x31: {  	[smem:$0x3FBA] =	sst s10  }
0x32: {  	s10 =	sld [smem:$0x3FB8];
	_ =	sdelay $0x3  }
0x33: {  	p0 =	seq.s32 s10, $0x1;
	s10 =	sld [smem:$0x3FBA];
	_ =	sdelay $0x3  }
0x34: {  	[smem:$0x3FBA] =	sst s10  }
0x35: {  	s10 =	sld [smem:$0x3FB9];
	_ =	sdelay $0x3  }
0x36: {  	p1 =	seq.s32 s10, $0x1;
	s10 =	sld [smem:$0x3FBA];
	_ =	sdelay $0x3  }
0x37: {  	[smem:$0x3FBA] =	sst s10  }
0x38: {  	s10 =	sld [smem:$0x3FBB]  }
0x39: {  	_ = 	snop;
	(pc) =	sbr.ind lr, $3  }
0x3a: {  	_ = 	snop  }
0x3b: {  	_ = 	snop  }
0x3c: {  	p2 =	seq.s32 s10, $0x1;
	s10 =	sld [smem:$0x3FBA]  }
0x3d: {  	_ =	shalt  }
0x3e: {  	_ =	shalt  }
0x3f: {  	_ =	shalt  }
0x40: {  	_ =	shalt  }
0x41: {  	_ =	shalt  }
0x42: {  	_ =	shalt  }
0x43: {  	_ =	shalt  }
0x44: {  	_ =	shalt  }
0x45: {  	_ =	shalt  }
0x46: {  	_ =	shalt  }
0x47: {  	_ =	shalt  }
0x48: {  	_ =	shalt  }
0x49: {  	_ =	shalt  }
0x4a: {  	_ =	shalt  }
0x4b: {  	_ =	shalt  }
0x4c: {  	_ =	shalt  }
0x4d: {  	_ =	shalt  }
0x4e: {  	_ =	shalt  }
0x4f: {  	_ =	shalt  }
0x50: {  	_ =	shalt  }
0x51: {  	_ =	shalt  }
0x52: {  	_ =	shalt  }
0x53: {  	_ =	shalt  }
0x54: {  	_ =	shalt  }
0x55: {  	_ =	shalt  }
0x56: {  	_ =	shalt  }
0x57: {  	_ =	shalt  }
0x58: {  	_ =	shalt  }
0x59: {  	_ =	shalt  }
0x5a: {  	_ =	shalt  }
0x5b: {  	_ =	shalt  }
0x5c: {  	_ =	shalt  }
0x5d: {  	_ =	shalt  }
0x5e: {  	_ =	shalt  }
0x5f: {  	_ =	shalt  }
0x60: {  	_ =	shalt  }
0x61: {  	_ =	shalt  }
0x62: {  	_ =	shalt  }
0x63: {  	_ =	shalt  }
0x64: {  	_ =	shalt  }
0x65: {  	_ =	shalt  }
0x66: {  	_ =	shalt  }
0x67: {  	_ =	shalt  }
0x68: {  	_ =	shalt  }
0x69: {  	_ =	shalt  }
0x6a: {  	_ =	shalt  }
0x6b: {  	_ =	shalt  }
0x6c: {  	_ =	shalt  }
0x6d: {  	_ =	shalt  }
0x6e: {  	_ =	shalt  }
0x6f: {  	_ =	shalt  }
0x70: {  	_ =	shalt  }
0x71: {  	_ =	shalt  }
0x72: {  	_ =	shalt  }
0x73: {  	_ =	shalt  }
0x74: {  	_ =	shalt  }
0x75: {  	_ =	shalt  }
0x76: {  	_ =	shalt  }
0x77: {  	_ =	shalt  }
0x78: {  	_ =	shalt  }
0x79: {  	_ =	shalt  }
0x7a: {  	_ =	shalt  }
0x7b: {  	_ =	shalt  }
0x7c: {  	_ =	shalt  }
0x7d: {  	_ =	shalt  }
0x7e: {  	_ =	shalt  }
0x7f: {  	_ =	shalt  }
0x80: {  	_ =	shalt  }
0x81: {  	_ =	shalt  }
0x82: {  	_ =	shalt  }
0x83: {  	_ =	shalt  }
0x84: {  	_ =	shalt  }
0x85: {  	_ =	shalt  }
0x86: {  	_ =	shalt  }
0x87: {  	_ =	shalt  }
.Lfunc_end0:
.L_simem_size_0:
called_computation_lowered:
.L_overlay_start_0:
0x88: {  	s2 =	sld [smem:$0x3FD9]  }
0x89: {  	s3 =	sld [smem:$0x3FFE];
	_ =	sdelay $0x1  }
0x8a: {  	s1 =	srdreg.scid  }
0x8b: {  	s0 =	sand.u32 $0x1, s1  }
0x8c: {  	s17 =	sshll.u32 s0, $0xA;
	s2 =	sadd.s32 s3, s2  }
0x8d: {  	s2 =	sadd.s32 s2, s17  }
0x8e: {  	[smem:$0x3FC6] =	sst s2  }
0x8f: {  	_ = 	snop  }
0x90: {  	s2 =	sld [smem:$0x3FD0];
	(tm) =	ssettm $0x1  }
0x91: {  	s18 =	sld [smem:$0x3FFB];
	_ =	sdelay $0x3  }
0x92: {  	_ =	strace s18  }
0x93: {  	s3 =	sld [smem:$0x3FFC];
	_ =	sdelay $0x3  }
0x94: {  	_ =	strace s3  }
0x95: {  	s3 =	sld [smem:$0x3FFD];
	_ =	sdelay $0x3  }
0x96: {  	_ =	strace s3  }
0x97: {  	_ =	strace $0x8FFFFFFF  }
0x98: {  	s19 =	sld [smem:$0x3FDB];
	_ =	sdelay $0x1  }
0x99: {  	s4 =	simm.s32 $_scs_section_size  }
0x9a: {  	s5 =	simm.s32 $_size__tile_overlayer_lowered;
	s6 =	simm.s32 $_tile_overlayer_lowered  }
0x9b: {  	s22 =	simm.s32 $0x1BFF;
	s21 =	sshll.u32 s6, $0x1;
	s3 =	sadd.s32 s4, s19  }
0x9c: {  	s7 =	simm.s32 $0x0;
	s20 =	sshll.u32 s5, $0x1;
	s5 =	sadd.s32 s21, s3  }
0x9d: {  	[timem:s7], [sflag:s22] =	dma.local [hbm:s5], s20  }
0x9e: {  	_ =	swait.ge [sflag:s22], s20  }
0x9f: {  	s4 =	ssub.s32 $0x0, s20;
	[sflag:s22] =	ssyncset.done $0x0  }
0xa0: {  	[sflag:s22] =	ssyncadd.s32 s4;
	_ =	sdelay $0x1  }
0xa1: {  	s23 =	simm.s32 $0x1B8B  }
0xa2: {  	_ =	swait.ge [sflag:s23], $0x1  }
0xa3: {  	[sflag:s23] =	ssyncset.done $0x0  }
0xa4: {  	s25 =	simm.s32 $0x1B8E;
	s24 =	sld [smem:$0x3FFE];
	[sflag:s23] =	ssyncadd.s32 $0xFFFFFFFF  }
0xa5: {  	s26 =	simm.s32 $execute0_lowered;
	[smem:$0x3FD2] =	sst s25  }
0xa6: {  	s5 =	sshll.u32 s26, $0x1;
	_ =	strace $0x80000046;
	[dreg:$0x1] =	wrdreg $0xFFFFFFFF  }
0xa7: {  	s28 =	simm.s32 $_size_execute0_lowered;
	s3 =	sadd.s32 s3, s5;
	[dreg:$0x0] =	wrdreg $0x0  }
0xa8: {  	s5 =	sshll.u32 s28, $0x1;
	[dreg:$0x2] =	wrdreg s3  }
0xa9: {  	[dreg:$0x3] =	wrdreg s5  }
0xaa: {  	[dreg:$0x4] =	wrdreg $0xC0  }
0xab: {  	_ =	task [dreg:s7], $0x5FFFF  }
0xac: {  	[dreg:$0x1] =	wrdreg $0xFFFFFFFF  }
0xad: {  	[dreg:$0x0] =	wrdreg $0x60  }
0xae: {  	[dreg:$0x2] =	wrdreg s2  }
0xaf: {  	[dreg:$0x3] =	wrdreg s24  }
0xb0: {  	[dreg:$0x4] =	wrdreg $0x9  }
0xb1: {  	_ =	task.clear_ibuf [dreg:s7], $0x5FFFF;
	_ =	strace $0x90000046  }
0xb2: {  	s29 =	simm.s32 $0x9;
	_ =	strace $0x80000048  }
0xb3: {  	_ =	swait.ge [sflag:s29], $0x1  }
0xb4: {  	[sflag:s29] =	ssyncadd.s32 $0xFFFFFFFF  }
0xb5: {  	_ =	strace $0x90000048  }
0xb6: {  	_ =	sfence  }
0xb7: {  	s30 =	sld [smem:$0x0];
	_ =	sdelay $0x2  }
0xb8: {  	s31 =	sshll.u32 s1, $0xD;
	s1 =	sshrl.u32 s1, $0x2  }
0xb9: {  	s3 =	sand.u32 $0x4000, s31;
	s1 =	sadd.s32 s1, s30  }
0xba: {  	s0 =	sor.u32 s3, s0;
	s1 =	sshll.u32 s1, $0x11  }
0xbb: {  	s0 =	sor.u32 s1, s0  }
0xbc: {  	s0 =	sadd.s32 $0x8F2B, s0  }
0xbd: {  	[sflag:s0] =	ssyncadd.remote.s32 $0x1  }
0xbe: {  	_ =	sfence.sel $0xFFFF  }
0xbf: {  	[dreg:$0x0] =	wrdreg $0xFFFFFFFF;
	(pc) =	sbr.abs _section_cstart, $3  }
0xc0: {  	[dreg:$0x1] =	wrdreg $0xFFFFFFFF  }
0xc1: {  	_ =	task.clear_ibuf [dreg:s7], $0x2FFFF;
	_ =	strace $0x9FFFFFFF  }
0xc2: {  	(tm) =	ssettm $0x7FFFFFFF  }
0xc3: {  	_ =	shalt  }
tec
execute0_lowered:
.L_overlay_start_1:
0x0: {  	(tag) =	ssettag $0x1  }
0x1: {  	s2 =	stileid.u32;
	s23 =	rddreg [dreg:$0x0]  }
0x2: {  	s0 =	srdreg.scid;
	s6 =	rddreg [dreg:$0x1]  }
0x3: {  	s3 =	simm.s32 $0x0;
	s28 =	simm.s32 $0xB940;
	s1 =	sshll.u32 s2, $0x1  }
0x4: {  	s0 =	sand.u32 $0x1, s0;
	s2 =	sshrl.u32 s2, $0x2;
	s1 =	sand.u32 $0x6, s1  }
0x5: {  	s29 =	simm.s32 $0xD6F0;
	s7 =	smul.u32 $0x2E6300, s2;
	s5 =	sor.u32 s0, s1  }
0x6: {  	s30 =	simm.s32 $0x1;
	s31 =	simm.s32 $0xF4A0;
	s1 =	smul.u32 $0x19, s5  }
0x7: {  	v50 =	vlaneseq.u32;
	[smem:$0x7FF] =	sst s3;
	s4 =	sadd.s32 $0x753600, s6;
	s5 =	smul.u32 $0x1DB0, s5  }
0x8: {  	s6 =	sadd.s32 $0x600, s6;
	v25 =	vor.u32 $0x120, v50;
	_ =	strace $0x80000047;
	s0 =	ssub.s32 $0x2, s0  }
0x9: {  	[tilespmem:$0x1FE70] =	vst v25;
	v25 =	vor.u32 $0x250, v50;
	s9 =	scvt.s32.f32 s1;
	s8 =	sadd.s32 s7, s5;
	s22 =	sadd.s32 $0x1, s1  }
0xa: {  	[tilespmem:$0x1FE80] =	vst v25;
	v25 =	vor.u32 $0x380, v50;
	s10 =	sadd.s32 $0x2, s1;
	s11 =	sadd.s32 $0x3, s1;
	s12 =	sadd.s32 $0x4, s1  }
0xb: {  	[tilespmem:$0x1FE90] =	vst v25;
	v25 =	vor.u32 $0x4B0, v50;
	s13 =	sadd.s32 $0x5, s1;
	s14 =	sadd.s32 $0x6, s1;
	s15 =	sadd.s32 $0x7, s1  }
0xc: {  	[tilespmem:$0x1FEA0] =	vst v25;
	v25 =	vor.u32 $0x5E0, v50;
	s16 =	sadd.s32 $0x8, s1;
	s17 =	sadd.s32 $0x9, s1;
	s18 =	sadd.s32 $0xA, s1  }
0xd: {  	s19 =	sadd.s32 $0xB, s1;
	[tilespmem:$0x1FEB0] =	vst v25;
	v25 =	vor.u32 $0x710, v50;
	s7 =	scvt.s32.f32 s22;
	s10 =	scvt.s32.f32 s10  }
0xe: {  	s20 =	sadd.s32 $0xC, s1;
	s11 =	scvt.s32.f32 s11;
	s12 =	scvt.s32.f32 s12;
	[tilespmem:$0x1FEC0] =	vst v25;
	v25 =	vor.u32 $0x840, v50  }
0xf: {  	s21 =	sadd.s32 $0xD, s1;
	s13 =	scvt.s32.f32 s13;
	s14 =	scvt.s32.f32 s14;
	[tilespmem:$0x1FED0] =	vst v25;
	v25 =	vor.u32 $0x970, v50  }
0x10: {  	s24 =	sadd.s32 $0xF, s1;
	s15 =	scvt.s32.f32 s15;
	s16 =	scvt.s32.f32 s16;
	[tilespmem:$0x1FEE0] =	vst v25;
	v25 =	vor.u32 $0xAA0, v50  }
0x11: {  	s25 =	sadd.s32 $0x10, s1;
	s17 =	scvt.s32.f32 s17;
	s18 =	scvt.s32.f32 s18;
	[tilespmem:$0x1FEF0] =	vst v25;
	v25 =	vor.u32 $0xBD0, v50  }
0x12: {  	s19 =	scvt.s32.f32 s19;
	s20 =	scvt.s32.f32 s20;
	s22 =	sadd.s32 $0xE, s1;
	[tilespmem:$0x1FF00] =	vst v25;
	v25 =	vor.u32 $0xD00, v50  }
0x13: {  	s26 =	sadd.s32 $0x11, s1;
	v0 =	vmov s9;
	s9 =	scvt.s32.f32 s21;
	s21 =	scvt.s32.f32 s22;
	[tilespmem:$0x1FF10] =	vst v25;
	v25 =	vor.u32 $0xE30, v50  }
0x14: {  	s22 =	sadd.s32 $0x12, s1;
	v1 =	vmov s7;
	v2 =	vmov s10;
	s7 =	scvt.s32.f32 s24;
	s10 =	scvt.s32.f32 s25;
	[tilespmem:$0x1FF20] =	vst v25;
	v25 =	vor.u32 $0xF60, v50  }
0x15: {  	v3 =	vmov s11;
	v4 =	vmov s12;
	s11 =	scvt.s32.f32 s26;
	s12 =	scvt.s32.f32 s22;
	s24 =	sadd.s32 $0x13, s1;
	[tilespmem:$0x1FF30] =	vst v25;
	v25 =	vor.u32 $0x1090, v50  }
0x16: {  	v5 =	vmov s13;
	v9 =	vmov s17;
	s25 =	sadd.s32 $0x14, s1;
	s26 =	sadd.s32 $0x15, s1;
	s17 =	sadd.s32 $0x16, s1;
	[tilespmem:$0x1FF40] =	vst v25;
	v25 =	vor.u32 $0x11C0, v50  }
0x17: {  	v6 =	vmov s14;
	v10 =	vmov s18;
	s18 =	sadd.s32 $0x17, s1;
	s1 =	sadd.s32 $0x18, s1;
	s13 =	scvt.s32.f32 s24;
	[tilespmem:$0x1FF50] =	vst v25;
	v25 =	vor.u32 $0x12F0, v50  }
0x18: {  	v7 =	vmov s15;
	v8 =	vmov s16;
	s22 =	sadd.s32 $0x26, s23;
	s14 =	scvt.s32.f32 s25;
	s16 =	scvt.s32.f32 s26;
	[tilespmem:$0x1FF60] =	vst v25;
	v25 =	vor.u32 $0x1420, v50  }
0x19: {  	v11 =	vmov s19;
	v12 =	vmov s20;
	s15 =	sadd.s32 $0x1DB00, s5;
	s19 =	scvt.s32.f32 s17;
	s20 =	scvt.s32.f32 s18;
	[tilespmem:$0x1FF70] =	vst v25;
	v25 =	vor.u32 $0x1550, v50  }
0x1a: {  	v14 =	vmov s21;
	s21 =	sshrl.u32 s8, $0x3;
	s1 =	scvt.s32.f32 s1;
	[dreg:$0x3] =	wrdreg s22;
	[tilespmem:$0x1FF80] =	vst v25;
	v25 =	vor.u32 $0x1680, v50  }
0x1b: {  	s24 =	sadd.s32 $0x4C, s23;
	s25 =	sshrl.u32 s0, $0x1;
	s17 =	simm.s32 $0x5;
	[tilespmem:$0x1FF90] =	vst v25;
	v25 =	vor.u32 $0x17B0, v50  }
0x1c: {  	s18 =	simm.s32 $0x3;
	v15 =	vmov s7;
	v16 =	vmov s10;
	s7 =	smul.u32 $0x32, s2;
	s10 =	sadd.s32 s4, s21;
	[tilespmem:$0x1FFA0] =	vst v25;
	v25 =	vor.u32 $0x18E0, v50  }
0x1d: {  	s0 =	ssub.s32 s0, s25;
	s21 =	simm.s32 $0x720;
	s25 =	simm.s32 $0x7DE0;
	[tilespmem:$0x1FFB0] =	vst v25;
	v25 =	vor.u32 $0x1A10, v50  }
0x1e: {  	v18 =	vmov s12;
	[dreg:$0x4] =	wrdreg s24;
	v19 =	vmov s13;
	s26 =	sadd.s32 $0x173180, s10;
	s12 =	sadd.s32 $0x2E6300, s10;
	[tilespmem:$0x1FFC0] =	vst v25;
	v25 =	vor.u32 $0x1B40, v50  }
0x1f: {  	v20 =	vmov s14;
	v21 =	vmov s16;
	s13 =	sadd.s32 $0x72, s23;
	s14 =	sadd.s32 $0x459480, s10;
	s16 =	smax.u32 s0, $0x1;
	[tilespmem:$0x1FFD0] =	vst v25;
	v25 =	vor.u32 $0x1C70, v50  }
0x20: {  	v22 =	vmov s19;
	v24 =	vmov s1;
	s1 =	simm.s32 $0x2;
	s0 =	simm.s32 $0x11250;
	s19 =	simm.s32 $0x4;
	[tilespmem:$0x1FFE0] =	vst v25;
	v25 =	vor.u32 $0x1DA0, v50  }
0x21: {  	v13 =	vmov s9;
	v17 =	vmov s11;
	v23 =	vmov s20;
	s20 =	simm.s32 $0x0;
	[dreg:$0x5] =	wrdreg s26;
	s26 =	simm.s32 $0x9B90;
	[tilespmem:$0x1FFF0] =	vst v25  }
.LBB2_1:
0x22: {  	s2 =	rddreg [dreg:$0x0]  }
0x23: {  	[tilespmem:s3], [sflag:$0x5] =	stream.linear.gather [hbm4b:s2+s3], $0x130, $0x38;
	[tilespmem:$0x13000] =	vst v63  }
0x24: {  	_ =	swait.ge [sflag:s17], $0x130  }
0x25: {  	[sflag:s17] =	ssyncset.done $0x0  }
0x26: {  	s8 =	simm.s32 $0x130;
	s11 =	rddreg [dreg:$0x3];
	[sflag:s17] =	ssyncadd.s32 $0xFFFFFED0  }
0x27: {  	[tilespmem:s8], [sflag:$0x5] =	stream.linear.gather [hbm4b:s11+s3], $0x130, $0x38;
	[tilespmem:$0x13000] =	vst v63  }
0x28: {  	_ =	swait.ge [sflag:s17], $0x130  }
0x29: {  	[sflag:s17] =	ssyncset.done $0x0  }
0x2a: {  	s23 =	simm.s32 $0x260;
	s22 =	rddreg [dreg:$0x4];
	[sflag:s17] =	ssyncadd.s32 $0xFFFFFED0  }
0x2b: {  	[tilespmem:s23], [sflag:$0x5] =	stream.linear.gather [hbm4b:s22+s3], $0x130, $0x38;
	[tilespmem:$0x13000] =	vst v63  }
0x2c: {  	_ =	swait.ge [sflag:s17], $0x130  }
0x2d: {  	[sflag:s17] =	ssyncset.done $0x0  }
0x2e: {  	s24 =	simm.s32 $0x390;
	[sflag:s17] =	ssyncadd.s32 $0xFFFFFED0  }
0x2f: {  	[tilespmem:s24], [sflag:$0x5] =	stream.linear.gather [hbm4b:s13+s3], $0x130, $0x38;
	[tilespmem:$0x13000] =	vst v63  }
0x30: {  	_ =	swait.ge [sflag:s17], $0x130  }
0x31: {  	[sflag:s17] =	ssyncset.done $0x0  }
0x32: {  	s2 =	simm.s32 $0x0;
	[sflag:s17] =	ssyncadd.s32 $0xFFFFFED0  }
0x33: {  	v56 =	vld [tilespmem:s2+$0x130]  }
0x34: {  	v51 =	vld [tilespmem:s2+$0x390]  }
0x35: {  	v52 =	vld [tilespmem:s2+$0x0]  }
0x36: {  	v53 =	vld [tilespmem:s2+$0x260];
	_ =	sdelay $0x1  }
0x37: {  	s8 =	simm.s32 $0x10  }
0x38: {  	v55 =	vsub.f32 v51, v56;
	v51 =	vld [tilespmem:s8+$0x130]  }
0x39: {  	v54 =	vld [tilespmem:s8+$0x390]  }
0x3a: {  	v57 =	vsub.f32 v53, v52;
	v53 =	vld [tilespmem:s8+$0x0];
	v58 =	vmul.f32 $5.000000000e-01, v55  }
0x3b: {  	v55 =	vld [tilespmem:s8+$0x260]  }
0x3c: {  	s9 =	simm.s32 $0x80;
	v57 =	vmul.f32 $5.000000000e-01, v57;
	v56 =	vadd.f32 v58, v56  }
.LBB2_2:
0x3d: {  	s22 =	sshra.s32 s9, $0x2;
	v58 =	vmov v51;
	p0 =	sne.s32 s9, $0x480  }
.Ltmp0:
0x3e: {  	s9 =	sadd.s32 $0x40, s9;
	v51 =	vld [tilespmem:s22+$0x130];
	v59 =	vsub.f32 v54, v58;
	v57 =	vadd.f32 v57, v52;
	[tilespmem:s2+$0x5F0] =	vst v56;
	(pc) =	sbr.rel @p0 .LBB2_2-.Ltmp0, $4  }
0x3f: {  	v54 =	vld [tilespmem:s22+$0x390];
	v52 =	vmov v53  }
0x40: {  	v53 =	vld [tilespmem:s22+$0x0];
	v56 =	vsub.f32 v55, v52;
	v59 =	vmul.f32 $5.000000000e-01, v59;
	[tilespmem:s2+$0x4C0] =	vst v57;
	s2 =	smov.u32 s8;
	s8 =	smov.u32 s22  }
0x41: {  	v55 =	vld [tilespmem:s8+$0x260]  }
0x42: {  	v57 =	vmul.f32 $5.000000000e-01, v56;
	v56 =	vadd.f32 v59, v58  }
0x43: {  	_ =	sdelay $0x1  }
0x44: {  	v54 =	vsub.f32 v54, v51  }
0x45: {  	v55 =	vsub.f32 v55, v53  }
0x46: {  	v54 =	vmul.f32 $5.000000000e-01, v54  }
0x47: {  	v52 =	vadd.f32 v57, v52;
	v55 =	vmul.f32 $5.000000000e-01, v55  }
0x48: {  	[tilespmem:s2+$0x5F0] =	vst v56;
	v62 =	vadd.f32 v54, v51  }
0x49: {  	[tilespmem:s2+$0x4C0] =	vst v52;
	v63 =	vadd.f32 v55, v53  }
0x4a: {  	[tilespmem:s8+$0x5F0] =	vst v62  }
0x4b: {  	s22 =	simm.s32 $0x0;
	[tilespmem:s8+$0x4C0] =	vst v63  }
0x4c: {  	[tilespmem:s21], [sflag:$0x1] =	stream.linear.gather [hbm4b:s10+s22], $0x1DB0, $0x38;
	[tilespmem:$0x13000] =	vst v63  }
0x4d: {  	s9 =	rddreg [dreg:$0x5];
	s11 =	simm.s32 $0x24D0  }
0x4e: {  	[tilespmem:s11], [sflag:$0x1] =	stream.linear.gather [hbm4b:s9+s22], $0x1DB0, $0x38;
	[tilespmem:$0x13000] =	vst v63  }
0x4f: {  	s23 =	simm.s32 $0x4280  }
0x50: {  	[tilespmem:s23], [sflag:$0x1] =	stream.linear.gather [hbm4b:s12+s22], $0x1DB0, $0x38;
	[tilespmem:$0x13000] =	vst v63  }
0x51: {  	s24 =	simm.s32 $0x6030  }
0x52: {  	[tilespmem:s24], [sflag:$0x1] =	stream.linear.gather [hbm4b:s14+s22], $0x1DB0, $0x38;
	[tilespmem:$0x13000] =	vst v63  }
.LBB2_4:
0x53: {  	s2 =	sshll.u32 s22, $0x1  }
0x54: {  	s2 =	sadd.s32 s7, s2  }
0x55: {  	s24 =	sor.u32 $0x1, s2  }
0x56: {  	s8 =	smul.u32 $0xED80, s24;
	_ =	sdelay $0x1  }
0x57: {  	s8 =	sadd.s32 s5, s8  }
0x58: {  	s23 =	sshrl.u32 s8, $0x3  }
0x59: {  	s8 =	sadd.s32 s4, s23  }
0x5a: {  	[tilespmem:s25], [sflag:$0x2] =	stream.linear.gather [hbm4b:s8+s3], $0x1DB0, $0x38;
	[tilespmem:$0x13000] =	vst v63  }
0x5b: {  	s9 =	sadd.s32 $0x173180, s8  }
0x5c: {  	[tilespmem:s26], [sflag:$0x2] =	stream.linear.gather [hbm4b:s9+s3], $0x1DB0, $0x38;
	[tilespmem:$0x13000] =	vst v63  }
0x5d: {  	s11 =	sadd.s32 $0x2E6300, s8  }
0x5e: {  	[tilespmem:s28], [sflag:$0x2] =	stream.linear.gather [hbm4b:s11+s3], $0x1DB0, $0x38;
	[tilespmem:$0x13000] =	vst v63  }
0x5f: {  	s8 =	sadd.s32 $0x459480, s8  }
0x60: {  	[tilespmem:s29], [sflag:$0x2] =	stream.linear.gather [hbm4b:s8+s3], $0x1DB0, $0x38;
	[tilespmem:$0x13000] =	vst v63  }
0x61: {  	_ =	swait.ge [sflag:s30], $0x1DB0  }
0x62: {  	[sflag:s30] =	ssyncset.done $0x0  }
0x63: {  	[sflag:s30] =	ssyncadd.s32 $0xFFFFE250  }
0x64: {  	_ =	swait.ge [sflag:s30], $0x1DB0  }
0x65: {  	[sflag:s30] =	ssyncset.done $0x0  }
0x66: {  	[sflag:s30] =	ssyncadd.s32 $0xFFFFE250  }
0x67: {  	_ =	swait.ge [sflag:s30], $0x1DB0  }
0x68: {  	[sflag:s30] =	ssyncset.done $0x0  }
0x69: {  	[sflag:s30] =	ssyncadd.s32 $0xFFFFE250  }
0x6a: {  	_ =	swait.ge [sflag:s30], $0x1DB0  }
0x6b: {  	p0 =	seq.s32 s22, $0x0;
	[sflag:s30] =	ssyncset.done $0x0  }
0x6c: {  	s8 =	simm.s32 @!p0 $0x3;
	[sflag:s30] =	ssyncadd.s32 $0xFFFFE250  }
0x6d: {  	_ =	swait.ge @!p0 [sflag:s8], $0x1DB0  }
0x6e: {  	[sflag:s8] =	ssyncset.done @!p0 $0x0  }
0x6f: {  	[sflag:s8] =	ssyncadd.s32 @!p0 $0xFFFFE250;
	s8 =	simm.s32 $0x0  }
0x70: {  	v56 =	vld [tilespmem:s8+$0x5F0]  }
0x71: {  	v60 =	vld [tilespmem:s8+$0x23A0]  }
0x72: {  	v61 =	vld [tilespmem:s8+$0x4150]  }
0x73: {  	v62 =	vld [tilespmem:s8+$0x5F00]  }
0x74: {  	v57 =	vld [tilespmem:s8+$0x130]  }
0x75: {  	s11 =	scvt.s32.f32 s2;
	v58 =	vld [tilespmem:s8+$0x390]  }
0x76: {  	v52 =	vld [tilespmem:s8+$0x0]  }
0x77: {  	s9 =	simm.s32 $0x40;
	v51 =	vmov s11;
	v53 =	vld [tilespmem:s8+$0x4C0]  }
.LBB2_5:
0x78: {  	v54 =	vld [tilespmem:s8+$0x260];
	_ =	sdelay $0x4  }
0x79: {  	v25 =	vimm.s32 $0x0;
	vm9 =	vle.f32 v1, v54  }
0x7a: {  	v25 =	vsel vm9, $0xFFFFFFFF, v25  }
0x7b: {  	vm13 =	vge.f32 v2, v52;
	[tilespmem:$0x1F940] =	vst v25;
	v25 =	vimm.s32 $0x0  }
0x7c: {  	v25 =	vsel vm13, $0xFFFFFFFF, v25  }
0x7d: {  	vm14 =	vle.f32 v2, v54;
	[tilespmem:$0x1F950] =	vst v25;
	v25 =	vimm.s32 $0x0  }
0x7e: {  	vm1 =	vge.f32 v51, v57;
	vm2 =	vle.f32 v51, v58;
	v25 =	vsel vm14, $0xFFFFFFFF, v25  }
0x7f: {  	vm7 =	vge.f32 v24, v52;
	vm15 =	vge.f32 v3, v52;
	[tilespmem:$0x1F960] =	vst v25;
	v25 =	vimm.s32 $0x0  }
0x80: {  	vm5 =	vmand vm1, vm2;
	vm8 =	vle.f32 v24, v54;
	v25 =	vsel vm15, $0xFFFFFFFF, v25  }
0x81: {  	vm1 =	vmand vm7, vm8;
	vm8 =	vle.f32 v3, v54;
	[tilespmem:$0x1F970] =	vst v25;
	v25 =	vimm.s32 $0x0  }
0x82: {  	v25 =	vsel vm8, $0xFFFFFFFF, v25  }
0x83: {  	vm9 =	vge.f32 v4, v52;
	[tilespmem:$0x1F980] =	vst v25;
	v25 =	vimm.s32 $0x0  }
0x84: {  	v25 =	vsel vm9, $0xFFFFFFFF, v25  }
0x85: {  	vm13 =	vle.f32 v4, v54;
	[tilespmem:$0x1F990] =	vst v25;
	v25 =	vimm.s32 $0x0  }
0x86: {  	v25 =	vsel vm13, $0xFFFFFFFF, v25  }
0x87: {  	vm8 =	vge.f32 v5, v52;
	[tilespmem:$0x1F9A0] =	vst v25;
	v25 =	vimm.s32 $0x0  }
0x88: {  	v25 =	vsel vm8, $0xFFFFFFFF, v25  }
0x89: {  	vm14 =	vle.f32 v5, v54;
	[tilespmem:$0x1F9B0] =	vst v25;
	v25 =	vimm.s32 $0x0  }
0x8a: {  	v25 =	vsel vm14, $0xFFFFFFFF, v25  }
0x8b: {  	vm15 =	vge.f32 v6, v52;
	[tilespmem:$0x1F9C0] =	vst v25;
	v25 =	vimm.s32 $0x0  }
0x8c: {  	v25 =	vsel vm15, $0xFFFFFFFF, v25  }
0x8d: {  	vm13 =	vle.f32 v6, v54;
	[tilespmem:$0x1F9D0] =	vst v25;
	v25 =	vimm.s32 $0x0  }
0x8e: {  	v25 =	vsel vm13, $0xFFFFFFFF, v25  }
0x8f: {  	vm15 =	vge.f32 v7, v52;
	[tilespmem:$0x1F9E0] =	vst v25;
	v25 =	vimm.s32 $0x0  }
0x90: {  	v25 =	vsel vm15, $0xFFFFFFFF, v25  }
0x91: {  	vm15 =	vle.f32 v7, v54;
	[tilespmem:$0x1F9F0] =	vst v25;
	v25 =	vimm.s32 $0x0  }
0x92: {  	v25 =	vsel vm15, $0xFFFFFFFF, v25  }
0x93: {  	vm8 =	vge.f32 v8, v52;
	[tilespmem:$0x1FA00] =	vst v25;
	v25 =	vimm.s32 $0x0  }
0x94: {  	v25 =	vsel vm8, $0xFFFFFFFF, v25  }
0x95: {  	vm8 =	vle.f32 v8, v54;
	[tilespmem:$0x1FA10] =	vst v25;
	v25 =	vimm.s32 $0x0  }
0x96: {  	v25 =	vsel vm8, $0xFFFFFFFF, v25  }
0x97: {  	vm8 =	vge.f32 v9, v53;
	[tilespmem:$0x1FA20] =	vst v25;
	v25 =	vimm.s32 $0x0  }
0x98: {  	v25 =	vsel vm8, $0xFFFFFFFF, v25  }
0x99: {  	vm8 =	vge.f32 v9, v52;
	[tilespmem:$0x1FB80] =	vst v25;
	v25 =	vimm.s32 $0x0  }
0x9a: {  	v25 =	vsel vm8, $0xFFFFFFFF, v25  }
0x9b: {  	vm8 =	vle.f32 v9, v54;
	[tilespmem:$0x1FA30] =	vst v25;
	v25 =	vimm.s32 $0x0  }
0x9c: {  	v25 =	vsel vm8, $0xFFFFFFFF, v25  }
0x9d: {  	vm8 =	vge.f32 v10, v53;
	[tilespmem:$0x1FA40] =	vst v25;
	v25 =	vimm.s32 $0x0  }
0x9e: {  	v25 =	vsel vm8, $0xFFFFFFFF, v25  }
0x9f: {  	vm8 =	vge.f32 v10, v52;
	[tilespmem:$0x1FC20] =	vst v25;
	v25 =	vimm.s32 $0x0  }
0xa0: {  	v25 =	vsel vm8, $0xFFFFFFFF, v25  }
0xa1: {  	vm8 =	vle.f32 v10, v54;
	[tilespmem:$0x1FA50] =	vst v25;
	v25 =	vimm.s32 $0x0  }
0xa2: {  	v25 =	vsel vm8, $0xFFFFFFFF, v25  }
0xa3: {  	vm8 =	vge.f32 v11, v53;
	[tilespmem:$0x1FA60] =	vst v25;
	v25 =	vimm.s32 $0x0  }
0xa4: {  	v25 =	vsel vm8, $0xFFFFFFFF, v25  }
0xa5: {  	vm8 =	vge.f32 v11, v52;
	[tilespmem:$0x1FC30] =	vst v25;
	v25 =	vimm.s32 $0x0  }
0xa6: {  	v25 =	vsel vm8, $0xFFFFFFFF, v25  }
0xa7: {  	vm8 =	vge.f32 v12, v53;
	[tilespmem:$0x1FA70] =	vst v25;
	v25 =	vimm.s32 $0x0  }
0xa8: {  	v25 =	vsel vm8, $0xFFFFFFFF, v25  }
0xa9: {  	vm8 =	vge.f32 v12, v52;
	[tilespmem:$0x1FC60] =	vst v25;
	v25 =	vimm.s32 $0x0  }
0xaa: {  	v25 =	vsel vm8, $0xFFFFFFFF, v25  }
0xab: {  	vm8 =	vle.f32 v12, v54;
	[tilespmem:$0x1FA80] =	vst v25;
	v25 =	vimm.s32 $0x0  }
0xac: {  	v25 =	vsel vm8, $0xFFFFFFFF, v25  }
0xad: {  	vm8 =	vge.f32 v13, v53;
	[tilespmem:$0x1FA90] =	vst v25;
	v25 =	vimm.s32 $0x0  }
0xae: {  	v25 =	vsel vm8, $0xFFFFFFFF, v25  }
0xaf: {  	vm8 =	vge.f32 v13, v52;
	[tilespmem:$0x1FD10] =	vst v25;
	v25 =	vimm.s32 $0x0  }
0xb0: {  	v25 =	vsel vm8, $0xFFFFFFFF, v25  }
0xb1: {  	vm8 =	vle.f32 v13, v54;
	[tilespmem:$0x1FAA0] =	vst v25;
	v25 =	vimm.s32 $0x0  }
0xb2: {  	v25 =	vsel vm8, $0xFFFFFFFF, v25  }
0xb3: {  	vm8 =	vge.f32 v14, v53;
	[tilespmem:$0x1FAB0] =	vst v25;
	v25 =	vimm.s32 $0x0  }
0xb4: {  	v25 =	vsel vm8, $0xFFFFFFFF, v25  }
0xb5: {  	vm8 =	vge.f32 v14, v52;
	[tilespmem:$0x1FD50] =	vst v25;
	v25 =	vimm.s32 $0x0  }
0xb6: {  	v25 =	vsel vm8, $0xFFFFFFFF, v25  }
0xb7: {  	vm8 =	vle.f32 v14, v54;
	[tilespmem:$0x1FAC0] =	vst v25;
	v25 =	vimm.s32 $0x0  }
0xb8: {  	v25 =	vsel vm8, $0xFFFFFFFF, v25  }
0xb9: {  	vm8 =	vge.f32 v15, v53;
	[tilespmem:$0x1FAD0] =	vst v25;
	v25 =	vimm.s32 $0x0  }
0xba: {  	v25 =	vsel vm8, $0xFFFFFFFF, v25  }
0xbb: {  	vm8 =	vge.f32 v15, v52;
	[tilespmem:$0x1FD60] =	vst v25;
	v25 =	vimm.s32 $0x0  }
0xbc: {  	v25 =	vsel vm8, $0xFFFFFFFF, v25  }
0xbd: {  	vm8 =	vle.f32 v15, v54;
	[tilespmem:$0x1FAE0] =	vst v25;
	v25 =	vimm.s32 $0x0  }
0xbe: {  	v25 =	vsel vm8, $0xFFFFFFFF, v25  }
0xbf: {  	vm8 =	vge.f32 v16, v53;
	[tilespmem:$0x1FAF0] =	vst v25;
	v25 =	vimm.s32 $0x0  }
0xc0: {  	v25 =	vsel vm8, $0xFFFFFFFF, v25  }
0xc1: {  	vm8 =	vge.f32 v16, v52;
	[tilespmem:$0x1FD80] =	vst v25;
	v25 =	vimm.s32 $0x0  }
0xc2: {  	v25 =	vsel vm8, $0xFFFFFFFF, v25  }
0xc3: {  	vm8 =	vle.f32 v16, v54;
	[tilespmem:$0x1FB00] =	vst v25;
	v25 =	vimm.s32 $0x0  }
0xc4: {  	v25 =	vsel vm8, $0xFFFFFFFF, v25  }
0xc5: {  	vm8 =	vge.f32 v17, v53;
	[tilespmem:$0x1FB10] =	vst v25;
	v25 =	vimm.s32 $0x0  }
0xc6: {  	v25 =	vsel vm8, $0xFFFFFFFF, v25  }
0xc7: {  	vm8 =	vge.f32 v17, v52;
	[tilespmem:$0x1FDA0] =	vst v25;
	v25 =	vimm.s32 $0x0  }
0xc8: {  	v25 =	vsel vm8, $0xFFFFFFFF, v25  }
0xc9: {  	vm8 =	vle.f32 v17, v54;
	[tilespmem:$0x1FB20] =	vst v25;
	v25 =	vimm.s32 $0x0  }
0xca: {  	v25 =	vsel vm8, $0xFFFFFFFF, v25  }
0xcb: {  	vm8 =	vge.f32 v18, v53;
	[tilespmem:$0x1FB30] =	vst v25;
	v25 =	vimm.s32 $0x0  }
0xcc: {  	v25 =	vsel vm8, $0xFFFFFFFF, v25  }
0xcd: {  	vm8 =	vge.f32 v18, v52;
	[tilespmem:$0x1FDC0] =	vst v25;
	v25 =	vimm.s32 $0x0  }
0xce: {  	v25 =	vsel vm8, $0xFFFFFFFF, v25  }
0xcf: {  	vm8 =	vle.f32 v18, v54;
	[tilespmem:$0x1FB40] =	vst v25;
	v25 =	vimm.s32 $0x0  }
0xd0: {  	v25 =	vsel vm8, $0xFFFFFFFF, v25  }
0xd1: {  	vm8 =	vge.f32 v19, v53;
	[tilespmem:$0x1FB50] =	vst v25;
	v25 =	vimm.s32 $0x0  }
0xd2: {  	v25 =	vsel vm8, $0xFFFFFFFF, v25  }
0xd3: {  	vm8 =	vge.f32 v19, v52;
	[tilespmem:$0x1FDE0] =	vst v25;
	v25 =	vimm.s32 $0x0  }
0xd4: {  	v25 =	vsel vm8, $0xFFFFFFFF, v25  }
0xd5: {  	vm8 =	vle.f32 v19, v54;
	[tilespmem:$0x1FB60] =	vst v25;
	v25 =	vimm.s32 $0x0  }
0xd6: {  	v25 =	vsel vm8, $0xFFFFFFFF, v25  }
0xd7: {  	vm8 =	vge.f32 v20, v53;
	[tilespmem:$0x1FB70] =	vst v25;
	v25 =	vimm.s32 $0x0  }
0xd8: {  	v25 =	vsel vm8, $0xFFFFFFFF, v25  }
0xd9: {  	vm8 =	vge.f32 v20, v52;
	[tilespmem:$0x1FE00] =	vst v25;
	v25 =	vimm.s32 $0x0  }
0xda: {  	v25 =	vsel vm8, $0xFFFFFFFF, v25  }
0xdb: {  	vm8 =	vle.f32 v20, v54;
	[tilespmem:$0x1FB90] =	vst v25;
	v25 =	vimm.s32 $0x0  }
0xdc: {  	v25 =	vsel vm8, $0xFFFFFFFF, v25  }
0xdd: {  	vm8 =	vge.f32 v21, v53;
	[tilespmem:$0x1FBA0] =	vst v25;
	v25 =	vimm.s32 $0x0  }
0xde: {  	v25 =	vsel vm8, $0xFFFFFFFF, v25  }
0xdf: {  	vm8 =	vge.f32 v21, v52;
	[tilespmem:$0x1FE20] =	vst v25;
	v25 =	vimm.s32 $0x0  }
0xe0: {  	v25 =	vsel vm8, $0xFFFFFFFF, v25  }
0xe1: {  	vm8 =	vle.f32 v21, v54;
	[tilespmem:$0x1FBB0] =	vst v25;
	v25 =	vimm.s32 $0x0  }
0xe2: {  	v25 =	vsel vm8, $0xFFFFFFFF, v25  }
0xe3: {  	vm8 =	vge.f32 v22, v53;
	[tilespmem:$0x1FBC0] =	vst v25;
	v25 =	vimm.s32 $0x0  }
0xe4: {  	v25 =	vsel vm8, $0xFFFFFFFF, v25  }
0xe5: {  	vm8 =	vge.f32 v22, v52;
	[tilespmem:$0x1FE40] =	vst v25;
	v25 =	vimm.s32 $0x0  }
0xe6: {  	v25 =	vsel vm8, $0xFFFFFFFF, v25  }
0xe7: {  	vm8 =	vle.f32 v22, v54;
	[tilespmem:$0x1FBD0] =	vst v25;
	v25 =	vimm.s32 $0x0  }
0xe8: {  	v25 =	vsel vm8, $0xFFFFFFFF, v25  }
0xe9: {  	vm8 =	vge.f32 v23, v53;
	[tilespmem:$0x1FBE0] =	vst v25;
	v25 =	vimm.s32 $0x0  }
0xea: {  	v25 =	vsel vm8, $0xFFFFFFFF, v25  }
0xeb: {  	vm8 =	vge.f32 v23, v52;
	[tilespmem:$0x1FE60] =	vst v25;
	v25 =	vimm.s32 $0x0  }
0xec: {  	v25 =	vsel vm8, $0xFFFFFFFF, v25  }
0xed: {  	vm8 =	vle.f32 v23, v54;
	[tilespmem:$0x1FBF0] =	vst v25;
	v25 =	vimm.s32 $0x0  }
0xee: {  	vm10 =	vge.f32 v0, v52;
	vm12 =	vle.f32 v0, v54;
	v25 =	vsel vm8, $0xFFFFFFFF, v25  }
0xef: {  	vm10 =	vmand vm10, vm12;
	[tilespmem:$0x1FC00] =	vst v25;
	v25 =	vimm.s32 $0x0  }
0xf0: {  	v25 =	vsel vm10, $0xFFFFFFFF, v25  }
0xf1: {  	[tilespmem:$0x1FC10] =	vst v25;
	v25 =	vld [tilespmem:$0x1F940];
	_ =	sdelay $0x4  }
0xf2: {  	vm12 =	vnez.u8 v25;
	v25 =	vld [tilespmem:$0x1F950];
	_ =	sdelay $0x4  }
0xf3: {  	vm8 =	vnez.u8 v25;
	v25 =	vld [tilespmem:$0x1F960];
	_ =	sdelay $0x4  }
0xf4: {  	vm10 =	vnez.u8 v25;
	v25 =	vld [tilespmem:$0x1F970]  }
0xf5: {  	v29 =	vld [tilespmem:s8+$0xAB0]  }
0xf6: {  	v30 =	vld [tilespmem:s8+$0x2860]  }
0xf7: {  	v31 =	vld [tilespmem:s8+$0x4610]  }
0xf8: {  	v32 =	vld [tilespmem:s8+$0x63C0];
	vm11 =	vge.f32 v1, v52  }
0xf9: {  	vm12 =	vmand vm11, vm12;
	vm11 =	vnez.u8 v25;
	v25 =	vld [tilespmem:$0x1F980]  }
0xfa: {  	v50 =	vld [tilespmem:s8+$0x980]  }
0xfb: {  	v26 =	vld [tilespmem:s8+$0x2730]  }
0xfc: {  	v27 =	vld [tilespmem:s8+$0x44E0]  }
0xfd: {  	v28 =	vld [tilespmem:s8+$0x6290];
	vm6 =	vge.f32 v3, v53  }
0xfe: {  	v29 =	vsel vm6, v30, v29;
	v30 =	vsel vm6, v32, v31;
	vm6 =	vnez.u8 v25;
	v25 =	vld [tilespmem:$0x1F990];
	_ =	sdelay $0x1  }
0xff: {  	v63 =	vld [tilespmem:s8+$0x7CB0]  }
0x100: {  	v55 =	vld [tilespmem:s8+$0x720]  }
0x101: {  	v48 =	vld [tilespmem:s8+$0x43B0];
	vm7 =	vge.f32 v2, v53  }
0x102: {  	v26 =	vsel vm7, v26, v50;
	v27 =	vsel vm7, v28, v27;
	vm7 =	vnez.u8 v25;
	v25 =	vld [tilespmem:$0x1F9A0]  }
0x103: {  	v49 =	vld [tilespmem:s8+$0x6160]  }
0x104: {  	v33 =	vld [tilespmem:s8+$0xBE0]  }
0x105: {  	v34 =	vld [tilespmem:s8+$0x2990]  }
0x106: {  	v35 =	vld [tilespmem:s8+$0x4740]  }
0x107: {  	vm8 =	vmand vm8, vm10;
	vm10 =	vnez.u8 v25;
	v25 =	vld [tilespmem:$0x1F9B0]  }
0x108: {  	v36 =	vld [tilespmem:s8+$0x64F0]  }
0x109: {  	v37 =	vld [tilespmem:s8+$0xD10]  }
0x10a: {  	v38 =	vld [tilespmem:s8+$0x2AC0]  }
0x10b: {  	v39 =	vld [tilespmem:s8+$0x4870]  }
0x10c: {  	vm6 =	vmand vm11, vm6;
	vm11 =	vnez.u8 v25;
	v25 =	vld [tilespmem:$0x1F9C0]  }
0x10d: {  	v40 =	vld [tilespmem:s8+$0x6620]  }
0x10e: {  	vm4 =	vge.f32 v51, v56;
	v56 =	vld [tilespmem:s8+$0x24D0]  }
0x10f: {  	vm3 =	vge.f32 v24, v53;
	v58 =	vld [tilespmem:s8+$0x850]  }
0x110: {  	v47 =	vsel vm3, v63, v62;
	v62 =	vld [tilespmem:s8+$0x2600]  }
0x111: {  	vm7 =	vmand vm7, vm10;
	vm10 =	vnez.u8 v25;
	v25 =	vld [tilespmem:$0x1F9D0]  }
0x112: {  	v41 =	vld [tilespmem:s8+$0xE40]  }
0x113: {  	v42 =	vld [tilespmem:s8+$0x2BF0]  }
0x114: {  	v43 =	vld [tilespmem:s8+$0x49A0];
	vm0 =	vge.f32 v1, v53;
	v60 =	vsel vm3, v61, v60;
	vm3 =	vge.f32 v0, v53  }
0x115: {  	v44 =	vld [tilespmem:s8+$0x6750];
	vm9 =	vle.f32 v11, v54;
	v52 =	vsel vm3, v56, v55;
	v56 =	vsel vm0, v49, v48  }
0x116: {  	v54 =	vsel vm0, v62, v58;
	vm0 =	vmand vm11, vm10;
	vm11 =	vnez.u8 v25;
	v25 =	vld [tilespmem:$0x1F9E0]  }
0x117: {  	v60 =	vsel vm4, v47, v60;
	vm1 =	vmand vm5, vm1  }
0x118: {  	v60 =	vnsel vm1, $0x0, v60;
	vm1 =	vge.f32 v4, v53  }
0x119: {  	vm2 =	vge.f32 v5, v53;
	v32 =	vsel vm1, v34, v33;
	v33 =	vsel vm1, v36, v35  }
0x11a: {  	v35 =	vsel vm2, v38, v37;
	v36 =	vsel vm2, v40, v39;
	vm14 =	vge.f32 v6, v53  }
0x11b: {  	v38 =	vsel vm14, v42, v41;
	v39 =	vsel vm14, v44, v43;
	vm14 =	vnez.u8 v25;
	v25 =	vld [tilespmem:$0x1F9F0];
	_ =	sdelay $0x4  }
0x11c: {  	vm10 =	vnez.u8 v25;
	v25 =	vld [tilespmem:$0x1FA00]  }
0x11d: {  	v45 =	vld [tilespmem:s8+$0xF70]  }
0x11e: {  	v46 =	vld [tilespmem:s8+$0x2D20];
	[tilespmem:s8+$0x11120] =	vst v60  }
0x11f: {  	v47 =	vld [tilespmem:s8+$0x4AD0]  }
0x120: {  	v48 =	vld [tilespmem:s8+$0x6880]  }
0x121: {  	vm2 =	vmand vm11, vm14;
	vm11 =	vnez.u8 v25;
	v25 =	vld [tilespmem:$0x1FA10];
	_ =	sdelay $0x3  }
0x122: {  	vm13 =	vge.f32 v7, v53  }
0x123: {  	v41 =	vsel vm13, v46, v45;
	v28 =	vsel vm13, v48, v47;
	vm13 =	vnez.u8 v25;
	v25 =	vld [tilespmem:$0x1FA20];
	_ =	sdelay $0x4  }
0x124: {  	vm14 =	vnez.u8 v25;
	v25 =	vld [tilespmem:$0x1FA30];
	_ =	sdelay $0x4  }
0x125: {  	vm1 =	vmand vm10, vm11;
	vm11 =	vnez.u8 v25;
	v25 =	vld [tilespmem:$0x1FA40];
	_ =	sdelay $0x2  }
0x126: {  	v59 =	vld [tilespmem:s8+$0x6030]  }
0x127: {  	v57 =	vld [tilespmem:s8+$0x4280]  }
0x128: {  	vm10 =	vnez.u8 v25;
	v25 =	vld [tilespmem:$0x1FA50];
	_ =	sdelay $0x3  }
0x129: {  	vm15 =	vge.f32 v8, v53;
	v53 =	vsel vm3, v59, v57  }
0x12a: {  	vm3 =	vmand vm13, vm14;
	vm14 =	vmand vm11, vm10;
	vm11 =	vnez.u8 v25;
	v25 =	vld [tilespmem:$0x1FA60];
	_ =	sdelay $0x4  }
0x12b: {  	vm10 =	vnez.u8 v25;
	v25 =	vld [tilespmem:$0x1FA70];
	_ =	sdelay $0x2  }
0x12c: {  	v50 =	vld [tilespmem:s8+$0x2E50]  }
0x12d: {  	v49 =	vld [tilespmem:s8+$0x10A0]  }
0x12e: {  	vm11 =	vmand vm11, vm10;
	vm10 =	vnez.u8 v25;
	v25 =	vld [tilespmem:$0x1FA80];
	_ =	sdelay $0x3  }
0x12f: {  	v31 =	vsel vm15, v50, v49  }
0x130: {  	vm13 =	vmmov vm15;
	vm15 =	vmand vm10, vm9;
	vm9 =	vnez.u8 v25;
	v25 =	vld [tilespmem:$0x1FA90];
	_ =	sdelay $0x4  }
0x131: {  	vm10 =	vnez.u8 v25  }
0x132: {  	v25 =	vimm.s32 $0x0;
	vm9 =	vmand vm9, vm10  }
0x133: {  	v25 =	vsel vm9, $0xFFFFFFFF, v25  }
0x134: {  	[tilespmem:$0x1FC40] =	vst v25;
	v25 =	vld [tilespmem:$0x1FAA0];
	_ =	sdelay $0x4  }
0x135: {  	vm9 =	vnez.u8 v25;
	v25 =	vld [tilespmem:$0x1FAB0];
	_ =	sdelay $0x4  }
0x136: {  	vm10 =	vnez.u8 v25  }
0x137: {  	v25 =	vimm.s32 $0x0;
	vm9 =	vmand vm9, vm10  }
0x138: {  	v25 =	vsel vm9, $0xFFFFFFFF, v25  }
0x139: {  	[tilespmem:$0x1FC50] =	vst v25;
	v25 =	vld [tilespmem:$0x1FAC0];
	_ =	sdelay $0x4  }
0x13a: {  	vm9 =	vnez.u8 v25;
	v25 =	vld [tilespmem:$0x1FAD0];
	_ =	sdelay $0x4  }
0x13b: {  	vm10 =	vnez.u8 v25  }
0x13c: {  	v25 =	vimm.s32 $0x0;
	vm9 =	vmand vm9, vm10  }
0x13d: {  	v25 =	vsel vm9, $0xFFFFFFFF, v25  }
0x13e: {  	[tilespmem:$0x1FC70] =	vst v25;
	v25 =	vld [tilespmem:$0x1FAE0];
	_ =	sdelay $0x2  }
0x13f: {  	v59 =	vld [tilespmem:s8+$0x69B0]  }
0x140: {  	v58 =	vld [tilespmem:s8+$0x4C00]  }
0x141: {  	vm9 =	vnez.u8 v25;
	v25 =	vld [tilespmem:$0x1FAF0];
	_ =	sdelay $0x4  }
0x142: {  	v37 =	vsel vm13, v59, v58;
	vm13 =	vnez.u8 v25  }
0x143: {  	v25 =	vimm.s32 $0x0;
	vm9 =	vmand vm9, vm13  }
0x144: {  	v25 =	vsel vm9, $0xFFFFFFFF, v25  }
0x145: {  	[tilespmem:$0x1FC80] =	vst v25;
	v25 =	vld [tilespmem:$0x1FB00];
	_ =	sdelay $0x4  }
0x146: {  	vm9 =	vnez.u8 v25;
	v25 =	vld [tilespmem:$0x1FB10];
	_ =	sdelay $0x4  }
0x147: {  	vm13 =	vnez.u8 v25  }
0x148: {  	v25 =	vimm.s32 $0x0;
	vm9 =	vmand vm9, vm13  }
0x149: {  	v25 =	vsel vm9, $0xFFFFFFFF, v25  }
0x14a: {  	[tilespmem:$0x1FC90] =	vst v25;
	v25 =	vld [tilespmem:$0x1FB20];
	_ =	sdelay $0x4  }
0x14b: {  	vm9 =	vnez.u8 v25;
	v25 =	vld [tilespmem:$0x1FB30];
	_ =	sdelay $0x4  }
0x14c: {  	vm13 =	vnez.u8 v25  }
0x14d: {  	v25 =	vimm.s32 $0x0;
	vm9 =	vmand vm9, vm13  }
0x14e: {  	v25 =	vsel vm9, $0xFFFFFFFF, v25  }
0x14f: {  	[tilespmem:$0x1FCA0] =	vst v25;
	v25 =	vld [tilespmem:$0x1FB40];
	_ =	sdelay $0x4  }
0x150: {  	vm9 =	vnez.u8 v25;
	v25 =	vld [tilespmem:$0x1FB50];
	_ =	sdelay $0x4  }
0x151: {  	vm13 =	vnez.u8 v25  }
0x152: {  	v25 =	vimm.s32 $0x0;
	vm9 =	vmand vm9, vm13  }
0x153: {  	v25 =	vsel vm9, $0xFFFFFFFF, v25  }
0x154: {  	[tilespmem:$0x1FCB0] =	vst v25;
	v25 =	vld [tilespmem:$0x1FB60];
	_ =	sdelay $0x4  }
0x155: {  	vm9 =	vnez.u8 v25;
	v25 =	vld [tilespmem:$0x1FB70];
	_ =	sdelay $0x4  }
0x156: {  	vm13 =	vnez.u8 v25  }
0x157: {  	v25 =	vimm.s32 $0x0;
	vm9 =	vmand vm9, vm13  }
0x158: {  	v25 =	vsel vm9, $0xFFFFFFFF, v25  }
0x159: {  	[tilespmem:$0x1FCC0] =	vst v25;
	v25 =	vld [tilespmem:$0x1FB80];
	_ =	sdelay $0x4  }
0x15a: {  	vm13 =	vnez.u8 v25;
	v25 =	vld [tilespmem:$0x1FB90];
	_ =	sdelay $0x4  }
0x15b: {  	vm9 =	vnez.u8 v25;
	v25 =	vld [tilespmem:$0x1FBA0];
	_ =	sdelay $0x4  }
0x15c: {  	vm10 =	vnez.u8 v25  }
0x15d: {  	v25 =	vimm.s32 $0x0;
	vm9 =	vmand vm9, vm10  }
0x15e: {  	v25 =	vsel vm9, $0xFFFFFFFF, v25  }
0x15f: {  	[tilespmem:$0x1FCD0] =	vst v25;
	v25 =	vld [tilespmem:$0x1FBB0];
	_ =	sdelay $0x4  }
0x160: {  	vm9 =	vnez.u8 v25;
	v25 =	vld [tilespmem:$0x1FBC0];
	_ =	sdelay $0x4  }
0x161: {  	vm10 =	vnez.u8 v25  }
0x162: {  	v25 =	vimm.s32 $0x0;
	vm9 =	vmand vm9, vm10  }
0x163: {  	v25 =	vsel vm9, $0xFFFFFFFF, v25  }
0x164: {  	[tilespmem:$0x1FCE0] =	vst v25;
	v25 =	vld [tilespmem:$0x1FBD0];
	_ =	sdelay $0x4  }
0x165: {  	vm9 =	vnez.u8 v25;
	v25 =	vld [tilespmem:$0x1FBE0];
	_ =	sdelay $0x4  }
0x166: {  	vm10 =	vnez.u8 v25  }
0x167: {  	v25 =	vimm.s32 $0x0;
	vm9 =	vmand vm9, vm10  }
0x168: {  	v25 =	vsel vm9, $0xFFFFFFFF, v25  }
0x169: {  	[tilespmem:$0x1FCF0] =	vst v25;
	v25 =	vld [tilespmem:$0x1FBF0];
	_ =	sdelay $0x4  }
0x16a: {  	vm9 =	vnez.u8 v25;
	v25 =	vld [tilespmem:$0x1FC00];
	_ =	sdelay $0x4  }
0x16b: {  	vm10 =	vnez.u8 v25  }
0x16c: {  	v25 =	vimm.s32 $0x0;
	vm9 =	vmand vm9, vm10  }
0x16d: {  	v60 =	vld [tilespmem:s8+$0x11D0];
	v25 =	vsel vm9, $0xFFFFFFFF, v25  }
0x16e: {  	[tilespmem:$0x1FD20] =	vst v25;
	v25 =	vld [tilespmem:$0x1FC10]  }
0x16f: {  	v61 =	vld [tilespmem:s8+$0x2F80]  }
0x170: {  	v63 =	vld [tilespmem:s8+$0x6AE0]  }
0x171: {  	v62 =	vld [tilespmem:s8+$0x4D30];
	_ =	sdelay $0x1  }
0x172: {  	vm9 =	vnez.u8 v25  }
0x173: {  	v25 =	vimm.s32 $0x0;
	vm9 =	vmand vm5, vm9  }
0x174: {  	v42 =	vsel vm13, v61, v60;
	v25 =	vsel vm9, $0xFFFFFFFF, v25  }
0x175: {  	v34 =	vsel vm13, v63, v62;
	vm13 =	vmand vm5, vm12;
	[tilespmem:$0x1FD00] =	vst v25;
	v25 =	vimm.s32 $0x0  }
0x176: {  	v25 =	vsel vm13, $0xFFFFFFFF, v25  }
0x177: {  	vm8 =	vmand vm5, vm8;
	[tilespmem:$0x1FD30] =	vst v25;
	v25 =	vimm.s32 $0x0  }
0x178: {  	v25 =	vsel vm8, $0xFFFFFFFF, v25  }
0x179: {  	[tilespmem:$0x1FD40] =	vst v25;
	v25 =	vld [tilespmem:$0x1FC20];
	_ =	sdelay $0x4  }
0x17a: {  	vm13 =	vmand vm5, vm6;
	vm6 =	vnez.u8 v25;
	v25 =	vld [tilespmem:$0x1FC30];
	_ =	sdelay $0x4  }
0x17b: {  	vm8 =	vmand vm5, vm0;
	vm0 =	vnez.u8 v25;
	v25 =	vld [tilespmem:$0x1FC40]  }
0x17c: {  	v57 =	vld [tilespmem:s8+$0x6C10]  }
0x17d: {  	v48 =	vld [tilespmem:s8+$0x1300]  }
0x17e: {  	v49 =	vld [tilespmem:s8+$0x30B0]  }
0x17f: {  	v50 =	vld [tilespmem:s8+$0x4E60];
	vm10 =	vmand vm5, vm3  }
0x180: {  	vm3 =	vmand vm5, vm14;
	vm14 =	vmand vm5, vm15;
	vm15 =	vnez.u8 v25;
	v25 =	vld [tilespmem:$0x1FC50]  }
0x181: {  	v26 =	vsel vm4, v27, v26;
	v27 =	vld [tilespmem:s8+$0x31E0]  }
0x182: {  	v58 =	vld [tilespmem:s8+$0x1430]  }
0x183: {  	v60 =	vld [tilespmem:s8+$0x4F90]  }
0x184: {  	v61 =	vld [tilespmem:s8+$0x6D40];
	v59 =	vsel vm6, v49, v48  }
0x185: {  	v62 =	vsel vm6, v57, v50;
	vm6 =	vmand vm5, vm11;
	vm11 =	vnez.u8 v25;
	v25 =	vld [tilespmem:$0x1FC60];
	_ =	sdelay $0x3  }
0x186: {  	v32 =	vsel vm4, v33, v32;
	v33 =	vsel vm4, v36, v35  }
0x187: {  	v27 =	vsel vm0, v27, v58;
	v35 =	vsel vm0, v61, v60;
	vm0 =	vnez.u8 v25;
	v25 =	vld [tilespmem:$0x1FC70];
	_ =	sdelay $0x3  }
0x188: {  	vm12 =	vmand vm5, vm7  }
0x189: {  	vm7 =	vmand vm5, vm1;
	vm1 =	vmand vm5, vm15;
	vm15 =	vnez.u8 v25;
	v25 =	vld [tilespmem:$0x1FC80];
	_ =	sdelay $0x3  }
0x18a: {  	vm9 =	vmand vm5, vm2  }
0x18b: {  	vm2 =	vmand vm5, vm11;
	vm11 =	vmand vm5, vm15;
	vm15 =	vnez.u8 v25  }
0x18c: {  	v25 =	vimm.s32 $0x0;
	vm15 =	vmand vm5, vm15  }
0x18d: {  	v25 =	vsel vm15, $0xFFFFFFFF, v25  }
0x18e: {  	[tilespmem:$0x1FD70] =	vst v25;
	v25 =	vld [tilespmem:$0x1FC90];
	_ =	sdelay $0x4  }
0x18f: {  	vm15 =	vnez.u8 v25  }
0x190: {  	v25 =	vimm.s32 $0x0;
	vm15 =	vmand vm5, vm15  }
0x191: {  	v25 =	vsel vm15, $0xFFFFFFFF, v25  }
0x192: {  	[tilespmem:$0x1FD90] =	vst v25;
	v25 =	vld [tilespmem:$0x1FCA0];
	_ =	sdelay $0x4  }
0x193: {  	vm15 =	vnez.u8 v25  }
0x194: {  	v25 =	vimm.s32 $0x0;
	vm15 =	vmand vm5, vm15  }
0x195: {  	v25 =	vsel vm15, $0xFFFFFFFF, v25  }
0x196: {  	[tilespmem:$0x1FDB0] =	vst v25;
	v25 =	vld [tilespmem:$0x1FCB0];
	_ =	sdelay $0x4  }
0x197: {  	v45 =	vld [tilespmem:s8+$0x3310];
	vm15 =	vnez.u8 v25  }
0x198: {  	v46 =	vld [tilespmem:s8+$0x50C0];
	v25 =	vimm.s32 $0x0;
	vm15 =	vmand vm5, vm15  }
0x199: {  	v63 =	vld [tilespmem:s8+$0x1560];
	v25 =	vsel vm15, $0xFFFFFFFF, v25  }
0x19a: {  	[tilespmem:$0x1FDD0] =	vst v25;
	v25 =	vld [tilespmem:$0x1FCC0]  }
0x19b: {  	v47 =	vld [tilespmem:s8+$0x6E70];
	_ =	sdelay $0x2  }
0x19c: {  	v36 =	vsel vm4, v39, v38  }
0x19d: {  	v31 =	vsel vm4, v37, v31;
	v39 =	vsel vm0, v45, v63;
	vm15 =	vnez.u8 v25  }
0x19e: {  	v37 =	vsel vm0, v47, v46;
	v25 =	vimm.s32 $0x0;
	vm0 =	vmand vm5, vm15  }
0x19f: {  	v25 =	vsel vm0, $0xFFFFFFFF, v25  }
0x1a0: {  	[tilespmem:$0x1FDF0] =	vst v25;
	v25 =	vld [tilespmem:$0x1FCD0];
	_ =	sdelay $0x4  }
0x1a1: {  	vm15 =	vnez.u8 v25  }
0x1a2: {  	v25 =	vimm.s32 $0x0;
	vm0 =	vmand vm5, vm15  }
0x1a3: {  	v25 =	vsel vm0, $0xFFFFFFFF, v25  }
0x1a4: {  	[tilespmem:$0x1FE10] =	vst v25;
	v25 =	vld [tilespmem:$0x1FCE0];
	_ =	sdelay $0x4  }
0x1a5: {  	vm15 =	vnez.u8 v25  }
0x1a6: {  	v25 =	vimm.s32 $0x0;
	vm0 =	vmand vm5, vm15  }
0x1a7: {  	v25 =	vsel vm0, $0xFFFFFFFF, v25  }
0x1a8: {  	[tilespmem:$0x1FE30] =	vst v25;
	v25 =	vld [tilespmem:$0x1FCF0];
	_ =	sdelay $0x4  }
0x1a9: {  	vm15 =	vnez.u8 v25  }
0x1aa: {  	v25 =	vimm.s32 $0x0;
	vm0 =	vmand vm5, vm15  }
0x1ab: {  	v25 =	vsel vm0, $0xFFFFFFFF, v25  }
0x1ac: {  	[tilespmem:$0x1FE50] =	vst v25;
	v25 =	vld [tilespmem:$0x1FD00];
	_ =	sdelay $0x4  }
0x1ad: {  	vm15 =	vnez.u8 v25;
	v25 =	vld [tilespmem:$0x1FD10];
	_ =	sdelay $0x4  }
0x1ae: {  	vm0 =	vnez.u8 v25;
	v25 =	vld [tilespmem:$0x1FD20];
	_ =	sdelay $0x3  }
0x1af: {  	v52 =	vsel vm4, v53, v52  }
0x1b0: {  	v57 =	vnsel vm15, $0x0, v52;
	vm15 =	vnez.u8 v25;
	v25 =	vld [tilespmem:$0x1FD30];
	_ =	sdelay $0x4  }
0x1b1: {  	vm5 =	vmand vm5, vm15;
	vm15 =	vnez.u8 v25;
	v25 =	vld [tilespmem:$0x1FD40];
	_ =	sdelay $0x3  }
0x1b2: {  	v29 =	vsel vm4, v30, v29;
	v54 =	vsel vm4, v56, v54  }
0x1b3: {  	v30 =	vsel vm4, v62, v59;
	v59 =	vnsel vm15, $0x0, v54;
	vm15 =	vnez.u8 v25;
	v25 =	vld [tilespmem:$0x1FD50];
	_ =	sdelay $0x4  }
0x1b4: {  	v33 =	vnsel vm8, $0x0, v33;
	vm8 =	vnez.u8 v25;
	v25 =	vld [tilespmem:$0x1FD60];
	_ =	sdelay $0x1  }
0x1b5: {  	v55 =	vld [tilespmem:s8+$0x17C0]  }
0x1b6: {  	v53 =	vld [tilespmem:s8+$0x6FA0]  }
0x1b7: {  	v56 =	vld [tilespmem:s8+$0x3570];
	v26 =	vnsel vm15, $0x0, v26  }
0x1b8: {  	[tilespmem:s8+$0xF700] =	vst v26;
	v26 =	vnsel vm9, $0x0, v36;
	vm9 =	vnez.u8 v25;
	v25 =	vld [tilespmem:$0x1FD70]  }
0x1b9: {  	v50 =	vld [tilespmem:s8+$0x51F0]  }
0x1ba: {  	v58 =	vld [tilespmem:s8+$0x5320]  }
0x1bb: {  	v60 =	vld [tilespmem:s8+$0x70D0];
	_ =	sdelay $0x1  }
0x1bc: {  	v63 =	vnsel vm10, $0x0, v31;
	vm10 =	vnez.u8 v25;
	v25 =	vld [tilespmem:$0x1FD80];
	_ =	sdelay $0x1  }
0x1bd: {  	v28 =	vsel vm4, v28, v41  }
0x1be: {  	v41 =	vsel vm0, v53, v50;
	v45 =	vsel vm8, v56, v55;
	v50 =	vsel vm8, v60, v58  }
0x1bf: {  	[tilespmem:s8+$0xFBC0] =	vst v26;
	v26 =	vsel vm4, v50, v45  }
0x1c0: {  	v26 =	vnsel vm11, $0x0, v26;
	vm11 =	vnez.u8 v25;
	v25 =	vld [tilespmem:$0x1FD90];
	_ =	sdelay $0x4  }
0x1c1: {  	v32 =	vnsel vm12, $0x0, v32;
	vm12 =	vnez.u8 v25;
	v25 =	vld [tilespmem:$0x1FDA0];
	_ =	sdelay $0x4  }
0x1c2: {  	v29 =	vnsel vm13, $0x0, v29;
	vm13 =	vnez.u8 v25;
	v25 =	vld [tilespmem:$0x1FDB0];
	_ =	sdelay $0x3  }
0x1c3: {  	v27 =	vsel vm4, v35, v27  }
0x1c4: {  	v27 =	vnsel vm14, $0x0, v27;
	vm14 =	vnez.u8 v25;
	v25 =	vld [tilespmem:$0x1FDC0];
	_ =	sdelay $0x3  }
0x1c5: {  	v40 =	vld [tilespmem:s8+$0x5910]  }
0x1c6: {  	vm15 =	vnez.u8 v25;
	v25 =	vld [tilespmem:$0x1FDD0]  }
0x1c7: {  	v44 =	vld [tilespmem:s8+$0x2010]  }
0x1c8: {  	v38 =	vld [tilespmem:s8+$0x1DB0]  }
0x1c9: {  	v34 =	vsel vm4, v34, v42;
	v42 =	vld [tilespmem:s8+$0x3C90]  }
0x1ca: {  	v48 =	vld [tilespmem:s8+$0x1690]  }
0x1cb: {  	v30 =	vnsel vm6, $0x0, v30;
	vm6 =	vnez.u8 v25;
	v25 =	vld [tilespmem:$0x1FDE0]  }
0x1cc: {  	v49 =	vld [tilespmem:s8+$0x3440]  }
0x1cd: {  	v62 =	vld [tilespmem:s8+$0x36A0]  }
0x1ce: {  	v61 =	vld [tilespmem:s8+$0x18F0]  }
0x1cf: {  	v46 =	vld [tilespmem:s8+$0x5450]  }
0x1d0: {  	v28 =	vnsel vm7, $0x0, v28;
	vm7 =	vnez.u8 v25;
	v25 =	vld [tilespmem:$0x1FDF0]  }
0x1d1: {  	v52 =	vld [tilespmem:s8+$0x1A20]  }
0x1d2: {  	v35 =	vsel vm0, v49, v48;
	v48 =	vld [tilespmem:s8+$0x7200]  }
0x1d3: {  	v53 =	vld [tilespmem:s8+$0x37D0]  }
0x1d4: {  	[tilespmem:s8+$0xF5D0] =	vst v59;
	v59 =	vld [tilespmem:s8+$0x3900]  }
0x1d5: {  	vm8 =	vnez.u8 v25;
	v25 =	vld [tilespmem:$0x1FE00]  }
0x1d6: {  	v55 =	vld [tilespmem:s8+$0x5580]  }
0x1d7: {  	v56 =	vld [tilespmem:s8+$0x7330]  }
0x1d8: {  	v58 =	vld [tilespmem:s8+$0x1B50]  }
0x1d9: {  	[tilespmem:s8+$0xFCF0] =	vst v28;
	v54 =	vsel vm9, v62, v61;
	v61 =	vld [tilespmem:s8+$0x56B0]  }
0x1da: {  	[tilespmem:s8+$0xF4A0] =	vst v57;
	v57 =	vsel vm9, v48, v46;
	vm9 =	vnez.u8 v25;
	v25 =	vld [tilespmem:$0x1FE10]  }
0x1db: {  	[tilespmem:s8+$0xF830] =	vst v29;
	v35 =	vsel vm4, v41, v35;
	v62 =	vld [tilespmem:s8+$0x7460]  }
0x1dc: {  	[tilespmem:s8+$0xFE20] =	vst v63;
	v63 =	vld [tilespmem:s8+$0x1C80];
	v49 =	vnsel vm2, $0x0, v35  }
0x1dd: {  	[tilespmem:s8+$0x101B0] =	vst v27;
	v35 =	vld [tilespmem:s8+$0x3A30];
	v28 =	vsel vm4, v57, v54;
	v60 =	vsel vm11, v53, v52;
	v29 =	vsel vm11, v56, v55  }
0x1de: {  	v43 =	vnsel vm3, $0x0, v34;
	v36 =	vld [tilespmem:s8+$0x57E0];
	[tilespmem:s8+$0x10540] =	vst v26;
	v27 =	vnsel vm10, $0x0, v28;
	v26 =	vsel vm4, v29, v60  }
0x1df: {  	v37 =	vsel vm4, v37, v39;
	[tilespmem:s8+$0x10670] =	vst v27;
	v26 =	vnsel vm12, $0x0, v26;
	vm10 =	vnez.u8 v25;
	v25 =	vld [tilespmem:$0x1FE20]  }
0x1e0: {  	v47 =	vnsel vm1, $0x0, v37;
	[tilespmem:s8+$0x107A0] =	vst v26;
	v26 =	vld [tilespmem:s8+$0x7590];
	v27 =	vsel vm13, v59, v58;
	v37 =	vsel vm13, v62, v61  }
0x1e1: {  	[tilespmem:s8+$0xFF50] =	vst v43;
	v43 =	vld [tilespmem:s8+$0x5A40];
	v27 =	vsel vm4, v37, v27  }
0x1e2: {  	v39 =	vld [tilespmem:s8+$0x3B60];
	v27 =	vnsel vm14, $0x0, v27  }
0x1e3: {  	[tilespmem:s8+$0x108D0] =	vst v27;
	v27 =	vld [tilespmem:s8+$0x76C0]  }
0x1e4: {  	vm11 =	vnez.u8 v25;
	v25 =	vld [tilespmem:$0x1FE30]  }
0x1e5: {  	[tilespmem:s8+$0x102E0] =	vst v47;
	v47 =	vld [tilespmem:s8+$0x2140];
	v28 =	vsel vm15, v35, v63;
	v26 =	vsel vm15, v26, v36  }
0x1e6: {  	v41 =	vld [tilespmem:s8+$0x1EE0];
	v26 =	vsel vm4, v26, v28  }
0x1e7: {  	[tilespmem:s8+$0x10410] =	vst v49;
	v49 =	vld [tilespmem:s8+$0x5CA0];
	v26 =	vnsel vm6, $0x0, v26  }
0x1e8: {  	[tilespmem:s8+$0x10A00] =	vst v26;
	v26 =	vld [tilespmem:s8+$0x77F0]  }
0x1e9: {  	[tilespmem:s8+$0x10080] =	vst v30;
	v30 =	vsel vm7, v39, v38;
	v27 =	vsel vm7, v27, v40;
	vm12 =	vnez.u8 v25;
	v25 =	vld [tilespmem:$0x1FE40]  }
0x1ea: {  	v45 =	vld [tilespmem:s8+$0x3DC0];
	v27 =	vsel vm4, v27, v30  }
0x1eb: {  	v46 =	vld [tilespmem:s8+$0x5B70];
	v27 =	vnsel vm8, $0x0, v27  }
0x1ec: {  	[tilespmem:s8+$0x10B30] =	vst v27;
	v27 =	vld [tilespmem:s8+$0x7920]  }
0x1ed: {  	v50 =	vld [tilespmem:s8+$0x2270];
	v28 =	vsel vm9, v42, v41;
	v26 =	vsel vm9, v26, v43  }
0x1ee: {  	v26 =	vsel vm4, v26, v28;
	vm13 =	vnez.u8 v25;
	v25 =	vld [tilespmem:$0x1FE50]  }
0x1ef: {  	v48 =	vld [tilespmem:s8+$0x3EF0];
	v26 =	vnsel vm10, $0x0, v26  }
0x1f0: {  	[tilespmem:s8+$0x10C60] =	vst v26;
	v26 =	vld [tilespmem:s8+$0x7A50]  }
0x1f1: {  	v52 =	vld [tilespmem:s8+$0x4020];
	v30 =	vsel vm11, v45, v44;
	v27 =	vsel vm11, v27, v46  }
0x1f2: {  	[tilespmem:s8+$0xF960] =	vst v32;
	v53 =	vld [tilespmem:s8+$0x5DD0];
	v27 =	vsel vm4, v27, v30  }
0x1f3: {  	[tilespmem:s8+$0xFA90] =	vst v33;
	v27 =	vnsel vm12, $0x0, v27;
	vm14 =	vnez.u8 v25;
	v25 =	vld [tilespmem:$0x1FE60]  }
0x1f4: {  	s11 =	sshra.s32 s9, $0x2;
	[tilespmem:s8+$0x10D90] =	vst v27;
	v27 =	vld [tilespmem:s8+$0x7B80]  }
0x1f5: {  	v56 =	vld [tilespmem:s11+$0x5F0];
	v28 =	vsel vm13, v48, v47;
	v26 =	vsel vm13, v26, v49  }
0x1f6: {  	v60 =	vld [tilespmem:s11+$0x23A0];
	v26 =	vsel vm4, v26, v28  }
0x1f7: {  	p1 =	sne.s32 s9, $0x440;
	v61 =	vld [tilespmem:s11+$0x4150];
	v26 =	vnsel vm14, $0x0, v26  }
.Ltmp1:
0x1f8: {  	v62 =	vld [tilespmem:s11+$0x5F00];
	[tilespmem:s8+$0x10EC0] =	vst v26;
	vm15 =	vnez.u8 v25;
	(pc) =	sbr.rel @p1 .LBB2_5-.Ltmp1, $4  }
0x1f9: {  	v57 =	vld [tilespmem:s11+$0x130];
	v55 =	vsel vm15, v52, v50;
	v26 =	vsel vm15, v27, v53  }
0x1fa: {  	v58 =	vld [tilespmem:s11+$0x390];
	v26 =	vsel vm4, v26, v55  }
0x1fb: {  	v52 =	vld [tilespmem:s11+$0x0];
	v26 =	vnsel vm5, $0x0, v26  }
0x1fc: {  	s9 =	sadd.s32 $0x40, s9;
	v53 =	vld [tilespmem:s11+$0x4C0];
	[tilespmem:s8+$0x10FF0] =	vst v26;
	s8 =	smov.u32 s11  }
0x1fd: {  	v54 =	vld [tilespmem:s8+$0x260]  }
0x1fe: {  	v26 =	vld [tilespmem:s8+$0x7CB0];
	_ =	sdelay $0x1  }
0x1ff: {  	vm1 =	vge.f32 v51, v57;
	vm2 =	vle.f32 v51, v58  }
0x200: {  	vm0 =	vge.f32 v51, v56;
	vm1 =	vmand vm1, vm2  }
0x201: {  	vm15 =	vge.f32 v24, v52;
	vm3 =	vge.f32 v24, v53;
	vm4 =	vle.f32 v24, v54  }
0x202: {  	v32 =	vsel vm3, v61, v60;
	v26 =	vsel vm3, v26, v62;
	vm2 =	vmand vm15, vm4  }
0x203: {  	v25 =	vld [tilespmem:s8+$0x720];
	v26 =	vsel vm0, v26, v32;
	vm2 =	vmand vm1, vm2  }
0x204: {  	v31 =	vld [tilespmem:s8+$0x24D0];
	v26 =	vnsel vm2, $0x0, v26  }
0x205: {  	[tilespmem:s8+$0x11120] =	vst v26;
	v26 =	vld [tilespmem:s8+$0x11D0]  }
0x206: {  	v27 =	vld [tilespmem:s8+$0x4280]  }
0x207: {  	v33 =	vld [tilespmem:s8+$0x2600]  }
0x208: {  	v34 =	vld [tilespmem:s8+$0x6160]  }
0x209: {  	v35 =	vld [tilespmem:s8+$0x2730]  }
0x20a: {  	[tilespmem:$0x1F890] =	vst v26;
	v26 =	vld [tilespmem:s8+$0x4D30]  }
0x20b: {  	v36 =	vld [tilespmem:s8+$0x44E0]  }
0x20c: {  	v37 =	vld [tilespmem:s8+$0x6290]  }
0x20d: {  	v38 =	vld [tilespmem:s8+$0xAB0]  }
0x20e: {  	v39 =	vld [tilespmem:s8+$0x2860]  }
0x20f: {  	[tilespmem:$0x1F8A0] =	vst v26;
	v26 =	vld [tilespmem:s8+$0x6AE0]  }
0x210: {  	v40 =	vld [tilespmem:s8+$0x4610]  }
0x211: {  	v41 =	vld [tilespmem:s8+$0x63C0]  }
0x212: {  	v42 =	vld [tilespmem:s8+$0xBE0]  }
0x213: {  	v43 =	vld [tilespmem:s8+$0x2990]  }
0x214: {  	[tilespmem:$0x1F8B0] =	vst v26;
	v26 =	vld [tilespmem:s8+$0x1300]  }
0x215: {  	v44 =	vld [tilespmem:s8+$0x4740]  }
0x216: {  	v45 =	vld [tilespmem:s8+$0x64F0]  }
0x217: {  	v55 =	vld [tilespmem:s8+$0xD10]  }
0x218: {  	v56 =	vld [tilespmem:s8+$0x2AC0]  }
0x219: {  	[tilespmem:$0x1F8C0] =	vst v26;
	v26 =	vld [tilespmem:s8+$0x30B0]  }
0x21a: {  	v59 =	vld [tilespmem:s8+$0xE40]  }
0x21b: {  	v63 =	vld [tilespmem:s8+$0xF70]  }
0x21c: {  	v46 =	vld [tilespmem:s8+$0x2D20]  }
0x21d: {  	v47 =	vld [tilespmem:s8+$0x4AD0]  }
0x21e: {  	[tilespmem:$0x1F8D0] =	vst v26;
	v26 =	vld [tilespmem:s8+$0x4E60]  }
0x21f: {  	v48 =	vld [tilespmem:s8+$0x6880]  }
0x220: {  	v49 =	vld [tilespmem:s8+$0x10A0]  }
0x221: {  	v50 =	vld [tilespmem:s8+$0x2E50]  }
0x222: {  	v29 =	vld [tilespmem:s8+$0x4C00]  }
0x223: {  	[tilespmem:$0x1F8E0] =	vst v26;
	v26 =	vld [tilespmem:s8+$0x6C10]  }
0x224: {  	v28 =	vld [tilespmem:s8+$0x69B0]  }
0x225: {  	[tilespmem:$0x1F860] =	vst v27;
	v27 =	vld [tilespmem:s8+$0x6030]  }
0x226: {  	v30 =	vld [tilespmem:s8+$0x2F80]  }
0x227: {  	v57 =	vld [tilespmem:s8+$0x4870]  }
0x228: {  	[tilespmem:$0x1F8F0] =	vst v26;
	v26 =	vld [tilespmem:s8+$0x1430]  }
0x229: {  	v58 =	vld [tilespmem:s8+$0x6620]  }
0x22a: {  	[tilespmem:$0x1F870] =	vst v27;
	v27 =	vld [tilespmem:s8+$0x850]  }
0x22b: {  	v60 =	vld [tilespmem:s8+$0x2BF0]  }
0x22c: {  	v61 =	vld [tilespmem:s8+$0x49A0]  }
0x22d: {  	[tilespmem:$0x1F900] =	vst v26;
	v26 =	vld [tilespmem:s8+$0x31E0]  }
0x22e: {  	v32 =	vld [tilespmem:s8+$0x43B0]  }
0x22f: {  	[tilespmem:$0x1F880] =	vst v27;
	v27 =	vld [tilespmem:s8+$0x980]  }
0x230: {  	vm13 =	vge.f32 v7, v53;
	v62 =	vld [tilespmem:s8+$0x6750]  }
0x231: {  	v47 =	vsel vm13, v48, v47;
	v48 =	vld [tilespmem:s8+$0x6FA0]  }
0x232: {  	vm7 =	vge.f32 v1, v53;
	[tilespmem:$0x1F910] =	vst v26;
	v26 =	vld [tilespmem:s8+$0x4F90]  }
0x233: {  	vm8 =	vge.f32 v2, v53;
	v32 =	vsel vm7, v34, v32;
	v34 =	vld [tilespmem:s8+$0x3310]  }
0x234: {  	vm9 =	vge.f32 v3, v53;
	v27 =	vsel vm8, v35, v27;
	v35 =	vsel vm8, v37, v36;
	v37 =	vld [tilespmem:s8+$0x50C0]  }
0x235: {  	vm10 =	vge.f32 v4, v53;
	v36 =	vsel vm9, v39, v38;
	v38 =	vsel vm9, v41, v40;
	v40 =	vld [tilespmem:s8+$0x6E70]  }
0x236: {  	vm6 =	vge.f32 v0, v53;
	v39 =	vsel vm10, v43, v42;
	v43 =	vld [tilespmem:s8+$0x1690]  }
0x237: {  	vm11 =	vge.f32 v5, v53;
	[tilespmem:$0x1F920] =	vst v26;
	v26 =	vsel vm6, v31, v25;
	v25 =	vld [tilespmem:s8+$0x6D40]  }
0x238: {  	v42 =	vsel vm11, v56, v55;
	v55 =	vld [tilespmem:s8+$0x3440]  }
0x239: {  	vm12 =	vge.f32 v6, v53;
	v41 =	vsel vm10, v45, v44;
	v44 =	vsel vm11, v58, v57;
	v57 =	vld [tilespmem:s8+$0x51F0]  }
0x23a: {  	v56 =	vsel vm12, v62, v61;
	v61 =	vld [tilespmem:$0x1F890]  }
0x23b: {  	v31 =	vld [tilespmem:$0x1F870]  }
0x23c: {  	[tilespmem:$0x1F930] =	vst v25;
	v25 =	vld [tilespmem:$0x1F860]  }
0x23d: {  	v62 =	vld [tilespmem:$0x1F8A0]  }
0x23e: {  	v46 =	vsel vm13, v46, v63;
	v63 =	vld [tilespmem:$0x1F8B0]  }
0x23f: {  	vm14 =	vge.f32 v0, v52;
	vm13 =	vge.f32 v1, v52;
	v58 =	vld [tilespmem:$0x1F8C0]  }
0x240: {  	vm5 =	vle.f32 v2, v54;
	vm15 =	vle.f32 v0, v54;
	v45 =	vsel vm12, v60, v59;
	v59 =	vld [tilespmem:$0x1F8D0]  }
0x241: {  	vm2 =	vmand vm14, vm15;
	vm14 =	vle.f32 v1, v54;
	v25 =	vsel vm6, v31, v25;
	v31 =	vld [tilespmem:$0x1F880]  }
0x242: {  	vm15 =	vge.f32 v2, v52;
	vm2 =	vmand vm1, vm2;
	v60 =	vld [tilespmem:$0x1F8E0];
	vm6 =	vge.f32 v8, v53  }
0x243: {  	vm4 =	vmand vm15, vm5;
	v28 =	vsel vm6, v28, v29;
	v29 =	vld [tilespmem:s8+$0x17C0];
	v25 =	vsel vm0, v25, v26  }
0x244: {  	vm15 =	vle.f32 v6, v54;
	vm4 =	vmand vm1, vm4;
	v26 =	vld [tilespmem:s8+$0x3570];
	v25 =	vnsel vm2, $0x0, v25  }
0x245: {  	vm8 =	vge.f32 v10, v53;
	vm9 =	vge.f32 v11, v53;
	[tilespmem:s8+$0xF4A0] =	vst v25;
	v25 =	vsel vm0, v38, v36;
	v38 =	vld [tilespmem:s8+$0x70D0]  }
0x246: {  	vm10 =	vge.f32 v12, v53;
	v33 =	vsel vm7, v33, v31;
	v31 =	vld [tilespmem:s8+$0x1560];
	vm7 =	vge.f32 v9, v53  }
0x247: {  	vm11 =	vge.f32 v13, v53;
	v27 =	vsel vm0, v35, v27;
	v30 =	vsel vm7, v30, v61;
	v61 =	vld [tilespmem:$0x1F8F0]  }
0x248: {  	v27 =	vnsel vm4, $0x0, v27;
	v49 =	vsel vm6, v50, v49;
	v50 =	vsel vm7, v63, v62;
	v62 =	vld [tilespmem:$0x1F900]  }
0x249: {  	vm12 =	vge.f32 v14, v53;
	[tilespmem:s8+$0xF700] =	vst v27;
	v27 =	vsel vm0, v56, v45;
	v35 =	vsel vm8, v59, v58;
	v63 =	vld [tilespmem:$0x1F910]  }
0x24a: {  	vm2 =	vmand vm13, vm14;
	vm13 =	vle.f32 v5, v54;
	v32 =	vsel vm0, v32, v33;
	v33 =	vld [tilespmem:s8+$0x5320]  }
0x24b: {  	vm14 =	vge.f32 v6, v52;
	v28 =	vsel vm0, v28, v49;
	v36 =	vsel vm0, v41, v39  }
0x24c: {  	vm2 =	vmand vm1, vm2;
	v26 =	vsel vm12, v26, v29;
	vm7 =	vle.f32 v14, v54  }
0x24d: {  	v32 =	vnsel vm2, $0x0, v32;
	v31 =	vsel vm10, v34, v31;
	v39 =	vsel vm8, v61, v60  }
0x24e: {  	v41 =	vsel vm9, v63, v62;
	v60 =	vld [tilespmem:$0x1F920];
	v62 =	vsel vm10, v40, v37;
	v37 =	vsel vm11, v55, v43  }
0x24f: {  	v61 =	vld [tilespmem:$0x1F930];
	v40 =	vsel vm11, v48, v57;
	v29 =	vsel vm12, v38, v33;
	vm8 =	vge.f32 v3, v52  }
0x250: {  	vm10 =	vge.f32 v4, v52;
	vm11 =	vle.f32 v4, v54;
	vm12 =	vge.f32 v5, v52  }
0x251: {  	v63 =	vsel vm0, v44, v42;
	v48 =	vsel vm0, v47, v46;
	vm2 =	vmand vm10, vm11  }
0x252: {  	vm4 =	vmand vm12, vm13;
	vm10 =	vge.f32 v8, v52;
	vm11 =	vle.f32 v8, v54  }
0x253: {  	vm12 =	vge.f32 v9, v52;
	vm13 =	vle.f32 v9, v54;
	v35 =	vsel vm0, v39, v35  }
0x254: {  	v26 =	vsel vm0, v29, v26;
	v58 =	vsel vm9, v61, v60;
	vm9 =	vle.f32 v3, v54  }
0x255: {  	vm2 =	vmand vm1, vm2;
	vm4 =	vmand vm1, vm4;
	vm3 =	vmand vm8, vm9  }
0x256: {  	vm8 =	vge.f32 v7, v52;
	vm9 =	vle.f32 v7, v54;
	vm3 =	vmand vm1, vm3  }
0x257: {  	v60 =	vsel vm0, v58, v41;
	v25 =	vnsel vm3, $0x0, v25;
	vm3 =	vmand vm14, vm15  }
0x258: {  	vm14 =	vge.f32 v10, v52;
	vm15 =	vle.f32 v10, v54;
	[tilespmem:s8+$0xF830] =	vst v25;
	v25 =	vnsel vm2, $0x0, v36  }
0x259: {  	vm2 =	vmand vm8, vm9;
	vm3 =	vmand vm1, vm3;
	vm8 =	vge.f32 v11, v52  }
0x25a: {  	vm9 =	vle.f32 v11, v54;
	[tilespmem:s8+$0xF960] =	vst v25;
	v25 =	vnsel vm4, $0x0, v63;
	vm4 =	vmand vm10, vm11  }
0x25b: {  	v56 =	vld [tilespmem:s8+$0x7200];
	vm2 =	vmand vm1, vm2;
	vm10 =	vge.f32 v12, v52;
	vm11 =	vle.f32 v12, v54  }
0x25c: {  	v55 =	vld [tilespmem:s8+$0x5450];
	v63 =	vsel vm0, v40, v37;
	[tilespmem:s8+$0xFA90] =	vst v25;
	v25 =	vnsel vm3, $0x0, v27;
	v27 =	vsel vm0, v50, v30  }
0x25d: {  	vm3 =	vmand vm12, vm13;
	vm4 =	vmand vm1, vm4;
	vm12 =	vge.f32 v13, v52  }
0x25e: {  	v45 =	vld [tilespmem:s8+$0x36A0];
	vm13 =	vle.f32 v13, v54;
	[tilespmem:s8+$0xFBC0] =	vst v25;
	v25 =	vnsel vm2, $0x0, v48;
	vm2 =	vmand vm14, vm15  }
0x25f: {  	v59 =	vld [tilespmem:s8+$0x37D0];
	vm3 =	vmand vm1, vm3;
	vm14 =	vge.f32 v14, v52;
	vm15 =	vge.f32 v15, v53  }
0x260: {  	v33 =	vld [tilespmem:s8+$0x18F0];
	[tilespmem:s8+$0xFCF0] =	vst v25;
	v25 =	vnsel vm4, $0x0, v28;
	vm4 =	vmand vm8, vm9;
	vm2 =	vmand vm1, vm2  }
0x261: {  	[tilespmem:s8+$0xF5D0] =	vst v32;
	v57 =	vld [tilespmem:s8+$0x1A20];
	v32 =	vsel vm15, v56, v55;
	vm8 =	vge.f32 v15, v52;
	vm9 =	vle.f32 v15, v54  }
0x262: {  	v43 =	vld [tilespmem:s8+$0x7460];
	[tilespmem:s8+$0xFE20] =	vst v25;
	v25 =	vnsel vm3, $0x0, v27;
	v27 =	vsel vm0, v62, v31;
	vm3 =	vmand vm10, vm11  }
0x263: {  	v61 =	vld [tilespmem:s8+$0x5580];
	vm4 =	vmand vm1, vm4;
	vm10 =	vge.f32 v16, v53;
	vm11 =	vge.f32 v16, v52  }
0x264: {  	v41 =	vld [tilespmem:s8+$0x56B0];
	[tilespmem:s8+$0xFF50] =	vst v25;
	v25 =	vnsel vm2, $0x0, v35;
	vm2 =	vmand vm12, vm13;
	vm3 =	vmand vm1, vm3  }
0x265: {  	v37 =	vld [tilespmem:s8+$0x1B50];
	vm12 =	vle.f32 v16, v54;
	[tilespmem:s8+$0x10080] =	vst v25;
	v25 =	vnsel vm4, $0x0, v60;
	vm2 =	vmand vm1, vm2  }
0x266: {  	v62 =	vld [tilespmem:s8+$0x7330];
	[tilespmem:s8+$0x101B0] =	vst v25;
	v25 =	vnsel vm3, $0x0, v27;
	v27 =	vsel vm15, v45, v33;
	vm3 =	vmand vm14, vm7  }
0x267: {  	v40 =	vld [tilespmem:s8+$0x3900];
	vm14 =	vge.f32 v17, v53;
	vm15 =	vge.f32 v17, v52;
	[tilespmem:s8+$0x102E0] =	vst v25;
	v25 =	vnsel vm2, $0x0, v63  }
0x268: {  	v49 =	vld [tilespmem:s8+$0x5910];
	v27 =	vsel vm0, v32, v27;
	vm3 =	vmand vm1, vm3;
	vm2 =	vmand vm8, vm9  }
0x269: {  	v44 =	vld [tilespmem:s8+$0x1C80];
	vm8 =	vle.f32 v17, v54;
	v46 =	vsel vm14, v43, v41;
	[tilespmem:s8+$0x10410] =	vst v25;
	v25 =	vnsel vm3, $0x0, v26  }
0x26a: {  	v47 =	vld [tilespmem:s8+$0x1DB0];
	v26 =	vsel vm10, v59, v57;
	vm2 =	vmand vm1, vm2;
	vm3 =	vmand vm11, vm12  }
0x26b: {  	v48 =	vld [tilespmem:s8+$0x3B60];
	[tilespmem:s8+$0x10540] =	vst v25;
	v25 =	vnsel vm2, $0x0, v27;
	v27 =	vsel vm10, v62, v61;
	vm13 =	vmand vm1, vm3  }
0x26c: {  	v45 =	vld [tilespmem:s8+$0x3A30];
	vm3 =	vmand vm15, vm8;
	v26 =	vsel vm0, v27, v26;
	v27 =	vsel vm14, v40, v37  }
0x26d: {  	[tilespmem:s8+$0x10670] =	vst v25;
	vm9 =	vmand vm1, vm3;
	v25 =	vnsel vm13, $0x0, v26;
	v26 =	vld [tilespmem:s8+$0x57E0];
	v27 =	vsel vm0, v46, v27  }
0x26e: {  	[tilespmem:s8+$0x107A0] =	vst v25;
	v25 =	vld [tilespmem:s8+$0x7590];
	v27 =	vnsel vm9, $0x0, v27  }
0x26f: {  	[tilespmem:s8+$0x108D0] =	vst v27;
	v27 =	vld [tilespmem:s8+$0x76C0]  }
0x270: {  	v58 =	vld [tilespmem:s8+$0x5B70];
	vm11 =	vge.f32 v18, v52;
	vm12 =	vle.f32 v18, v54  }
0x271: {  	v50 =	vld [tilespmem:s8+$0x3C90];
	vm10 =	vge.f32 v18, v53;
	vm15 =	vge.f32 v19, v52;
	vm8 =	vle.f32 v19, v54  }
0x272: {  	v55 =	vld [tilespmem:s8+$0x5A40];
	vm3 =	vmand vm11, vm12;
	vm14 =	vge.f32 v19, v53;
	v30 =	vsel vm10, v45, v44  }
0x273: {  	v56 =	vld [tilespmem:s8+$0x2010];
	vm13 =	vmand vm1, vm3;
	vm3 =	vmand vm15, vm8;
	v25 =	vsel vm10, v25, v26  }
0x274: {  	v57 =	vld [tilespmem:s8+$0x3DC0];
	v28 =	vsel vm14, v48, v47;
	v25 =	vsel vm0, v25, v30;
	v27 =	vsel vm14, v27, v49  }
0x275: {  	vm9 =	vmand vm1, vm3;
	v26 =	vld [tilespmem:s8+$0x1EE0];
	v25 =	vnsel vm13, $0x0, v25;
	v27 =	vsel vm0, v27, v28  }
0x276: {  	[tilespmem:s8+$0x10A00] =	vst v25;
	v25 =	vld [tilespmem:s8+$0x77F0];
	v27 =	vnsel vm9, $0x0, v27  }
0x277: {  	[tilespmem:s8+$0x10B30] =	vst v27;
	v27 =	vld [tilespmem:s8+$0x7920]  }
0x278: {  	v60 =	vld [tilespmem:s8+$0x5CA0];
	vm11 =	vge.f32 v20, v52;
	vm12 =	vle.f32 v20, v54  }
0x279: {  	v63 =	vld [tilespmem:s8+$0x5DD0];
	vm15 =	vge.f32 v21, v52;
	vm8 =	vle.f32 v21, v54;
	vm3 =	vmand vm11, vm12  }
0x27a: {  	v59 =	vld [tilespmem:s8+$0x2140];
	vm10 =	vge.f32 v20, v53;
	vm14 =	vge.f32 v21, v53;
	vm13 =	vmand vm1, vm3  }
0x27b: {  	v61 =	vld [tilespmem:s8+$0x2270];
	vm3 =	vmand vm15, vm8;
	v26 =	vsel vm10, v50, v26;
	v25 =	vsel vm10, v25, v55  }
0x27c: {  	v62 =	vld [tilespmem:s8+$0x4020];
	v28 =	vsel vm14, v57, v56;
	v25 =	vsel vm0, v25, v26;
	v27 =	vsel vm14, v27, v58  }
0x27d: {  	vm9 =	vmand vm1, vm3;
	v26 =	vld [tilespmem:s8+$0x3EF0];
	v25 =	vnsel vm13, $0x0, v25;
	v27 =	vsel vm0, v27, v28  }
0x27e: {  	[tilespmem:s8+$0x10C60] =	vst v25;
	v25 =	vld [tilespmem:s8+$0x7A50];
	v27 =	vnsel vm9, $0x0, v27  }
0x27f: {  	[tilespmem:s8+$0x10D90] =	vst v27;
	v27 =	vld [tilespmem:s8+$0x7B80]  }
0x280: {  	vm11 =	vle.f32 v22, v54;
	vm12 =	vge.f32 v23, v52  }
0x281: {  	vm15 =	vge.f32 v22, v53;
	vm8 =	vge.f32 v23, v53;
	vm10 =	vge.f32 v22, v52  }
0x282: {  	vm2 =	vmand vm10, vm11;
	vm13 =	vle.f32 v23, v54;
	v28 =	vsel vm8, v62, v61  }
0x283: {  	vm2 =	vmand vm1, vm2;
	v26 =	vsel vm15, v26, v59;
	v25 =	vsel vm15, v25, v60  }
0x284: {  	vm14 =	vmand vm12, vm13;
	v27 =	vsel vm8, v27, v63;
	v25 =	vsel vm0, v25, v26  }
0x285: {  	vm1 =	vmand vm1, vm14;
	v25 =	vnsel vm2, $0x0, v25;
	v26 =	vsel vm0, v27, v28  }
0x286: {  	[tilespmem:s8+$0x10EC0] =	vst v25;
	v25 =	vnsel vm1, $0x0, v26  }
0x287: {  	[tilespmem:s8+$0x10FF0] =	vst v25  }
0x288: {  	v25 =	vld [tilespmem:$0x710]  }
0x289: {  	v55 =	vld [tilespmem:$0x5E0];
	_ =	sdelay $0x4  }
0x28a: {  	v29 =	vimm.s32 $0x0;
	v33 =	vld [tilespmem:$0x1FE70];
	vm9 =	vge.f32 v51, v25;
	vm10 =	vge.f32 v0, v55  }
0x28b: {  	v54 =	vsel vm9, $0x2, v29;
	v25 =	vsel vm10, $0x1, v29  }
0x28c: {  	v25 =	vor.u32 v25, v54  }
0x28d: {  	v37 =	vld [tilespmem:$0x1FE80];
	v25 =	vmul.u32 $0x1DB0, v25  }
0x28e: {  	v26 =	vld [tilespmem:$0x250]  }
0x28f: {  	v27 =	vld [tilespmem:$0x4B0];
	v25 =	vadd.s32 v33, v25  }
0x290: {  	v34 =	vld [tilespmem:$0x120]  }
0x291: {  	v35 =	vld [tilespmem:$0x380];
	vm11 =	vge.f32 v1, v55  }
0x292: {  	v36 =	vsel vm11, $0x1, v29  }
0x293: {  	v28 =	vor.u32 v36, v54  }
0x294: {  	v28 =	vmul.u32 $0x1DB0, v28;
	v25 =	vld.idx.msk [tilespmem:v25+s21+$0x0], $0xfff  }
0x295: {  	vm12 =	vge.f32 v51, v26;
	vm13 =	vle.f32 v51, v27  }
0x296: {  	vm14 =	vge.f32 v0, v34;
	vm15 =	vle.f32 v0, v35;
	v26 =	vadd.s32 v37, v28  }
0x297: {  	vm0 =	vmand vm12, vm13;
	vm4 =	vmand vm14, vm15  }
0x298: {  	v38 =	vld [tilespmem:$0x1FE90];
	vm5 =	vge.f32 v2, v55;
	vm1 =	vmand vm0, vm4  }
0x299: {  	v27 =	vsel vm5, $0x1, v29;
	v25 =	vnsel vm1, $0x0, v25  }
0x29a: {  	[tilespmem:v33+s31+$0x0] =	vst.idx.msk $0xfff, v25;
	v25 =	vor.u32 v27, v54  }
0x29b: {  	v26 =	vld.idx.msk [tilespmem:v26+s21+$0x0], $0xfff;
	v25 =	vmul.u32 $0x1DB0, v25;
	_ =	sdelay $0x1  }
0x29c: {  	vm6 =	vge.f32 v1, v34;
	vm7 =	vle.f32 v1, v35;
	v25 =	vadd.s32 v38, v25  }
0x29d: {  	vm1 =	vmand vm6, vm7  }
0x29e: {  	v39 =	vld [tilespmem:$0x1FEA0];
	vm8 =	vge.f32 v3, v55;
	vm1 =	vmand vm0, vm1  }
0x29f: {  	v27 =	vsel vm8, $0x1, v29;
	v26 =	vnsel vm1, $0x0, v26  }
0x2a0: {  	[tilespmem:v37+s31+$0x0] =	vst.idx.msk $0xfff, v26;
	v26 =	vor.u32 v27, v54  }
0x2a1: {  	v25 =	vld.idx.msk [tilespmem:v25+s21+$0x0], $0xfff;
	v26 =	vmul.u32 $0x1DB0, v26;
	_ =	sdelay $0x1  }
0x2a2: {  	vm9 =	vge.f32 v2, v34;
	vm10 =	vle.f32 v2, v35;
	v26 =	vadd.s32 v39, v26  }
0x2a3: {  	vm1 =	vmand vm9, vm10  }
0x2a4: {  	v40 =	vld [tilespmem:$0x1FEB0];
	vm11 =	vge.f32 v4, v55;
	vm1 =	vmand vm0, vm1  }
0x2a5: {  	v27 =	vsel vm11, $0x1, v29;
	v25 =	vnsel vm1, $0x0, v25  }
0x2a6: {  	[tilespmem:v38+s31+$0x0] =	vst.idx.msk $0xfff, v25;
	v25 =	vor.u32 v27, v54  }
0x2a7: {  	v26 =	vld.idx.msk [tilespmem:v26+s21+$0x0], $0xfff;
	v25 =	vmul.u32 $0x1DB0, v25;
	_ =	sdelay $0x1  }
0x2a8: {  	vm12 =	vge.f32 v3, v34;
	vm13 =	vle.f32 v3, v35;
	v25 =	vadd.s32 v40, v25  }
0x2a9: {  	vm1 =	vmand vm12, vm13  }
0x2aa: {  	v41 =	vld [tilespmem:$0x1FEC0];
	vm14 =	vge.f32 v5, v55;
	vm1 =	vmand vm0, vm1  }
0x2ab: {  	v27 =	vsel vm14, $0x1, v29;
	v26 =	vnsel vm1, $0x0, v26  }
0x2ac: {  	[tilespmem:v39+s31+$0x0] =	vst.idx.msk $0xfff, v26;
	v26 =	vor.u32 v27, v54  }
0x2ad: {  	v25 =	vld.idx.msk [tilespmem:v25+s21+$0x0], $0xfff;
	v26 =	vmul.u32 $0x1DB0, v26;
	_ =	sdelay $0x1  }
0x2ae: {  	vm15 =	vge.f32 v4, v34;
	vm4 =	vle.f32 v4, v35;
	v26 =	vadd.s32 v41, v26  }
0x2af: {  	vm1 =	vmand vm15, vm4  }
0x2b0: {  	v42 =	vld [tilespmem:$0x1FED0];
	vm5 =	vge.f32 v6, v55;
	vm1 =	vmand vm0, vm1  }
0x2b1: {  	v27 =	vsel vm5, $0x1, v29;
	v25 =	vnsel vm1, $0x0, v25  }
0x2b2: {  	[tilespmem:v40+s31+$0x0] =	vst.idx.msk $0xfff, v25;
	v25 =	vor.u32 v27, v54  }
0x2b3: {  	v26 =	vld.idx.msk [tilespmem:v26+s21+$0x0], $0xfff;
	v25 =	vmul.u32 $0x1DB0, v25;
	_ =	sdelay $0x1  }
0x2b4: {  	vm6 =	vge.f32 v5, v34;
	vm7 =	vle.f32 v5, v35;
	v25 =	vadd.s32 v42, v25  }
0x2b5: {  	vm1 =	vmand vm6, vm7  }
0x2b6: {  	v43 =	vld [tilespmem:$0x1FEE0];
	vm8 =	vge.f32 v7, v55;
	vm1 =	vmand vm0, vm1  }
0x2b7: {  	v27 =	vsel vm8, $0x1, v29;
	v26 =	vnsel vm1, $0x0, v26  }
0x2b8: {  	[tilespmem:v41+s31+$0x0] =	vst.idx.msk $0xfff, v26;
	v26 =	vor.u32 v27, v54  }
0x2b9: {  	v25 =	vld.idx.msk [tilespmem:v25+s21+$0x0], $0xfff;
	v26 =	vmul.u32 $0x1DB0, v26;
	_ =	sdelay $0x1  }
0x2ba: {  	vm9 =	vge.f32 v6, v34;
	vm10 =	vle.f32 v6, v35;
	v26 =	vadd.s32 v43, v26  }
0x2bb: {  	vm1 =	vmand vm9, vm10  }
0x2bc: {  	v44 =	vld [tilespmem:$0x1FEF0];
	vm11 =	vge.f32 v8, v55;
	vm1 =	vmand vm0, vm1  }
0x2bd: {  	v27 =	vsel vm11, $0x1, v29;
	v25 =	vnsel vm1, $0x0, v25  }
0x2be: {  	[tilespmem:v42+s31+$0x0] =	vst.idx.msk $0xfff, v25;
	v25 =	vor.u32 v27, v54  }
0x2bf: {  	v26 =	vld.idx.msk [tilespmem:v26+s21+$0x0], $0xfff;
	v25 =	vmul.u32 $0x1DB0, v25;
	_ =	sdelay $0x1  }
0x2c0: {  	vm12 =	vge.f32 v7, v34;
	vm13 =	vle.f32 v7, v35;
	v25 =	vadd.s32 v44, v25  }
0x2c1: {  	vm1 =	vmand vm12, vm13  }
0x2c2: {  	v45 =	vld [tilespmem:$0x1FF00];
	vm14 =	vge.f32 v9, v55;
	vm1 =	vmand vm0, vm1  }
0x2c3: {  	v27 =	vsel vm14, $0x1, v29;
	v26 =	vnsel vm1, $0x0, v26  }
0x2c4: {  	[tilespmem:v43+s31+$0x0] =	vst.idx.msk $0xfff, v26;
	v26 =	vor.u32 v27, v54  }
0x2c5: {  	v25 =	vld.idx.msk [tilespmem:v25+s21+$0x0], $0xfff;
	v26 =	vmul.u32 $0x1DB0, v26;
	_ =	sdelay $0x1  }
0x2c6: {  	vm15 =	vge.f32 v8, v34;
	vm4 =	vle.f32 v8, v35;
	v26 =	vadd.s32 v45, v26  }
0x2c7: {  	vm1 =	vmand vm15, vm4  }
0x2c8: {  	v46 =	vld [tilespmem:$0x1FF10];
	vm5 =	vge.f32 v10, v55;
	vm1 =	vmand vm0, vm1  }
0x2c9: {  	v27 =	vsel vm5, $0x1, v29;
	v25 =	vnsel vm1, $0x0, v25  }
0x2ca: {  	[tilespmem:v44+s31+$0x0] =	vst.idx.msk $0xfff, v25;
	v25 =	vor.u32 v27, v54  }
0x2cb: {  	v26 =	vld.idx.msk [tilespmem:v26+s21+$0x0], $0xfff;
	v25 =	vmul.u32 $0x1DB0, v25;
	_ =	sdelay $0x1  }
0x2cc: {  	vm6 =	vge.f32 v9, v34;
	vm7 =	vle.f32 v9, v35;
	v25 =	vadd.s32 v46, v25  }
0x2cd: {  	vm1 =	vmand vm6, vm7  }
0x2ce: {  	v47 =	vld [tilespmem:$0x1FF20];
	vm8 =	vge.f32 v11, v55;
	vm1 =	vmand vm0, vm1  }
0x2cf: {  	v27 =	vsel vm8, $0x1, v29;
	v26 =	vnsel vm1, $0x0, v26  }
0x2d0: {  	[tilespmem:v45+s31+$0x0] =	vst.idx.msk $0xfff, v26;
	v26 =	vor.u32 v27, v54  }
0x2d1: {  	v25 =	vld.idx.msk [tilespmem:v25+s21+$0x0], $0xfff;
	v26 =	vmul.u32 $0x1DB0, v26;
	_ =	sdelay $0x1  }
0x2d2: {  	vm9 =	vge.f32 v10, v34;
	vm10 =	vle.f32 v10, v35;
	v26 =	vadd.s32 v47, v26  }
0x2d3: {  	vm1 =	vmand vm9, vm10  }
0x2d4: {  	v48 =	vld [tilespmem:$0x1FF30];
	vm11 =	vge.f32 v12, v55;
	vm1 =	vmand vm0, vm1  }
0x2d5: {  	v27 =	vsel vm11, $0x1, v29;
	v25 =	vnsel vm1, $0x0, v25  }
0x2d6: {  	[tilespmem:v46+s31+$0x0] =	vst.idx.msk $0xfff, v25;
	v25 =	vor.u32 v27, v54  }
0x2d7: {  	v26 =	vld.idx.msk [tilespmem:v26+s21+$0x0], $0xfff;
	v25 =	vmul.u32 $0x1DB0, v25;
	_ =	sdelay $0x1  }
0x2d8: {  	vm12 =	vge.f32 v11, v34;
	vm13 =	vle.f32 v11, v35;
	v25 =	vadd.s32 v48, v25  }
0x2d9: {  	vm1 =	vmand vm12, vm13  }
0x2da: {  	v49 =	vld [tilespmem:$0x1FF40];
	vm14 =	vge.f32 v13, v55;
	vm1 =	vmand vm0, vm1  }
0x2db: {  	v27 =	vsel vm14, $0x1, v29;
	v26 =	vnsel vm1, $0x0, v26  }
0x2dc: {  	[tilespmem:v47+s31+$0x0] =	vst.idx.msk $0xfff, v26;
	v26 =	vor.u32 v27, v54  }
0x2dd: {  	v25 =	vld.idx.msk [tilespmem:v25+s21+$0x0], $0xfff;
	v26 =	vmul.u32 $0x1DB0, v26;
	_ =	sdelay $0x1  }
0x2de: {  	vm15 =	vge.f32 v12, v34;
	vm4 =	vle.f32 v12, v35;
	v26 =	vadd.s32 v49, v26  }
0x2df: {  	vm1 =	vmand vm15, vm4  }
0x2e0: {  	v50 =	vld [tilespmem:$0x1FF50];
	vm5 =	vge.f32 v14, v55;
	vm1 =	vmand vm0, vm1  }
0x2e1: {  	v27 =	vsel vm5, $0x1, v29;
	v25 =	vnsel vm1, $0x0, v25  }
0x2e2: {  	[tilespmem:v48+s31+$0x0] =	vst.idx.msk $0xfff, v25;
	v25 =	vor.u32 v27, v54  }
0x2e3: {  	v26 =	vld.idx.msk [tilespmem:v26+s21+$0x0], $0xfff;
	v25 =	vmul.u32 $0x1DB0, v25;
	_ =	sdelay $0x1  }
0x2e4: {  	vm6 =	vge.f32 v13, v34;
	vm7 =	vle.f32 v13, v35;
	v25 =	vadd.s32 v50, v25  }
0x2e5: {  	vm1 =	vmand vm6, vm7  }
0x2e6: {  	v51 =	vld [tilespmem:$0x1FF60];
	vm8 =	vge.f32 v15, v55;
	vm1 =	vmand vm0, vm1  }
0x2e7: {  	v27 =	vsel vm8, $0x1, v29;
	v26 =	vnsel vm1, $0x0, v26  }
0x2e8: {  	[tilespmem:v49+s31+$0x0] =	vst.idx.msk $0xfff, v26;
	v26 =	vor.u32 v27, v54  }
0x2e9: {  	v25 =	vld.idx.msk [tilespmem:v25+s21+$0x0], $0xfff;
	v26 =	vmul.u32 $0x1DB0, v26;
	_ =	sdelay $0x1  }
0x2ea: {  	vm9 =	vge.f32 v14, v34;
	vm10 =	vle.f32 v14, v35;
	v26 =	vadd.s32 v51, v26  }
0x2eb: {  	vm1 =	vmand vm9, vm10  }
0x2ec: {  	v56 =	vld [tilespmem:$0x1FF70];
	vm11 =	vge.f32 v16, v55;
	vm1 =	vmand vm0, vm1  }
0x2ed: {  	v27 =	vsel vm11, $0x1, v29;
	v25 =	vnsel vm1, $0x0, v25  }
0x2ee: {  	[tilespmem:v50+s31+$0x0] =	vst.idx.msk $0xfff, v25;
	v25 =	vor.u32 v27, v54  }
0x2ef: {  	v26 =	vld.idx.msk [tilespmem:v26+s21+$0x0], $0xfff;
	v25 =	vmul.u32 $0x1DB0, v25;
	_ =	sdelay $0x1  }
0x2f0: {  	vm12 =	vge.f32 v15, v34;
	vm13 =	vle.f32 v15, v35;
	v25 =	vadd.s32 v56, v25  }
0x2f1: {  	vm1 =	vmand vm12, vm13  }
0x2f2: {  	v57 =	vld [tilespmem:$0x1FF80];
	vm14 =	vge.f32 v17, v55;
	vm1 =	vmand vm0, vm1  }
0x2f3: {  	v27 =	vsel vm14, $0x1, v29;
	v26 =	vnsel vm1, $0x0, v26  }
0x2f4: {  	[tilespmem:v51+s31+$0x0] =	vst.idx.msk $0xfff, v26;
	v26 =	vor.u32 v27, v54  }
0x2f5: {  	v25 =	vld.idx.msk [tilespmem:v25+s21+$0x0], $0xfff;
	v26 =	vmul.u32 $0x1DB0, v26;
	_ =	sdelay $0x1  }
0x2f6: {  	vm15 =	vge.f32 v16, v34;
	vm4 =	vle.f32 v16, v35;
	v26 =	vadd.s32 v57, v26  }
0x2f7: {  	vm1 =	vmand vm15, vm4  }
0x2f8: {  	v58 =	vld [tilespmem:$0x1FF90];
	vm5 =	vge.f32 v18, v55;
	vm1 =	vmand vm0, vm1  }
0x2f9: {  	v27 =	vsel vm5, $0x1, v29;
	v25 =	vnsel vm1, $0x0, v25  }
0x2fa: {  	[tilespmem:v56+s31+$0x0] =	vst.idx.msk $0xfff, v25;
	v25 =	vor.u32 v27, v54  }
0x2fb: {  	v26 =	vld.idx.msk [tilespmem:v26+s21+$0x0], $0xfff;
	v25 =	vmul.u32 $0x1DB0, v25;
	_ =	sdelay $0x1  }
0x2fc: {  	vm6 =	vge.f32 v17, v34;
	vm7 =	vle.f32 v17, v35;
	v25 =	vadd.s32 v58, v25  }
0x2fd: {  	vm1 =	vmand vm6, vm7  }
0x2fe: {  	v59 =	vld [tilespmem:$0x1FFA0];
	vm8 =	vge.f32 v19, v55;
	vm1 =	vmand vm0, vm1  }
0x2ff: {  	v27 =	vsel vm8, $0x1, v29;
	v26 =	vnsel vm1, $0x0, v26  }
0x300: {  	[tilespmem:v57+s31+$0x0] =	vst.idx.msk $0xfff, v26;
	v26 =	vor.u32 v27, v54  }
0x301: {  	v25 =	vld.idx.msk [tilespmem:v25+s21+$0x0], $0xfff;
	v26 =	vmul.u32 $0x1DB0, v26;
	_ =	sdelay $0x1  }
0x302: {  	vm9 =	vge.f32 v18, v34;
	vm10 =	vle.f32 v18, v35;
	v26 =	vadd.s32 v59, v26  }
0x303: {  	vm1 =	vmand vm9, vm10  }
0x304: {  	v60 =	vld [tilespmem:$0x1FFB0];
	vm11 =	vge.f32 v20, v55;
	vm1 =	vmand vm0, vm1  }
0x305: {  	v27 =	vsel vm11, $0x1, v29;
	v25 =	vnsel vm1, $0x0, v25  }
0x306: {  	[tilespmem:v58+s31+$0x0] =	vst.idx.msk $0xfff, v25;
	v25 =	vor.u32 v27, v54  }
0x307: {  	v26 =	vld.idx.msk [tilespmem:v26+s21+$0x0], $0xfff;
	v25 =	vmul.u32 $0x1DB0, v25;
	_ =	sdelay $0x1  }
0x308: {  	vm12 =	vge.f32 v19, v34;
	vm13 =	vle.f32 v19, v35;
	v25 =	vadd.s32 v60, v25  }
0x309: {  	vm1 =	vmand vm12, vm13  }
0x30a: {  	v61 =	vld [tilespmem:$0x1FFC0];
	vm14 =	vge.f32 v21, v55;
	vm1 =	vmand vm0, vm1  }
0x30b: {  	v27 =	vsel vm14, $0x1, v29;
	v26 =	vnsel vm1, $0x0, v26  }
0x30c: {  	[tilespmem:v59+s31+$0x0] =	vst.idx.msk $0xfff, v26;
	v26 =	vor.u32 v27, v54  }
0x30d: {  	v25 =	vld.idx.msk [tilespmem:v25+s21+$0x0], $0xfff;
	v26 =	vmul.u32 $0x1DB0, v26;
	_ =	sdelay $0x1  }
0x30e: {  	vm15 =	vge.f32 v20, v34;
	vm4 =	vle.f32 v20, v35;
	v26 =	vadd.s32 v61, v26  }
0x30f: {  	vm1 =	vmand vm15, vm4  }
0x310: {  	v62 =	vld [tilespmem:$0x1FFD0];
	vm5 =	vge.f32 v22, v55;
	vm1 =	vmand vm0, vm1  }
0x311: {  	v27 =	vsel vm5, $0x1, v29;
	v25 =	vnsel vm1, $0x0, v25  }
0x312: {  	[tilespmem:v60+s31+$0x0] =	vst.idx.msk $0xfff, v25;
	v25 =	vor.u32 v27, v54  }
0x313: {  	v26 =	vld.idx.msk [tilespmem:v26+s21+$0x0], $0xfff;
	v25 =	vmul.u32 $0x1DB0, v25;
	_ =	sdelay $0x1  }
0x314: {  	vm6 =	vge.f32 v21, v34;
	vm7 =	vle.f32 v21, v35;
	v25 =	vadd.s32 v62, v25  }
0x315: {  	vm1 =	vmand vm6, vm7  }
0x316: {  	vm1 =	vmand vm0, vm1  }
0x317: {  	v26 =	vnsel vm1, $0x0, v26  }
0x318: {  	v63 =	vld [tilespmem:$0x1FFE0];
	vm8 =	vge.f32 v23, v55;
	[tilespmem:v61+s31+$0x0] =	vst.idx.msk $0xfff, v26  }
0x319: {  	v27 =	vsel vm8, $0x1, v29;
	v25 =	vld.idx.msk [tilespmem:v25+s21+$0x0], $0xfff  }
0x31a: {  	v26 =	vor.u32 v27, v54  }
0x31b: {  	vm9 =	vge.f32 v22, v34;
	vm10 =	vle.f32 v22, v35;
	v26 =	vmul.u32 $0x1DB0, v26  }
0x31c: {  	vm1 =	vmand vm9, vm10  }
0x31d: {  	vm11 =	vge.f32 v24, v55;
	vm1 =	vmand vm0, vm1;
	v26 =	vadd.s32 v63, v26  }
0x31e: {  	v27 =	vsel vm11, $0x1, v29;
	v25 =	vnsel vm1, $0x0, v25  }
0x31f: {  	[tilespmem:v62+s31+$0x0] =	vst.idx.msk $0xfff, v25;
	v25 =	vor.u32 v27, v54;
	v27 =	vld [tilespmem:$0x1FFF0];
	_ =	sdelay $0x2  }
0x320: {  	v26 =	vld.idx.msk [tilespmem:v26+s21+$0x0], $0xfff;
	v25 =	vmul.u32 $0x1DB0, v25;
	_ =	sdelay $0x1  }
0x321: {  	vm12 =	vge.f32 v23, v34;
	vm13 =	vle.f32 v23, v35;
	v25 =	vadd.s32 v27, v25  }
0x322: {  	vm1 =	vmand vm12, vm13  }
0x323: {  	vm1 =	vmand vm0, vm1  }
0x324: {  	v26 =	vnsel vm1, $0x0, v26  }
0x325: {  	[tilespmem:v63+s31+$0x0] =	vst.idx.msk $0xfff, v26  }
0x326: {  	v25 =	vld.idx.msk [tilespmem:v25+s21+$0x0], $0xfff;
	_ =	sdelay $0x1  }
0x327: {  	s2 =	smul.u32 $0xED80, s2;
	vm14 =	vge.f32 v24, v34;
	vm15 =	vle.f32 v24, v35  }
0x328: {  	vm1 =	vmand vm14, vm15  }
0x329: {  	p1 =	seq.s32 s22, $0x18;
	s11 =	sadd.s32 s5, s2;
	vm0 =	vmand vm0, vm1  }
0x32a: {  	s2 =	sadd.s32 @!p1 s2, s15;
	s8 =	sshrl.u32 s11, $0x3;
	v25 =	vnsel vm0, $0x0, v25  }
0x32b: {  	s2 =	sshrl.u32 @!p1 s2, $0x3;
	s8 =	sadd.s32 s6, s8;
	[tilespmem:v27+s31+$0x0] =	vst.idx.msk $0xfff, v25  }
0x32c: {  	[hbm4b:s8+s3] =	stream.linear.scatter [tilespmem:s31], [sflag:$0x3], $0x1DB0, $0x38;
	[tilespmem:$0x13000] =	vst v63  }
0x32d: {  	s9 =	simm.s32 @!p1 $0x720;
	s2 =	sadd.s32 @!p1 s4, s2;
	s8 =	simm.s32 @!p1 $0x0  }
0x32e: {  	[tilespmem:s9], [sflag:$0x1] =	stream.linear.gather @!p1 [hbm4b:s2+s8], $0x1DB0, $0x38;
	[tilespmem:$0x13000] =	vst v63  }
0x32f: {  	s11 =	simm.s32 @!p1 $0x24D0;
	s9 =	sadd.s32 @!p1 $0x173180, s2  }
0x330: {  	[tilespmem:s11], [sflag:$0x1] =	stream.linear.gather @!p1 [hbm4b:s9+s8], $0x1DB0, $0x38;
	[tilespmem:$0x13000] =	vst v63  }
0x331: {  	s9 =	sadd.s32 @!p1 $0x2E6300, s2;
	s11 =	simm.s32 @!p1 $0x4280  }
0x332: {  	[tilespmem:s11], [sflag:$0x1] =	stream.linear.gather @!p1 [hbm4b:s9+s8], $0x1DB0, $0x38;
	[tilespmem:$0x13000] =	vst v63  }
0x333: {  	s2 =	sadd.s32 @!p1 $0x459480, s2;
	s9 =	simm.s32 @!p1 $0x6030  }
0x334: {  	[tilespmem:s9], [sflag:$0x1] =	stream.linear.gather @!p1 [hbm4b:s2+s8], $0x1DB0, $0x38;
	[tilespmem:$0x13000] =	vst v63  }
0x335: {  	_ =	swait.ge [sflag:s1], $0x1DB0  }
0x336: {  	[sflag:s1] =	ssyncset.done $0x0  }
0x337: {  	[sflag:s1] =	ssyncadd.s32 $0xFFFFE250  }
0x338: {  	_ =	swait.ge [sflag:s1], $0x1DB0  }
0x339: {  	[sflag:s1] =	ssyncset.done $0x0  }
0x33a: {  	[sflag:s1] =	ssyncadd.s32 $0xFFFFE250  }
0x33b: {  	_ =	swait.ge [sflag:s1], $0x1DB0  }
0x33c: {  	[sflag:s1] =	ssyncset.done $0x0  }
0x33d: {  	[sflag:s1] =	ssyncadd.s32 $0xFFFFE250  }
0x33e: {  	_ =	swait.ge [sflag:s1], $0x1DB0  }
0x33f: {  	[sflag:s1] =	ssyncset.done $0x0  }
0x340: {  	s2 =	simm.s32 @!p0 $0x4;
	[sflag:s1] =	ssyncadd.s32 $0xFFFFE250  }
0x341: {  	_ =	swait.ge @!p0 [sflag:s2], $0x1DB0  }
0x342: {  	[sflag:s2] =	ssyncset.done @!p0 $0x0  }
0x343: {  	[sflag:s2] =	ssyncadd.s32 @!p0 $0xFFFFE250;
	s2 =	simm.s32 $0x0  }
0x344: {  	v56 =	vld [tilespmem:s2+$0x5F0]  }
0x345: {  	v60 =	vld [tilespmem:s2+$0x9A60]  }
0x346: {  	v61 =	vld [tilespmem:s2+$0xB810]  }
0x347: {  	v62 =	vld [tilespmem:s2+$0xD5C0]  }
0x348: {  	v57 =	vld [tilespmem:s2+$0x130]  }
0x349: {  	s24 =	scvt.s32.f32 s24;
	v58 =	vld [tilespmem:s2+$0x390]  }
0x34a: {  	v52 =	vld [tilespmem:s2+$0x0]  }
0x34b: {  	v51 =	vmov s24;
	s8 =	simm.s32 $0x40;
	v53 =	vld [tilespmem:s2+$0x4C0]  }
.LBB2_7:
0x34c: {  	v29 =	vimm.s32 $0x0  }
0x34d: {  	v42 =	vimm.s32 $0x0;
	v43 =	vimm.s32 $0x0;
	v44 =	vimm.s32 $0x0  }
0x34e: {  	v30 =	vimm.s32 $0x0;
	v45 =	vimm.s32 $0x0;
	v31 =	vimm.s32 $0x0  }
0x34f: {  	v46 =	vimm.s32 $0x0;
	v32 =	vimm.s32 $0x0;
	v47 =	vimm.s32 $0x0  }
0x350: {  	v33 =	vimm.s32 $0x0;
	v48 =	vimm.s32 $0x0;
	v34 =	vimm.s32 $0x0  }
0x351: {  	v49 =	vimm.s32 $0x0;
	v35 =	vimm.s32 $0x0;
	v50 =	vimm.s32 $0x0  }
0x352: {  	v54 =	vld [tilespmem:s2+$0x260];
	v36 =	vimm.s32 $0x0;
	v37 =	vimm.s32 $0x0;
	v63 =	vimm.s32 $0x0  }
0x353: {  	v25 =	vld [tilespmem:s2+$0xF370];
	v40 =	vimm.s32 $0x0;
	v38 =	vimm.s32 $0x0;
	v41 =	vimm.s32 $0x0  }
0x354: {  	v39 =	vimm.s32 $0x0;
	vm4 =	vge.f32 v51, v56;
	vm10 =	vge.f32 v0, v52  }
0x355: {  	vm11 =	vge.f32 v1, v52;
	vm1 =	vge.f32 v51, v57;
	vm2 =	vle.f32 v51, v58  }
0x356: {  	vm3 =	vge.f32 v24, v53;
	vm7 =	vge.f32 v24, v52;
	vm13 =	vge.f32 v2, v52  }
0x357: {  	vm5 =	vmand vm1, vm2;
	vm8 =	vle.f32 v24, v54;
	vm9 =	vle.f32 v1, v54  }
0x358: {  	v26 =	vsel vm3, v61, v60;
	v25 =	vsel vm3, v25, v62;
	v29 =	vsel vm9, $0xFFFFFFFF, v29  }
0x359: {  	vm1 =	vmand vm7, vm8;
	vm8 =	vle.f32 v3, v54;
	[tilespmem:$0x1F330] =	vst v29;
	v29 =	vsel vm13, $0xFFFFFFFF, v42  }
0x35a: {  	v25 =	vsel vm4, v25, v26;
	vm1 =	vmand vm5, vm1;
	v30 =	vsel vm8, $0xFFFFFFFF, v30;
	[tilespmem:$0x1F340] =	vst v29  }
0x35b: {  	vm0 =	vge.f32 v1, v53;
	vm14 =	vle.f32 v2, v54;
	v25 =	vnsel vm1, $0x0, v25;
	[tilespmem:$0x1F370] =	vst v30  }
0x35c: {  	vm6 =	vge.f32 v3, v53;
	vm9 =	vge.f32 v4, v52;
	v29 =	vsel vm14, $0xFFFFFFFF, v43;
	[tilespmem:s2+$0x12ED0] =	vst v25  }
0x35d: {  	vm15 =	vge.f32 v3, v52;
	vm13 =	vle.f32 v4, v54;
	v30 =	vsel vm9, $0xFFFFFFFF, v45;
	[tilespmem:$0x1F350] =	vst v29  }
0x35e: {  	vm3 =	vge.f32 v0, v53;
	vm2 =	vge.f32 v5, v53;
	v31 =	vsel vm13, $0xFFFFFFFF, v31;
	[tilespmem:$0x1F380] =	vst v30  }
0x35f: {  	v60 =	vimm.s32 $0x0;
	vm8 =	vge.f32 v5, v52;
	v29 =	vsel vm15, $0xFFFFFFFF, v44;
	[tilespmem:$0x1F390] =	vst v31  }
0x360: {  	v61 =	vimm.s32 $0x0;
	vm14 =	vle.f32 v5, v54;
	v31 =	vsel vm8, $0xFFFFFFFF, v46;
	[tilespmem:$0x1F360] =	vst v29  }
0x361: {  	v62 =	vimm.s32 $0x0;
	vm13 =	vle.f32 v6, v54;
	v32 =	vsel vm14, $0xFFFFFFFF, v32;
	[tilespmem:$0x1F3A0] =	vst v31  }
0x362: {  	vm7 =	vge.f32 v2, v53;
	vm15 =	vge.f32 v6, v52;
	v33 =	vsel vm13, $0xFFFFFFFF, v33;
	[tilespmem:$0x1F3B0] =	vst v32  }
0x363: {  	v42 =	vimm.s32 $0x0;
	v32 =	vsel vm15, $0xFFFFFFFF, v47;
	[tilespmem:$0x1F3D0] =	vst v33;
	vm15 =	vge.f32 v7, v52  }
0x364: {  	vm1 =	vge.f32 v4, v53;
	[tilespmem:$0x1F3C0] =	vst v32;
	v33 =	vsel vm15, $0xFFFFFFFF, v48;
	vm15 =	vle.f32 v7, v54  }
0x365: {  	v27 =	vld [tilespmem:s2+$0x9CC0];
	v43 =	vimm.s32 $0x0;
	vm8 =	vge.f32 v8, v52;
	[tilespmem:$0x1F3E0] =	vst v33;
	v34 =	vsel vm15, $0xFFFFFFFF, v34  }
0x366: {  	v58 =	vld [tilespmem:s2+$0x7F10];
	v45 =	vimm.s32 $0x0;
	[tilespmem:$0x1F3F0] =	vst v34;
	v34 =	vsel vm8, $0xFFFFFFFF, v49;
	vm8 =	vle.f32 v8, v54  }
0x367: {  	vm14 =	vge.f32 v6, v53;
	[tilespmem:$0x1F400] =	vst v34;
	v35 =	vsel vm8, $0xFFFFFFFF, v35;
	vm8 =	vge.f32 v9, v53  }
0x368: {  	v28 =	vld [tilespmem:s2+$0xD820];
	vm13 =	vge.f32 v7, v53;
	[tilespmem:$0x1F410] =	vst v35;
	v35 =	vsel vm8, $0xFFFFFFFF, v50;
	vm8 =	vge.f32 v9, v52  }
0x369: {  	v26 =	vld [tilespmem:s2+$0xBA70];
	v44 =	vimm.s32 $0x0;
	[tilespmem:$0x1F570] =	vst v35;
	v35 =	vsel vm8, $0xFFFFFFFF, v60;
	vm8 =	vle.f32 v9, v54  }
0x36a: {  	v46 =	vimm.s32 $0x0;
	[tilespmem:$0x1F420] =	vst v35;
	v36 =	vsel vm8, $0xFFFFFFFF, v36;
	vm8 =	vge.f32 v10, v53  }
0x36b: {  	v25 =	vld [tilespmem:s2+$0x8040];
	v27 =	vsel vm0, v27, v58;
	[tilespmem:$0x1F430] =	vst v36;
	v36 =	vsel vm8, $0xFFFFFFFF, v61;
	vm8 =	vge.f32 v10, v52  }
0x36c: {  	v30 =	vld [tilespmem:s2+$0xBBA0];
	v47 =	vimm.s32 $0x0;
	[tilespmem:$0x1F610] =	vst v36;
	v36 =	vsel vm8, $0xFFFFFFFF, v62;
	vm8 =	vle.f32 v10, v54  }
0x36d: {  	v29 =	vld [tilespmem:s2+$0x9DF0];
	v48 =	vimm.s32 $0x0;
	[tilespmem:$0x1F440] =	vst v36;
	v37 =	vsel vm8, $0xFFFFFFFF, v37;
	vm8 =	vge.f32 v11, v53  }
0x36e: {  	v31 =	vld [tilespmem:s2+$0xD950];
	v26 =	vsel vm0, v28, v26;
	[tilespmem:$0x1F450] =	vst v37;
	v37 =	vsel vm8, $0xFFFFFFFF, v63;
	vm8 =	vge.f32 v11, v52  }
0x36f: {  	v55 =	vld [tilespmem:s2+$0x7DE0];
	vm15 =	vge.f32 v8, v53;
	[tilespmem:$0x1F620] =	vst v37;
	v37 =	vsel vm8, $0xFFFFFFFF, v40;
	vm8 =	vge.f32 v12, v53  }
0x370: {  	v32 =	vld [tilespmem:s2+$0x8170];
	v49 =	vimm.s32 $0x0;
	[tilespmem:$0x1F460] =	vst v37;
	v38 =	vsel vm8, $0xFFFFFFFF, v38;
	vm8 =	vge.f32 v12, v52  }
0x371: {  	v33 =	vld [tilespmem:s2+$0x9F20];
	v50 =	vimm.s32 $0x0;
	[tilespmem:$0x1F650] =	vst v38;
	v38 =	vsel vm8, $0xFFFFFFFF, v41;
	vm8 =	vle.f32 v12, v54  }
0x372: {  	v59 =	vld [tilespmem:s2+$0xD6F0];
	v25 =	vsel vm7, v29, v25;
	[tilespmem:$0x1F470] =	vst v38;
	v39 =	vsel vm8, $0xFFFFFFFF, v39;
	vm8 =	vge.f32 v13, v53  }
0x373: {  	v56 =	vld [tilespmem:s2+$0x9B90];
	v29 =	vsel vm7, v31, v30;
	[tilespmem:$0x1F480] =	vst v39;
	v39 =	vsel vm8, $0xFFFFFFFF, v42;
	vm8 =	vge.f32 v13, v52  }
0x374: {  	v57 =	vld [tilespmem:s2+$0xB940];
	v40 =	vimm.s32 $0x0;
	[tilespmem:$0x1F700] =	vst v39;
	v39 =	vsel vm8, $0xFFFFFFFF, v43;
	vm8 =	vle.f32 v13, v54  }
0x375: {  	v28 =	vld [tilespmem:s2+$0xC190];
	v60 =	vimm.s32 $0x0;
	[tilespmem:$0x1F490] =	vst v39;
	v40 =	vsel vm8, $0xFFFFFFFF, v40;
	vm8 =	vge.f32 v14, v53  }
0x376: {  	v34 =	vld [tilespmem:s2+$0xBCD0];
	v31 =	vsel vm6, v33, v32;
	[tilespmem:$0x1F4A0] =	vst v40;
	v40 =	vsel vm8, $0xFFFFFFFF, v44;
	vm8 =	vge.f32 v14, v52  }
0x377: {  	v35 =	vld [tilespmem:s2+$0xDA80];
	v41 =	vimm.s32 $0x0;
	[tilespmem:$0x1F740] =	vst v40;
	v40 =	vsel vm8, $0xFFFFFFFF, v45;
	vm8 =	vle.f32 v14, v54  }
0x378: {  	v61 =	vimm.s32 $0x0;
	v36 =	vld [tilespmem:s2+$0x82A0];
	[tilespmem:$0x1F4B0] =	vst v40;
	v41 =	vsel vm8, $0xFFFFFFFF, v41;
	vm8 =	vge.f32 v15, v53  }
0x379: {  	v62 =	vimm.s32 $0x0;
	v37 =	vld [tilespmem:s2+$0xA050];
	[tilespmem:$0x1F4C0] =	vst v41;
	v41 =	vsel vm8, $0xFFFFFFFF, v46;
	vm8 =	vge.f32 v15, v52  }
0x37a: {  	v58 =	vld [tilespmem:$0x1F360];
	v42 =	vimm.s32 $0x0;
	[tilespmem:$0x1F750] =	vst v41;
	v41 =	vsel vm8, $0xFFFFFFFF, v47;
	vm8 =	vle.f32 v15, v54  }
0x37b: {  	v63 =	vimm.s32 $0x0;
	v38 =	vld [tilespmem:s2+$0xBE00];
	[tilespmem:$0x1F4D0] =	vst v41;
	v42 =	vsel vm8, $0xFFFFFFFF, v42;
	vm8 =	vge.f32 v16, v53  }
0x37c: {  	v32 =	vsel vm6, v35, v34;
	v39 =	vld [tilespmem:s2+$0xDBB0];
	[tilespmem:$0x1F4E0] =	vst v42;
	v42 =	vsel vm8, $0xFFFFFFFF, v48;
	vm8 =	vge.f32 v16, v52  }
0x37d: {  	v30 =	vld [tilespmem:s2+$0x8890];
	v43 =	vimm.s32 $0x0;
	[tilespmem:$0x1F770] =	vst v42;
	v42 =	vsel vm8, $0xFFFFFFFF, v49;
	vm8 =	vle.f32 v16, v54  }
0x37e: {  	v33 =	vld [tilespmem:s2+$0x8760];
	v34 =	vsel vm1, v37, v36;
	[tilespmem:$0x1F4F0] =	vst v42;
	v43 =	vsel vm8, $0xFFFFFFFF, v43;
	vm8 =	vge.f32 v17, v53  }
0x37f: {  	v36 =	vld [tilespmem:s2+$0xA510];
	v44 =	vimm.s32 $0x0;
	[tilespmem:$0x1F500] =	vst v43;
	v43 =	vsel vm8, $0xFFFFFFFF, v50;
	vm8 =	vge.f32 v17, v52  }
0x380: {  	v45 =	vimm.s32 $0x0;
	v40 =	vld [tilespmem:s2+$0x83D0];
	[tilespmem:$0x1F790] =	vst v43;
	v43 =	vsel vm8, $0xFFFFFFFF, v60;
	vm8 =	vle.f32 v17, v54  }
0x381: {  	v35 =	vsel vm1, v39, v38;
	v39 =	vld [tilespmem:s2+$0xC2C0];
	[tilespmem:$0x1F510] =	vst v43;
	v44 =	vsel vm8, $0xFFFFFFFF, v44;
	vm8 =	vge.f32 v18, v53  }
0x382: {  	v46 =	vimm.s32 $0x0;
	v42 =	vld [tilespmem:s2+$0xBF30];
	[tilespmem:$0x1F520] =	vst v44;
	v44 =	vsel vm8, $0xFFFFFFFF, v61;
	vm8 =	vge.f32 v18, v52  }
0x383: {  	v47 =	vimm.s32 $0x0;
	v43 =	vld [tilespmem:s2+$0xDCE0];
	[tilespmem:$0x1F7B0] =	vst v44;
	v44 =	vsel vm8, $0xFFFFFFFF, v62;
	vm8 =	vle.f32 v18, v54  }
0x384: {  	v33 =	vsel vm15, v36, v33;
	v36 =	vld [tilespmem:s2+$0xC3F0];
	[tilespmem:$0x1F530] =	vst v44;
	v45 =	vsel vm8, $0xFFFFFFFF, v45;
	vm8 =	vge.f32 v19, v53  }
0x385: {  	v41 =	vld [tilespmem:s2+$0xA180];
	v48 =	vimm.s32 $0x0;
	[tilespmem:$0x1F540] =	vst v45;
	v45 =	vsel vm8, $0xFFFFFFFF, v63;
	vm8 =	vge.f32 v19, v52  }
0x386: {  	v49 =	vimm.s32 $0x0;
	v44 =	vld [tilespmem:s2+$0x8500];
	[tilespmem:$0x1F7D0] =	vst v45;
	v45 =	vsel vm8, $0xFFFFFFFF, v48;
	vm8 =	vle.f32 v19, v54  }
0x387: {  	v50 =	vimm.s32 $0x0;
	[tilespmem:$0x1F550] =	vst v45;
	v45 =	vld [tilespmem:s2+$0xA2B0];
	v46 =	vsel vm8, $0xFFFFFFFF, v46;
	vm8 =	vge.f32 v20, v53  }
0x388: {  	v38 =	vsel vm2, v43, v42;
	v42 =	vld [tilespmem:s2+$0xE070];
	[tilespmem:$0x1F560] =	vst v46;
	v46 =	vsel vm8, $0xFFFFFFFF, v49;
	vm8 =	vge.f32 v20, v52  }
0x389: {  	v60 =	vimm.s32 $0x0;
	[tilespmem:$0x1F7F0] =	vst v46;
	v46 =	vsel vm8, $0xFFFFFFFF, v50;
	v50 =	vsel vm3, v59, v57;
	v57 =	vld [tilespmem:$0x1F350]  }
0x38a: {  	v37 =	vsel vm2, v41, v40;
	v61 =	vimm.s32 $0x0;
	vm8 =	vle.f32 v20, v54;
	v59 =	vld [tilespmem:$0x1F370]  }
0x38b: {  	v62 =	vimm.s32 $0x0;
	[tilespmem:$0x1F580] =	vst v46;
	v46 =	vld [tilespmem:s2+$0xC060];
	v47 =	vsel vm8, $0xFFFFFFFF, v47;
	vm8 =	vge.f32 v21, v53  }
0x38c: {  	[tilespmem:$0x1F590] =	vst v47;
	v47 =	vsel vm8, $0xFFFFFFFF, v60;
	vm8 =	vge.f32 v21, v52;
	v40 =	vsel vm14, v45, v44;
	v44 =	vld [tilespmem:s2+$0xA640]  }
0x38d: {  	v48 =	vimm.s32 $0x0;
	[tilespmem:$0x1F810] =	vst v47;
	v47 =	vsel vm8, $0xFFFFFFFF, v61;
	vm8 =	vle.f32 v21, v54;
	v45 =	vld [tilespmem:s2+$0xE1A0]  }
0x38e: {  	v63 =	vimm.s32 $0x0;
	[tilespmem:$0x1F5A0] =	vst v47;
	v47 =	vld [tilespmem:s2+$0xDE10];
	v48 =	vsel vm8, $0xFFFFFFFF, v48;
	vm8 =	vge.f32 v22, v53  }
0x38f: {  	[tilespmem:$0x1F5B0] =	vst v48;
	v48 =	vsel vm8, $0xFFFFFFFF, v62;
	vm8 =	vge.f32 v22, v52;
	vm6 =	vnez.u8 v59;
	v59 =	vld [tilespmem:$0x1F420]  }
0x390: {  	v49 =	vimm.s32 $0x0;
	[tilespmem:$0x1F830] =	vst v48;
	v48 =	vsel vm8, $0xFFFFFFFF, v63;
	vm8 =	vle.f32 v22, v54;
	v63 =	vld [tilespmem:$0x1F330]  }
0x391: {  	[tilespmem:$0x1F5C0] =	vst v48;
	v48 =	vld [tilespmem:s2+$0x8630];
	v49 =	vsel vm8, $0xFFFFFFFF, v49;
	vm8 =	vge.f32 v23, v53;
	v53 =	vimm.s32 $0x0  }
0x392: {  	v60 =	vimm.s32 $0x0;
	[tilespmem:$0x1F5D0] =	vst v49;
	v49 =	vsel vm8, $0xFFFFFFFF, v53;
	vm8 =	vge.f32 v23, v52;
	v52 =	vld [tilespmem:s2+$0xA3E0]  }
0x393: {  	[tilespmem:$0x1F850] =	vst v49;
	v49 =	vsel vm8, $0xFFFFFFFF, v60;
	v60 =	vld [tilespmem:$0x1F380]  }
0x394: {  	vm12 =	vle.f32 v0, v54;
	vm9 =	vle.f32 v11, v54;
	vm8 =	vle.f32 v23, v54;
	v54 =	vld [tilespmem:$0x1F3D0]  }
0x395: {  	[tilespmem:$0x1F5E0] =	vst v49;
	v49 =	vsel vm3, v56, v55;
	v55 =	vld [tilespmem:s2+$0xDF40]  }
0x396: {  	vm10 =	vmand vm10, vm12;
	v61 =	vimm.s32 $0x0;
	v56 =	vld [tilespmem:$0x1F340]  }
0x397: {  	v34 =	vsel vm4, v35, v34;
	v41 =	vsel vm14, v47, v46;
	v53 =	vsel vm8, $0xFFFFFFFF, v61;
	v61 =	vld [tilespmem:$0x1F390]  }
0x398: {  	v35 =	vsel vm4, v38, v37;
	v62 =	vimm.s32 $0x0;
	v38 =	vsel vm4, v41, v40;
	v41 =	vld [tilespmem:s2+$0xC8B0]  }
0x399: {  	[tilespmem:$0x1F5F0] =	vst v53;
	v53 =	vsel vm10, $0xFFFFFFFF, v62;
	v62 =	vld [tilespmem:$0x1F3A0]  }
0x39a: {  	vm12 =	vnez.u8 v63;
	v63 =	vld [tilespmem:$0x1F3B0]  }
0x39b: {  	vm10 =	vnez.u8 v57;
	v57 =	vld [tilespmem:$0x1F400]  }
0x39c: {  	[tilespmem:$0x1F600] =	vst v53;
	v53 =	vld [tilespmem:$0x1F3C0]  }
0x39d: {  	vm12 =	vmand vm11, vm12;
	vm11 =	vnez.u8 v58;
	v58 =	vld [tilespmem:$0x1F410]  }
0x39e: {  	v43 =	vsel vm13, v52, v48;
	v48 =	vld [tilespmem:$0x1F470]  }
0x39f: {  	v52 =	vld [tilespmem:$0x1F480]  }
0x3a0: {  	vm7 =	vnez.u8 v60;
	v60 =	vld [tilespmem:$0x1F430]  }
0x3a1: {  	vm14 =	vnez.u8 v54;
	v54 =	vld [tilespmem:$0x1F490]  }
0x3a2: {  	v28 =	vsel vm13, v55, v28;
	v55 =	vld [tilespmem:$0x1F3E0]  }
0x3a3: {  	vm8 =	vnez.u8 v56;
	v56 =	vld [tilespmem:$0x1F3F0]  }
0x3a4: {  	vm8 =	vmand vm8, vm10;
	vm10 =	vnez.u8 v61;
	v61 =	vld [tilespmem:$0x1F440]  }
0x3a5: {  	vm6 =	vmand vm11, vm6;
	vm11 =	vnez.u8 v62;
	v62 =	vld [tilespmem:$0x1F450]  }
0x3a6: {  	vm13 =	vnez.u8 v57;
	v57 =	vld [tilespmem:$0x1F4B0];
	vm7 =	vmand vm7, vm10;
	vm10 =	vnez.u8 v63  }
0x3a7: {  	v63 =	vld [tilespmem:$0x1F460];
	vm0 =	vmand vm11, vm10;
	vm11 =	vnez.u8 v53  }
0x3a8: {  	vm2 =	vmand vm11, vm14;
	vm14 =	vnez.u8 v58;
	v58 =	vld [tilespmem:$0x1F4C0]  }
0x3a9: {  	vm10 =	vnez.u8 v55;
	vm3 =	vmand vm13, vm14;
	vm13 =	vmmov vm15;
	v55 =	vld [tilespmem:$0x1F4A0]  }
0x3aa: {  	vm11 =	vnez.u8 v56;
	v39 =	vsel vm13, v42, v39;
	v42 =	vld [tilespmem:s2+$0x89C0]  }
0x3ab: {  	vm1 =	vmand vm10, vm11;
	vm11 =	vnez.u8 v59;
	vm10 =	vnez.u8 v60;
	v60 =	vld [tilespmem:$0x1F4D0]  }
0x3ac: {  	vm14 =	vmand vm11, vm10;
	vm11 =	vnez.u8 v61;
	vm10 =	vnez.u8 v62;
	v61 =	vld [tilespmem:$0x1F4E0]  }
0x3ad: {  	v33 =	vsel vm4, v39, v33;
	v39 =	vld [tilespmem:s2+$0x8D50];
	vm11 =	vmand vm11, vm10;
	vm10 =	vnez.u8 v63  }
0x3ae: {  	v63 =	vld [tilespmem:$0x1F4F0];
	vm15 =	vmand vm10, vm9;
	vm9 =	vnez.u8 v48;
	vm10 =	vnez.u8 v52  }
0x3af: {  	v53 =	vimm.s32 $0x0;
	v48 =	vld [tilespmem:$0x1F500];
	vm9 =	vmand vm9, vm10  }
0x3b0: {  	vm10 =	vnez.u8 v55;
	v46 =	vsel vm9, $0xFFFFFFFF, v53;
	vm9 =	vnez.u8 v54;
	v53 =	vld [tilespmem:$0x1F510]  }
0x3b1: {  	v56 =	vimm.s32 $0x0;
	v54 =	vld [tilespmem:$0x1F520];
	vm9 =	vmand vm9, vm10  }
0x3b2: {  	[tilespmem:$0x1F630] =	vst v46;
	vm10 =	vnez.u8 v58;
	v46 =	vsel vm9, $0xFFFFFFFF, v56;
	vm9 =	vnez.u8 v57;
	v56 =	vld [tilespmem:$0x1F530]  }
0x3b3: {  	v59 =	vimm.s32 $0x0;
	v57 =	vld [tilespmem:$0x1F540];
	vm9 =	vmand vm9, vm10  }
0x3b4: {  	[tilespmem:$0x1F640] =	vst v46;
	v46 =	vsel vm9, $0xFFFFFFFF, v59;
	v59 =	vld [tilespmem:$0x1F550]  }
0x3b5: {  	vm13 =	vnez.u8 v61;
	vm9 =	vnez.u8 v60;
	v60 =	vld [tilespmem:$0x1F560]  }
0x3b6: {  	v62 =	vimm.s32 $0x0;
	vm9 =	vmand vm9, vm13;
	vm13 =	vnez.u8 v48;
	v48 =	vld [tilespmem:$0x1F590]  }
0x3b7: {  	[tilespmem:$0x1F660] =	vst v46;
	v46 =	vsel vm9, $0xFFFFFFFF, v62;
	v62 =	vld [tilespmem:$0x1F570]  }
0x3b8: {  	vm9 =	vnez.u8 v63;
	v63 =	vld [tilespmem:$0x1F580]  }
0x3b9: {  	v52 =	vimm.s32 $0x0;
	vm9 =	vmand vm9, vm13;
	vm13 =	vnez.u8 v54;
	v54 =	vld [tilespmem:$0x1F5B0]  }
0x3ba: {  	[tilespmem:$0x1F670] =	vst v46;
	v46 =	vsel vm9, $0xFFFFFFFF, v52;
	vm9 =	vnez.u8 v53;
	v53 =	vld [tilespmem:$0x1F5A0]  }
0x3bb: {  	[tilespmem:$0x1F680] =	vst v46;
	v46 =	vld [tilespmem:s2+$0xA770]  }
0x3bc: {  	vm9 =	vmand vm9, vm13;
	vm13 =	vnez.u8 v57;
	v57 =	vld [tilespmem:$0x1F5D0]  }
0x3bd: {  	v55 =	vimm.s32 $0x0;
	vm10 =	vnez.u8 v48;
	v48 =	vld [tilespmem:s2+$0xE2D0]  }
0x3be: {  	v26 =	vsel vm4, v26, v27;
	v47 =	vsel vm9, $0xFFFFFFFF, v55;
	vm9 =	vnez.u8 v56;
	v56 =	vld [tilespmem:$0x1F5C0]  }
0x3bf: {  	v58 =	vimm.s32 $0x0;
	vm9 =	vmand vm9, vm13;
	vm13 =	vnez.u8 v60;
	v60 =	vld [tilespmem:$0x1F5F0]  }
0x3c0: {  	v61 =	vimm.s32 $0x0;
	[tilespmem:$0x1F690] =	vst v47;
	v47 =	vsel vm9, $0xFFFFFFFF, v58;
	vm9 =	vnez.u8 v59;
	v59 =	vld [tilespmem:$0x1F5E0]  }
0x3c1: {  	v52 =	vimm.s32 $0x0;
	vm9 =	vmand vm9, vm13;
	vm13 =	vnez.u8 v62;
	v62 =	vld [tilespmem:$0x1F600]  }
0x3c2: {  	[tilespmem:$0x1F6A0] =	vst v47;
	v47 =	vsel vm9, $0xFFFFFFFF, v61;
	v30 =	vsel vm13, v44, v30;
	v44 =	vld [tilespmem:s2+$0xC520];
	vm9 =	vnez.u8 v63  }
0x3c3: {  	v27 =	vsel vm13, v45, v36;
	vm13 =	vmand vm5, vm12;
	v36 =	vld [tilespmem:s2+$0x8E80];
	vm9 =	vmand vm9, vm10  }
0x3c4: {  	[tilespmem:$0x1F6B0] =	vst v47;
	vm10 =	vnez.u8 v54;
	v54 =	vld [tilespmem:s2+$0xA8A0];
	v47 =	vsel vm9, $0xFFFFFFFF, v52;
	vm9 =	vnez.u8 v53  }
0x3c5: {  	v52 =	vimm.s32 $0x0;
	vm9 =	vmand vm9, vm10;
	vm10 =	vnez.u8 v57;
	v57 =	vld [tilespmem:s2+$0xE400]  }
0x3c6: {  	v55 =	vimm.s32 $0x0;
	v45 =	vsel vm13, $0xFFFFFFFF, v52;
	v52 =	vld [tilespmem:$0x1F680]  }
0x3c7: {  	[tilespmem:$0x1F6C0] =	vst v47;
	v47 =	vsel vm9, $0xFFFFFFFF, v55;
	v55 =	vld [tilespmem:$0x1F610]  }
0x3c8: {  	vm9 =	vnez.u8 v56;
	v56 =	vld [tilespmem:s2+$0xC650]  }
0x3c9: {  	[tilespmem:$0x1F720] =	vst v45;
	v45 =	vld [tilespmem:$0x1F640]  }
0x3ca: {  	v58 =	vimm.s32 $0x0;
	[tilespmem:$0x1F6D0] =	vst v47;
	v47 =	vsel vm4, v50, v49;
	vm9 =	vmand vm9, vm10;
	v50 =	vld [tilespmem:s2+$0x8AF0]  }
0x3cb: {  	vm10 =	vnez.u8 v60;
	v60 =	vld [tilespmem:s2+$0xA9D0];
	v49 =	vsel vm9, $0xFFFFFFFF, v58;
	vm9 =	vnez.u8 v59  }
0x3cc: {  	v61 =	vimm.s32 $0x0;
	v59 =	vld [tilespmem:s2+$0x8C20];
	vm9 =	vmand vm9, vm10  }
0x3cd: {  	[tilespmem:$0x1F6E0] =	vst v49;
	v49 =	vsel vm9, $0xFFFFFFFF, v61;
	vm9 =	vnez.u8 v62;
	v61 =	vld [tilespmem:$0x1F620]  }
0x3ce: {  	v63 =	vimm.s32 $0x0;
	v62 =	vld [tilespmem:s2+$0xC780];
	vm9 =	vmand vm5, vm9  }
0x3cf: {  	vm13 =	vmand vm5, vm6;
	[tilespmem:$0x1F710] =	vst v49;
	vm6 =	vnez.u8 v55;
	v49 =	vsel vm9, $0xFFFFFFFF, v63;
	v63 =	vld [tilespmem:s2+$0xE530]  }
0x3d0: {  	v58 =	vsel vm6, v48, v44;
	v44 =	vld [tilespmem:$0x1F630]  }
0x3d1: {  	v25 =	vsel vm4, v29, v25;
	v31 =	vsel vm4, v32, v31;
	v32 =	vsel vm6, v46, v42;
	v46 =	vld [tilespmem:$0x1F650]  }
0x3d2: {  	vm8 =	vmand vm5, vm8;
	vm12 =	vmand vm5, vm7;
	vm7 =	vmand vm5, vm1;
	v48 =	vld [tilespmem:$0x1F660]  }
0x3d3: {  	v53 =	vimm.s32 $0x0;
	vm6 =	vmand vm5, vm11;
	vm11 =	vnez.u8 v45;
	v45 =	vld [tilespmem:$0x1F6E0]  }
0x3d4: {  	v27 =	vsel vm4, v27, v30;
	v29 =	vsel vm8, $0xFFFFFFFF, v53;
	vm8 =	vmand vm5, vm0;
	[tilespmem:$0x1F6F0] =	vst v49;
	v49 =	vld [tilespmem:$0x1F670]  }
0x3d5: {  	vm10 =	vmand vm5, vm3;
	v30 =	vsel vm4, v58, v32;
	v58 =	vld [tilespmem:$0x1F6B0];
	vm0 =	vnez.u8 v61  }
0x3d6: {  	[tilespmem:$0x1F730] =	vst v29;
	vm3 =	vmand vm5, vm14;
	vm14 =	vmand vm5, vm15;
	v29 =	vsel vm0, v54, v50;
	v54 =	vld [tilespmem:$0x1F690]  }
0x3d7: {  	vm9 =	vmand vm5, vm2;
	vm2 =	vmand vm5, vm11;
	v37 =	vsel vm0, v57, v56;
	v56 =	vld [tilespmem:$0x1F6A0]  }
0x3d8: {  	v29 =	vsel vm4, v37, v29;
	vm15 =	vnez.u8 v44;
	v37 =	vld [tilespmem:s2+$0xAB00];
	vm0 =	vnez.u8 v46  }
0x3d9: {  	vm1 =	vmand vm5, vm15;
	v40 =	vsel vm0, v60, v59;
	vm15 =	vnez.u8 v48;
	v60 =	vld [tilespmem:$0x1F6C0]  }
0x3da: {  	v32 =	vsel vm0, v63, v62;
	v62 =	vld [tilespmem:$0x1F6D0];
	vm11 =	vmand vm5, vm15;
	vm15 =	vnez.u8 v49  }
0x3db: {  	v50 =	vimm.s32 $0x0;
	v48 =	vld [tilespmem:$0x1F6F0];
	vm15 =	vmand vm5, vm15  }
0x3dc: {  	v32 =	vsel vm4, v32, v40;
	v40 =	vld [tilespmem:s2+$0xAC30];
	v42 =	vsel vm15, $0xFFFFFFFF, v50;
	vm15 =	vnez.u8 v52  }
0x3dd: {  	v53 =	vimm.s32 $0x0;
	v49 =	vld [tilespmem:$0x1F700];
	vm15 =	vmand vm5, vm15  }
0x3de: {  	v28 =	vsel vm4, v28, v43;
	v50 =	vld [tilespmem:s2+$0xC9E0];
	v43 =	vsel vm15, $0xFFFFFFFF, v53;
	vm15 =	vnez.u8 v54  }
0x3df: {  	v55 =	vimm.s32 $0x0;
	v52 =	vld [tilespmem:$0x1F710];
	[tilespmem:$0x1F760] =	vst v42;
	vm15 =	vmand vm5, vm15  }
0x3e0: {  	v42 =	vld [tilespmem:s2+$0xE660];
	[tilespmem:$0x1F780] =	vst v43;
	v43 =	vsel vm15, $0xFFFFFFFF, v55;
	vm15 =	vnez.u8 v56  }
0x3e1: {  	v57 =	vimm.s32 $0x0;
	v53 =	vld [tilespmem:$0x1F720];
	vm15 =	vmand vm5, vm15  }
0x3e2: {  	v54 =	vld [tilespmem:$0x1F730];
	v56 =	vnsel vm8, $0x0, v35;
	[tilespmem:$0x1F7A0] =	vst v43;
	v43 =	vsel vm15, $0xFFFFFFFF, v57;
	vm15 =	vnez.u8 v58  }
0x3e3: {  	v59 =	vimm.s32 $0x0;
	v55 =	vld [tilespmem:s2+$0xE790];
	[tilespmem:s2+$0x11840] =	vst v56;
	vm0 =	vmand vm5, vm15;
	vm15 =	vnez.u8 v60  }
0x3e4: {  	v61 =	vimm.s32 $0x0;
	v56 =	vld [tilespmem:s2+$0x9340];
	[tilespmem:$0x1F7C0] =	vst v43;
	v43 =	vsel vm0, $0xFFFFFFFF, v59;
	vm0 =	vmand vm5, vm15  }
0x3e5: {  	[tilespmem:$0x1F7E0] =	vst v43;
	v43 =	vsel vm0, $0xFFFFFFFF, v61;
	v61 =	vld [tilespmem:$0x1F740]  }
0x3e6: {  	v58 =	vld [tilespmem:s2+$0x8FB0];
	v60 =	vnsel vm10, $0x0, v33;
	vm15 =	vnez.u8 v62  }
0x3e7: {  	v63 =	vimm.s32 $0x0;
	v59 =	vld [tilespmem:s2+$0xAD60];
	[tilespmem:s2+$0x11BD0] =	vst v60;
	vm0 =	vmand vm5, vm15;
	vm15 =	vnez.u8 v45  }
0x3e8: {  	v46 =	vimm.s32 $0x0;
	v62 =	vld [tilespmem:s2+$0xCB10];
	[tilespmem:$0x1F800] =	vst v43;
	v43 =	vsel vm0, $0xFFFFFFFF, v63;
	vm0 =	vmand vm5, vm15  }
0x3e9: {  	v60 =	vld [tilespmem:$0x1F7A0];
	vm15 =	vnez.u8 v48;
	[tilespmem:$0x1F820] =	vst v43;
	v43 =	vsel vm0, $0xFFFFFFFF, v46  }
0x3ea: {  	v28 =	vnsel vm7, $0x0, v28;
	[tilespmem:$0x1F840] =	vst v43;
	v43 =	vnsel vm15, $0x0, v47;
	v47 =	vld [tilespmem:$0x1F750];
	vm8 =	vnez.u8 v61  }
0x3eb: {  	[tilespmem:s2+$0x11AA0] =	vst v28;
	v27 =	vnsel vm3, $0x0, v27;
	vm15 =	vnez.u8 v52;
	v33 =	vsel vm8, v40, v36;
	v40 =	vld [tilespmem:s2+$0xE8C0]  }
0x3ec: {  	[tilespmem:s2+$0x11D00] =	vst v27;
	v63 =	vnsel vm1, $0x0, v32;
	v52 =	vld [tilespmem:$0x1F760];
	vm5 =	vmand vm5, vm15;
	vm15 =	vnez.u8 v53  }
0x3ed: {  	v45 =	vld [tilespmem:s2+$0x90E0];
	[tilespmem:s2+$0x12090] =	vst v63;
	v26 =	vnsel vm15, $0x0, v26;
	vm15 =	vnez.u8 v54  }
0x3ee: {  	v48 =	vld [tilespmem:s2+$0xCC40];
	vm0 =	vnez.u8 v49;
	v25 =	vnsel vm15, $0x0, v25;
	[tilespmem:s2+$0x11380] =	vst v26  }
0x3ef: {  	v46 =	vld [tilespmem:s2+$0xAE90];
	v26 =	vnsel vm12, $0x0, v34;
	[tilespmem:s2+$0x114B0] =	vst v25;
	v25 =	vnsel vm9, $0x0, v38;
	vm9 =	vnez.u8 v47  }
0x3f0: {  	v49 =	vld [tilespmem:s2+$0xE9F0];
	[tilespmem:s2+$0x11710] =	vst v26;
	v26 =	vnsel vm6, $0x0, v30;
	v28 =	vsel vm9, v59, v58;
	v27 =	vsel vm9, v40, v62  }
0x3f1: {  	v63 =	vld [tilespmem:s2+$0xB350];
	[tilespmem:s2+$0x11E30] =	vst v26;
	vm10 =	vnez.u8 v52;
	v26 =	vsel vm4, v27, v28  }
0x3f2: {  	v37 =	vsel vm0, v37, v39;
	v39 =	vld [tilespmem:s2+$0x96D0];
	v26 =	vnsel vm10, $0x0, v26  }
0x3f3: {  	[tilespmem:s2+$0x12420] =	vst v26;
	v26 =	vld [tilespmem:$0x1F780]  }
0x3f4: {  	v53 =	vld [tilespmem:$0x1F770]  }
0x3f5: {  	v57 =	vsel vm0, v42, v41;
	v41 =	vld [tilespmem:$0x1F7E0]  }
0x3f6: {  	v35 =	vsel vm4, v57, v37;
	v57 =	vld [tilespmem:s2+$0xB0F0]  }
0x3f7: {  	v44 =	vsel vm8, v55, v50;
	v50 =	vld [tilespmem:s2+$0x9210]  }
0x3f8: {  	[tilespmem:s2+$0x11970] =	vst v25;
	v25 =	vsel vm4, v44, v33;
	vm12 =	vnez.u8 v26;
	v26 =	vld [tilespmem:$0x1F790]  }
0x3f9: {  	v31 =	vnsel vm13, $0x0, v31;
	v25 =	vnsel vm11, $0x0, v25;
	vm11 =	vnez.u8 v53;
	v27 =	vld [tilespmem:s2+$0xAFC0]  }
0x3fa: {  	[tilespmem:s2+$0x115E0] =	vst v31;
	v37 =	vld [tilespmem:$0x1F7D0];
	v31 =	vsel vm11, v49, v48;
	v28 =	vsel vm11, v46, v45  }
0x3fb: {  	v54 =	vld [tilespmem:s2+$0xCD70];
	[tilespmem:s2+$0x122F0] =	vst v25;
	v25 =	vsel vm4, v31, v28  }
0x3fc: {  	v61 =	vld [tilespmem:$0x1F7B0];
	v25 =	vnsel vm12, $0x0, v25  }
0x3fd: {  	[tilespmem:s2+$0x12550] =	vst v25;
	v25 =	vld [tilespmem:s2+$0xEC50];
	vm13 =	vnez.u8 v26  }
0x3fe: {  	v26 =	vsel vm13, v27, v50;
	v27 =	vld [tilespmem:s2+$0xCEA0]  }
0x3ff: {  	v36 =	vld [tilespmem:$0x1F7C0]  }
0x400: {  	v42 =	vnsel vm2, $0x0, v35;
	v55 =	vld [tilespmem:s2+$0xEB20]  }
0x401: {  	[tilespmem:s2+$0x121C0] =	vst v42;
	v42 =	vld [tilespmem:$0x1F7F0]  }
0x402: {  	v38 =	vld [tilespmem:s2+$0xD100];
	vm15 =	vnez.u8 v61  }
0x403: {  	v44 =	vld [tilespmem:s2+$0x9800];
	v28 =	vsel vm15, v57, v56;
	v25 =	vsel vm15, v25, v27  }
0x404: {  	v58 =	vld [tilespmem:s2+$0x9470];
	vm6 =	vnez.u8 v36;
	v25 =	vsel vm4, v25, v28  }
0x405: {  	v27 =	vld [tilespmem:s2+$0x95A0];
	v25 =	vnsel vm6, $0x0, v25  }
0x406: {  	v29 =	vnsel vm14, $0x0, v29;
	[tilespmem:s2+$0x127B0] =	vst v25;
	v25 =	vld [tilespmem:s2+$0xEEB0]  }
0x407: {  	[tilespmem:s2+$0x11F60] =	vst v29;
	v45 =	vld [tilespmem:$0x1F800];
	v29 =	vsel vm13, v55, v54  }
0x408: {  	vm14 =	vnez.u8 v60;
	v59 =	vld [tilespmem:s2+$0xB220];
	v26 =	vsel vm4, v29, v26  }
0x409: {  	v62 =	vld [tilespmem:s2+$0xCFD0];
	v26 =	vnsel vm14, $0x0, v26  }
0x40a: {  	vm9 =	vnez.u8 v42;
	[tilespmem:s2+$0x12680] =	vst v26;
	v26 =	vld [tilespmem:s2+$0xED80]  }
0x40b: {  	v47 =	vld [tilespmem:s2+$0xD360];
	v27 =	vsel vm9, v63, v27;
	v25 =	vsel vm9, v25, v38  }
0x40c: {  	v52 =	vld [tilespmem:$0x1F830];
	vm10 =	vnez.u8 v45;
	v25 =	vsel vm4, v25, v27  }
0x40d: {  	v27 =	vld [tilespmem:s2+$0xB5B0];
	v25 =	vnsel vm10, $0x0, v25  }
0x40e: {  	vm7 =	vnez.u8 v37;
	[tilespmem:s2+$0x12A10] =	vst v25;
	v25 =	vld [tilespmem:s2+$0xF110]  }
0x40f: {  	[tilespmem:s2+$0x11250] =	vst v43;
	v43 =	vld [tilespmem:s2+$0xD230];
	v29 =	vsel vm7, v59, v58;
	v26 =	vsel vm7, v26, v62  }
0x410: {  	vm8 =	vnez.u8 v41;
	v40 =	vld [tilespmem:s2+$0xB480];
	v26 =	vsel vm4, v26, v29  }
0x411: {  	v46 =	vld [tilespmem:$0x1F810];
	v26 =	vnsel vm8, $0x0, v26  }
0x412: {  	vm13 =	vnez.u8 v52;
	[tilespmem:s2+$0x128E0] =	vst v26;
	v26 =	vld [tilespmem:s2+$0xEFE0]  }
0x413: {  	v50 =	vld [tilespmem:$0x1F820];
	v27 =	vsel vm13, v27, v44;
	v25 =	vsel vm13, v25, v47  }
0x414: {  	v25 =	vsel vm4, v25, v27;
	v27 =	vld [tilespmem:$0x1F840];
	_ =	sdelay $0x1  }
0x415: {  	v53 =	vld [tilespmem:s2+$0xD490];
	vm11 =	vnez.u8 v46  }
0x416: {  	v48 =	vld [tilespmem:s2+$0x9930];
	v29 =	vsel vm11, v40, v39;
	v26 =	vsel vm11, v26, v43  }
0x417: {  	v49 =	vld [tilespmem:s2+$0xB6E0];
	vm12 =	vnez.u8 v50;
	v26 =	vsel vm4, v26, v29  }
0x418: {  	v26 =	vnsel vm12, $0x0, v26;
	vm14 =	vnez.u8 v27;
	v27 =	vld [tilespmem:$0x1F850]  }
0x419: {  	s9 =	sshra.s32 s8, $0x2;
	[tilespmem:s2+$0x12B40] =	vst v26;
	v26 =	vld [tilespmem:s2+$0xF240]  }
0x41a: {  	v56 =	vld [tilespmem:s9+$0x5F0]  }
0x41b: {  	v60 =	vld [tilespmem:s9+$0x9A60]  }
0x41c: {  	p0 =	sne.s32 s8, $0x440;
	v61 =	vld [tilespmem:s9+$0xB810];
	v25 =	vnsel vm14, $0x0, v25  }
.Ltmp2:
0x41d: {  	v62 =	vld [tilespmem:s9+$0xD5C0];
	[tilespmem:s2+$0x12C70] =	vst v25;
	vm15 =	vnez.u8 v27;
	(pc) =	sbr.rel @p0 .LBB2_7-.Ltmp2, $4  }
0x41e: {  	v57 =	vld [tilespmem:s9+$0x130];
	v27 =	vsel vm15, v49, v48;
	v25 =	vsel vm15, v26, v53  }
0x41f: {  	v58 =	vld [tilespmem:s9+$0x390];
	v25 =	vsel vm4, v25, v27  }
0x420: {  	v52 =	vld [tilespmem:s9+$0x0];
	v25 =	vnsel vm5, $0x0, v25  }
0x421: {  	s8 =	sadd.s32 $0x40, s8;
	v53 =	vld [tilespmem:s9+$0x4C0];
	[tilespmem:s2+$0x12DA0] =	vst v25;
	s2 =	smov.u32 s9  }
0x422: {  	v54 =	vld [tilespmem:s2+$0x260]  }
0x423: {  	v25 =	vld [tilespmem:s2+$0xF370];
	_ =	sdelay $0x1  }
0x424: {  	vm1 =	vge.f32 v51, v57;
	vm2 =	vle.f32 v51, v58  }
0x425: {  	vm0 =	vge.f32 v51, v56;
	vm1 =	vmand vm1, vm2  }
0x426: {  	vm15 =	vge.f32 v24, v52;
	vm3 =	vge.f32 v24, v53;
	vm4 =	vle.f32 v24, v54  }
0x427: {  	v31 =	vsel vm3, v61, v60;
	v25 =	vsel vm3, v25, v62;
	vm2 =	vmand vm15, vm4  }
0x428: {  	v25 =	vsel vm0, v25, v31;
	vm2 =	vmand vm1, vm2  }
0x429: {  	v26 =	vld [tilespmem:s2+$0x7DE0];
	v25 =	vnsel vm2, $0x0, v25  }
0x42a: {  	[tilespmem:s2+$0x12ED0] =	vst v25;
	v25 =	vld [tilespmem:s2+$0x8890]  }
0x42b: {  	v30 =	vld [tilespmem:s2+$0x9B90]  }
0x42c: {  	v27 =	vld [tilespmem:s2+$0xB940]  }
0x42d: {  	v32 =	vld [tilespmem:s2+$0x9CC0]  }
0x42e: {  	v33 =	vld [tilespmem:s2+$0xD820]  }
0x42f: {  	[tilespmem:$0x1F280] =	vst v25;
	v25 =	vld [tilespmem:s2+$0xC3F0]  }
0x430: {  	v34 =	vld [tilespmem:s2+$0x9DF0]  }
0x431: {  	v35 =	vld [tilespmem:s2+$0xBBA0]  }
0x432: {  	v36 =	vld [tilespmem:s2+$0xD950]  }
0x433: {  	v37 =	vld [tilespmem:s2+$0x8170]  }
0x434: {  	[tilespmem:$0x1F290] =	vst v25;
	v25 =	vld [tilespmem:s2+$0xE1A0]  }
0x435: {  	v38 =	vld [tilespmem:s2+$0x9F20]  }
0x436: {  	v39 =	vld [tilespmem:s2+$0xBCD0]  }
0x437: {  	v40 =	vld [tilespmem:s2+$0xDA80]  }
0x438: {  	v41 =	vld [tilespmem:s2+$0x82A0]  }
0x439: {  	[tilespmem:$0x1F2A0] =	vst v25;
	v25 =	vld [tilespmem:s2+$0x89C0]  }
0x43a: {  	v42 =	vld [tilespmem:s2+$0xA050]  }
0x43b: {  	v43 =	vld [tilespmem:s2+$0xBE00]  }
0x43c: {  	v44 =	vld [tilespmem:s2+$0xDBB0]  }
0x43d: {  	v45 =	vld [tilespmem:s2+$0x83D0]  }
0x43e: {  	[tilespmem:$0x1F2B0] =	vst v25;
	v25 =	vld [tilespmem:s2+$0xA770]  }
0x43f: {  	v46 =	vld [tilespmem:s2+$0xA180]  }
0x440: {  	v47 =	vld [tilespmem:s2+$0xBF30]  }
0x441: {  	v48 =	vld [tilespmem:s2+$0xDCE0]  }
0x442: {  	v49 =	vld [tilespmem:s2+$0x8500]  }
0x443: {  	[tilespmem:$0x1F2C0] =	vst v25;
	v25 =	vld [tilespmem:s2+$0xC520]  }
0x444: {  	v50 =	vld [tilespmem:s2+$0xA2B0]  }
0x445: {  	v55 =	vld [tilespmem:s2+$0xC060]  }
0x446: {  	v56 =	vld [tilespmem:s2+$0xDE10]  }
0x447: {  	v59 =	vld [tilespmem:s2+$0xC190]  }
0x448: {  	[tilespmem:$0x1F2D0] =	vst v25;
	v25 =	vld [tilespmem:s2+$0xE2D0]  }
0x449: {  	v63 =	vld [tilespmem:s2+$0xC2C0]  }
0x44a: {  	v28 =	vld [tilespmem:s2+$0xE070]  }
0x44b: {  	[tilespmem:$0x1F250] =	vst v27;
	v27 =	vld [tilespmem:s2+$0xD6F0]  }
0x44c: {  	v29 =	vld [tilespmem:s2+$0xA640]  }
0x44d: {  	[tilespmem:$0x1F2E0] =	vst v25;
	v25 =	vld [tilespmem:s2+$0x8AF0]  }
0x44e: {  	v57 =	vld [tilespmem:s2+$0x8630]  }
0x44f: {  	v58 =	vld [tilespmem:s2+$0xA3E0]  }
0x450: {  	[tilespmem:$0x1F260] =	vst v27;
	v27 =	vld [tilespmem:s2+$0x7F10]  }
0x451: {  	v60 =	vld [tilespmem:s2+$0xDF40]  }
0x452: {  	[tilespmem:$0x1F2F0] =	vst v25;
	v25 =	vld [tilespmem:s2+$0xA8A0]  }
0x453: {  	v61 =	vld [tilespmem:s2+$0x8760]  }
0x454: {  	v31 =	vld [tilespmem:s2+$0xBA70]  }
0x455: {  	[tilespmem:$0x1F270] =	vst v27;
	v27 =	vld [tilespmem:s2+$0x8040]  }
0x456: {  	v62 =	vld [tilespmem:s2+$0xA510]  }
0x457: {  	vm6 =	vge.f32 v0, v53;
	[tilespmem:$0x1F300] =	vst v25;
	v25 =	vld [tilespmem:s2+$0xC650]  }
0x458: {  	vm7 =	vge.f32 v1, v53;
	v26 =	vsel vm6, v30, v26;
	v30 =	vld [tilespmem:$0x1F260]  }
0x459: {  	vm8 =	vge.f32 v2, v53;
	v31 =	vsel vm7, v33, v31;
	v33 =	vld [tilespmem:s2+$0xA9D0]  }
0x45a: {  	vm9 =	vge.f32 v3, v53;
	v27 =	vsel vm8, v34, v27;
	v34 =	vsel vm8, v36, v35;
	v36 =	vld [tilespmem:s2+$0xC780]  }
0x45b: {  	v35 =	vsel vm9, v38, v37;
	v37 =	vsel vm9, v40, v39;
	v39 =	vld [tilespmem:s2+$0xE530]  }
0x45c: {  	vm10 =	vge.f32 v4, v53;
	[tilespmem:$0x1F310] =	vst v25;
	v25 =	vld [tilespmem:s2+$0xE400]  }
0x45d: {  	vm11 =	vge.f32 v5, v53;
	v38 =	vsel vm10, v42, v41;
	v42 =	vld [tilespmem:s2+$0x8D50]  }
0x45e: {  	vm12 =	vge.f32 v6, v53;
	vm13 =	vge.f32 v7, v53;
	v41 =	vsel vm11, v46, v45;
	v45 =	vld [tilespmem:s2+$0xAB00]  }
0x45f: {  	v40 =	vsel vm10, v44, v43;
	v44 =	vsel vm12, v50, v49;
	v49 =	vsel vm13, v60, v59;
	v59 =	vld [tilespmem:$0x1F2B0]  }
0x460: {  	v60 =	vld [tilespmem:$0x1F2C0]  }
0x461: {  	[tilespmem:$0x1F320] =	vst v25;
	v25 =	vld [tilespmem:$0x1F250]  }
0x462: {  	v43 =	vsel vm11, v48, v47;
	v48 =	vld [tilespmem:s2+$0xC8B0]  }
0x463: {  	v50 =	vld [tilespmem:s2+$0xE660]  }
0x464: {  	vm14 =	vge.f32 v0, v52;
	v46 =	vsel vm12, v56, v55;
	v56 =	vld [tilespmem:s2+$0x8E80];
	vm8 =	vge.f32 v10, v53  }
0x465: {  	vm5 =	vle.f32 v2, v54;
	v27 =	vsel vm0, v34, v27;
	v34 =	vsel vm8, v60, v59;
	v60 =	vld [tilespmem:$0x1F300]  }
0x466: {  	vm15 =	vle.f32 v0, v54;
	v25 =	vsel vm6, v30, v25;
	v30 =	vld [tilespmem:$0x1F270];
	vm6 =	vge.f32 v8, v53  }
0x467: {  	vm2 =	vmand vm14, vm15;
	vm15 =	vge.f32 v2, v52;
	v55 =	vsel vm6, v62, v61;
	v61 =	vld [tilespmem:$0x1F280]  }
0x468: {  	vm14 =	vle.f32 v1, v54;
	vm2 =	vmand vm1, vm2;
	vm4 =	vmand vm15, vm5;
	v62 =	vld [tilespmem:$0x1F290]  }
0x469: {  	vm15 =	vle.f32 v6, v54;
	v28 =	vsel vm6, v28, v63;
	v25 =	vsel vm0, v25, v26;
	v63 =	vld [tilespmem:$0x1F2A0]  }
0x46a: {  	vm4 =	vmand vm1, vm4;
	v47 =	vsel vm13, v58, v57;
	v26 =	vld [tilespmem:s2+$0xAC30];
	v25 =	vnsel vm2, $0x0, v25  }
0x46b: {  	vm9 =	vge.f32 v11, v53;
	vm10 =	vge.f32 v12, v53;
	[tilespmem:s2+$0x11250] =	vst v25;
	v25 =	vsel vm0, v37, v35;
	v37 =	vld [tilespmem:s2+$0xE790]  }
0x46c: {  	vm11 =	vge.f32 v13, v53;
	v32 =	vsel vm7, v32, v30;
	v30 =	vld [tilespmem:s2+$0x8C20];
	vm7 =	vge.f32 v9, v53  }
0x46d: {  	vm12 =	vge.f32 v14, v53;
	vm13 =	vge.f32 v1, v52;
	v29 =	vsel vm7, v29, v61;
	v61 =	vld [tilespmem:$0x1F2D0]  }
0x46e: {  	v49 =	vsel vm0, v49, v47;
	v27 =	vnsel vm4, $0x0, v27;
	v57 =	vsel vm7, v63, v62;
	v62 =	vld [tilespmem:$0x1F2E0]  }
0x46f: {  	[tilespmem:s2+$0x114B0] =	vst v27;
	v27 =	vsel vm0, v46, v44;
	vm2 =	vmand vm13, vm14;
	v31 =	vsel vm0, v31, v32;
	v32 =	vld [tilespmem:s2+$0xC9E0]  }
0x470: {  	vm13 =	vle.f32 v5, v54;
	vm14 =	vge.f32 v6, v52;
	v28 =	vsel vm0, v28, v55;
	v63 =	vld [tilespmem:$0x1F2F0]  }
0x471: {  	v35 =	vsel vm0, v40, v38;
	vm2 =	vmand vm1, vm2;
	v26 =	vsel vm12, v26, v56  }
0x472: {  	vm7 =	vle.f32 v14, v54;
	v31 =	vnsel vm2, $0x0, v31;
	v30 =	vsel vm10, v33, v30  }
0x473: {  	v33 =	vsel vm10, v39, v36;
	v36 =	vsel vm11, v45, v42;
	v38 =	vsel vm8, v62, v61;
	v61 =	vld [tilespmem:$0x1F310]  }
0x474: {  	v39 =	vsel vm11, v50, v48;
	vm10 =	vge.f32 v4, v52;
	vm11 =	vle.f32 v4, v54;
	v62 =	vld [tilespmem:$0x1F320]  }
0x475: {  	v40 =	vsel vm9, v60, v63;
	v32 =	vsel vm12, v37, v32;
	vm8 =	vge.f32 v3, v52  }
0x476: {  	vm12 =	vge.f32 v5, v52;
	v63 =	vsel vm0, v43, v41;
	vm2 =	vmand vm10, vm11  }
0x477: {  	vm10 =	vge.f32 v8, v52;
	vm11 =	vle.f32 v8, v54;
	v36 =	vsel vm0, v39, v36  }
0x478: {  	vm4 =	vmand vm12, vm13;
	vm2 =	vmand vm1, vm2;
	vm12 =	vge.f32 v9, v52  }
0x479: {  	vm13 =	vle.f32 v9, v54;
	v58 =	vsel vm9, v62, v61;
	vm9 =	vle.f32 v3, v54  }
0x47a: {  	v34 =	vsel vm0, v38, v34;
	v26 =	vsel vm0, v32, v26;
	vm3 =	vmand vm8, vm9  }
0x47b: {  	vm4 =	vmand vm1, vm4;
	vm8 =	vge.f32 v7, v52;
	vm3 =	vmand vm1, vm3  }
0x47c: {  	vm9 =	vle.f32 v7, v54;
	v61 =	vsel vm0, v58, v40;
	v25 =	vnsel vm3, $0x0, v25  }
0x47d: {  	vm3 =	vmand vm14, vm15;
	vm14 =	vge.f32 v10, v52;
	vm15 =	vle.f32 v10, v54  }
0x47e: {  	[tilespmem:s2+$0x115E0] =	vst v25;
	v25 =	vnsel vm2, $0x0, v35;
	vm2 =	vmand vm8, vm9;
	vm3 =	vmand vm1, vm3  }
0x47f: {  	vm8 =	vge.f32 v11, v52;
	vm9 =	vle.f32 v11, v54;
	[tilespmem:s2+$0x11710] =	vst v25;
	v25 =	vnsel vm4, $0x0, v63  }
0x480: {  	v56 =	vld [tilespmem:s2+$0xE8C0];
	vm4 =	vmand vm10, vm11;
	vm2 =	vmand vm1, vm2;
	vm10 =	vge.f32 v12, v52  }
0x481: {  	v50 =	vld [tilespmem:s2+$0xCB10];
	vm11 =	vle.f32 v12, v54;
	[tilespmem:s2+$0x11840] =	vst v25;
	v25 =	vnsel vm3, $0x0, v27;
	v27 =	vsel vm0, v57, v29  }
0x482: {  	vm3 =	vmand vm12, vm13;
	vm4 =	vmand vm1, vm4;
	vm12 =	vge.f32 v13, v52  }
0x483: {  	v59 =	vld [tilespmem:s2+$0x90E0];
	vm13 =	vle.f32 v13, v54;
	[tilespmem:s2+$0x11970] =	vst v25;
	v25 =	vnsel vm2, $0x0, v49;
	vm2 =	vmand vm14, vm15  }
0x484: {  	v45 =	vld [tilespmem:s2+$0x8FB0];
	vm3 =	vmand vm1, vm3;
	vm14 =	vge.f32 v14, v52;
	vm15 =	vge.f32 v15, v53  }
0x485: {  	v48 =	vld [tilespmem:s2+$0xAD60];
	[tilespmem:s2+$0x11AA0] =	vst v25;
	v25 =	vnsel vm4, $0x0, v28;
	vm4 =	vmand vm8, vm9;
	vm2 =	vmand vm1, vm2  }
0x486: {  	[tilespmem:s2+$0x11380] =	vst v31;
	v60 =	vld [tilespmem:s2+$0xAE90];
	v31 =	vsel vm15, v56, v50;
	vm8 =	vge.f32 v15, v52;
	vm9 =	vle.f32 v15, v54  }
0x487: {  	v39 =	vld [tilespmem:s2+$0x9210];
	[tilespmem:s2+$0x11BD0] =	vst v25;
	v25 =	vnsel vm3, $0x0, v27;
	v27 =	vsel vm0, v33, v30;
	vm3 =	vmand vm10, vm11  }
0x488: {  	v41 =	vld [tilespmem:s2+$0xCD70];
	vm4 =	vmand vm1, vm4;
	vm10 =	vge.f32 v16, v53;
	vm11 =	vge.f32 v16, v52  }
0x489: {  	v43 =	vld [tilespmem:s2+$0xEB20];
	[tilespmem:s2+$0x11D00] =	vst v25;
	v25 =	vnsel vm2, $0x0, v34;
	vm2 =	vmand vm12, vm13;
	vm3 =	vmand vm1, vm3  }
0x48a: {  	v62 =	vld [tilespmem:s2+$0xCC40];
	vm12 =	vle.f32 v16, v54;
	[tilespmem:s2+$0x11E30] =	vst v25;
	v25 =	vnsel vm4, $0x0, v61;
	vm2 =	vmand vm1, vm2  }
0x48b: {  	v63 =	vld [tilespmem:s2+$0xE9F0];
	[tilespmem:s2+$0x11F60] =	vst v25;
	v25 =	vnsel vm3, $0x0, v27;
	v27 =	vsel vm15, v48, v45;
	vm3 =	vmand vm14, vm7  }
0x48c: {  	v40 =	vld [tilespmem:s2+$0xAFC0];
	vm14 =	vge.f32 v17, v53;
	vm15 =	vge.f32 v17, v52;
	[tilespmem:s2+$0x12090] =	vst v25;
	v25 =	vnsel vm2, $0x0, v36  }
0x48d: {  	v47 =	vld [tilespmem:s2+$0x9470];
	v27 =	vsel vm0, v31, v27;
	vm3 =	vmand vm1, vm3;
	vm2 =	vmand vm8, vm9  }
0x48e: {  	v44 =	vld [tilespmem:s2+$0x9340];
	vm8 =	vle.f32 v17, v54;
	v46 =	vsel vm14, v43, v41;
	[tilespmem:s2+$0x121C0] =	vst v25;
	v25 =	vnsel vm3, $0x0, v26  }
0x48f: {  	v49 =	vld [tilespmem:s2+$0xCFD0];
	v26 =	vsel vm10, v60, v59;
	vm2 =	vmand vm1, vm2;
	vm3 =	vmand vm11, vm12  }
0x490: {  	v45 =	vld [tilespmem:s2+$0xB0F0];
	[tilespmem:s2+$0x122F0] =	vst v25;
	v25 =	vnsel vm2, $0x0, v27;
	v27 =	vsel vm10, v63, v62;
	vm13 =	vmand vm1, vm3  }
0x491: {  	v48 =	vld [tilespmem:s2+$0xB220];
	vm3 =	vmand vm15, vm8;
	v26 =	vsel vm0, v27, v26;
	v27 =	vsel vm14, v40, v39  }
0x492: {  	[tilespmem:s2+$0x12420] =	vst v25;
	vm9 =	vmand vm1, vm3;
	v25 =	vnsel vm13, $0x0, v26;
	v26 =	vld [tilespmem:s2+$0xCEA0];
	v27 =	vsel vm0, v46, v27  }
0x493: {  	[tilespmem:s2+$0x12550] =	vst v25;
	v25 =	vld [tilespmem:s2+$0xEC50];
	v27 =	vnsel vm9, $0x0, v27  }
0x494: {  	[tilespmem:s2+$0x12680] =	vst v27;
	v27 =	vld [tilespmem:s2+$0xED80]  }
0x495: {  	v55 =	vld [tilespmem:s2+$0xD100];
	vm11 =	vge.f32 v18, v52;
	vm12 =	vle.f32 v18, v54  }
0x496: {  	v58 =	vld [tilespmem:s2+$0xD230];
	vm10 =	vge.f32 v18, v53;
	vm15 =	vge.f32 v19, v52;
	vm8 =	vle.f32 v19, v54  }
0x497: {  	v57 =	vld [tilespmem:s2+$0xB480];
	vm3 =	vmand vm11, vm12;
	vm14 =	vge.f32 v19, v53;
	v29 =	vsel vm10, v45, v44  }
0x498: {  	v50 =	vld [tilespmem:s2+$0xB350];
	vm13 =	vmand vm1, vm3;
	vm3 =	vmand vm15, vm8;
	v25 =	vsel vm10, v25, v26  }
0x499: {  	v56 =	vld [tilespmem:s2+$0x96D0];
	v28 =	vsel vm14, v48, v47;
	v25 =	vsel vm0, v25, v29;
	v27 =	vsel vm14, v27, v49  }
0x49a: {  	vm9 =	vmand vm1, vm3;
	v26 =	vld [tilespmem:s2+$0x95A0];
	v25 =	vnsel vm13, $0x0, v25;
	v27 =	vsel vm0, v27, v28  }
0x49b: {  	[tilespmem:s2+$0x127B0] =	vst v25;
	v25 =	vld [tilespmem:s2+$0xEEB0];
	v27 =	vnsel vm9, $0x0, v27  }
0x49c: {  	[tilespmem:s2+$0x128E0] =	vst v27;
	v27 =	vld [tilespmem:s2+$0xEFE0]  }
0x49d: {  	v61 =	vld [tilespmem:s2+$0x9930];
	vm11 =	vge.f32 v20, v52;
	vm12 =	vle.f32 v20, v54  }
0x49e: {  	v59 =	vld [tilespmem:s2+$0x9800];
	vm15 =	vge.f32 v21, v52;
	vm8 =	vle.f32 v21, v54;
	vm3 =	vmand vm11, vm12  }
0x49f: {  	v60 =	vld [tilespmem:s2+$0xD360];
	vm10 =	vge.f32 v20, v53;
	vm14 =	vge.f32 v21, v53;
	vm13 =	vmand vm1, vm3  }
0x4a0: {  	v62 =	vld [tilespmem:s2+$0xB6E0];
	vm3 =	vmand vm15, vm8;
	v26 =	vsel vm10, v50, v26;
	v25 =	vsel vm10, v25, v55  }
0x4a1: {  	v63 =	vld [tilespmem:s2+$0xD490];
	v28 =	vsel vm14, v57, v56;
	v25 =	vsel vm0, v25, v26;
	v27 =	vsel vm14, v27, v58  }
0x4a2: {  	vm9 =	vmand vm1, vm3;
	v26 =	vld [tilespmem:s2+$0xB5B0];
	v25 =	vnsel vm13, $0x0, v25;
	v27 =	vsel vm0, v27, v28  }
0x4a3: {  	[tilespmem:s2+$0x12A10] =	vst v25;
	v25 =	vld [tilespmem:s2+$0xF110];
	v27 =	vnsel vm9, $0x0, v27  }
0x4a4: {  	[tilespmem:s2+$0x12B40] =	vst v27;
	v27 =	vld [tilespmem:s2+$0xF240]  }
0x4a5: {  	vm11 =	vle.f32 v22, v54;
	vm12 =	vge.f32 v23, v52  }
0x4a6: {  	vm15 =	vge.f32 v22, v53;
	vm8 =	vge.f32 v23, v53;
	vm10 =	vge.f32 v22, v52  }
0x4a7: {  	vm2 =	vmand vm10, vm11;
	vm13 =	vle.f32 v23, v54;
	v28 =	vsel vm8, v62, v61  }
0x4a8: {  	vm2 =	vmand vm1, vm2;
	v26 =	vsel vm15, v26, v59;
	v25 =	vsel vm15, v25, v60  }
0x4a9: {  	vm14 =	vmand vm12, vm13;
	v27 =	vsel vm8, v27, v63;
	v25 =	vsel vm0, v25, v26  }
0x4aa: {  	vm1 =	vmand vm1, vm14;
	v25 =	vnsel vm2, $0x0, v25;
	v26 =	vsel vm0, v27, v28  }
0x4ab: {  	[tilespmem:s2+$0x12C70] =	vst v25;
	v25 =	vnsel vm1, $0x0, v26  }
0x4ac: {  	[tilespmem:s2+$0x12DA0] =	vst v25  }
0x4ad: {  	v25 =	vld [tilespmem:$0x710]  }
0x4ae: {  	v55 =	vld [tilespmem:$0x5E0];
	_ =	sdelay $0x4  }
0x4af: {  	v33 =	vld [tilespmem:$0x1FE70];
	v29 =	vimm.s32 $0x0;
	vm9 =	vge.f32 v51, v25;
	vm10 =	vge.f32 v0, v55  }
0x4b0: {  	v54 =	vsel vm9, $0x2, v29;
	v25 =	vsel vm10, $0x1, v29  }
0x4b1: {  	v25 =	vor.u32 v25, v54  }
0x4b2: {  	v37 =	vld [tilespmem:$0x1FE80];
	v25 =	vmul.u32 $0x1DB0, v25  }
0x4b3: {  	v26 =	vld [tilespmem:$0x250]  }
0x4b4: {  	v27 =	vld [tilespmem:$0x4B0];
	v25 =	vadd.s32 v33, v25  }
0x4b5: {  	v34 =	vld [tilespmem:$0x120]  }
0x4b6: {  	v35 =	vld [tilespmem:$0x380];
	vm11 =	vge.f32 v1, v55  }
0x4b7: {  	v36 =	vsel vm11, $0x1, v29  }
0x4b8: {  	v28 =	vor.u32 v36, v54  }
0x4b9: {  	v28 =	vmul.u32 $0x1DB0, v28;
	v25 =	vld.idx.msk [tilespmem:v25+s25+$0x0], $0xfff  }
0x4ba: {  	vm12 =	vge.f32 v51, v26;
	vm13 =	vle.f32 v51, v27  }
0x4bb: {  	vm14 =	vge.f32 v0, v34;
	vm15 =	vle.f32 v0, v35;
	v26 =	vadd.s32 v37, v28  }
0x4bc: {  	vm0 =	vmand vm12, vm13;
	vm4 =	vmand vm14, vm15  }
0x4bd: {  	v38 =	vld [tilespmem:$0x1FE90];
	vm5 =	vge.f32 v2, v55;
	vm1 =	vmand vm0, vm4  }
0x4be: {  	v27 =	vsel vm5, $0x1, v29;
	v25 =	vnsel vm1, $0x0, v25  }
0x4bf: {  	[tilespmem:v33+s0+$0x0] =	vst.idx.msk $0xfff, v25;
	v25 =	vor.u32 v27, v54  }
0x4c0: {  	v26 =	vld.idx.msk [tilespmem:v26+s25+$0x0], $0xfff;
	v25 =	vmul.u32 $0x1DB0, v25;
	_ =	sdelay $0x1  }
0x4c1: {  	vm6 =	vge.f32 v1, v34;
	vm7 =	vle.f32 v1, v35;
	v25 =	vadd.s32 v38, v25  }
0x4c2: {  	vm1 =	vmand vm6, vm7  }
0x4c3: {  	v39 =	vld [tilespmem:$0x1FEA0];
	vm8 =	vge.f32 v3, v55;
	vm1 =	vmand vm0, vm1  }
0x4c4: {  	v27 =	vsel vm8, $0x1, v29;
	v26 =	vnsel vm1, $0x0, v26  }
0x4c5: {  	[tilespmem:v37+s0+$0x0] =	vst.idx.msk $0xfff, v26;
	v26 =	vor.u32 v27, v54  }
0x4c6: {  	v25 =	vld.idx.msk [tilespmem:v25+s25+$0x0], $0xfff;
	v26 =	vmul.u32 $0x1DB0, v26;
	_ =	sdelay $0x1  }
0x4c7: {  	vm9 =	vge.f32 v2, v34;
	vm10 =	vle.f32 v2, v35;
	v26 =	vadd.s32 v39, v26  }
0x4c8: {  	vm1 =	vmand vm9, vm10  }
0x4c9: {  	v40 =	vld [tilespmem:$0x1FEB0];
	vm11 =	vge.f32 v4, v55;
	vm1 =	vmand vm0, vm1  }
0x4ca: {  	v27 =	vsel vm11, $0x1, v29;
	v25 =	vnsel vm1, $0x0, v25  }
0x4cb: {  	[tilespmem:v38+s0+$0x0] =	vst.idx.msk $0xfff, v25;
	v25 =	vor.u32 v27, v54  }
0x4cc: {  	v26 =	vld.idx.msk [tilespmem:v26+s25+$0x0], $0xfff;
	v25 =	vmul.u32 $0x1DB0, v25;
	_ =	sdelay $0x1  }
0x4cd: {  	vm12 =	vge.f32 v3, v34;
	vm13 =	vle.f32 v3, v35;
	v25 =	vadd.s32 v40, v25  }
0x4ce: {  	vm1 =	vmand vm12, vm13  }
0x4cf: {  	v41 =	vld [tilespmem:$0x1FEC0];
	vm14 =	vge.f32 v5, v55;
	vm1 =	vmand vm0, vm1  }
0x4d0: {  	v27 =	vsel vm14, $0x1, v29;
	v26 =	vnsel vm1, $0x0, v26  }
0x4d1: {  	[tilespmem:v39+s0+$0x0] =	vst.idx.msk $0xfff, v26;
	v26 =	vor.u32 v27, v54  }
0x4d2: {  	v25 =	vld.idx.msk [tilespmem:v25+s25+$0x0], $0xfff;
	v26 =	vmul.u32 $0x1DB0, v26;
	_ =	sdelay $0x1  }
0x4d3: {  	vm15 =	vge.f32 v4, v34;
	vm4 =	vle.f32 v4, v35;
	v26 =	vadd.s32 v41, v26  }
0x4d4: {  	vm1 =	vmand vm15, vm4  }
0x4d5: {  	v42 =	vld [tilespmem:$0x1FED0];
	vm5 =	vge.f32 v6, v55;
	vm1 =	vmand vm0, vm1  }
0x4d6: {  	v27 =	vsel vm5, $0x1, v29;
	v25 =	vnsel vm1, $0x0, v25  }
0x4d7: {  	[tilespmem:v40+s0+$0x0] =	vst.idx.msk $0xfff, v25;
	v25 =	vor.u32 v27, v54  }
0x4d8: {  	v26 =	vld.idx.msk [tilespmem:v26+s25+$0x0], $0xfff;
	v25 =	vmul.u32 $0x1DB0, v25;
	_ =	sdelay $0x1  }
0x4d9: {  	vm6 =	vge.f32 v5, v34;
	vm7 =	vle.f32 v5, v35;
	v25 =	vadd.s32 v42, v25  }
0x4da: {  	vm1 =	vmand vm6, vm7  }
0x4db: {  	v43 =	vld [tilespmem:$0x1FEE0];
	vm8 =	vge.f32 v7, v55;
	vm1 =	vmand vm0, vm1  }
0x4dc: {  	v27 =	vsel vm8, $0x1, v29;
	v26 =	vnsel vm1, $0x0, v26  }
0x4dd: {  	[tilespmem:v41+s0+$0x0] =	vst.idx.msk $0xfff, v26;
	v26 =	vor.u32 v27, v54  }
0x4de: {  	v25 =	vld.idx.msk [tilespmem:v25+s25+$0x0], $0xfff;
	v26 =	vmul.u32 $0x1DB0, v26;
	_ =	sdelay $0x1  }
0x4df: {  	vm9 =	vge.f32 v6, v34;
	vm10 =	vle.f32 v6, v35;
	v26 =	vadd.s32 v43, v26  }
0x4e0: {  	vm1 =	vmand vm9, vm10  }
0x4e1: {  	v44 =	vld [tilespmem:$0x1FEF0];
	vm11 =	vge.f32 v8, v55;
	vm1 =	vmand vm0, vm1  }
0x4e2: {  	v27 =	vsel vm11, $0x1, v29;
	v25 =	vnsel vm1, $0x0, v25  }
0x4e3: {  	[tilespmem:v42+s0+$0x0] =	vst.idx.msk $0xfff, v25;
	v25 =	vor.u32 v27, v54  }
0x4e4: {  	v26 =	vld.idx.msk [tilespmem:v26+s25+$0x0], $0xfff;
	v25 =	vmul.u32 $0x1DB0, v25;
	_ =	sdelay $0x1  }
0x4e5: {  	vm12 =	vge.f32 v7, v34;
	vm13 =	vle.f32 v7, v35;
	v25 =	vadd.s32 v44, v25  }
0x4e6: {  	vm1 =	vmand vm12, vm13  }
0x4e7: {  	v45 =	vld [tilespmem:$0x1FF00];
	vm14 =	vge.f32 v9, v55;
	vm1 =	vmand vm0, vm1  }
0x4e8: {  	v27 =	vsel vm14, $0x1, v29;
	v26 =	vnsel vm1, $0x0, v26  }
0x4e9: {  	[tilespmem:v43+s0+$0x0] =	vst.idx.msk $0xfff, v26;
	v26 =	vor.u32 v27, v54  }
0x4ea: {  	v25 =	vld.idx.msk [tilespmem:v25+s25+$0x0], $0xfff;
	v26 =	vmul.u32 $0x1DB0, v26;
	_ =	sdelay $0x1  }
0x4eb: {  	vm15 =	vge.f32 v8, v34;
	vm4 =	vle.f32 v8, v35;
	v26 =	vadd.s32 v45, v26  }
0x4ec: {  	vm1 =	vmand vm15, vm4  }
0x4ed: {  	v46 =	vld [tilespmem:$0x1FF10];
	vm5 =	vge.f32 v10, v55;
	vm1 =	vmand vm0, vm1  }
0x4ee: {  	v27 =	vsel vm5, $0x1, v29;
	v25 =	vnsel vm1, $0x0, v25  }
0x4ef: {  	[tilespmem:v44+s0+$0x0] =	vst.idx.msk $0xfff, v25;
	v25 =	vor.u32 v27, v54  }
0x4f0: {  	v26 =	vld.idx.msk [tilespmem:v26+s25+$0x0], $0xfff;
	v25 =	vmul.u32 $0x1DB0, v25;
	_ =	sdelay $0x1  }
0x4f1: {  	vm6 =	vge.f32 v9, v34;
	vm7 =	vle.f32 v9, v35;
	v25 =	vadd.s32 v46, v25  }
0x4f2: {  	vm1 =	vmand vm6, vm7  }
0x4f3: {  	v47 =	vld [tilespmem:$0x1FF20];
	vm8 =	vge.f32 v11, v55;
	vm1 =	vmand vm0, vm1  }
0x4f4: {  	v27 =	vsel vm8, $0x1, v29;
	v26 =	vnsel vm1, $0x0, v26  }
0x4f5: {  	[tilespmem:v45+s0+$0x0] =	vst.idx.msk $0xfff, v26;
	v26 =	vor.u32 v27, v54  }
0x4f6: {  	v25 =	vld.idx.msk [tilespmem:v25+s25+$0x0], $0xfff;
	v26 =	vmul.u32 $0x1DB0, v26;
	_ =	sdelay $0x1  }
0x4f7: {  	vm9 =	vge.f32 v10, v34;
	vm10 =	vle.f32 v10, v35;
	v26 =	vadd.s32 v47, v26  }
0x4f8: {  	vm1 =	vmand vm9, vm10  }
0x4f9: {  	v48 =	vld [tilespmem:$0x1FF30];
	vm11 =	vge.f32 v12, v55;
	vm1 =	vmand vm0, vm1  }
0x4fa: {  	v27 =	vsel vm11, $0x1, v29;
	v25 =	vnsel vm1, $0x0, v25  }
0x4fb: {  	[tilespmem:v46+s0+$0x0] =	vst.idx.msk $0xfff, v25;
	v25 =	vor.u32 v27, v54  }
0x4fc: {  	v26 =	vld.idx.msk [tilespmem:v26+s25+$0x0], $0xfff;
	v25 =	vmul.u32 $0x1DB0, v25;
	_ =	sdelay $0x1  }
0x4fd: {  	vm12 =	vge.f32 v11, v34;
	vm13 =	vle.f32 v11, v35;
	v25 =	vadd.s32 v48, v25  }
0x4fe: {  	vm1 =	vmand vm12, vm13  }
0x4ff: {  	v49 =	vld [tilespmem:$0x1FF40];
	vm14 =	vge.f32 v13, v55;
	vm1 =	vmand vm0, vm1  }
0x500: {  	v27 =	vsel vm14, $0x1, v29;
	v26 =	vnsel vm1, $0x0, v26  }
0x501: {  	[tilespmem:v47+s0+$0x0] =	vst.idx.msk $0xfff, v26;
	v26 =	vor.u32 v27, v54  }
0x502: {  	v25 =	vld.idx.msk [tilespmem:v25+s25+$0x0], $0xfff;
	v26 =	vmul.u32 $0x1DB0, v26;
	_ =	sdelay $0x1  }
0x503: {  	vm15 =	vge.f32 v12, v34;
	vm4 =	vle.f32 v12, v35;
	v26 =	vadd.s32 v49, v26  }
0x504: {  	vm1 =	vmand vm15, vm4  }
0x505: {  	v50 =	vld [tilespmem:$0x1FF50];
	vm5 =	vge.f32 v14, v55;
	vm1 =	vmand vm0, vm1  }
0x506: {  	v27 =	vsel vm5, $0x1, v29;
	v25 =	vnsel vm1, $0x0, v25  }
0x507: {  	[tilespmem:v48+s0+$0x0] =	vst.idx.msk $0xfff, v25;
	v25 =	vor.u32 v27, v54  }
0x508: {  	v26 =	vld.idx.msk [tilespmem:v26+s25+$0x0], $0xfff;
	v25 =	vmul.u32 $0x1DB0, v25;
	_ =	sdelay $0x1  }
0x509: {  	vm6 =	vge.f32 v13, v34;
	vm7 =	vle.f32 v13, v35;
	v25 =	vadd.s32 v50, v25  }
0x50a: {  	vm1 =	vmand vm6, vm7  }
0x50b: {  	v51 =	vld [tilespmem:$0x1FF60];
	vm8 =	vge.f32 v15, v55;
	vm1 =	vmand vm0, vm1  }
0x50c: {  	v27 =	vsel vm8, $0x1, v29;
	v26 =	vnsel vm1, $0x0, v26  }
0x50d: {  	[tilespmem:v49+s0+$0x0] =	vst.idx.msk $0xfff, v26;
	v26 =	vor.u32 v27, v54  }
0x50e: {  	v25 =	vld.idx.msk [tilespmem:v25+s25+$0x0], $0xfff;
	v26 =	vmul.u32 $0x1DB0, v26;
	_ =	sdelay $0x1  }
0x50f: {  	vm9 =	vge.f32 v14, v34;
	vm10 =	vle.f32 v14, v35;
	v26 =	vadd.s32 v51, v26  }
0x510: {  	vm1 =	vmand vm9, vm10  }
0x511: {  	v56 =	vld [tilespmem:$0x1FF70];
	vm11 =	vge.f32 v16, v55;
	vm1 =	vmand vm0, vm1  }
0x512: {  	v27 =	vsel vm11, $0x1, v29;
	v25 =	vnsel vm1, $0x0, v25  }
0x513: {  	[tilespmem:v50+s0+$0x0] =	vst.idx.msk $0xfff, v25;
	v25 =	vor.u32 v27, v54  }
0x514: {  	v26 =	vld.idx.msk [tilespmem:v26+s25+$0x0], $0xfff;
	v25 =	vmul.u32 $0x1DB0, v25;
	_ =	sdelay $0x1  }
0x515: {  	vm12 =	vge.f32 v15, v34;
	vm13 =	vle.f32 v15, v35;
	v25 =	vadd.s32 v56, v25  }
0x516: {  	vm1 =	vmand vm12, vm13  }
0x517: {  	v57 =	vld [tilespmem:$0x1FF80];
	vm14 =	vge.f32 v17, v55;
	vm1 =	vmand vm0, vm1  }
0x518: {  	v27 =	vsel vm14, $0x1, v29;
	v26 =	vnsel vm1, $0x0, v26  }
0x519: {  	[tilespmem:v51+s0+$0x0] =	vst.idx.msk $0xfff, v26;
	v26 =	vor.u32 v27, v54  }
0x51a: {  	v25 =	vld.idx.msk [tilespmem:v25+s25+$0x0], $0xfff;
	v26 =	vmul.u32 $0x1DB0, v26;
	_ =	sdelay $0x1  }
0x51b: {  	vm15 =	vge.f32 v16, v34;
	vm4 =	vle.f32 v16, v35;
	v26 =	vadd.s32 v57, v26  }
0x51c: {  	vm1 =	vmand vm15, vm4  }
0x51d: {  	v58 =	vld [tilespmem:$0x1FF90];
	vm5 =	vge.f32 v18, v55;
	vm1 =	vmand vm0, vm1  }
0x51e: {  	v27 =	vsel vm5, $0x1, v29;
	v25 =	vnsel vm1, $0x0, v25  }
0x51f: {  	[tilespmem:v56+s0+$0x0] =	vst.idx.msk $0xfff, v25;
	v25 =	vor.u32 v27, v54  }
0x520: {  	v26 =	vld.idx.msk [tilespmem:v26+s25+$0x0], $0xfff;
	v25 =	vmul.u32 $0x1DB0, v25;
	_ =	sdelay $0x1  }
0x521: {  	vm6 =	vge.f32 v17, v34;
	vm7 =	vle.f32 v17, v35;
	v25 =	vadd.s32 v58, v25  }
0x522: {  	vm1 =	vmand vm6, vm7  }
0x523: {  	v59 =	vld [tilespmem:$0x1FFA0];
	vm8 =	vge.f32 v19, v55;
	vm1 =	vmand vm0, vm1  }
0x524: {  	v27 =	vsel vm8, $0x1, v29;
	v26 =	vnsel vm1, $0x0, v26  }
0x525: {  	[tilespmem:v57+s0+$0x0] =	vst.idx.msk $0xfff, v26;
	v26 =	vor.u32 v27, v54  }
0x526: {  	v25 =	vld.idx.msk [tilespmem:v25+s25+$0x0], $0xfff;
	v26 =	vmul.u32 $0x1DB0, v26;
	_ =	sdelay $0x1  }
0x527: {  	vm9 =	vge.f32 v18, v34;
	vm10 =	vle.f32 v18, v35;
	v26 =	vadd.s32 v59, v26  }
0x528: {  	vm1 =	vmand vm9, vm10  }
0x529: {  	v60 =	vld [tilespmem:$0x1FFB0];
	vm11 =	vge.f32 v20, v55;
	vm1 =	vmand vm0, vm1  }
0x52a: {  	v27 =	vsel vm11, $0x1, v29;
	v25 =	vnsel vm1, $0x0, v25  }
0x52b: {  	[tilespmem:v58+s0+$0x0] =	vst.idx.msk $0xfff, v25;
	v25 =	vor.u32 v27, v54  }
0x52c: {  	v26 =	vld.idx.msk [tilespmem:v26+s25+$0x0], $0xfff;
	v25 =	vmul.u32 $0x1DB0, v25;
	_ =	sdelay $0x1  }
0x52d: {  	vm12 =	vge.f32 v19, v34;
	vm13 =	vle.f32 v19, v35;
	v25 =	vadd.s32 v60, v25  }
0x52e: {  	vm1 =	vmand vm12, vm13  }
0x52f: {  	v61 =	vld [tilespmem:$0x1FFC0];
	vm14 =	vge.f32 v21, v55;
	vm1 =	vmand vm0, vm1  }
0x530: {  	v27 =	vsel vm14, $0x1, v29;
	v26 =	vnsel vm1, $0x0, v26  }
0x531: {  	[tilespmem:v59+s0+$0x0] =	vst.idx.msk $0xfff, v26;
	v26 =	vor.u32 v27, v54  }
0x532: {  	v25 =	vld.idx.msk [tilespmem:v25+s25+$0x0], $0xfff;
	v26 =	vmul.u32 $0x1DB0, v26;
	_ =	sdelay $0x1  }
0x533: {  	vm15 =	vge.f32 v20, v34;
	vm4 =	vle.f32 v20, v35;
	v26 =	vadd.s32 v61, v26  }
0x534: {  	vm1 =	vmand vm15, vm4  }
0x535: {  	v62 =	vld [tilespmem:$0x1FFD0];
	vm5 =	vge.f32 v22, v55;
	vm1 =	vmand vm0, vm1  }
0x536: {  	v27 =	vsel vm5, $0x1, v29;
	v25 =	vnsel vm1, $0x0, v25  }
0x537: {  	[tilespmem:v60+s0+$0x0] =	vst.idx.msk $0xfff, v25;
	v25 =	vor.u32 v27, v54  }
0x538: {  	v26 =	vld.idx.msk [tilespmem:v26+s25+$0x0], $0xfff;
	v25 =	vmul.u32 $0x1DB0, v25;
	_ =	sdelay $0x1  }
0x539: {  	vm6 =	vge.f32 v21, v34;
	vm7 =	vle.f32 v21, v35;
	v25 =	vadd.s32 v62, v25  }
0x53a: {  	vm1 =	vmand vm6, vm7  }
0x53b: {  	vm1 =	vmand vm0, vm1  }
0x53c: {  	v26 =	vnsel vm1, $0x0, v26  }
0x53d: {  	v63 =	vld [tilespmem:$0x1FFE0];
	vm8 =	vge.f32 v23, v55;
	[tilespmem:v61+s0+$0x0] =	vst.idx.msk $0xfff, v26  }
0x53e: {  	v27 =	vsel vm8, $0x1, v29;
	v25 =	vld.idx.msk [tilespmem:v25+s25+$0x0], $0xfff  }
0x53f: {  	v26 =	vor.u32 v27, v54  }
0x540: {  	vm9 =	vge.f32 v22, v34;
	vm10 =	vle.f32 v22, v35;
	v26 =	vmul.u32 $0x1DB0, v26  }
0x541: {  	vm1 =	vmand vm9, vm10  }
0x542: {  	vm11 =	vge.f32 v24, v55;
	vm1 =	vmand vm0, vm1;
	v26 =	vadd.s32 v63, v26  }
0x543: {  	v27 =	vsel vm11, $0x1, v29;
	v25 =	vnsel vm1, $0x0, v25  }
0x544: {  	[tilespmem:v62+s0+$0x0] =	vst.idx.msk $0xfff, v25;
	v25 =	vor.u32 v27, v54;
	v27 =	vld [tilespmem:$0x1FFF0];
	_ =	sdelay $0x2  }
0x545: {  	v26 =	vld.idx.msk [tilespmem:v26+s25+$0x0], $0xfff;
	v25 =	vmul.u32 $0x1DB0, v25;
	_ =	sdelay $0x1  }
0x546: {  	vm12 =	vge.f32 v23, v34;
	vm13 =	vle.f32 v23, v35;
	v25 =	vadd.s32 v27, v25  }
0x547: {  	vm1 =	vmand vm12, vm13  }
0x548: {  	vm1 =	vmand vm0, vm1  }
0x549: {  	v26 =	vnsel vm1, $0x0, v26  }
0x54a: {  	[tilespmem:v63+s0+$0x0] =	vst.idx.msk $0xfff, v26  }
0x54b: {  	v25 =	vld.idx.msk [tilespmem:v25+s25+$0x0], $0xfff  }
0x54c: {  	s22 =	sadd.s32 $0x1, s22  }
0x54d: {  	p0 =	sne.s32 s22, $0x19;
	vm14 =	vge.f32 v24, v34;
	vm15 =	vle.f32 v24, v35  }
.Ltmp3:
0x54e: {  	vm1 =	vmand vm14, vm15;
	(pc) =	sbr.rel @p0 .LBB2_4-.Ltmp3, $4  }
0x54f: {  	vm0 =	vmand vm0, vm1  }
0x550: {  	v25 =	vnsel vm0, $0x0, v25  }
0x551: {  	s24 =	sadd.s32 s6, s23;
	[tilespmem:v27+s0+$0x0] =	vst.idx.msk $0xfff, v25  }
0x552: {  	[hbm4b:s24+s3] =	stream.linear.scatter [tilespmem:s0], [sflag:$0x4], $0x1DB0, $0x38;
	[tilespmem:$0x13000] =	vst v63  }
0x553: {  	s20 =	sadd.s32 $0x1, s20  }
0x554: {  	_ =	swait.ge [sflag:s18], $0x1DB0;
	p0 =	sne.s32 s20, s16  }
.Ltmp4:
0x555: {  	[sflag:s18] =	ssyncset.done $0x0;
	(pc) =	sbr.rel @p0 .LBB2_1-.Ltmp4, $4  }
0x556: {  	[sflag:s18] =	ssyncadd.s32 $0xFFFFE250  }
0x557: {  	_ =	swait.ge [sflag:s19], $0x1DB0  }
0x558: {  	[sflag:s19] =	ssyncset.done $0x0  }
0x559: {  	[sflag:s19] =	ssyncadd.s32 $0xFFFFE250  }
0x55a: {  	_ =	sfence.sel $0x180000  }
0x55b: {  	[bflag:$0x0] =	sbarrier.arrive $0xFFFF  }
0x55c: {  	_ =	strace $0x90000047  }
0x55d: {  	s0 =	stileid.u32;
	[bflag:$0x2] =	sbarrier.arrive $0xFFFF  }
0x55e: {  	p0 =	sne.s32 s0, $0x0;
	s0 =	rddreg [dreg:$0x2]  }
0x55f: {  	s0 =	sadd.s32 @!p0 $0x100000, s0  }
0x560: {  	[sflag:s0] =	ssyncadd.tile.s32 @!p0 $0x1;
	_ =	shalt  }
.Lfunc_end2:
_tile_overlayer_lowered:
.L_overlay_start_2:
0x561: {  	(tag) =	ssettag $0x2  }
0x562: {  	s0 =	rddreg [dreg:$0x0];
	s2 =	stileid.u32  }
0x563: {  	s1 =	rddreg [dreg:$0x1];
	p0 =	sne.s32 s2, $0x0  }
0x564: {  	s3 =	rddreg [dreg:$0x2];
	[bflag:$0x3] =	sbarrier.arrive $0xFFFF;
	s2 =	simm.s32 @!p0 $0x1C05  }
0x565: {  	[timem:s3], [sflag:s2] =	dma.local @!p0 [hbm:s0], s1  }
0x566: {  	s0 =	simm.s32 @!p0 $0x5  }
0x567: {  	_ =	swait.ge @!p0 [sflag:s0], s1  }
0x568: {  	s1 =	ssub.s32 @!p0 $0x0, s1;
	[sflag:s0] =	ssyncset.done @!p0 $0x0  }
0x569: {  	[sflag:s0] =	ssyncadd.s32 @!p0 s1  }
0x56a: {  	[bflag:$0x3] =	sbarrier.arrive $0xFFFF  }
0x56b: {  	_ =	shalt  }

</sc_bundles>
